<compile_context>
chip_gen: v7x
topology: tpu7x:2x2x1
jax: 0.10.2.dev20260603
libtpu: 0.0.44.dev20260713+nightly
codegen_flags: <defaults>
</compile_context>

<pallas_src>
import functools

import jax
import jax.numpy as jnp
from jax import lax
from jax.experimental import pallas as pl
from jax.experimental.pallas import tpu as pltpu
from jax.experimental.pallas import tpu_sc as plsc

N = 10000
E = 320000
D = 128
HID = 128
G = 64

NC, NS = 2, 16
NW = NC * NS
N_PAD = 10240
PAD_NODE = N_PAD - 1
CH = 128
CPW = 80
SCH = 8
EPW = CPW * CH
E_PAD = NW * EPW
EROWS = E_PAD // CH
RPW = N_PAD // NW
RPS = N_PAD // NS
GCH = 80

_sc_mesh = plsc.VectorSubcoreMesh(
    core_axis_name="c", subcore_axis_name="s", num_cores=NC, num_subcores=NS)



def _mm_body(a_ref, w_ref, o_ref):
    o_ref[...] = jnp.dot(a_ref[...], w_ref[...],
                         preferred_element_type=jnp.float32)


def _matmul(a, w, br):
    m, k = a.shape
    n = w.shape[1]
    return pl.pallas_call(
        _mm_body,
        grid=(m // br,),
        in_specs=[pl.BlockSpec((br, k), lambda i: (i, 0)),
                  pl.BlockSpec((k, n), lambda i: (0, 0))],
        out_specs=pl.BlockSpec((br, n), lambda i: (i, 0)),
        out_shape=jax.ShapeDtypeStruct((m, n), jnp.float32),
    )(a, w)



def _deg_sc_body(dstm_hbm, drnl_hbm, embw_hbm, xw_hbm, degp_hbm, h1pre_hbm,
                 didx, didx_b, dstage, ones_v, gidx, grow, xrow, acc, gsem):
    c = lax.axis_index("c")
    s = lax.axis_index("s")

    def zb(j, carry):
        for t in range(HID // 16):
            ones_v[j, pl.ds(t * 16, 16)] = jnp.zeros((16,), jnp.float32)
        return carry
    lax.fori_loop(0, CH, zb, 0)

    def zc(r, carry):
        pltpu.sync_copy(ones_v, acc.at[pl.ds(s * RPS + r * CH, CH)])
        return carry
    lax.fori_loop(0, RPS // CH, zc, 0)

    def ob(j, carry):
        for t in range(HID // 16):
            ones_v[j, pl.ds(t * 16, 16)] = jnp.ones((16,), jnp.float32)
        return carry
    lax.fori_loop(0, CH, ob, 0)
    plsc.subcore_barrier()

    ebase = c * (E_PAD // 2) + s * EPW
    pltpu.sync_copy(dstm_hbm.at[pl.ds(ebase, EPW)], dstage)

    def eb(i, carry):
        def cpidx(dref, off):
            for t in range(CH // 16):
                dref[pl.ds(t * 16, 16)] = dstage[pl.ds(off + t * 16, 16)]
        cpidx(didx, 2 * i * CH)
        pltpu.sync_copy(ones_v, acc.at[didx], add=True)
        cpidx(didx_b, (2 * i + 1) * CH)
        pltpu.sync_copy(ones_v, acc.at[didx_b], add=True)
        return carry
    lax.fori_loop(0, CPW // 2, eb, 0)

    plsc.subcore_barrier()
    pltpu.sync_copy(acc.at[pl.ds(s * RPS, RPS)],
                    degp_hbm.at[pl.ds(c * N_PAD + s * RPS, RPS)])

    wid = s * NC + c
    nbase = wid * RPW
    for k in range(RPW // GCH):
        pltpu.sync_copy(drnl_hbm.at[pl.ds(nbase + k * GCH, GCH)], gidx)
        pltpu.async_copy(embw_hbm.at[gidx], grow, gsem).wait()
        pltpu.sync_copy(xw_hbm.at[pl.ds(nbase + k * GCH, GCH)], xrow)

        def ab(j, carry):
            for t in range(HID // 16):
                grow[j, pl.ds(t * 16, 16)] = (
                    grow[j, pl.ds(t * 16, 16)] + xrow[j, pl.ds(t * 16, 16)])
            return carry
        lax.fori_loop(0, GCH, ab, 0)
        pltpu.sync_copy(grow, h1pre_hbm.at[pl.ds(nbase + k * GCH, GCH)])


_sc_deg = pl.kernel(
    _deg_sc_body,
    out_type=(jax.ShapeDtypeStruct((2 * N_PAD, HID), jnp.float32),
              jax.ShapeDtypeStruct((N_PAD, HID), jnp.float32)),
    mesh=_sc_mesh,
    scratch_types=[
        pltpu.VMEM((CH,), jnp.int32),
        pltpu.VMEM((CH,), jnp.int32),
        pltpu.VMEM((EPW,), jnp.int32),
        pltpu.VMEM((CH, HID), jnp.float32),
        pltpu.VMEM((GCH,), jnp.int32),
        pltpu.VMEM((GCH, HID), jnp.float32),
        pltpu.VMEM((GCH, HID), jnp.float32),
        pltpu.VMEM_SHARED((N_PAD, HID), jnp.float32),
        pltpu.SemaphoreType.DMA,
    ],
)



def _deg_body(d0_ref, d1_ref, h_ref, dinv_ref, hs_ref):
    dinv = lax.rsqrt(d0_ref[:, :1] + d1_ref[:, :1] + 1.0)
    dinv_ref[...] = dinv
    hs_ref[...] = h_ref[...] * dinv


def _deg_reduce(degp, h1pre, br=1024):
    nblk = N_PAD // br
    return pl.pallas_call(
        _deg_body,
        grid=(nblk,),
        in_specs=[pl.BlockSpec((br, HID), lambda i: (i, 0)),
                  pl.BlockSpec((br, HID), lambda i: (i + nblk, 0)),
                  pl.BlockSpec((br, HID), lambda i: (i, 0))],
        out_specs=(pl.BlockSpec((br, 1), lambda i: (i, 0)),
                   pl.BlockSpec((br, HID), lambda i: (i, 0))),
        out_shape=(jax.ShapeDtypeStruct((N_PAD, 1), jnp.float32),
                   jax.ShapeDtypeStruct((N_PAD, HID), jnp.float32)),
    )(degp, degp, h1pre)



def _agg_body(hs_hbm, srcm_hbm, dstm_hbm, accp_hbm,
              sidx, didx, sidx_b, didx_b, sstage, dstage, rows_a, rows_b,
              acc, sem_a, sem_b):
    c = lax.axis_index("c")
    s = lax.axis_index("s")

    def zb(j, carry):
        for t in range(HID // 16):
            rows_a[j, pl.ds(t * 16, 16)] = jnp.zeros((16,), jnp.float32)
        return carry
    lax.fori_loop(0, CH, zb, 0)

    def zc(r, carry):
        pltpu.sync_copy(rows_a, acc.at[pl.ds(s * RPS + r * CH, CH)])
        return carry
    lax.fori_loop(0, RPS // CH, zc, 0)
    plsc.subcore_barrier()

    ebase = c * (E_PAD // 2) + s * EPW
    HEPW = EPW // 2

    def hloop(h, hcarry):
        pltpu.sync_copy(srcm_hbm.at[pl.ds(ebase + h * HEPW, HEPW)], sstage)
        pltpu.sync_copy(dstm_hbm.at[pl.ds(ebase + h * HEPW, HEPW)], dstage)

        def cps(dref, off):
            for t in range(CH // 16):
                dref[pl.ds(t * 16, 16)] = sstage[pl.ds(off + t * 16, 16)]

        def cpd(dref, off):
            for t in range(CH // 16):
                dref[pl.ds(t * 16, 16)] = dstage[pl.ds(off + t * 16, 16)]

        def eb(i, carry):
            base = 4 * i * CH
            cps(sidx, base)
            cp0 = pltpu.async_copy(hs_hbm.at[sidx], rows_a, sem_a)
            cps(sidx_b, base + CH)
            cp1 = pltpu.async_copy(hs_hbm.at[sidx_b], rows_b, sem_b)
            cpd(didx, base)
            cp0.wait()
            pltpu.sync_copy(rows_a, acc.at[didx], add=True)
            cps(sidx, base + 2 * CH)
            cp2 = pltpu.async_copy(hs_hbm.at[sidx], rows_a, sem_a)
            cpd(didx_b, base + CH)
            cp1.wait()
            pltpu.sync_copy(rows_b, acc.at[didx_b], add=True)
            cps(sidx_b, base + 3 * CH)
            cp3 = pltpu.async_copy(hs_hbm.at[sidx_b], rows_b, sem_b)
            cpd(didx, base + 2 * CH)
            cp2.wait()
            pltpu.sync_copy(rows_a, acc.at[didx], add=True)
            cpd(didx_b, base + 3 * CH)
            cp3.wait()
            pltpu.sync_copy(rows_b, acc.at[didx_b], add=True)
            return carry
        lax.fori_loop(0, HEPW // (4 * CH), eb, 0)
        return hcarry
    lax.fori_loop(0, 2, hloop, 0)

    plsc.subcore_barrier()
    pltpu.sync_copy(acc.at[pl.ds(s * RPS, RPS)],
                    accp_hbm.at[pl.ds(c * N_PAD + s * RPS, RPS)])


_sc_agg = pl.kernel(
    _agg_body,
    out_type=jax.ShapeDtypeStruct((2 * N_PAD, HID), jnp.float32),
    mesh=_sc_mesh,
    scratch_types=[
        pltpu.VMEM((CH,), jnp.int32),
        pltpu.VMEM((CH,), jnp.int32),
        pltpu.VMEM((CH,), jnp.int32),
        pltpu.VMEM((CH,), jnp.int32),
        pltpu.VMEM((EPW // 2,), jnp.int32),
        pltpu.VMEM((EPW // 2,), jnp.int32),
        pltpu.VMEM((CH, HID), jnp.float32),
        pltpu.VMEM((CH, HID), jnp.float32),
        pltpu.VMEM_SHARED((N_PAD, HID), jnp.float32),
        pltpu.SemaphoreType.DMA,
        pltpu.SemaphoreType.DMA,
    ],
)



def _conv_body(a0_ref, a1_ref, hs_ref, d_ref, b_ref, w_ref, o_ref):
    dinv = d_ref[...]
    z = jnp.maximum(
        dinv * (a0_ref[...] + a1_ref[...] + hs_ref[...]) + b_ref[...], 0.0)
    o_ref[...] = jnp.dot(z, w_ref[...],
                         preferred_element_type=jnp.float32) * dinv


def _conv_mm(accp, hs, dinv_col, brow, w, br=1024):
    nblk = N_PAD // br
    return pl.pallas_call(
        _conv_body,
        grid=(nblk,),
        in_specs=[pl.BlockSpec((br, HID), lambda i: (i, 0)),
                  pl.BlockSpec((br, HID), lambda i: (i + nblk, 0)),
                  pl.BlockSpec((br, HID), lambda i: (i, 0)),
                  pl.BlockSpec((br, 1), lambda i: (i, 0)),
                  pl.BlockSpec((1, HID), lambda i: (0, 0)),
                  pl.BlockSpec((HID, HID), lambda i: (0, 0))],
        out_specs=pl.BlockSpec((br, HID), lambda i: (i, 0)),
        out_shape=jax.ShapeDtypeStruct((N_PAD, HID), jnp.float32),
    )(accp, accp, hs, dinv_col, brow, w)



NBLK2 = N_PAD // 128


def _final_body(acc_ref, hs_ref, dinv_ref, batch_ref, b2d_ref, uv_ref, b2_ref,
                wm1_ref, bm1_ref, wm2_ref, bm2_ref, o_ref, z2_ref, bm_ref):
    dinv = dinv_ref[...]
    z2_ref[...] = jnp.maximum(
        dinv * (acc_ref[:N_PAD, :] + acc_ref[N_PAD:, :] + hs_ref[...])
        + b2_ref[...], 0.0)

    for b in range(NBLK2):
        bm_ref[b:b + 1, :] = jnp.max(
            z2_ref[b * 128:(b + 1) * 128, :], axis=0, keepdims=True)

    gsel = lax.broadcasted_iota(jnp.int32, (G, 1), 0)
    sub8 = lax.broadcasted_iota(jnp.int32, (8, 1), 0)
    blockid = lax.broadcasted_iota(jnp.int32, (NBLK2, 1), 0)

    def _row_at(i):
        base = pl.multiple_of((i // 8) * 8, 8)
        blk = z2_ref[pl.ds(base, 8), :]
        return jnp.max(jnp.where(sub8 == i - base, blk, -jnp.inf), axis=0)

    def _masked_block_max(row0, g):
        blk = z2_ref[pl.ds(row0, 128), :]
        m = batch_ref[pl.ds(row0, 128), :] == g
        return jnp.max(jnp.where(m, blk, -jnp.inf), axis=0)

    def gloop(g, feats):
        batch2d = b2d_ref[...]
        ptr_g = jnp.sum((batch2d < g).astype(jnp.int32))
        ptr_n = jnp.sum((batch2d < g + 1).astype(jnp.int32))
        fullmask = (blockid * 128 >= ptr_g) & ((blockid + 1) * 128 <= ptr_n)
        pool = jnp.max(jnp.where(fullmask, bm_ref[...], -jnp.inf), axis=0)
        lo = pl.multiple_of((ptr_g // 128) * 128, 128)
        hi = pl.multiple_of((jnp.maximum(ptr_n, 1) - 1) // 128 * 128, 128)
        pool = jnp.maximum(pool, _masked_block_max(lo, g))
        pool = jnp.maximum(pool, _masked_block_max(hi, g))
        iu = jnp.minimum(ptr_g + uv_ref[2 * g], N - 1)
        iv = jnp.minimum(ptr_g + uv_ref[2 * g + 1], N - 1)
        hu = _row_at(iu)
        hv = _row_at(iv)
        row = jnp.concatenate(
            [hu, hv, jnp.abs(hu - hv), hu * hv, pool])[None, :]
        return jnp.where(gsel == g, row, feats)

    feats = lax.fori_loop(0, G, gloop,
                          jnp.zeros((G, 5 * HID), jnp.float32))

    hidden = jnp.maximum(
        jnp.dot(feats, wm1_ref[...],
                preferred_element_type=jnp.float32) + bm1_ref[...], 0.0)
    o_ref[...] = jnp.dot(hidden, wm2_ref[...],
                         preferred_element_type=jnp.float32) + bm2_ref[...]


def _final(accp, hs, dinv_col, batch_col, batch2d, uv, b2r, wm1, bm1r, wm2,
           bm2r):
    return pl.pallas_call(
        _final_body,
        in_specs=[
            pl.BlockSpec((2 * N_PAD, HID), lambda: (0, 0)),
            pl.BlockSpec((N_PAD, HID), lambda: (0, 0)),
            pl.BlockSpec((N_PAD, 1), lambda: (0, 0)),
            pl.BlockSpec((N_PAD, 1), lambda: (0, 0)),
            pl.BlockSpec((NBLK2, 128), lambda: (0, 0)),
            pl.BlockSpec(memory_space=pltpu.SMEM),
            pl.BlockSpec((1, HID), lambda: (0, 0)),
            pl.BlockSpec((5 * HID, HID), lambda: (0, 0)),
            pl.BlockSpec((1, HID), lambda: (0, 0)),
            pl.BlockSpec((HID, 2), lambda: (0, 0)),
            pl.BlockSpec((1, 2), lambda: (0, 0)),
        ],
        out_specs=pl.BlockSpec((G, 2), lambda: (0, 0)),
        out_shape=jax.ShapeDtypeStruct((G, 2), jnp.float32),
        scratch_shapes=[pltpu.VMEM((N_PAD, HID), jnp.float32),
                        pltpu.VMEM((NBLK2, 128), jnp.float32)],
    )(accp, hs, dinv_col, batch_col, batch2d, uv, b2r, wm1, bm1r, wm2, bm2r)



def kernel(x, edge_index, drnl, batch, target_local, emb, W1, b1, W2, b2,
           Wm1, bm1, Wm2, bm2):
    src = edge_index[0].astype(jnp.int32)
    dst = edge_index[1].astype(jnp.int32)
    pad_fill = N + (jnp.arange(E_PAD - E, dtype=jnp.int32) % (N_PAD - N))
    src_p = jnp.concatenate([src, pad_fill])
    dst_p = jnp.concatenate([dst, pad_fill])
    drnl_p = jnp.zeros((N_PAD,), jnp.int32).at[:N].set(drnl.astype(jnp.int32))
    batch_col = jnp.full((N_PAD, 1), G, jnp.int32).at[:N, 0].set(
        batch.astype(jnp.int32))
    batch2d = batch_col.reshape(NBLK2, 128)
    x_p = jnp.zeros((N_PAD, D), jnp.float32).at[:N].set(x)
    uv = target_local.astype(jnp.int32)

    embw = _matmul(emb, W1[D:], emb.shape[0])
    xw = _matmul(x_p, W1[:D], 1024)
    degp, h1pre = _sc_deg(dst_p, drnl_p, embw, xw)
    dinv_col, hs1 = _deg_reduce(degp, h1pre)
    accp1 = _sc_agg(hs1, src_p, dst_p)
    hs2 = _conv_mm(accp1, hs1, dinv_col, b1.reshape(1, HID), W2)
    accp2 = _sc_agg(hs2, src_p, dst_p)
    return _final(accp2, hs2, dinv_col, batch_col, batch2d, uv,
                  b2.reshape(1, HID), Wm1, bm1.reshape(1, HID), Wm2,
                  bm2.reshape(1, 2))

# --- scband reference (transcript-rebuilt; emitter-appended) ---
"""Pipeline reference for scband-sealtarget-aware-31782757991012 (READ-ONLY COPY).

The authoritative reference and input builder live on the scoring server;
editing this copy changes nothing except your own understanding.
"""

import jax, jax.numpy as jnp
import numpy as np

N = 10000
E = 320000
D = 128
HID = 128
NUM_LABELS = 1000
EMB = 32
G = 64


def setup_inputs(seed: int = 0) -> dict:
    key = jax.random.key(seed)
    ks = jax.random.split(key, 12)
    x = jax.random.normal(ks[0], (N, D), dtype=jnp.float32)
    edge_index = jax.random.randint(ks[1], (2, E), 0, N)
    drnl = jax.random.randint(ks[2], (N,), 0, NUM_LABELS)
    batch = jnp.sort(jax.random.randint(ks[3], (N,), 0, G))
    target_local = jnp.zeros((G * 2,), dtype=jnp.int32)
    emb = jax.random.normal(ks[4], (NUM_LABELS, EMB), dtype=jnp.float32) * 0.05
    W1 = jax.random.normal(ks[5], (D + EMB, HID), dtype=jnp.float32) * (1.0 / np.sqrt(D + EMB))
    b1 = jnp.zeros((HID,), dtype=jnp.float32)
    W2 = jax.random.normal(ks[6], (HID, HID), dtype=jnp.float32) * (1.0 / np.sqrt(HID))
    b2 = jnp.zeros((HID,), dtype=jnp.float32)
    Wm1 = jax.random.normal(ks[7], (HID * 5, HID), dtype=jnp.float32) * (1.0 / np.sqrt(HID * 5))
    bm1 = jnp.zeros((HID,), dtype=jnp.float32)
    Wm2 = jax.random.normal(ks[8], (HID, 2), dtype=jnp.float32) * (1.0 / np.sqrt(HID))
    bm2 = jnp.zeros((2,), dtype=jnp.float32)
    return {"x": x, "edge_index": edge_index, "drnl": drnl, "batch": batch,
            "target_local": target_local, "emb": emb, "W1": W1, "b1": b1,
            "W2": W2, "b2": b2, "Wm1": Wm1, "bm1": bm1, "Wm2": Wm2, "bm2": bm2}


def _gcn_conv(x, src, dst, W, b):
    h = x @ W
    loop = jnp.arange(N, dtype=src.dtype)
    s = jnp.concatenate([src, loop])
    d = jnp.concatenate([dst, loop])
    deg = jax.ops.segment_sum(jnp.ones(s.shape[0], dtype=h.dtype), d, num_segments=N)
    dinv = jnp.where(deg > 0, jax.lax.rsqrt(jnp.maximum(deg, 1e-12)), 0.0)
    norm = dinv[s] * dinv[d]
    out = jax.ops.segment_sum(h[s] * norm[:, None], d, num_segments=N)
    return out + b


def reference(x, edge_index, drnl, batch, target_local, emb, W1, b1, W2, b2, Wm1, bm1, Wm2, bm2):
    src, dst = edge_index[0], edge_index[1]
    z = jnp.concatenate([x, emb[drnl]], axis=1)
    z = jax.nn.relu(_gcn_conv(z, src, dst, W1, b1))
    z = jax.nn.relu(_gcn_conv(z, src, dst, W2, b2))
    h_pool = jax.ops.segment_max(z, batch, num_segments=G)
    counts = jnp.bincount(batch, length=G)
    ptr = jnp.concatenate([jnp.zeros((1,), dtype=counts.dtype), jnp.cumsum(counts)])
    uv = target_local.reshape(G, 2)
    offs = ptr[:-1][:, None]
    idx = (uv + offs).reshape(-1)
    z_uv = z[idx]
    h_u = z_uv[0::2]
    h_v = z_uv[1::2]
    feats = jnp.concatenate([h_u, h_v, jnp.abs(h_u - h_v), h_u * h_v, h_pool], axis=1)
    hidden = jax.nn.relu(feats @ Wm1 + bm1)
    logits = hidden @ Wm2 + bm2
    return logits

if __name__ == "__main__":
    import jax
    _d = setup_inputs()
    print(jax.jit(kernel)(*tuple(_d.values())))

</pallas_src>

<mosaic_0001>
#map = affine_map<(d0, d1) -> (0)>
#map1 = affine_map<(d0, d1) -> (0, 0)>
module attributes {stable_mosaic.version = 14 : i64} {
  func.func @_deg_sc_body(%arg0: i32, %arg1: i32, %arg2: memref<327680xi32, #tpu.memory_space<hbm>>, %arg3: memref<10240xi32, #tpu.memory_space<hbm>>, %arg4: memref<1000x128xf32, #tpu.memory_space<hbm>>, %arg5: memref<10240x128xf32, #tpu.memory_space<hbm>>, %arg6: memref<20480x128xf32, #tpu.memory_space<hbm>>, %arg7: memref<10240x128xf32, #tpu.memory_space<hbm>>, %arg8: memref<128xi32, #tpu.memory_space<vmem>>, %arg9: memref<128xi32, #tpu.memory_space<vmem>>, %arg10: memref<10240xi32, #tpu.memory_space<vmem>>, %arg11: memref<128x128xf32, #tpu.memory_space<vmem>>, %arg12: memref<80xi32, #tpu.memory_space<vmem>>, %arg13: memref<80x128xf32, #tpu.memory_space<vmem>>, %arg14: memref<80x128xf32, #tpu.memory_space<vmem>>, %arg15: memref<10240x128xf32, #tpu.memory_space<vmem_shared>>, %arg16: memref<!tpu.dma_semaphore, #tpu.memory_space<semaphore_mem>>) attributes {dimension_semantics = [#tpu.dimension_semantics<core_parallel>, #tpu.dimension_semantics<subcore_parallel>], iteration_bounds = array<i64: 2, 16>, scalar_prefetch = 0 : i64, scratch_operands = 9 : i64, tpu.core_type = #tpu.core_type<sc_vector_subcore>, window_params = [{transform_indices = #map}, {transform_indices = #map}, {transform_indices = #map1}, {transform_indices = #map1}, {transform_indices = #map1}, {transform_indices = #map1}]} {
    %scan3A = arith.constant 0 : i32
    %scan3A_0 = arith.constant 0 : i32
    %scan3A_1 = arith.constant 128 : i32
    %scan3A_2 = arith.addi %scan3A_0, %scan3A_1 : i32
    %scan3A_3 = arith.constant 1 : i32
    scf.for %scan3A_109 = %scan3A_0 to %scan3A_2 step %scan3A_3  : i32 {
      %broadcast_in_dim3A = arith.constant 0.000000e+00 : f32
      %broadcast_in_dim3A_110 = vector.broadcast %broadcast_in_dim3A : f32 to vector<16xf32>
      %swap3A = arith.index_cast %scan3A_109 : i32 to index
      %swap3A_111 = arith.constant 0 : index
      %swap3A_112 = tpu.vector_load %arg11[%swap3A, %swap3A_111] {strides = array<i32>} : memref<128x128xf32, #tpu.memory_space<vmem>>, vector<1x16xf32>,
      %swap3A_113 = vector.shape_cast %swap3A_112 : vector<1x16xf32> to vector<16xf32>
      %swap3A_114 = vector.shape_cast %broadcast_in_dim3A_110 : vector<16xf32> to vector<1x16xf32>
      tpu.vector_store %arg11[%swap3A, %swap3A_111], %swap3A_114 {strides = array<i32>} : memref<128x128xf32, #tpu.memory_space<vmem>>, vector<1x16xf32>,
      %broadcast_in_dim3A_115 = arith.constant 0.000000e+00 : f32
      %broadcast_in_dim3A_116 = vector.broadcast %broadcast_in_dim3A_115 : f32 to vector<16xf32>
      %swap3A_117 = arith.index_cast %scan3A_109 : i32 to index
      %swap3A_118 = arith.constant 16 : index
      %swap3A_119 = tpu.vector_load %arg11[%swap3A_117, %swap3A_118] {strides = array<i32>} : memref<128x128xf32, #tpu.memory_space<vmem>>, vector<1x16xf32>,
      %swap3A_120 = vector.shape_cast %swap3A_119 : vector<1x16xf32> to vector<16xf32>
      %swap3A_121 = vector.shape_cast %broadcast_in_dim3A_116 : vector<16xf32> to vector<1x16xf32>
      tpu.vector_store %arg11[%swap3A_117, %swap3A_118], %swap3A_121 {strides = array<i32>} : memref<128x128xf32, #tpu.memory_space<vmem>>, vector<1x16xf32>,
      %broadcast_in_dim3A_122 = arith.constant 0.000000e+00 : f32
      %broadcast_in_dim3A_123 = vector.broadcast %broadcast_in_dim3A_122 : f32 to vector<16xf32>
      %swap3A_124 = arith.index_cast %scan3A_109 : i32 to index
      %swap3A_125 = arith.constant 32 : index
      %swap3A_126 = tpu.vector_load %arg11[%swap3A_124, %swap3A_125] {strides = array<i32>} : memref<128x128xf32, #tpu.memory_space<vmem>>, vector<1x16xf32>,
      %swap3A_127 = vector.shape_cast %swap3A_126 : vector<1x16xf32> to vector<16xf32>
      %swap3A_128 = vector.shape_cast %broadcast_in_dim3A_123 : vector<16xf32> to vector<1x16xf32>
      tpu.vector_store %arg11[%swap3A_124, %swap3A_125], %swap3A_128 {strides = array<i32>} : memref<128x128xf32, #tpu.memory_space<vmem>>, vector<1x16xf32>,
      %broadcast_in_dim3A_129 = arith.constant 0.000000e+00 : f32
      %broadcast_in_dim3A_130 = vector.broadcast %broadcast_in_dim3A_129 : f32 to vector<16xf32>
      %swap3A_131 = arith.index_cast %scan3A_109 : i32 to index
      %swap3A_132 = arith.constant 48 : index
      %swap3A_133 = tpu.vector_load %arg11[%swap3A_131, %swap3A_132] {strides = array<i32>} : memref<128x128xf32, #tpu.memory_space<vmem>>, vector<1x16xf32>,
      %swap3A_134 = vector.shape_cast %swap3A_133 : vector<1x16xf32> to vector<16xf32>
      %swap3A_135 = vector.shape_cast %broadcast_in_dim3A_130 : vector<16xf32> to vector<1x16xf32>
      tpu.vector_store %arg11[%swap3A_131, %swap3A_132], %swap3A_135 {strides = array<i32>} : memref<128x128xf32, #tpu.memory_space<vmem>>, vector<1x16xf32>,
      %broadcast_in_dim3A_136 = arith.constant 0.000000e+00 : f32
      %broadcast_in_dim3A_137 = vector.broadcast %broadcast_in_dim3A_136 : f32 to vector<16xf32>
      %swap3A_138 = arith.index_cast %scan3A_109 : i32 to index
      %swap3A_139 = arith.constant 64 : index
      %swap3A_140 = tpu.vector_load %arg11[%swap3A_138, %swap3A_139] {strides = array<i32>} : memref<128x128xf32, #tpu.memory_space<vmem>>, vector<1x16xf32>,
      %swap3A_141 = vector.shape_cast %swap3A_140 : vector<1x16xf32> to vector<16xf32>
      %swap3A_142 = vector.shape_cast %broadcast_in_dim3A_137 : vector<16xf32> to vector<1x16xf32>
      tpu.vector_store %arg11[%swap3A_138, %swap3A_139], %swap3A_142 {strides = array<i32>} : memref<128x128xf32, #tpu.memory_space<vmem>>, vector<1x16xf32>,
      %broadcast_in_dim3A_143 = arith.constant 0.000000e+00 : f32
      %broadcast_in_dim3A_144 = vector.broadcast %broadcast_in_dim3A_143 : f32 to vector<16xf32>
      %swap3A_145 = arith.index_cast %scan3A_109 : i32 to index
      %swap3A_146 = arith.constant 80 : index
      %swap3A_147 = tpu.vector_load %arg11[%swap3A_145, %swap3A_146] {strides = array<i32>} : memref<128x128xf32, #tpu.memory_space<vmem>>, vector<1x16xf32>,
      %swap3A_148 = vector.shape_cast %swap3A_147 : vector<1x16xf32> to vector<16xf32>
      %swap3A_149 = vector.shape_cast %broadcast_in_dim3A_144 : vector<16xf32> to vector<1x16xf32>
      tpu.vector_store %arg11[%swap3A_145, %swap3A_146], %swap3A_149 {strides = array<i32>} : memref<128x128xf32, #tpu.memory_space<vmem>>, vector<1x16xf32>,
      %broadcast_in_dim3A_150 = arith.constant 0.000000e+00 : f32
      %broadcast_in_dim3A_151 = vector.broadcast %broadcast_in_dim3A_150 : f32 to vector<16xf32>
      %swap3A_152 = arith.index_cast %scan3A_109 : i32 to index
      %swap3A_153 = arith.constant 96 : index
      %swap3A_154 = tpu.vector_load %arg11[%swap3A_152, %swap3A_153] {strides = array<i32>} : memref<128x128xf32, #tpu.memory_space<vmem>>, vector<1x16xf32>,
      %swap3A_155 = vector.shape_cast %swap3A_154 : vector<1x16xf32> to vector<16xf32>
      %swap3A_156 = vector.shape_cast %broadcast_in_dim3A_151 : vector<16xf32> to vector<1x16xf32>
      tpu.vector_store %arg11[%swap3A_152, %swap3A_153], %swap3A_156 {strides = array<i32>} : memref<128x128xf32, #tpu.memory_space<vmem>>, vector<1x16xf32>,
      %broadcast_in_dim3A_157 = arith.constant 0.000000e+00 : f32
      %broadcast_in_dim3A_158 = vector.broadcast %broadcast_in_dim3A_157 : f32 to vector<16xf32>
      %swap3A_159 = arith.index_cast %scan3A_109 : i32 to index
      %swap3A_160 = arith.constant 112 : index
      %swap3A_161 = tpu.vector_load %arg11[%swap3A_159, %swap3A_160] {strides = array<i32>} : memref<128x128xf32, #tpu.memory_space<vmem>>, vector<1x16xf32>,
      %swap3A_162 = vector.shape_cast %swap3A_161 : vector<1x16xf32> to vector<16xf32>
      %swap3A_163 = vector.shape_cast %broadcast_in_dim3A_158 : vector<16xf32> to vector<1x16xf32>
      tpu.vector_store %arg11[%swap3A_159, %swap3A_160], %swap3A_163 {strides = array<i32>} : memref<128x128xf32, #tpu.memory_space<vmem>>, vector<1x16xf32>,
    }
    %scan3A_4 = arith.constant 128 : i32
    %scan3A_5 = arith.constant 0 : i32
    %scan3A_6 = arith.constant 0 : i32
    %scan3A_7 = arith.constant 5 : i32
    %scan3A_8 = arith.addi %scan3A_6, %scan3A_7 : i32
    %scan3A_9 = arith.constant 1 : i32
    scf.for %scan3A_109 = %scan3A_6 to %scan3A_8 step %scan3A_9  : i32 {
      %mul3A_110 = arith.constant 640 : i32
      %mul3A_111 = arith.muli %arg1, %mul3A_110 : i32
      %mul3A_112 = arith.constant 128 : i32
      %mul3A_113 = arith.muli %scan3A_109, %mul3A_112 : i32
      %add3A_114 = arith.addi %mul3A_111, %mul3A_113 : i32
      "tpu.region"() ({
        %run_scoped3A = tpu.sem_alloc : memref<!tpu.dma_semaphore, #tpu.memory_space<semaphore_mem>>
        %dma_start3A_115 = arith.constant 0 : i32
        %dma_start3A_116 = tpu.memref_slice %arg15[%add3A_114, %dma_start3A_115] : memref<10240x128xf32, #tpu.memory_space<vmem_shared>> -> memref<128x128xf32, #tpu.memory_space<vmem_shared>>
        %dma_start3A_117 = arith.constant 0 : i32
        %dma_start3A_118 = tpu.memref_slice %arg15[%add3A_114, %dma_start3A_117] : memref<10240x128xf32, #tpu.memory_space<vmem_shared>> -> memref<128x128xf32, #tpu.memory_space<vmem_shared>>
        tpu.enqueue_dma source(%arg11 : memref<128x128xf32, #tpu.memory_space<vmem>>) target(%dma_start3A_118 : memref<128x128xf32, #tpu.memory_space<vmem_shared>>) target_semaphore(%run_scoped3A : memref<!tpu.dma_semaphore, #tpu.memory_space<semaphore_mem>>)
        %dma_wait3A_119 = arith.constant 0 : i32
        %dma_wait3A_120 = tpu.memref_slice %arg15[%add3A_114, %dma_wait3A_119] : memref<10240x128xf32, #tpu.memory_space<vmem_shared>> -> memref<128x128xf32, #tpu.memory_space<vmem_shared>>
        %dma_wait3A_121 = arith.constant 0 : i32
        %dma_wait3A_122 = tpu.memref_slice %arg15[%add3A_114, %dma_wait3A_121] : memref<10240x128xf32, #tpu.memory_space<vmem_shared>> -> memref<128x128xf32, #tpu.memory_space<vmem_shared>>
        tpu.wait_dma2 semaphore(%run_scoped3A : memref<!tpu.dma_semaphore, #tpu.memory_space<semaphore_mem>>) src(%arg11 : memref<128x128xf32, #tpu.memory_space<vmem>>) dst(%dma_wait3A_122 : memref<128x128xf32, #tpu.memory_space<vmem_shared>>)
        tpu.yield
      }) : () -> ()
    }
    %scan3A_10 = arith.constant 5 : i32
    %scan3A_11 = arith.constant 0 : i32
    %scan3A_12 = arith.constant 0 : i32
    %scan3A_13 = arith.constant 128 : i32
    %scan3A_14 = arith.addi %scan3A_12, %scan3A_13 : i32
    %scan3A_15 = arith.constant 1 : i32
    scf.for %scan3A_109 = %scan3A_12 to %scan3A_14 step %scan3A_15  : i32 {
      %broadcast_in_dim3A = arith.constant 1.000000e+00 : f32
      %broadcast_in_dim3A_110 = vector.broadcast %broadcast_in_dim3A : f32 to vector<16xf32>
      %swap3A = arith.index_cast %scan3A_109 : i32 to index
      %swap3A_111 = arith.constant 0 : index
      %swap3A_112 = tpu.vector_load %arg11[%swap3A, %swap3A_111] {strides = array<i32>} : memref<128x128xf32, #tpu.memory_space<vmem>>, vector<1x16xf32>,
      %swap3A_113 = vector.shape_cast %swap3A_112 : vector<1x16xf32> to vector<16xf32>
      %swap3A_114 = vector.shape_cast %broadcast_in_dim3A_110 : vector<16xf32> to vector<1x16xf32>
      tpu.vector_store %arg11[%swap3A, %swap3A_111], %swap3A_114 {strides = array<i32>} : memref<128x128xf32, #tpu.memory_space<vmem>>, vector<1x16xf32>,
      %broadcast_in_dim3A_115 = arith.constant 1.000000e+00 : f32
      %broadcast_in_dim3A_116 = vector.broadcast %broadcast_in_dim3A_115 : f32 to vector<16xf32>
      %swap3A_117 = arith.index_cast %scan3A_109 : i32 to index
      %swap3A_118 = arith.constant 16 : index
      %swap3A_119 = tpu.vector_load %arg11[%swap3A_117, %swap3A_118] {strides = array<i32>} : memref<128x128xf32, #tpu.memory_space<vmem>>, vector<1x16xf32>,
      %swap3A_120 = vector.shape_cast %swap3A_119 : vector<1x16xf32> to vector<16xf32>
      %swap3A_121 = vector.shape_cast %broadcast_in_dim3A_116 : vector<16xf32> to vector<1x16xf32>
      tpu.vector_store %arg11[%swap3A_117, %swap3A_118], %swap3A_121 {strides = array<i32>} : memref<128x128xf32, #tpu.memory_space<vmem>>, vector<1x16xf32>,
      %broadcast_in_dim3A_122 = arith.constant 1.000000e+00 : f32
      %broadcast_in_dim3A_123 = vector.broadcast %broadcast_in_dim3A_122 : f32 to vector<16xf32>
      %swap3A_124 = arith.index_cast %scan3A_109 : i32 to index
      %swap3A_125 = arith.constant 32 : index
      %swap3A_126 = tpu.vector_load %arg11[%swap3A_124, %swap3A_125] {strides = array<i32>} : memref<128x128xf32, #tpu.memory_space<vmem>>, vector<1x16xf32>,
      %swap3A_127 = vector.shape_cast %swap3A_126 : vector<1x16xf32> to vector<16xf32>
      %swap3A_128 = vector.shape_cast %broadcast_in_dim3A_123 : vector<16xf32> to vector<1x16xf32>
      tpu.vector_store %arg11[%swap3A_124, %swap3A_125], %swap3A_128 {strides = array<i32>} : memref<128x128xf32, #tpu.memory_space<vmem>>, vector<1x16xf32>,
      %broadcast_in_dim3A_129 = arith.constant 1.000000e+00 : f32
      %broadcast_in_dim3A_130 = vector.broadcast %broadcast_in_dim3A_129 : f32 to vector<16xf32>
      %swap3A_131 = arith.index_cast %scan3A_109 : i32 to index
      %swap3A_132 = arith.constant 48 : index
      %swap3A_133 = tpu.vector_load %arg11[%swap3A_131, %swap3A_132] {strides = array<i32>} : memref<128x128xf32, #tpu.memory_space<vmem>>, vector<1x16xf32>,
      %swap3A_134 = vector.shape_cast %swap3A_133 : vector<1x16xf32> to vector<16xf32>
      %swap3A_135 = vector.shape_cast %broadcast_in_dim3A_130 : vector<16xf32> to vector<1x16xf32>
      tpu.vector_store %arg11[%swap3A_131, %swap3A_132], %swap3A_135 {strides = array<i32>} : memref<128x128xf32, #tpu.memory_space<vmem>>, vector<1x16xf32>,
      %broadcast_in_dim3A_136 = arith.constant 1.000000e+00 : f32
      %broadcast_in_dim3A_137 = vector.broadcast %broadcast_in_dim3A_136 : f32 to vector<16xf32>
      %swap3A_138 = arith.index_cast %scan3A_109 : i32 to index
      %swap3A_139 = arith.constant 64 : index
      %swap3A_140 = tpu.vector_load %arg11[%swap3A_138, %swap3A_139] {strides = array<i32>} : memref<128x128xf32, #tpu.memory_space<vmem>>, vector<1x16xf32>,
      %swap3A_141 = vector.shape_cast %swap3A_140 : vector<1x16xf32> to vector<16xf32>
      %swap3A_142 = vector.shape_cast %broadcast_in_dim3A_137 : vector<16xf32> to vector<1x16xf32>
      tpu.vector_store %arg11[%swap3A_138, %swap3A_139], %swap3A_142 {strides = array<i32>} : memref<128x128xf32, #tpu.memory_space<vmem>>, vector<1x16xf32>,
      %broadcast_in_dim3A_143 = arith.constant 1.000000e+00 : f32
      %broadcast_in_dim3A_144 = vector.broadcast %broadcast_in_dim3A_143 : f32 to vector<16xf32>
      %swap3A_145 = arith.index_cast %scan3A_109 : i32 to index
      %swap3A_146 = arith.constant 80 : index
      %swap3A_147 = tpu.vector_load %arg11[%swap3A_145, %swap3A_146] {strides = array<i32>} : memref<128x128xf32, #tpu.memory_space<vmem>>, vector<1x16xf32>,
      %swap3A_148 = vector.shape_cast %swap3A_147 : vector<1x16xf32> to vector<16xf32>
      %swap3A_149 = vector.shape_cast %broadcast_in_dim3A_144 : vector<16xf32> to vector<1x16xf32>
      tpu.vector_store %arg11[%swap3A_145, %swap3A_146], %swap3A_149 {strides = array<i32>} : memref<128x128xf32, #tpu.memory_space<vmem>>, vector<1x16xf32>,
      %broadcast_in_dim3A_150 = arith.constant 1.000000e+00 : f32
      %broadcast_in_dim3A_151 = vector.broadcast %broadcast_in_dim3A_150 : f32 to vector<16xf32>
      %swap3A_152 = arith.index_cast %scan3A_109 : i32 to index
      %swap3A_153 = arith.constant 96 : index
      %swap3A_154 = tpu.vector_load %arg11[%swap3A_152, %swap3A_153] {strides = array<i32>} : memref<128x128xf32, #tpu.memory_space<vmem>>, vector<1x16xf32>,
      %swap3A_155 = vector.shape_cast %swap3A_154 : vector<1x16xf32> to vector<16xf32>
      %swap3A_156 = vector.shape_cast %broadcast_in_dim3A_151 : vector<16xf32> to vector<1x16xf32>
      tpu.vector_store %arg11[%swap3A_152, %swap3A_153], %swap3A_156 {strides = array<i32>} : memref<128x128xf32, #tpu.memory_space<vmem>>, vector<1x16xf32>,
      %broadcast_in_dim3A_157 = arith.constant 1.000000e+00 : f32
      %broadcast_in_dim3A_158 = vector.broadcast %broadcast_in_dim3A_157 : f32 to vector<16xf32>
      %swap3A_159 = arith.index_cast %scan3A_109 : i32 to index
      %swap3A_160 = arith.constant 112 : index
      %swap3A_161 = tpu.vector_load %arg11[%swap3A_159, %swap3A_160] {strides = array<i32>} : memref<128x128xf32, #tpu.memory_space<vmem>>, vector<1x16xf32>,
      %swap3A_162 = vector.shape_cast %swap3A_161 : vector<1x16xf32> to vector<16xf32>
      %swap3A_163 = vector.shape_cast %broadcast_in_dim3A_158 : vector<16xf32> to vector<1x16xf32>
      tpu.vector_store %arg11[%swap3A_159, %swap3A_160], %swap3A_163 {strides = array<i32>} : memref<128x128xf32, #tpu.memory_space<vmem>>, vector<1x16xf32>,
    }
    %scan3A_16 = arith.constant 128 : i32
    %barrier3A = arith.constant 0 : index
    tpu.barrier barrier_id(%barrier3A)
    %mul3A = arith.constant 163840 : i32
    %mul3A_17 = arith.muli %arg0, %mul3A : i32
    %mul3A_18 = arith.constant 10240 : i32
    %mul3A_19 = arith.muli %arg1, %mul3A_18 : i32
    %add3A = arith.addi %mul3A_17, %mul3A_19 : i32
    "tpu.region"() ({
      %run_scoped3A = tpu.sem_alloc : memref<!tpu.dma_semaphore, #tpu.memory_space<semaphore_mem>>
      %dma_start3A_109 = tpu.memref_slice %arg2[%add3A] : memref<327680xi32, #tpu.memory_space<hbm>> -> memref<10240xi32, #tpu.memory_space<hbm>>
      %dma_start3A_110 = tpu.memref_slice %arg2[%add3A] : memref<327680xi32, #tpu.memory_space<hbm>> -> memref<10240xi32, #tpu.memory_space<hbm>>
      tpu.enqueue_dma source(%dma_start3A_110 : memref<10240xi32, #tpu.memory_space<hbm>>) target(%arg10 : memref<10240xi32, #tpu.memory_space<vmem>>) target_semaphore(%run_scoped3A : memref<!tpu.dma_semaphore, #tpu.memory_space<semaphore_mem>>)
      %dma_wait3A_111 = tpu.memref_slice %arg2[%add3A] : memref<327680xi32, #tpu.memory_space<hbm>> -> memref<10240xi32, #tpu.memory_space<hbm>>
      %dma_wait3A_112 = tpu.memref_slice %arg2[%add3A] : memref<327680xi32, #tpu.memory_space<hbm>> -> memref<10240xi32, #tpu.memory_space<hbm>>
      tpu.wait_dma2 semaphore(%run_scoped3A : memref<!tpu.dma_semaphore, #tpu.memory_space<semaphore_mem>>) src(%dma_wait3A_112 : memref<10240xi32, #tpu.memory_space<hbm>>) dst(%arg10 : memref<10240xi32, #tpu.memory_space<vmem>>)
      tpu.yield
    }) : () -> ()
    %scan3A_20 = arith.constant 0 : i32
    %scan3A_21 = arith.constant 0 : i32
    %scan3A_22 = arith.constant 40 : i32
    %scan3A_23 = arith.addi %scan3A_21, %scan3A_22 : i32
    %scan3A_24 = arith.constant 1 : i32
    scf.for %scan3A_109 = %scan3A_21 to %scan3A_23 step %scan3A_24  : i32 {
      %mul3A_110 = arith.constant 2 : i32
      %mul3A_111 = arith.muli %mul3A_110, %scan3A_109 : i32
      %mul3A_112 = arith.constant 128 : i32
      %mul3A_113 = arith.muli %mul3A_111, %mul3A_112 : i32
      %add3A_114 = arith.constant 0 : i32
      %add3A_115 = arith.addi %mul3A_113, %add3A_114 : i32
      %get3A = arith.index_cast %add3A_115 : i32 to index
      %get3A_116 = tpu.vector_load %arg10[%get3A] {strides = array<i32>} : memref<10240xi32, #tpu.memory_space<vmem>>, vector<16xi32>,
      %get3A_117 = vector.shape_cast %get3A_116 : vector<16xi32> to vector<16xi32>
      %swap3A = arith.constant 0 : index
      %swap3A_118 = tpu.vector_load %arg8[%swap3A] {strides = array<i32>} : memref<128xi32, #tpu.memory_space<vmem>>, vector<16xi32>,
      %swap3A_119 = vector.shape_cast %swap3A_118 : vector<16xi32> to vector<16xi32>
      %swap3A_120 = vector.shape_cast %get3A_117 : vector<16xi32> to vector<16xi32>
      tpu.vector_store %arg8[%swap3A], %swap3A_120 {strides = array<i32>} : memref<128xi32, #tpu.memory_space<vmem>>, vector<16xi32>,
      %add3A_121 = arith.constant 16 : i32
      %add3A_122 = arith.addi %mul3A_113, %add3A_121 : i32
      %get3A_123 = arith.index_cast %add3A_122 : i32 to index
      %get3A_124 = tpu.vector_load %arg10[%get3A_123] {strides = array<i32>} : memref<10240xi32, #tpu.memory_space<vmem>>, vector<16xi32>,
      %get3A_125 = vector.shape_cast %get3A_124 : vector<16xi32> to vector<16xi32>
      %swap3A_126 = arith.constant 16 : index
      %swap3A_127 = tpu.vector_load %arg8[%swap3A_126] {strides = array<i32>} : memref<128xi32, #tpu.memory_space<vmem>>, vector<16xi32>,
      %swap3A_128 = vector.shape_cast %swap3A_127 : vector<16xi32> to vector<16xi32>
      %swap3A_129 = vector.shape_cast %get3A_125 : vector<16xi32> to vector<16xi32>
      tpu.vector_store %arg8[%swap3A_126], %swap3A_129 {strides = array<i32>} : memref<128xi32, #tpu.memory_space<vmem>>, vector<16xi32>,
      %add3A_130 = arith.constant 32 : i32
      %add3A_131 = arith.addi %mul3A_113, %add3A_130 : i32
      %get3A_132 = arith.index_cast %add3A_131 : i32 to index
      %get3A_133 = tpu.vector_load %arg10[%get3A_132] {strides = array<i32>} : memref<10240xi32, #tpu.memory_space<vmem>>, vector<16xi32>,
      %get3A_134 = vector.shape_cast %get3A_133 : vector<16xi32> to vector<16xi32>
      %swap3A_135 = arith.constant 32 : index
      %swap3A_136 = tpu.vector_load %arg8[%swap3A_135] {strides = array<i32>} : memref<128xi32, #tpu.memory_space<vmem>>, vector<16xi32>,
      %swap3A_137 = vector.shape_cast %swap3A_136 : vector<16xi32> to vector<16xi32>
      %swap3A_138 = vector.shape_cast %get3A_134 : vector<16xi32> to vector<16xi32>
      tpu.vector_store %arg8[%swap3A_135], %swap3A_138 {strides = array<i32>} : memref<128xi32, #tpu.memory_space<vmem>>, vector<16xi32>,
      %add3A_139 = arith.constant 48 : i32
      %add3A_140 = arith.addi %mul3A_113, %add3A_139 : i32
      %get3A_141 = arith.index_cast %add3A_140 : i32 to index
      %get3A_142 = tpu.vector_load %arg10[%get3A_141] {strides = array<i32>} : memref<10240xi32, #tpu.memory_space<vmem>>, vector<16xi32>,
      %get3A_143 = vector.shape_cast %get3A_142 : vector<16xi32> to vector<16xi32>
      %swap3A_144 = arith.constant 48 : index
      %swap3A_145 = tpu.vector_load %arg8[%swap3A_144] {strides = array<i32>} : memref<128xi32, #tpu.memory_space<vmem>>, vector<16xi32>,
      %swap3A_146 = vector.shape_cast %swap3A_145 : vector<16xi32> to vector<16xi32>
      %swap3A_147 = vector.shape_cast %get3A_143 : vector<16xi32> to vector<16xi32>
      tpu.vector_store %arg8[%swap3A_144], %swap3A_147 {strides = array<i32>} : memref<128xi32, #tpu.memory_space<vmem>>, vector<16xi32>,
      %add3A_148 = arith.constant 64 : i32
      %add3A_149 = arith.addi %mul3A_113, %add3A_148 : i32
      %get3A_150 = arith.index_cast %add3A_149 : i32 to index
      %get3A_151 = tpu.vector_load %arg10[%get3A_150] {strides = array<i32>} : memref<10240xi32, #tpu.memory_space<vmem>>, vector<16xi32>,
      %get3A_152 = vector.shape_cast %get3A_151 : vector<16xi32> to vector<16xi32>
      %swap3A_153 = arith.constant 64 : index
      %swap3A_154 = tpu.vector_load %arg8[%swap3A_153] {strides = array<i32>} : memref<128xi32, #tpu.memory_space<vmem>>, vector<16xi32>,
      %swap3A_155 = vector.shape_cast %swap3A_154 : vector<16xi32> to vector<16xi32>
      %swap3A_156 = vector.shape_cast %get3A_152 : vector<16xi32> to vector<16xi32>
      tpu.vector_store %arg8[%swap3A_153], %swap3A_156 {strides = array<i32>} : memref<128xi32, #tpu.memory_space<vmem>>, vector<16xi32>,
      %add3A_157 = arith.constant 80 : i32
      %add3A_158 = arith.addi %mul3A_113, %add3A_157 : i32
      %get3A_159 = arith.index_cast %add3A_158 : i32 to index
      %get3A_160 = tpu.vector_load %arg10[%get3A_159] {strides = array<i32>} : memref<10240xi32, #tpu.memory_space<vmem>>, vector<16xi32>,
      %get3A_161 = vector.shape_cast %get3A_160 : vector<16xi32> to vector<16xi32>
      %swap3A_162 = arith.constant 80 : index
      %swap3A_163 = tpu.vector_load %arg8[%swap3A_162] {strides = array<i32>} : memref<128xi32, #tpu.memory_space<vmem>>, vector<16xi32>,
      %swap3A_164 = vector.shape_cast %swap3A_163 : vector<16xi32> to vector<16xi32>
      %swap3A_165 = vector.shape_cast %get3A_161 : vector<16xi32> to vector<16xi32>
      tpu.vector_store %arg8[%swap3A_162], %swap3A_165 {strides = array<i32>} : memref<128xi32, #tpu.memory_space<vmem>>, vector<16xi32>,
      %add3A_166 = arith.constant 96 : i32
      %add3A_167 = arith.addi %mul3A_113, %add3A_166 : i32
      %get3A_168 = arith.index_cast %add3A_167 : i32 to index
      %get3A_169 = tpu.vector_load %arg10[%get3A_168] {strides = array<i32>} : memref<10240xi32, #tpu.memory_space<vmem>>, vector<16xi32>,
      %get3A_170 = vector.shape_cast %get3A_169 : vector<16xi32> to vector<16xi32>
      %swap3A_171 = arith.constant 96 : index
      %swap3A_172 = tpu.vector_load %arg8[%swap3A_171] {strides = array<i32>} : memref<128xi32, #tpu.memory_space<vmem>>, vector<16xi32>,
      %swap3A_173 = vector.shape_cast %swap3A_172 : vector<16xi32> to vector<16xi32>
      %swap3A_174 = vector.shape_cast %get3A_170 : vector<16xi32> to vector<16xi32>
      tpu.vector_store %arg8[%swap3A_171], %swap3A_174 {strides = array<i32>} : memref<128xi32, #tpu.memory_space<vmem>>, vector<16xi32>,
      %add3A_175 = arith.constant 112 : i32
      %add3A_176 = arith.addi %mul3A_113, %add3A_175 : i32
      %get3A_177 = arith.index_cast %add3A_176 : i32 to index
      %get3A_178 = tpu.vector_load %arg10[%get3A_177] {strides = array<i32>} : memref<10240xi32, #tpu.memory_space<vmem>>, vector<16xi32>,
      %get3A_179 = vector.shape_cast %get3A_178 : vector<16xi32> to vector<16xi32>
      %swap3A_180 = arith.constant 112 : index
      %swap3A_181 = tpu.vector_load %arg8[%swap3A_180] {strides = array<i32>} : memref<128xi32, #tpu.memory_space<vmem>>, vector<16xi32>,
      %swap3A_182 = vector.shape_cast %swap3A_181 : vector<16xi32> to vector<16xi32>
      %swap3A_183 = vector.shape_cast %get3A_179 : vector<16xi32> to vector<16xi32>
      tpu.vector_store %arg8[%swap3A_180], %swap3A_183 {strides = array<i32>} : memref<128xi32, #tpu.memory_space<vmem>>, vector<16xi32>,
      "tpu.region"() ({
        %run_scoped3A = tpu.sem_alloc : memref<!tpu.dma_semaphore, #tpu.memory_space<semaphore_mem>>
        %dma_start3A_262 = arith.constant 0 : i32
        %dma_start3A_263 = arith.constant 0 : i32
        %dma_start3A_264 = tpu.memref_slice %arg15[%dma_start3A_262, %dma_start3A_263] : memref<10240x128xf32, #tpu.memory_space<vmem_shared>> -> memref<10240x128xf32, #tpu.memory_space<vmem_shared>>
        tpu.enqueue_indirect_dma source(%arg11 : memref<128x128xf32, #tpu.memory_space<vmem>>) target(%dma_start3A_264 : memref<10240x128xf32, #tpu.memory_space<vmem_shared>>) offsets(%arg8 : memref<128xi32, #tpu.memory_space<vmem>>) semaphore(%run_scoped3A : memref<!tpu.dma_semaphore, #tpu.memory_space<semaphore_mem>>) {add = true}
        %dma_wait3A_265 = arith.constant 0 : i32
        %dma_wait3A_266 = arith.constant 0 : i32
        %dma_wait3A_267 = tpu.memref_slice %arg15[%dma_wait3A_265, %dma_wait3A_266] : memref<10240x128xf32, #tpu.memory_space<vmem_shared>> -> memref<10240x128xf32, #tpu.memory_space<vmem_shared>>
        tpu.wait_indirect_dma semaphore(%run_scoped3A : memref<!tpu.dma_semaphore, #tpu.memory_space<semaphore_mem>>) src(%arg11 : memref<128x128xf32, #tpu.memory_space<vmem>>) dst(%dma_wait3A_267 : memref<10240x128xf32, #tpu.memory_space<vmem_shared>>)
        tpu.yield
      }) : () -> ()
      %mul3A_184 = arith.constant 2 : i32
      %mul3A_185 = arith.muli %mul3A_184, %scan3A_109 : i32
      %add3A_186 = arith.constant 1 : i32
      %add3A_187 = arith.addi %mul3A_185, %add3A_186 : i32
      %mul3A_188 = arith.constant 128 : i32
      %mul3A_189 = arith.muli %add3A_187, %mul3A_188 : i32
      %add3A_190 = arith.constant 0 : i32
      %add3A_191 = arith.addi %mul3A_189, %add3A_190 : i32
      %get3A_192 = arith.index_cast %add3A_191 : i32 to index
      %get3A_193 = tpu.vector_load %arg10[%get3A_192] {strides = array<i32>} : memref<10240xi32, #tpu.memory_space<vmem>>, vector<16xi32>,
      %get3A_194 = vector.shape_cast %get3A_193 : vector<16xi32> to vector<16xi32>
      %swap3A_195 = arith.constant 0 : index
      %swap3A_196 = tpu.vector_load %arg9[%swap3A_195] {strides = array<i32>} : memref<128xi32, #tpu.memory_space<vmem>>, vector<16xi32>,
      %swap3A_197 = vector.shape_cast %swap3A_196 : vector<16xi32> to vector<16xi32>
      %swap3A_198 = vector.shape_cast %get3A_194 : vector<16xi32> to vector<16xi32>
      tpu.vector_store %arg9[%swap3A_195], %swap3A_198 {strides = array<i32>} : memref<128xi32, #tpu.memory_space<vmem>>, vector<16xi32>,
      %add3A_199 = arith.constant 16 : i32
      %add3A_200 = arith.addi %mul3A_189, %add3A_199 : i32
      %get3A_201 = arith.index_cast %add3A_200 : i32 to index
      %get3A_202 = tpu.vector_load %arg10[%get3A_201] {strides = array<i32>} : memref<10240xi32, #tpu.memory_space<vmem>>, vector<16xi32>,
      %get3A_203 = vector.shape_cast %get3A_202 : vector<16xi32> to vector<16xi32>
      %swap3A_204 = arith.constant 16 : index
      %swap3A_205 = tpu.vector_load %arg9[%swap3A_204] {strides = array<i32>} : memref<128xi32, #tpu.memory_space<vmem>>, vector<16xi32>,
      %swap3A_206 = vector.shape_cast %swap3A_205 : vector<16xi32> to vector<16xi32>
      %swap3A_207 = vector.shape_cast %get3A_203 : vector<16xi32> to vector<16xi32>
      tpu.vector_store %arg9[%swap3A_204], %swap3A_207 {strides = array<i32>} : memref<128xi32, #tpu.memory_space<vmem>>, vector<16xi32>,
      %add3A_208 = arith.constant 32 : i32
      %add3A_209 = arith.addi %mul3A_189, %add3A_208 : i32
      %get3A_210 = arith.index_cast %add3A_209 : i32 to index
      %get3A_211 = tpu.vector_load %arg10[%get3A_210] {strides = array<i32>} : memref<10240xi32, #tpu.memory_space<vmem>>, vector<16xi32>,
      %get3A_212 = vector.shape_cast %get3A_211 : vector<16xi32> to vector<16xi32>
      %swap3A_213 = arith.constant 32 : index
      %swap3A_214 = tpu.vector_load %arg9[%swap3A_213] {strides = array<i32>} : memref<128xi32, #tpu.memory_space<vmem>>, vector<16xi32>,
      %swap3A_215 = vector.shape_cast %swap3A_214 : vector<16xi32> to vector<16xi32>
      %swap3A_216 = vector.shape_cast %get3A_212 : vector<16xi32> to vector<16xi32>
      tpu.vector_store %arg9[%swap3A_213], %swap3A_216 {strides = array<i32>} : memref<128xi32, #tpu.memory_space<vmem>>, vector<16xi32>,
      %add3A_217 = arith.constant 48 : i32
      %add3A_218 = arith.addi %mul3A_189, %add3A_217 : i32
      %get3A_219 = arith.index_cast %add3A_218 : i32 to index
      %get3A_220 = tpu.vector_load %arg10[%get3A_219] {strides = array<i32>} : memref<10240xi32, #tpu.memory_space<vmem>>, vector<16xi32>,
      %get3A_221 = vector.shape_cast %get3A_220 : vector<16xi32> to vector<16xi32>
      %swap3A_222 = arith.constant 48 : index
      %swap3A_223 = tpu.vector_load %arg9[%swap3A_222] {strides = array<i32>} : memref<128xi32, #tpu.memory_space<vmem>>, vector<16xi32>,
      %swap3A_224 = vector.shape_cast %swap3A_223 : vector<16xi32> to vector<16xi32>
      %swap3A_225 = vector.shape_cast %get3A_221 : vector<16xi32> to vector<16xi32>
      tpu.vector_store %arg9[%swap3A_222], %swap3A_225 {strides = array<i32>} : memref<128xi32, #tpu.memory_space<vmem>>, vector<16xi32>,
      %add3A_226 = arith.constant 64 : i32
      %add3A_227 = arith.addi %mul3A_189, %add3A_226 : i32
      %get3A_228 = arith.index_cast %add3A_227 : i32 to index
      %get3A_229 = tpu.vector_load %arg10[%get3A_228] {strides = array<i32>} : memref<10240xi32, #tpu.memory_space<vmem>>, vector<16xi32>,
      %get3A_230 = vector.shape_cast %get3A_229 : vector<16xi32> to vector<16xi32>
      %swap3A_231 = arith.constant 64 : index
      %swap3A_232 = tpu.vector_load %arg9[%swap3A_231] {strides = array<i32>} : memref<128xi32, #tpu.memory_space<vmem>>, vector<16xi32>,
      %swap3A_233 = vector.shape_cast %swap3A_232 : vector<16xi32> to vector<16xi32>
      %swap3A_234 = vector.shape_cast %get3A_230 : vector<16xi32> to vector<16xi32>
      tpu.vector_store %arg9[%swap3A_231], %swap3A_234 {strides = array<i32>} : memref<128xi32, #tpu.memory_space<vmem>>, vector<16xi32>,
      %add3A_235 = arith.constant 80 : i32
      %add3A_236 = arith.addi %mul3A_189, %add3A_235 : i32
      %get3A_237 = arith.index_cast %add3A_236 : i32 to index
      %get3A_238 = tpu.vector_load %arg10[%get3A_237] {strides = array<i32>} : memref<10240xi32, #tpu.memory_space<vmem>>, vector<16xi32>,
      %get3A_239 = vector.shape_cast %get3A_238 : vector<16xi32> to vector<16xi32>
      %swap3A_240 = arith.constant 80 : index
      %swap3A_241 = tpu.vector_load %arg9[%swap3A_240] {strides = array<i32>} : memref<128xi32, #tpu.memory_space<vmem>>, vector<16xi32>,
      %swap3A_242 = vector.shape_cast %swap3A_241 : vector<16xi32> to vector<16xi32>
      %swap3A_243 = vector.shape_cast %get3A_239 : vector<16xi32> to vector<16xi32>
      tpu.vector_store %arg9[%swap3A_240], %swap3A_243 {strides = array<i32>} : memref<128xi32, #tpu.memory_space<vmem>>, vector<16xi32>,
      %add3A_244 = arith.constant 96 : i32
      %add3A_245 = arith.addi %mul3A_189, %add3A_244 : i32
      %get3A_246 = arith.index_cast %add3A_245 : i32 to index
      %get3A_247 = tpu.vector_load %arg10[%get3A_246] {strides = array<i32>} : memref<10240xi32, #tpu.memory_space<vmem>>, vector<16xi32>,
      %get3A_248 = vector.shape_cast %get3A_247 : vector<16xi32> to vector<16xi32>
      %swap3A_249 = arith.constant 96 : index
      %swap3A_250 = tpu.vector_load %arg9[%swap3A_249] {strides = array<i32>} : memref<128xi32, #tpu.memory_space<vmem>>, vector<16xi32>,
      %swap3A_251 = vector.shape_cast %swap3A_250 : vector<16xi32> to vector<16xi32>
      %swap3A_252 = vector.shape_cast %get3A_248 : vector<16xi32> to vector<16xi32>
      tpu.vector_store %arg9[%swap3A_249], %swap3A_252 {strides = array<i32>} : memref<128xi32, #tpu.memory_space<vmem>>, vector<16xi32>,
      %add3A_253 = arith.constant 112 : i32
      %add3A_254 = arith.addi %mul3A_189, %add3A_253 : i32
      %get3A_255 = arith.index_cast %add3A_254 : i32 to index
      %get3A_256 = tpu.vector_load %arg10[%get3A_255] {strides = array<i32>} : memref<10240xi32, #tpu.memory_space<vmem>>, vector<16xi32>,
      %get3A_257 = vector.shape_cast %get3A_256 : vector<16xi32> to vector<16xi32>
      %swap3A_258 = arith.constant 112 : index
      %swap3A_259 = tpu.vector_load %arg9[%swap3A_258] {strides = array<i32>} : memref<128xi32, #tpu.memory_space<vmem>>, vector<16xi32>,
      %swap3A_260 = vector.shape_cast %swap3A_259 : vector<16xi32> to vector<16xi32>
      %swap3A_261 = vector.shape_cast %get3A_257 : vector<16xi32> to vector<16xi32>
      tpu.vector_store %arg9[%swap3A_258], %swap3A_261 {strides = array<i32>} : memref<128xi32, #tpu.memory_space<vmem>>, vector<16xi32>,
      "tpu.region"() ({
        %run_scoped3A = tpu.sem_alloc : memref<!tpu.dma_semaphore, #tpu.memory_space<semaphore_mem>>
        %dma_start3A_262 = arith.constant 0 : i32
        %dma_start3A_263 = arith.constant 0 : i32
        %dma_start3A_264 = tpu.memref_slice %arg15[%dma_start3A_262, %dma_start3A_263] : memref<10240x128xf32, #tpu.memory_space<vmem_shared>> -> memref<10240x128xf32, #tpu.memory_space<vmem_shared>>
        tpu.enqueue_indirect_dma source(%arg11 : memref<128x128xf32, #tpu.memory_space<vmem>>) target(%dma_start3A_264 : memref<10240x128xf32, #tpu.memory_space<vmem_shared>>) offsets(%arg9 : memref<128xi32, #tpu.memory_space<vmem>>) semaphore(%run_scoped3A : memref<!tpu.dma_semaphore, #tpu.memory_space<semaphore_mem>>) {add = true}
        %dma_wait3A_265 = arith.constant 0 : i32
        %dma_wait3A_266 = arith.constant 0 : i32
        %dma_wait3A_267 = tpu.memref_slice %arg15[%dma_wait3A_265, %dma_wait3A_266] : memref<10240x128xf32, #tpu.memory_space<vmem_shared>> -> memref<10240x128xf32, #tpu.memory_space<vmem_shared>>
        tpu.wait_indirect_dma semaphore(%run_scoped3A : memref<!tpu.dma_semaphore, #tpu.memory_space<semaphore_mem>>) src(%arg11 : memref<128x128xf32, #tpu.memory_space<vmem>>) dst(%dma_wait3A_267 : memref<10240x128xf32, #tpu.memory_space<vmem_shared>>)
        tpu.yield
      }) : () -> ()
    }
    %scan3A_25 = arith.constant 40 : i32
    %barrier3A_26 = arith.constant 0 : index
    tpu.barrier barrier_id(%barrier3A_26)
    %mul3A_27 = arith.constant 640 : i32
    %mul3A_28 = arith.muli %arg1, %mul3A_27 : i32
    %mul3A_29 = arith.constant 10240 : i32
    %mul3A_30 = arith.muli %arg0, %mul3A_29 : i32
    %mul3A_31 = arith.constant 640 : i32
    %mul3A_32 = arith.muli %arg1, %mul3A_31 : i32
    %add3A_33 = arith.addi %mul3A_30, %mul3A_32 : i32
    "tpu.region"() ({
      %run_scoped3A = tpu.sem_alloc : memref<!tpu.dma_semaphore, #tpu.memory_space<semaphore_mem>>
      %dma_start3A_109 = arith.constant 0 : i32
      %dma_start3A_110 = tpu.memref_slice %arg6[%add3A_33, %dma_start3A_109] : memref<20480x128xf32, #tpu.memory_space<hbm>> -> memref<640x128xf32, #tpu.memory_space<hbm>>
      %dma_start3A_111 = arith.constant 0 : i32
      %dma_start3A_112 = tpu.memref_slice %arg15[%mul3A_28, %dma_start3A_111] : memref<10240x128xf32, #tpu.memory_space<vmem_shared>> -> memref<640x128xf32, #tpu.memory_space<vmem_shared>>
      tpu.enqueue_dma source(%dma_start3A_112 : memref<640x128xf32, #tpu.memory_space<vmem_shared>>) target(%dma_start3A_110 : memref<640x128xf32, #tpu.memory_space<hbm>>) target_semaphore(%run_scoped3A : memref<!tpu.dma_semaphore, #tpu.memory_space<semaphore_mem>>)
      %dma_wait3A_113 = arith.constant 0 : i32
      %dma_wait3A_114 = tpu.memref_slice %arg6[%add3A_33, %dma_wait3A_113] : memref<20480x128xf32, #tpu.memory_space<hbm>> -> memref<640x128xf32, #tpu.memory_space<hbm>>
      %dma_wait3A_115 = arith.constant 0 : i32
      %dma_wait3A_116 = tpu.memref_slice %arg15[%mul3A_28, %dma_wait3A_115] : memref<10240x128xf32, #tpu.memory_space<vmem_shared>> -> memref<640x128xf32, #tpu.memory_space<vmem_shared>>
      tpu.wait_dma2 semaphore(%run_scoped3A : memref<!tpu.dma_semaphore, #tpu.memory_space<semaphore_mem>>) src(%dma_wait3A_116 : memref<640x128xf32, #tpu.memory_space<vmem_shared>>) dst(%dma_wait3A_114 : memref<640x128xf32, #tpu.memory_space<hbm>>)
      tpu.yield
    }) : () -> ()
    %mul3A_34 = arith.constant 2 : i32
    %mul3A_35 = arith.muli %arg1, %mul3A_34 : i32
    %add3A_36 = arith.addi %mul3A_35, %arg0 : i32
    %mul3A_37 = arith.constant 320 : i32
    %mul3A_38 = arith.muli %add3A_36, %mul3A_37 : i32
    %add3A_39 = arith.constant 0 : i32
    %add3A_40 = arith.addi %mul3A_38, %add3A_39 : i32
    "tpu.region"() ({
      %run_scoped3A = tpu.sem_alloc : memref<!tpu.dma_semaphore, #tpu.memory_space<semaphore_mem>>
      %dma_start3A_109 = tpu.memref_slice %arg3[%add3A_40] : memref<10240xi32, #tpu.memory_space<hbm>> -> memref<80xi32, #tpu.memory_space<hbm>>
      %dma_start3A_110 = tpu.memref_slice %arg3[%add3A_40] : memref<10240xi32, #tpu.memory_space<hbm>> -> memref<80xi32, #tpu.memory_space<hbm>>
      tpu.enqueue_dma source(%dma_start3A_110 : memref<80xi32, #tpu.memory_space<hbm>>) target(%arg12 : memref<80xi32, #tpu.memory_space<vmem>>) target_semaphore(%run_scoped3A : memref<!tpu.dma_semaphore, #tpu.memory_space<semaphore_mem>>)
      %dma_wait3A_111 = tpu.memref_slice %arg3[%add3A_40] : memref<10240xi32, #tpu.memory_space<hbm>> -> memref<80xi32, #tpu.memory_space<hbm>>
      %dma_wait3A_112 = tpu.memref_slice %arg3[%add3A_40] : memref<10240xi32, #tpu.memory_space<hbm>> -> memref<80xi32, #tpu.memory_space<hbm>>
      tpu.wait_dma2 semaphore(%run_scoped3A : memref<!tpu.dma_semaphore, #tpu.memory_space<semaphore_mem>>) src(%dma_wait3A_112 : memref<80xi32, #tpu.memory_space<hbm>>) dst(%arg12 : memref<80xi32, #tpu.memory_space<vmem>>)
      tpu.yield
    }) : () -> ()
    %dma_start3A = arith.constant 0 : i32
    %dma_start3A_41 = arith.constant 0 : i32
    %dma_start3A_42 = tpu.memref_slice %arg4[%dma_start3A, %dma_start3A_41] : memref<1000x128xf32, #tpu.memory_space<hbm>> -> memref<1000x128xf32, #tpu.memory_space<hbm>>
    tpu.enqueue_indirect_dma source(%dma_start3A_42 : memref<1000x128xf32, #tpu.memory_space<hbm>>) target(%arg13 : memref<80x128xf32, #tpu.memory_space<vmem>>) offsets(%arg12 : memref<80xi32, #tpu.memory_space<vmem>>) semaphore(%arg16 : memref<!tpu.dma_semaphore, #tpu.memory_space<semaphore_mem>>)
    %dma_wait3A = arith.constant 0 : i32
    %dma_wait3A_43 = arith.constant 0 : i32
    %dma_wait3A_44 = tpu.memref_slice %arg4[%dma_wait3A, %dma_wait3A_43] : memref<1000x128xf32, #tpu.memory_space<hbm>> -> memref<1000x128xf32, #tpu.memory_space<hbm>>
    tpu.wait_indirect_dma semaphore(%arg16 : memref<!tpu.dma_semaphore, #tpu.memory_space<semaphore_mem>>) src(%dma_wait3A_44 : memref<1000x128xf32, #tpu.memory_space<hbm>>) dst(%arg13 : memref<80x128xf32, #tpu.memory_space<vmem>>)
    %add3A_45 = arith.constant 0 : i32
    %add3A_46 = arith.addi %mul3A_38, %add3A_45 : i32
    "tpu.region"() ({
      %run_scoped3A = tpu.sem_alloc : memref<!tpu.dma_semaphore, #tpu.memory_space<semaphore_mem>>
      %dma_start3A_109 = arith.constant 0 : i32
      %dma_start3A_110 = tpu.memref_slice %arg5[%add3A_46, %dma_start3A_109] : memref<10240x128xf32, #tpu.memory_space<hbm>> -> memref<80x128xf32, #tpu.memory_space<hbm>>
      %dma_start3A_111 = arith.constant 0 : i32
      %dma_start3A_112 = tpu.memref_slice %arg5[%add3A_46, %dma_start3A_111] : memref<10240x128xf32, #tpu.memory_space<hbm>> -> memref<80x128xf32, #tpu.memory_space<hbm>>
      tpu.enqueue_dma source(%dma_start3A_112 : memref<80x128xf32, #tpu.memory_space<hbm>>) target(%arg14 : memref<80x128xf32, #tpu.memory_space<vmem>>) target_semaphore(%run_scoped3A : memref<!tpu.dma_semaphore, #tpu.memory_space<semaphore_mem>>)
      %dma_wait3A_113 = arith.constant 0 : i32
      %dma_wait3A_114 = tpu.memref_slice %arg5[%add3A_46, %dma_wait3A_113] : memref<10240x128xf32, #tpu.memory_space<hbm>> -> memref<80x128xf32, #tpu.memory_space<hbm>>
      %dma_wait3A_115 = arith.constant 0 : i32
      %dma_wait3A_116 = tpu.memref_slice %arg5[%add3A_46, %dma_wait3A_115] : memref<10240x128xf32, #tpu.memory_space<hbm>> -> memref<80x128xf32, #tpu.memory_space<hbm>>
      tpu.wait_dma2 semaphore(%run_scoped3A : memref<!tpu.dma_semaphore, #tpu.memory_space<semaphore_mem>>) src(%dma_wait3A_116 : memref<80x128xf32, #tpu.memory_space<hbm>>) dst(%arg14 : memref<80x128xf32, #tpu.memory_space<vmem>>)
      tpu.yield
    }) : () -> ()
    %scan3A_47 = arith.constant 0 : i32
    %scan3A_48 = arith.constant 0 : i32
    %scan3A_49 = arith.constant 80 : i32
    %scan3A_50 = arith.addi %scan3A_48, %scan3A_49 : i32
    %scan3A_51 = arith.constant 1 : i32
    scf.for %scan3A_109 = %scan3A_48 to %scan3A_50 step %scan3A_51  : i32 {
      %get3A = arith.index_cast %scan3A_109 : i32 to index
      %get3A_110 = arith.constant 0 : index
      %get3A_111 = tpu.vector_load %arg13[%get3A, %get3A_110] {strides = array<i32>} : memref<80x128xf32, #tpu.memory_space<vmem>>, vector<1x16xf32>,
      %get3A_112 = vector.shape_cast %get3A_111 : vector<1x16xf32> to vector<16xf32>
      %get3A_113 = arith.index_cast %scan3A_109 : i32 to index
      %get3A_114 = arith.constant 0 : index
      %get3A_115 = tpu.vector_load %arg14[%get3A_113, %get3A_114] {strides = array<i32>} : memref<80x128xf32, #tpu.memory_space<vmem>>, vector<1x16xf32>,
      %get3A_116 = vector.shape_cast %get3A_115 : vector<1x16xf32> to vector<16xf32>
      %add3A_117 = arith.addf %get3A_112, %get3A_116 : vector<16xf32>
      %swap3A = arith.index_cast %scan3A_109 : i32 to index
      %swap3A_118 = arith.constant 0 : index
      %swap3A_119 = tpu.vector_load %arg13[%swap3A, %swap3A_118] {strides = array<i32>} : memref<80x128xf32, #tpu.memory_space<vmem>>, vector<1x16xf32>,
      %swap3A_120 = vector.shape_cast %swap3A_119 : vector<1x16xf32> to vector<16xf32>
      %swap3A_121 = vector.shape_cast %add3A_117 : vector<16xf32> to vector<1x16xf32>
      tpu.vector_store %arg13[%swap3A, %swap3A_118], %swap3A_121 {strides = array<i32>} : memref<80x128xf32, #tpu.memory_space<vmem>>, vector<1x16xf32>,
      %get3A_122 = arith.index_cast %scan3A_109 : i32 to index
      %get3A_123 = arith.constant 16 : index
      %get3A_124 = tpu.vector_load %arg13[%get3A_122, %get3A_123] {strides = array<i32>} : memref<80x128xf32, #tpu.memory_space<vmem>>, vector<1x16xf32>,
      %get3A_125 = vector.shape_cast %get3A_124 : vector<1x16xf32> to vector<16xf32>
      %get3A_126 = arith.index_cast %scan3A_109 : i32 to index
      %get3A_127 = arith.constant 16 : index
      %get3A_128 = tpu.vector_load %arg14[%get3A_126, %get3A_127] {strides = array<i32>} : memref<80x128xf32, #tpu.memory_space<vmem>>, vector<1x16xf32>,
      %get3A_129 = vector.shape_cast %get3A_128 : vector<1x16xf32> to vector<16xf32>
      %add3A_130 = arith.addf %get3A_125, %get3A_129 : vector<16xf32>
      %swap3A_131 = arith.index_cast %scan3A_109 : i32 to index
      %swap3A_132 = arith.constant 16 : index
      %swap3A_133 = tpu.vector_load %arg13[%swap3A_131, %swap3A_132] {strides = array<i32>} : memref<80x128xf32, #tpu.memory_space<vmem>>, vector<1x16xf32>,
      %swap3A_134 = vector.shape_cast %swap3A_133 : vector<1x16xf32> to vector<16xf32>
      %swap3A_135 = vector.shape_cast %add3A_130 : vector<16xf32> to vector<1x16xf32>
      tpu.vector_store %arg13[%swap3A_131, %swap3A_132], %swap3A_135 {strides = array<i32>} : memref<80x128xf32, #tpu.memory_space<vmem>>, vector<1x16xf32>,
      %get3A_136 = arith.index_cast %scan3A_109 : i32 to index
      %get3A_137 = arith.constant 32 : index
      %get3A_138 = tpu.vector_load %arg13[%get3A_136, %get3A_137] {strides = array<i32>} : memref<80x128xf32, #tpu.memory_space<vmem>>, vector<1x16xf32>,
      %get3A_139 = vector.shape_cast %get3A_138 : vector<1x16xf32> to vector<16xf32>
      %get3A_140 = arith.index_cast %scan3A_109 : i32 to index
      %get3A_141 = arith.constant 32 : index
      %get3A_142 = tpu.vector_load %arg14[%get3A_140, %get3A_141] {strides = array<i32>} : memref<80x128xf32, #tpu.memory_space<vmem>>, vector<1x16xf32>,
      %get3A_143 = vector.shape_cast %get3A_142 : vector<1x16xf32> to vector<16xf32>
      %add3A_144 = arith.addf %get3A_139, %get3A_143 : vector<16xf32>
      %swap3A_145 = arith.index_cast %scan3A_109 : i32 to index
      %swap3A_146 = arith.constant 32 : index
      %swap3A_147 = tpu.vector_load %arg13[%swap3A_145, %swap3A_146] {strides = array<i32>} : memref<80x128xf32, #tpu.memory_space<vmem>>, vector<1x16xf32>,
      %swap3A_148 = vector.shape_cast %swap3A_147 : vector<1x16xf32> to vector<16xf32>
      %swap3A_149 = vector.shape_cast %add3A_144 : vector<16xf32> to vector<1x16xf32>
      tpu.vector_store %arg13[%swap3A_145, %swap3A_146], %swap3A_149 {strides = array<i32>} : memref<80x128xf32, #tpu.memory_space<vmem>>, vector<1x16xf32>,
      %get3A_150 = arith.index_cast %scan3A_109 : i32 to index
      %get3A_151 = arith.constant 48 : index
      %get3A_152 = tpu.vector_load %arg13[%get3A_150, %get3A_151] {strides = array<i32>} : memref<80x128xf32, #tpu.memory_space<vmem>>, vector<1x16xf32>,
      %get3A_153 = vector.shape_cast %get3A_152 : vector<1x16xf32> to vector<16xf32>
      %get3A_154 = arith.index_cast %scan3A_109 : i32 to index
      %get3A_155 = arith.constant 48 : index
      %get3A_156 = tpu.vector_load %arg14[%get3A_154, %get3A_155] {strides = array<i32>} : memref<80x128xf32, #tpu.memory_space<vmem>>, vector<1x16xf32>,
      %get3A_157 = vector.shape_cast %get3A_156 : vector<1x16xf32> to vector<16xf32>
      %add3A_158 = arith.addf %get3A_153, %get3A_157 : vector<16xf32>
      %swap3A_159 = arith.index_cast %scan3A_109 : i32 to index
      %swap3A_160 = arith.constant 48 : index
      %swap3A_161 = tpu.vector_load %arg13[%swap3A_159, %swap3A_160] {strides = array<i32>} : memref<80x128xf32, #tpu.memory_space<vmem>>, vector<1x16xf32>,
      %swap3A_162 = vector.shape_cast %swap3A_161 : vector<1x16xf32> to vector<16xf32>
      %swap3A_163 = vector.shape_cast %add3A_158 : vector<16xf32> to vector<1x16xf32>
      tpu.vector_store %arg13[%swap3A_159, %swap3A_160], %swap3A_163 {strides = array<i32>} : memref<80x128xf32, #tpu.memory_space<vmem>>, vector<1x16xf32>,
      %get3A_164 = arith.index_cast %scan3A_109 : i32 to index
      %get3A_165 = arith.constant 64 : index
      %get3A_166 = tpu.vector_load %arg13[%get3A_164, %get3A_165] {strides = array<i32>} : memref<80x128xf32, #tpu.memory_space<vmem>>, vector<1x16xf32>,
      %get3A_167 = vector.shape_cast %get3A_166 : vector<1x16xf32> to vector<16xf32>
      %get3A_168 = arith.index_cast %scan3A_109 : i32 to index
      %get3A_169 = arith.constant 64 : index
      %get3A_170 = tpu.vector_load %arg14[%get3A_168, %get3A_169] {strides = array<i32>} : memref<80x128xf32, #tpu.memory_space<vmem>>, vector<1x16xf32>,
      %get3A_171 = vector.shape_cast %get3A_170 : vector<1x16xf32> to vector<16xf32>
      %add3A_172 = arith.addf %get3A_167, %get3A_171 : vector<16xf32>
      %swap3A_173 = arith.index_cast %scan3A_109 : i32 to index
      %swap3A_174 = arith.constant 64 : index
      %swap3A_175 = tpu.vector_load %arg13[%swap3A_173, %swap3A_174] {strides = array<i32>} : memref<80x128xf32, #tpu.memory_space<vmem>>, vector<1x16xf32>,
      %swap3A_176 = vector.shape_cast %swap3A_175 : vector<1x16xf32> to vector<16xf32>
      %swap3A_177 = vector.shape_cast %add3A_172 : vector<16xf32> to vector<1x16xf32>
      tpu.vector_store %arg13[%swap3A_173, %swap3A_174], %swap3A_177 {strides = array<i32>} : memref<80x128xf32, #tpu.memory_space<vmem>>, vector<1x16xf32>,
      %get3A_178 = arith.index_cast %scan3A_109 : i32 to index
      %get3A_179 = arith.constant 80 : index
      %get3A_180 = tpu.vector_load %arg13[%get3A_178, %get3A_179] {strides = array<i32>} : memref<80x128xf32, #tpu.memory_space<vmem>>, vector<1x16xf32>,
      %get3A_181 = vector.shape_cast %get3A_180 : vector<1x16xf32> to vector<16xf32>
      %get3A_182 = arith.index_cast %scan3A_109 : i32 to index
      %get3A_183 = arith.constant 80 : index
      %get3A_184 = tpu.vector_load %arg14[%get3A_182, %get3A_183] {strides = array<i32>} : memref<80x128xf32, #tpu.memory_space<vmem>>, vector<1x16xf32>,
      %get3A_185 = vector.shape_cast %get3A_184 : vector<1x16xf32> to vector<16xf32>
      %add3A_186 = arith.addf %get3A_181, %get3A_185 : vector<16xf32>
      %swap3A_187 = arith.index_cast %scan3A_109 : i32 to index
      %swap3A_188 = arith.constant 80 : index
      %swap3A_189 = tpu.vector_load %arg13[%swap3A_187, %swap3A_188] {strides = array<i32>} : memref<80x128xf32, #tpu.memory_space<vmem>>, vector<1x16xf32>,
      %swap3A_190 = vector.shape_cast %swap3A_189 : vector<1x16xf32> to vector<16xf32>
      %swap3A_191 = vector.shape_cast %add3A_186 : vector<16xf32> to vector<1x16xf32>
      tpu.vector_store %arg13[%swap3A_187, %swap3A_188], %swap3A_191 {strides = array<i32>} : memref<80x128xf32, #tpu.memory_space<vmem>>, vector<1x16xf32>,
      %get3A_192 = arith.index_cast %scan3A_109 : i32 to index
      %get3A_193 = arith.constant 96 : index
      %get3A_194 = tpu.vector_load %arg13[%get3A_192, %get3A_193] {strides = array<i32>} : memref<80x128xf32, #tpu.memory_space<vmem>>, vector<1x16xf32>,
      %get3A_195 = vector.shape_cast %get3A_194 : vector<1x16xf32> to vector<16xf32>
      %get3A_196 = arith.index_cast %scan3A_109 : i32 to index
      %get3A_197 = arith.constant 96 : index
      %get3A_198 = tpu.vector_load %arg14[%get3A_196, %get3A_197] {strides = array<i32>} : memref<80x128xf32, #tpu.memory_space<vmem>>, vector<1x16xf32>,
      %get3A_199 = vector.shape_cast %get3A_198 : vector<1x16xf32> to vector<16xf32>
      %add3A_200 = arith.addf %get3A_195, %get3A_199 : vector<16xf32>
      %swap3A_201 = arith.index_cast %scan3A_109 : i32 to index
      %swap3A_202 = arith.constant 96 : index
      %swap3A_203 = tpu.vector_load %arg13[%swap3A_201, %swap3A_202] {strides = array<i32>} : memref<80x128xf32, #tpu.memory_space<vmem>>, vector<1x16xf32>,
      %swap3A_204 = vector.shape_cast %swap3A_203 : vector<1x16xf32> to vector<16xf32>
      %swap3A_205 = vector.shape_cast %add3A_200 : vector<16xf32> to vector<1x16xf32>
      tpu.vector_store %arg13[%swap3A_201, %swap3A_202], %swap3A_205 {strides = array<i32>} : memref<80x128xf32, #tpu.memory_space<vmem>>, vector<1x16xf32>,
      %get3A_206 = arith.index_cast %scan3A_109 : i32 to index
      %get3A_207 = arith.constant 112 : index
      %get3A_208 = tpu.vector_load %arg13[%get3A_206, %get3A_207] {strides = array<i32>} : memref<80x128xf32, #tpu.memory_space<vmem>>, vector<1x16xf32>,
      %get3A_209 = vector.shape_cast %get3A_208 : vector<1x16xf32> to vector<16xf32>
      %get3A_210 = arith.index_cast %scan3A_109 : i32 to index
      %get3A_211 = arith.constant 112 : index
      %get3A_212 = tpu.vector_load %arg14[%get3A_210, %get3A_211] {strides = array<i32>} : memref<80x128xf32, #tpu.memory_space<vmem>>, vector<1x16xf32>,
      %get3A_213 = vector.shape_cast %get3A_212 : vector<1x16xf32> to vector<16xf32>
      %add3A_214 = arith.addf %get3A_209, %get3A_213 : vector<16xf32>
      %swap3A_215 = arith.index_cast %scan3A_109 : i32 to index
      %swap3A_216 = arith.constant 112 : index
      %swap3A_217 = tpu.vector_load %arg13[%swap3A_215, %swap3A_216] {strides = array<i32>} : memref<80x128xf32, #tpu.memory_space<vmem>>, vector<1x16xf32>,
      %swap3A_218 = vector.shape_cast %swap3A_217 : vector<1x16xf32> to vector<16xf32>
      %swap3A_219 = vector.shape_cast %add3A_214 : vector<16xf32> to vector<1x16xf32>
      tpu.vector_store %arg13[%swap3A_215, %swap3A_216], %swap3A_219 {strides = array<i32>} : memref<80x128xf32, #tpu.memory_space<vmem>>, vector<1x16xf32>,
    }
    %scan3A_52 = arith.constant 80 : i32
    %add3A_53 = arith.constant 0 : i32
    %add3A_54 = arith.addi %mul3A_38, %add3A_53 : i32
    "tpu.region"() ({
      %run_scoped3A = tpu.sem_alloc : memref<!tpu.dma_semaphore, #tpu.memory_space<semaphore_mem>>
      %dma_start3A_109 = arith.constant 0 : i32
      %dma_start3A_110 = tpu.memref_slice %arg7[%add3A_54, %dma_start3A_109] : memref<10240x128xf32, #tpu.memory_space<hbm>> -> memref<80x128xf32, #tpu.memory_space<hbm>>
      %dma_start3A_111 = arith.constant 0 : i32
      %dma_start3A_112 = tpu.memref_slice %arg7[%add3A_54, %dma_start3A_111] : memref<10240x128xf32, #tpu.memory_space<hbm>> -> memref<80x128xf32, #tpu.memory_space<hbm>>
      tpu.enqueue_dma source(%arg13 : memref<80x128xf32, #tpu.memory_space<vmem>>) target(%dma_start3A_112 : memref<80x128xf32, #tpu.memory_space<hbm>>) target_semaphore(%run_scoped3A : memref<!tpu.dma_semaphore, #tpu.memory_space<semaphore_mem>>)
      %dma_wait3A_113 = arith.constant 0 : i32
      %dma_wait3A_114 = tpu.memref_slice %arg7[%add3A_54, %dma_wait3A_113] : memref<10240x128xf32, #tpu.memory_space<hbm>> -> memref<80x128xf32, #tpu.memory_space<hbm>>
      %dma_wait3A_115 = arith.constant 0 : i32
      %dma_wait3A_116 = tpu.memref_slice %arg7[%add3A_54, %dma_wait3A_115] : memref<10240x128xf32, #tpu.memory_space<hbm>> -> memref<80x128xf32, #tpu.memory_space<hbm>>
      tpu.wait_dma2 semaphore(%run_scoped3A : memref<!tpu.dma_semaphore, #tpu.memory_space<semaphore_mem>>) src(%arg13 : memref<80x128xf32, #tpu.memory_space<vmem>>) dst(%dma_wait3A_116 : memref<80x128xf32, #tpu.memory_space<hbm>>)
      tpu.yield
    }) : () -> ()
    %add3A_55 = arith.constant 80 : i32
    %add3A_56 = arith.addi %mul3A_38, %add3A_55 : i32
    "tpu.region"() ({
      %run_scoped3A = tpu.sem_alloc : memref<!tpu.dma_semaphore, #tpu.memory_space<semaphore_mem>>
      %dma_start3A_109 = tpu.memref_slice %arg3[%add3A_56] : memref<10240xi32, #tpu.memory_space<hbm>> -> memref<80xi32, #tpu.memory_space<hbm>>
      %dma_start3A_110 = tpu.memref_slice %arg3[%add3A_56] : memref<10240xi32, #tpu.memory_space<hbm>> -> memref<80xi32, #tpu.memory_space<hbm>>
      tpu.enqueue_dma source(%dma_start3A_110 : memref<80xi32, #tpu.memory_space<hbm>>) target(%arg12 : memref<80xi32, #tpu.memory_space<vmem>>) target_semaphore(%run_scoped3A : memref<!tpu.dma_semaphore, #tpu.memory_space<semaphore_mem>>)
      %dma_wait3A_111 = tpu.memref_slice %arg3[%add3A_56] : memref<10240xi32, #tpu.memory_space<hbm>> -> memref<80xi32, #tpu.memory_space<hbm>>
      %dma_wait3A_112 = tpu.memref_slice %arg3[%add3A_56] : memref<10240xi32, #tpu.memory_space<hbm>> -> memref<80xi32, #tpu.memory_space<hbm>>
      tpu.wait_dma2 semaphore(%run_scoped3A : memref<!tpu.dma_semaphore, #tpu.memory_space<semaphore_mem>>) src(%dma_wait3A_112 : memref<80xi32, #tpu.memory_space<hbm>>) dst(%arg12 : memref<80xi32, #tpu.memory_space<vmem>>)
      tpu.yield
    }) : () -> ()
    %dma_start3A_57 = arith.constant 0 : i32
    %dma_start3A_58 = arith.constant 0 : i32
    %dma_start3A_59 = tpu.memref_slice %arg4[%dma_start3A_57, %dma_start3A_58] : memref<1000x128xf32, #tpu.memory_space<hbm>> -> memref<1000x128xf32, #tpu.memory_space<hbm>>
    tpu.enqueue_indirect_dma source(%dma_start3A_59 : memref<1000x128xf32, #tpu.memory_space<hbm>>) target(%arg13 : memref<80x128xf32, #tpu.memory_space<vmem>>) offsets(%arg12 : memref<80xi32, #tpu.memory_space<vmem>>) semaphore(%arg16 : memref<!tpu.dma_semaphore, #tpu.memory_space<semaphore_mem>>)
    %dma_wait3A_60 = arith.constant 0 : i32
    %dma_wait3A_61 = arith.constant 0 : i32
    %dma_wait3A_62 = tpu.memref_slice %arg4[%dma_wait3A_60, %dma_wait3A_61] : memref<1000x128xf32, #tpu.memory_space<hbm>> -> memref<1000x128xf32, #tpu.memory_space<hbm>>
    tpu.wait_indirect_dma semaphore(%arg16 : memref<!tpu.dma_semaphore, #tpu.memory_space<semaphore_mem>>) src(%dma_wait3A_62 : memref<1000x128xf32, #tpu.memory_space<hbm>>) dst(%arg13 : memref<80x128xf32, #tpu.memory_space<vmem>>)
    %add3A_63 = arith.constant 80 : i32
    %add3A_64 = arith.addi %mul3A_38, %add3A_63 : i32
    "tpu.region"() ({
      %run_scoped3A = tpu.sem_alloc : memref<!tpu.dma_semaphore, #tpu.memory_space<semaphore_mem>>
      %dma_start3A_109 = arith.constant 0 : i32
      %dma_start3A_110 = tpu.memref_slice %arg5[%add3A_64, %dma_start3A_109] : memref<10240x128xf32, #tpu.memory_space<hbm>> -> memref<80x128xf32, #tpu.memory_space<hbm>>
      %dma_start3A_111 = arith.constant 0 : i32
      %dma_start3A_112 = tpu.memref_slice %arg5[%add3A_64, %dma_start3A_111] : memref<10240x128xf32, #tpu.memory_space<hbm>> -> memref<80x128xf32, #tpu.memory_space<hbm>>
      tpu.enqueue_dma source(%dma_start3A_112 : memref<80x128xf32, #tpu.memory_space<hbm>>) target(%arg14 : memref<80x128xf32, #tpu.memory_space<vmem>>) target_semaphore(%run_scoped3A : memref<!tpu.dma_semaphore, #tpu.memory_space<semaphore_mem>>)
      %dma_wait3A_113 = arith.constant 0 : i32
      %dma_wait3A_114 = tpu.memref_slice %arg5[%add3A_64, %dma_wait3A_113] : memref<10240x128xf32, #tpu.memory_space<hbm>> -> memref<80x128xf32, #tpu.memory_space<hbm>>
      %dma_wait3A_115 = arith.constant 0 : i32
      %dma_wait3A_116 = tpu.memref_slice %arg5[%add3A_64, %dma_wait3A_115] : memref<10240x128xf32, #tpu.memory_space<hbm>> -> memref<80x128xf32, #tpu.memory_space<hbm>>
      tpu.wait_dma2 semaphore(%run_scoped3A : memref<!tpu.dma_semaphore, #tpu.memory_space<semaphore_mem>>) src(%dma_wait3A_116 : memref<80x128xf32, #tpu.memory_space<hbm>>) dst(%arg14 : memref<80x128xf32, #tpu.memory_space<vmem>>)
      tpu.yield
    }) : () -> ()
    %scan3A_65 = arith.constant 0 : i32
    %scan3A_66 = arith.constant 0 : i32
    %scan3A_67 = arith.constant 80 : i32
    %scan3A_68 = arith.addi %scan3A_66, %scan3A_67 : i32
    %scan3A_69 = arith.constant 1 : i32
    scf.for %scan3A_109 = %scan3A_66 to %scan3A_68 step %scan3A_69  : i32 {
      %get3A = arith.index_cast %scan3A_109 : i32 to index
      %get3A_110 = arith.constant 0 : index
      %get3A_111 = tpu.vector_load %arg13[%get3A, %get3A_110] {strides = array<i32>} : memref<80x128xf32, #tpu.memory_space<vmem>>, vector<1x16xf32>,
      %get3A_112 = vector.shape_cast %get3A_111 : vector<1x16xf32> to vector<16xf32>
      %get3A_113 = arith.index_cast %scan3A_109 : i32 to index
      %get3A_114 = arith.constant 0 : index
      %get3A_115 = tpu.vector_load %arg14[%get3A_113, %get3A_114] {strides = array<i32>} : memref<80x128xf32, #tpu.memory_space<vmem>>, vector<1x16xf32>,
      %get3A_116 = vector.shape_cast %get3A_115 : vector<1x16xf32> to vector<16xf32>
      %add3A_117 = arith.addf %get3A_112, %get3A_116 : vector<16xf32>
      %swap3A = arith.index_cast %scan3A_109 : i32 to index
      %swap3A_118 = arith.constant 0 : index
      %swap3A_119 = tpu.vector_load %arg13[%swap3A, %swap3A_118] {strides = array<i32>} : memref<80x128xf32, #tpu.memory_space<vmem>>, vector<1x16xf32>,
      %swap3A_120 = vector.shape_cast %swap3A_119 : vector<1x16xf32> to vector<16xf32>
      %swap3A_121 = vector.shape_cast %add3A_117 : vector<16xf32> to vector<1x16xf32>
      tpu.vector_store %arg13[%swap3A, %swap3A_118], %swap3A_121 {strides = array<i32>} : memref<80x128xf32, #tpu.memory_space<vmem>>, vector<1x16xf32>,
      %get3A_122 = arith.index_cast %scan3A_109 : i32 to index
      %get3A_123 = arith.constant 16 : index
      %get3A_124 = tpu.vector_load %arg13[%get3A_122, %get3A_123] {strides = array<i32>} : memref<80x128xf32, #tpu.memory_space<vmem>>, vector<1x16xf32>,
      %get3A_125 = vector.shape_cast %get3A_124 : vector<1x16xf32> to vector<16xf32>
      %get3A_126 = arith.index_cast %scan3A_109 : i32 to index
      %get3A_127 = arith.constant 16 : index
      %get3A_128 = tpu.vector_load %arg14[%get3A_126, %get3A_127] {strides = array<i32>} : memref<80x128xf32, #tpu.memory_space<vmem>>, vector<1x16xf32>,
      %get3A_129 = vector.shape_cast %get3A_128 : vector<1x16xf32> to vector<16xf32>
      %add3A_130 = arith.addf %get3A_125, %get3A_129 : vector<16xf32>
      %swap3A_131 = arith.index_cast %scan3A_109 : i32 to index
      %swap3A_132 = arith.constant 16 : index
      %swap3A_133 = tpu.vector_load %arg13[%swap3A_131, %swap3A_132] {strides = array<i32>} : memref<80x128xf32, #tpu.memory_space<vmem>>, vector<1x16xf32>,
      %swap3A_134 = vector.shape_cast %swap3A_133 : vector<1x16xf32> to vector<16xf32>
      %swap3A_135 = vector.shape_cast %add3A_130 : vector<16xf32> to vector<1x16xf32>
      tpu.vector_store %arg13[%swap3A_131, %swap3A_132], %swap3A_135 {strides = array<i32>} : memref<80x128xf32, #tpu.memory_space<vmem>>, vector<1x16xf32>,
      %get3A_136 = arith.index_cast %scan3A_109 : i32 to index
      %get3A_137 = arith.constant 32 : index
      %get3A_138 = tpu.vector_load %arg13[%get3A_136, %get3A_137] {strides = array<i32>} : memref<80x128xf32, #tpu.memory_space<vmem>>, vector<1x16xf32>,
      %get3A_139 = vector.shape_cast %get3A_138 : vector<1x16xf32> to vector<16xf32>
      %get3A_140 = arith.index_cast %scan3A_109 : i32 to index
      %get3A_141 = arith.constant 32 : index
      %get3A_142 = tpu.vector_load %arg14[%get3A_140, %get3A_141] {strides = array<i32>} : memref<80x128xf32, #tpu.memory_space<vmem>>, vector<1x16xf32>,
      %get3A_143 = vector.shape_cast %get3A_142 : vector<1x16xf32> to vector<16xf32>
      %add3A_144 = arith.addf %get3A_139, %get3A_143 : vector<16xf32>
      %swap3A_145 = arith.index_cast %scan3A_109 : i32 to index
      %swap3A_146 = arith.constant 32 : index
      %swap3A_147 = tpu.vector_load %arg13[%swap3A_145, %swap3A_146] {strides = array<i32>} : memref<80x128xf32, #tpu.memory_space<vmem>>, vector<1x16xf32>,
      %swap3A_148 = vector.shape_cast %swap3A_147 : vector<1x16xf32> to vector<16xf32>
      %swap3A_149 = vector.shape_cast %add3A_144 : vector<16xf32> to vector<1x16xf32>
      tpu.vector_store %arg13[%swap3A_145, %swap3A_146], %swap3A_149 {strides = array<i32>} : memref<80x128xf32, #tpu.memory_space<vmem>>, vector<1x16xf32>,
      %get3A_150 = arith.index_cast %scan3A_109 : i32 to index
      %get3A_151 = arith.constant 48 : index
      %get3A_152 = tpu.vector_load %arg13[%get3A_150, %get3A_151] {strides = array<i32>} : memref<80x128xf32, #tpu.memory_space<vmem>>, vector<1x16xf32>,
      %get3A_153 = vector.shape_cast %get3A_152 : vector<1x16xf32> to vector<16xf32>
      %get3A_154 = arith.index_cast %scan3A_109 : i32 to index
      %get3A_155 = arith.constant 48 : index
      %get3A_156 = tpu.vector_load %arg14[%get3A_154, %get3A_155] {strides = array<i32>} : memref<80x128xf32, #tpu.memory_space<vmem>>, vector<1x16xf32>,
      %get3A_157 = vector.shape_cast %get3A_156 : vector<1x16xf32> to vector<16xf32>
      %add3A_158 = arith.addf %get3A_153, %get3A_157 : vector<16xf32>
      %swap3A_159 = arith.index_cast %scan3A_109 : i32 to index
      %swap3A_160 = arith.constant 48 : index
      %swap3A_161 = tpu.vector_load %arg13[%swap3A_159, %swap3A_160] {strides = array<i32>} : memref<80x128xf32, #tpu.memory_space<vmem>>, vector<1x16xf32>,
      %swap3A_162 = vector.shape_cast %swap3A_161 : vector<1x16xf32> to vector<16xf32>
      %swap3A_163 = vector.shape_cast %add3A_158 : vector<16xf32> to vector<1x16xf32>
      tpu.vector_store %arg13[%swap3A_159, %swap3A_160], %swap3A_163 {strides = array<i32>} : memref<80x128xf32, #tpu.memory_space<vmem>>, vector<1x16xf32>,
      %get3A_164 = arith.index_cast %scan3A_109 : i32 to index
      %get3A_165 = arith.constant 64 : index
      %get3A_166 = tpu.vector_load %arg13[%get3A_164, %get3A_165] {strides = array<i32>} : memref<80x128xf32, #tpu.memory_space<vmem>>, vector<1x16xf32>,
      %get3A_167 = vector.shape_cast %get3A_166 : vector<1x16xf32> to vector<16xf32>
      %get3A_168 = arith.index_cast %scan3A_109 : i32 to index
      %get3A_169 = arith.constant 64 : index
      %get3A_170 = tpu.vector_load %arg14[%get3A_168, %get3A_169] {strides = array<i32>} : memref<80x128xf32, #tpu.memory_space<vmem>>, vector<1x16xf32>,
      %get3A_171 = vector.shape_cast %get3A_170 : vector<1x16xf32> to vector<16xf32>
      %add3A_172 = arith.addf %get3A_167, %get3A_171 : vector<16xf32>
      %swap3A_173 = arith.index_cast %scan3A_109 : i32 to index
      %swap3A_174 = arith.constant 64 : index
      %swap3A_175 = tpu.vector_load %arg13[%swap3A_173, %swap3A_174] {strides = array<i32>} : memref<80x128xf32, #tpu.memory_space<vmem>>, vector<1x16xf32>,
      %swap3A_176 = vector.shape_cast %swap3A_175 : vector<1x16xf32> to vector<16xf32>
      %swap3A_177 = vector.shape_cast %add3A_172 : vector<16xf32> to vector<1x16xf32>
      tpu.vector_store %arg13[%swap3A_173, %swap3A_174], %swap3A_177 {strides = array<i32>} : memref<80x128xf32, #tpu.memory_space<vmem>>, vector<1x16xf32>,
      %get3A_178 = arith.index_cast %scan3A_109 : i32 to index
      %get3A_179 = arith.constant 80 : index
      %get3A_180 = tpu.vector_load %arg13[%get3A_178, %get3A_179] {strides = array<i32>} : memref<80x128xf32, #tpu.memory_space<vmem>>, vector<1x16xf32>,
      %get3A_181 = vector.shape_cast %get3A_180 : vector<1x16xf32> to vector<16xf32>
      %get3A_182 = arith.index_cast %scan3A_109 : i32 to index
      %get3A_183 = arith.constant 80 : index
      %get3A_184 = tpu.vector_load %arg14[%get3A_182, %get3A_183] {strides = array<i32>} : memref<80x128xf32, #tpu.memory_space<vmem>>, vector<1x16xf32>,
      %get3A_185 = vector.shape_cast %get3A_184 : vector<1x16xf32> to vector<16xf32>
      %add3A_186 = arith.addf %get3A_181, %get3A_185 : vector<16xf32>
      %swap3A_187 = arith.index_cast %scan3A_109 : i32 to index
      %swap3A_188 = arith.constant 80 : index
      %swap3A_189 = tpu.vector_load %arg13[%swap3A_187, %swap3A_188] {strides = array<i32>} : memref<80x128xf32, #tpu.memory_space<vmem>>, vector<1x16xf32>,
      %swap3A_190 = vector.shape_cast %swap3A_189 : vector<1x16xf32> to vector<16xf32>
      %swap3A_191 = vector.shape_cast %add3A_186 : vector<16xf32> to vector<1x16xf32>
      tpu.vector_store %arg13[%swap3A_187, %swap3A_188], %swap3A_191 {strides = array<i32>} : memref<80x128xf32, #tpu.memory_space<vmem>>, vector<1x16xf32>,
      %get3A_192 = arith.index_cast %scan3A_109 : i32 to index
      %get3A_193 = arith.constant 96 : index
      %get3A_194 = tpu.vector_load %arg13[%get3A_192, %get3A_193] {strides = array<i32>} : memref<80x128xf32, #tpu.memory_space<vmem>>, vector<1x16xf32>,
      %get3A_195 = vector.shape_cast %get3A_194 : vector<1x16xf32> to vector<16xf32>
      %get3A_196 = arith.index_cast %scan3A_109 : i32 to index
      %get3A_197 = arith.constant 96 : index
      %get3A_198 = tpu.vector_load %arg14[%get3A_196, %get3A_197] {strides = array<i32>} : memref<80x128xf32, #tpu.memory_space<vmem>>, vector<1x16xf32>,
      %get3A_199 = vector.shape_cast %get3A_198 : vector<1x16xf32> to vector<16xf32>
      %add3A_200 = arith.addf %get3A_195, %get3A_199 : vector<16xf32>
      %swap3A_201 = arith.index_cast %scan3A_109 : i32 to index
      %swap3A_202 = arith.constant 96 : index
      %swap3A_203 = tpu.vector_load %arg13[%swap3A_201, %swap3A_202] {strides = array<i32>} : memref<80x128xf32, #tpu.memory_space<vmem>>, vector<1x16xf32>,
      %swap3A_204 = vector.shape_cast %swap3A_203 : vector<1x16xf32> to vector<16xf32>
      %swap3A_205 = vector.shape_cast %add3A_200 : vector<16xf32> to vector<1x16xf32>
      tpu.vector_store %arg13[%swap3A_201, %swap3A_202], %swap3A_205 {strides = array<i32>} : memref<80x128xf32, #tpu.memory_space<vmem>>, vector<1x16xf32>,
      %get3A_206 = arith.index_cast %scan3A_109 : i32 to index
      %get3A_207 = arith.constant 112 : index
      %get3A_208 = tpu.vector_load %arg13[%get3A_206, %get3A_207] {strides = array<i32>} : memref<80x128xf32, #tpu.memory_space<vmem>>, vector<1x16xf32>,
      %get3A_209 = vector.shape_cast %get3A_208 : vector<1x16xf32> to vector<16xf32>
      %get3A_210 = arith.index_cast %scan3A_109 : i32 to index
      %get3A_211 = arith.constant 112 : index
      %get3A_212 = tpu.vector_load %arg14[%get3A_210, %get3A_211] {strides = array<i32>} : memref<80x128xf32, #tpu.memory_space<vmem>>, vector<1x16xf32>,
      %get3A_213 = vector.shape_cast %get3A_212 : vector<1x16xf32> to vector<16xf32>
      %add3A_214 = arith.addf %get3A_209, %get3A_213 : vector<16xf32>
      %swap3A_215 = arith.index_cast %scan3A_109 : i32 to index
      %swap3A_216 = arith.constant 112 : index
      %swap3A_217 = tpu.vector_load %arg13[%swap3A_215, %swap3A_216] {strides = array<i32>} : memref<80x128xf32, #tpu.memory_space<vmem>>, vector<1x16xf32>,
      %swap3A_218 = vector.shape_cast %swap3A_217 : vector<1x16xf32> to vector<16xf32>
      %swap3A_219 = vector.shape_cast %add3A_214 : vector<16xf32> to vector<1x16xf32>
      tpu.vector_store %arg13[%swap3A_215, %swap3A_216], %swap3A_219 {strides = array<i32>} : memref<80x128xf32, #tpu.memory_space<vmem>>, vector<1x16xf32>,
    }
    %scan3A_70 = arith.constant 80 : i32
    %add3A_71 = arith.constant 80 : i32
    %add3A_72 = arith.addi %mul3A_38, %add3A_71 : i32
    "tpu.region"() ({
      %run_scoped3A = tpu.sem_alloc : memref<!tpu.dma_semaphore, #tpu.memory_space<semaphore_mem>>
      %dma_start3A_109 = arith.constant 0 : i32
      %dma_start3A_110 = tpu.memref_slice %arg7[%add3A_72, %dma_start3A_109] : memref<10240x128xf32, #tpu.memory_space<hbm>> -> memref<80x128xf32, #tpu.memory_space<hbm>>
      %dma_start3A_111 = arith.constant 0 : i32
      %dma_start3A_112 = tpu.memref_slice %arg7[%add3A_72, %dma_start3A_111] : memref<10240x128xf32, #tpu.memory_space<hbm>> -> memref<80x128xf32, #tpu.memory_space<hbm>>
      tpu.enqueue_dma source(%arg13 : memref<80x128xf32, #tpu.memory_space<vmem>>) target(%dma_start3A_112 : memref<80x128xf32, #tpu.memory_space<hbm>>) target_semaphore(%run_scoped3A : memref<!tpu.dma_semaphore, #tpu.memory_space<semaphore_mem>>)
      %dma_wait3A_113 = arith.constant 0 : i32
      %dma_wait3A_114 = tpu.memref_slice %arg7[%add3A_72, %dma_wait3A_113] : memref<10240x128xf32, #tpu.memory_space<hbm>> -> memref<80x128xf32, #tpu.memory_space<hbm>>
      %dma_wait3A_115 = arith.constant 0 : i32
      %dma_wait3A_116 = tpu.memref_slice %arg7[%add3A_72, %dma_wait3A_115] : memref<10240x128xf32, #tpu.memory_space<hbm>> -> memref<80x128xf32, #tpu.memory_space<hbm>>
      tpu.wait_dma2 semaphore(%run_scoped3A : memref<!tpu.dma_semaphore, #tpu.memory_space<semaphore_mem>>) src(%arg13 : memref<80x128xf32, #tpu.memory_space<vmem>>) dst(%dma_wait3A_116 : memref<80x128xf32, #tpu.memory_space<hbm>>)
      tpu.yield
    }) : () -> ()
    %add3A_73 = arith.constant 160 : i32
    %add3A_74 = arith.addi %mul3A_38, %add3A_73 : i32
    "tpu.region"() ({
      %run_scoped3A = tpu.sem_alloc : memref<!tpu.dma_semaphore, #tpu.memory_space<semaphore_mem>>
      %dma_start3A_109 = tpu.memref_slice %arg3[%add3A_74] : memref<10240xi32, #tpu.memory_space<hbm>> -> memref<80xi32, #tpu.memory_space<hbm>>
      %dma_start3A_110 = tpu.memref_slice %arg3[%add3A_74] : memref<10240xi32, #tpu.memory_space<hbm>> -> memref<80xi32, #tpu.memory_space<hbm>>
      tpu.enqueue_dma source(%dma_start3A_110 : memref<80xi32, #tpu.memory_space<hbm>>) target(%arg12 : memref<80xi32, #tpu.memory_space<vmem>>) target_semaphore(%run_scoped3A : memref<!tpu.dma_semaphore, #tpu.memory_space<semaphore_mem>>)
      %dma_wait3A_111 = tpu.memref_slice %arg3[%add3A_74] : memref<10240xi32, #tpu.memory_space<hbm>> -> memref<80xi32, #tpu.memory_space<hbm>>
      %dma_wait3A_112 = tpu.memref_slice %arg3[%add3A_74] : memref<10240xi32, #tpu.memory_space<hbm>> -> memref<80xi32, #tpu.memory_space<hbm>>
      tpu.wait_dma2 semaphore(%run_scoped3A : memref<!tpu.dma_semaphore, #tpu.memory_space<semaphore_mem>>) src(%dma_wait3A_112 : memref<80xi32, #tpu.memory_space<hbm>>) dst(%arg12 : memref<80xi32, #tpu.memory_space<vmem>>)
      tpu.yield
    }) : () -> ()
    %dma_start3A_75 = arith.constant 0 : i32
    %dma_start3A_76 = arith.constant 0 : i32
    %dma_start3A_77 = tpu.memref_slice %arg4[%dma_start3A_75, %dma_start3A_76] : memref<1000x128xf32, #tpu.memory_space<hbm>> -> memref<1000x128xf32, #tpu.memory_space<hbm>>
    tpu.enqueue_indirect_dma source(%dma_start3A_77 : memref<1000x128xf32, #tpu.memory_space<hbm>>) target(%arg13 : memref<80x128xf32, #tpu.memory_space<vmem>>) offsets(%arg12 : memref<80xi32, #tpu.memory_space<vmem>>) semaphore(%arg16 : memref<!tpu.dma_semaphore, #tpu.memory_space<semaphore_mem>>)
    %dma_wait3A_78 = arith.constant 0 : i32
    %dma_wait3A_79 = arith.constant 0 : i32
    %dma_wait3A_80 = tpu.memref_slice %arg4[%dma_wait3A_78, %dma_wait3A_79] : memref<1000x128xf32, #tpu.memory_space<hbm>> -> memref<1000x128xf32, #tpu.memory_space<hbm>>
    tpu.wait_indirect_dma semaphore(%arg16 : memref<!tpu.dma_semaphore, #tpu.memory_space<semaphore_mem>>) src(%dma_wait3A_80 : memref<1000x128xf32, #tpu.memory_space<hbm>>) dst(%arg13 : memref<80x128xf32, #tpu.memory_space<vmem>>)
    %add3A_81 = arith.constant 160 : i32
    %add3A_82 = arith.addi %mul3A_38, %add3A_81 : i32
    "tpu.region"() ({
      %run_scoped3A = tpu.sem_alloc : memref<!tpu.dma_semaphore, #tpu.memory_space<semaphore_mem>>
      %dma_start3A_109 = arith.constant 0 : i32
      %dma_start3A_110 = tpu.memref_slice %arg5[%add3A_82, %dma_start3A_109] : memref<10240x128xf32, #tpu.memory_space<hbm>> -> memref<80x128xf32, #tpu.memory_space<hbm>>
      %dma_start3A_111 = arith.constant 0 : i32
      %dma_start3A_112 = tpu.memref_slice %arg5[%add3A_82, %dma_start3A_111] : memref<10240x128xf32, #tpu.memory_space<hbm>> -> memref<80x128xf32, #tpu.memory_space<hbm>>
      tpu.enqueue_dma source(%dma_start3A_112 : memref<80x128xf32, #tpu.memory_space<hbm>>) target(%arg14 : memref<80x128xf32, #tpu.memory_space<vmem>>) target_semaphore(%run_scoped3A : memref<!tpu.dma_semaphore, #tpu.memory_space<semaphore_mem>>)
      %dma_wait3A_113 = arith.constant 0 : i32
      %dma_wait3A_114 = tpu.memref_slice %arg5[%add3A_82, %dma_wait3A_113] : memref<10240x128xf32, #tpu.memory_space<hbm>> -> memref<80x128xf32, #tpu.memory_space<hbm>>
      %dma_wait3A_115 = arith.constant 0 : i32
      %dma_wait3A_116 = tpu.memref_slice %arg5[%add3A_82, %dma_wait3A_115] : memref<10240x128xf32, #tpu.memory_space<hbm>> -> memref<80x128xf32, #tpu.memory_space<hbm>>
      tpu.wait_dma2 semaphore(%run_scoped3A : memref<!tpu.dma_semaphore, #tpu.memory_space<semaphore_mem>>) src(%dma_wait3A_116 : memref<80x128xf32, #tpu.memory_space<hbm>>) dst(%arg14 : memref<80x128xf32, #tpu.memory_space<vmem>>)
      tpu.yield
    }) : () -> ()
    %scan3A_83 = arith.constant 0 : i32
    %scan3A_84 = arith.constant 0 : i32
    %scan3A_85 = arith.constant 80 : i32
    %scan3A_86 = arith.addi %scan3A_84, %scan3A_85 : i32
    %scan3A_87 = arith.constant 1 : i32
    scf.for %scan3A_109 = %scan3A_84 to %scan3A_86 step %scan3A_87  : i32 {
      %get3A = arith.index_cast %scan3A_109 : i32 to index
      %get3A_110 = arith.constant 0 : index
      %get3A_111 = tpu.vector_load %arg13[%get3A, %get3A_110] {strides = array<i32>} : memref<80x128xf32, #tpu.memory_space<vmem>>, vector<1x16xf32>,
      %get3A_112 = vector.shape_cast %get3A_111 : vector<1x16xf32> to vector<16xf32>
      %get3A_113 = arith.index_cast %scan3A_109 : i32 to index
      %get3A_114 = arith.constant 0 : index
      %get3A_115 = tpu.vector_load %arg14[%get3A_113, %get3A_114] {strides = array<i32>} : memref<80x128xf32, #tpu.memory_space<vmem>>, vector<1x16xf32>,
      %get3A_116 = vector.shape_cast %get3A_115 : vector<1x16xf32> to vector<16xf32>
      %add3A_117 = arith.addf %get3A_112, %get3A_116 : vector<16xf32>
      %swap3A = arith.index_cast %scan3A_109 : i32 to index
      %swap3A_118 = arith.constant 0 : index
      %swap3A_119 = tpu.vector_load %arg13[%swap3A, %swap3A_118] {strides = array<i32>} : memref<80x128xf32, #tpu.memory_space<vmem>>, vector<1x16xf32>,
      %swap3A_120 = vector.shape_cast %swap3A_119 : vector<1x16xf32> to vector<16xf32>
      %swap3A_121 = vector.shape_cast %add3A_117 : vector<16xf32> to vector<1x16xf32>
      tpu.vector_store %arg13[%swap3A, %swap3A_118], %swap3A_121 {strides = array<i32>} : memref<80x128xf32, #tpu.memory_space<vmem>>, vector<1x16xf32>,
      %get3A_122 = arith.index_cast %scan3A_109 : i32 to index
      %get3A_123 = arith.constant 16 : index
      %get3A_124 = tpu.vector_load %arg13[%get3A_122, %get3A_123] {strides = array<i32>} : memref<80x128xf32, #tpu.memory_space<vmem>>, vector<1x16xf32>,
      %get3A_125 = vector.shape_cast %get3A_124 : vector<1x16xf32> to vector<16xf32>
      %get3A_126 = arith.index_cast %scan3A_109 : i32 to index
      %get3A_127 = arith.constant 16 : index
      %get3A_128 = tpu.vector_load %arg14[%get3A_126, %get3A_127] {strides = array<i32>} : memref<80x128xf32, #tpu.memory_space<vmem>>, vector<1x16xf32>,
      %get3A_129 = vector.shape_cast %get3A_128 : vector<1x16xf32> to vector<16xf32>
      %add3A_130 = arith.addf %get3A_125, %get3A_129 : vector<16xf32>
      %swap3A_131 = arith.index_cast %scan3A_109 : i32 to index
      %swap3A_132 = arith.constant 16 : index
      %swap3A_133 = tpu.vector_load %arg13[%swap3A_131, %swap3A_132] {strides = array<i32>} : memref<80x128xf32, #tpu.memory_space<vmem>>, vector<1x16xf32>,
      %swap3A_134 = vector.shape_cast %swap3A_133 : vector<1x16xf32> to vector<16xf32>
      %swap3A_135 = vector.shape_cast %add3A_130 : vector<16xf32> to vector<1x16xf32>
      tpu.vector_store %arg13[%swap3A_131, %swap3A_132], %swap3A_135 {strides = array<i32>} : memref<80x128xf32, #tpu.memory_space<vmem>>, vector<1x16xf32>,
      %get3A_136 = arith.index_cast %scan3A_109 : i32 to index
      %get3A_137 = arith.constant 32 : index
      %get3A_138 = tpu.vector_load %arg13[%get3A_136, %get3A_137] {strides = array<i32>} : memref<80x128xf32, #tpu.memory_space<vmem>>, vector<1x16xf32>,
      %get3A_139 = vector.shape_cast %get3A_138 : vector<1x16xf32> to vector<16xf32>
      %get3A_140 = arith.index_cast %scan3A_109 : i32 to index
      %get3A_141 = arith.constant 32 : index
      %get3A_142 = tpu.vector_load %arg14[%get3A_140, %get3A_141] {strides = array<i32>} : memref<80x128xf32, #tpu.memory_space<vmem>>, vector<1x16xf32>,
      %get3A_143 = vector.shape_cast %get3A_142 : vector<1x16xf32> to vector<16xf32>
      %add3A_144 = arith.addf %get3A_139, %get3A_143 : vector<16xf32>
      %swap3A_145 = arith.index_cast %scan3A_109 : i32 to index
      %swap3A_146 = arith.constant 32 : index
      %swap3A_147 = tpu.vector_load %arg13[%swap3A_145, %swap3A_146] {strides = array<i32>} : memref<80x128xf32, #tpu.memory_space<vmem>>, vector<1x16xf32>,
      %swap3A_148 = vector.shape_cast %swap3A_147 : vector<1x16xf32> to vector<16xf32>
      %swap3A_149 = vector.shape_cast %add3A_144 : vector<16xf32> to vector<1x16xf32>
      tpu.vector_store %arg13[%swap3A_145, %swap3A_146], %swap3A_149 {strides = array<i32>} : memref<80x128xf32, #tpu.memory_space<vmem>>, vector<1x16xf32>,
      %get3A_150 = arith.index_cast %scan3A_109 : i32 to index
      %get3A_151 = arith.constant 48 : index
      %get3A_152 = tpu.vector_load %arg13[%get3A_150, %get3A_151] {strides = array<i32>} : memref<80x128xf32, #tpu.memory_space<vmem>>, vector<1x16xf32>,
      %get3A_153 = vector.shape_cast %get3A_152 : vector<1x16xf32> to vector<16xf32>
      %get3A_154 = arith.index_cast %scan3A_109 : i32 to index
      %get3A_155 = arith.constant 48 : index
      %get3A_156 = tpu.vector_load %arg14[%get3A_154, %get3A_155] {strides = array<i32>} : memref<80x128xf32, #tpu.memory_space<vmem>>, vector<1x16xf32>,
      %get3A_157 = vector.shape_cast %get3A_156 : vector<1x16xf32> to vector<16xf32>
      %add3A_158 = arith.addf %get3A_153, %get3A_157 : vector<16xf32>
      %swap3A_159 = arith.index_cast %scan3A_109 : i32 to index
      %swap3A_160 = arith.constant 48 : index
      %swap3A_161 = tpu.vector_load %arg13[%swap3A_159, %swap3A_160] {strides = array<i32>} : memref<80x128xf32, #tpu.memory_space<vmem>>, vector<1x16xf32>,
      %swap3A_162 = vector.shape_cast %swap3A_161 : vector<1x16xf32> to vector<16xf32>
      %swap3A_163 = vector.shape_cast %add3A_158 : vector<16xf32> to vector<1x16xf32>
      tpu.vector_store %arg13[%swap3A_159, %swap3A_160], %swap3A_163 {strides = array<i32>} : memref<80x128xf32, #tpu.memory_space<vmem>>, vector<1x16xf32>,
      %get3A_164 = arith.index_cast %scan3A_109 : i32 to index
      %get3A_165 = arith.constant 64 : index
      %get3A_166 = tpu.vector_load %arg13[%get3A_164, %get3A_165] {strides = array<i32>} : memref<80x128xf32, #tpu.memory_space<vmem>>, vector<1x16xf32>,
      %get3A_167 = vector.shape_cast %get3A_166 : vector<1x16xf32> to vector<16xf32>
      %get3A_168 = arith.index_cast %scan3A_109 : i32 to index
      %get3A_169 = arith.constant 64 : index
      %get3A_170 = tpu.vector_load %arg14[%get3A_168, %get3A_169] {strides = array<i32>} : memref<80x128xf32, #tpu.memory_space<vmem>>, vector<1x16xf32>,
      %get3A_171 = vector.shape_cast %get3A_170 : vector<1x16xf32> to vector<16xf32>
      %add3A_172 = arith.addf %get3A_167, %get3A_171 : vector<16xf32>
      %swap3A_173 = arith.index_cast %scan3A_109 : i32 to index
      %swap3A_174 = arith.constant 64 : index
      %swap3A_175 = tpu.vector_load %arg13[%swap3A_173, %swap3A_174] {strides = array<i32>} : memref<80x128xf32, #tpu.memory_space<vmem>>, vector<1x16xf32>,
      %swap3A_176 = vector.shape_cast %swap3A_175 : vector<1x16xf32> to vector<16xf32>
      %swap3A_177 = vector.shape_cast %add3A_172 : vector<16xf32> to vector<1x16xf32>
      tpu.vector_store %arg13[%swap3A_173, %swap3A_174], %swap3A_177 {strides = array<i32>} : memref<80x128xf32, #tpu.memory_space<vmem>>, vector<1x16xf32>,
      %get3A_178 = arith.index_cast %scan3A_109 : i32 to index
      %get3A_179 = arith.constant 80 : index
      %get3A_180 = tpu.vector_load %arg13[%get3A_178, %get3A_179] {strides = array<i32>} : memref<80x128xf32, #tpu.memory_space<vmem>>, vector<1x16xf32>,
      %get3A_181 = vector.shape_cast %get3A_180 : vector<1x16xf32> to vector<16xf32>
      %get3A_182 = arith.index_cast %scan3A_109 : i32 to index
      %get3A_183 = arith.constant 80 : index
      %get3A_184 = tpu.vector_load %arg14[%get3A_182, %get3A_183] {strides = array<i32>} : memref<80x128xf32, #tpu.memory_space<vmem>>, vector<1x16xf32>,
      %get3A_185 = vector.shape_cast %get3A_184 : vector<1x16xf32> to vector<16xf32>
      %add3A_186 = arith.addf %get3A_181, %get3A_185 : vector<16xf32>
      %swap3A_187 = arith.index_cast %scan3A_109 : i32 to index
      %swap3A_188 = arith.constant 80 : index
      %swap3A_189 = tpu.vector_load %arg13[%swap3A_187, %swap3A_188] {strides = array<i32>} : memref<80x128xf32, #tpu.memory_space<vmem>>, vector<1x16xf32>,
      %swap3A_190 = vector.shape_cast %swap3A_189 : vector<1x16xf32> to vector<16xf32>
      %swap3A_191 = vector.shape_cast %add3A_186 : vector<16xf32> to vector<1x16xf32>
      tpu.vector_store %arg13[%swap3A_187, %swap3A_188], %swap3A_191 {strides = array<i32>} : memref<80x128xf32, #tpu.memory_space<vmem>>, vector<1x16xf32>,
      %get3A_192 = arith.index_cast %scan3A_109 : i32 to index
      %get3A_193 = arith.constant 96 : index
      %get3A_194 = tpu.vector_load %arg13[%get3A_192, %get3A_193] {strides = array<i32>} : memref<80x128xf32, #tpu.memory_space<vmem>>, vector<1x16xf32>,
      %get3A_195 = vector.shape_cast %get3A_194 : vector<1x16xf32> to vector<16xf32>
      %get3A_196 = arith.index_cast %scan3A_109 : i32 to index
      %get3A_197 = arith.constant 96 : index
      %get3A_198 = tpu.vector_load %arg14[%get3A_196, %get3A_197] {strides = array<i32>} : memref<80x128xf32, #tpu.memory_space<vmem>>, vector<1x16xf32>,
      %get3A_199 = vector.shape_cast %get3A_198 : vector<1x16xf32> to vector<16xf32>
      %add3A_200 = arith.addf %get3A_195, %get3A_199 : vector<16xf32>
      %swap3A_201 = arith.index_cast %scan3A_109 : i32 to index
      %swap3A_202 = arith.constant 96 : index
      %swap3A_203 = tpu.vector_load %arg13[%swap3A_201, %swap3A_202] {strides = array<i32>} : memref<80x128xf32, #tpu.memory_space<vmem>>, vector<1x16xf32>,
      %swap3A_204 = vector.shape_cast %swap3A_203 : vector<1x16xf32> to vector<16xf32>
      %swap3A_205 = vector.shape_cast %add3A_200 : vector<16xf32> to vector<1x16xf32>
      tpu.vector_store %arg13[%swap3A_201, %swap3A_202], %swap3A_205 {strides = array<i32>} : memref<80x128xf32, #tpu.memory_space<vmem>>, vector<1x16xf32>,
      %get3A_206 = arith.index_cast %scan3A_109 : i32 to index
      %get3A_207 = arith.constant 112 : index
      %get3A_208 = tpu.vector_load %arg13[%get3A_206, %get3A_207] {strides = array<i32>} : memref<80x128xf32, #tpu.memory_space<vmem>>, vector<1x16xf32>,
      %get3A_209 = vector.shape_cast %get3A_208 : vector<1x16xf32> to vector<16xf32>
      %get3A_210 = arith.index_cast %scan3A_109 : i32 to index
      %get3A_211 = arith.constant 112 : index
      %get3A_212 = tpu.vector_load %arg14[%get3A_210, %get3A_211] {strides = array<i32>} : memref<80x128xf32, #tpu.memory_space<vmem>>, vector<1x16xf32>,
      %get3A_213 = vector.shape_cast %get3A_212 : vector<1x16xf32> to vector<16xf32>
      %add3A_214 = arith.addf %get3A_209, %get3A_213 : vector<16xf32>
      %swap3A_215 = arith.index_cast %scan3A_109 : i32 to index
      %swap3A_216 = arith.constant 112 : index
      %swap3A_217 = tpu.vector_load %arg13[%swap3A_215, %swap3A_216] {strides = array<i32>} : memref<80x128xf32, #tpu.memory_space<vmem>>, vector<1x16xf32>,
      %swap3A_218 = vector.shape_cast %swap3A_217 : vector<1x16xf32> to vector<16xf32>
      %swap3A_219 = vector.shape_cast %add3A_214 : vector<16xf32> to vector<1x16xf32>
      tpu.vector_store %arg13[%swap3A_215, %swap3A_216], %swap3A_219 {strides = array<i32>} : memref<80x128xf32, #tpu.memory_space<vmem>>, vector<1x16xf32>,
    }
    %scan3A_88 = arith.constant 80 : i32
    %add3A_89 = arith.constant 160 : i32
    %add3A_90 = arith.addi %mul3A_38, %add3A_89 : i32
    "tpu.region"() ({
      %run_scoped3A = tpu.sem_alloc : memref<!tpu.dma_semaphore, #tpu.memory_space<semaphore_mem>>
      %dma_start3A_109 = arith.constant 0 : i32
      %dma_start3A_110 = tpu.memref_slice %arg7[%add3A_90, %dma_start3A_109] : memref<10240x128xf32, #tpu.memory_space<hbm>> -> memref<80x128xf32, #tpu.memory_space<hbm>>
      %dma_start3A_111 = arith.constant 0 : i32
      %dma_start3A_112 = tpu.memref_slice %arg7[%add3A_90, %dma_start3A_111] : memref<10240x128xf32, #tpu.memory_space<hbm>> -> memref<80x128xf32, #tpu.memory_space<hbm>>
      tpu.enqueue_dma source(%arg13 : memref<80x128xf32, #tpu.memory_space<vmem>>) target(%dma_start3A_112 : memref<80x128xf32, #tpu.memory_space<hbm>>) target_semaphore(%run_scoped3A : memref<!tpu.dma_semaphore, #tpu.memory_space<semaphore_mem>>)
      %dma_wait3A_113 = arith.constant 0 : i32
      %dma_wait3A_114 = tpu.memref_slice %arg7[%add3A_90, %dma_wait3A_113] : memref<10240x128xf32, #tpu.memory_space<hbm>> -> memref<80x128xf32, #tpu.memory_space<hbm>>
      %dma_wait3A_115 = arith.constant 0 : i32
      %dma_wait3A_116 = tpu.memref_slice %arg7[%add3A_90, %dma_wait3A_115] : memref<10240x128xf32, #tpu.memory_space<hbm>> -> memref<80x128xf32, #tpu.memory_space<hbm>>
      tpu.wait_dma2 semaphore(%run_scoped3A : memref<!tpu.dma_semaphore, #tpu.memory_space<semaphore_mem>>) src(%arg13 : memref<80x128xf32, #tpu.memory_space<vmem>>) dst(%dma_wait3A_116 : memref<80x128xf32, #tpu.memory_space<hbm>>)
      tpu.yield
    }) : () -> ()
    %add3A_91 = arith.constant 240 : i32
    %add3A_92 = arith.addi %mul3A_38, %add3A_91 : i32
    "tpu.region"() ({
      %run_scoped3A = tpu.sem_alloc : memref<!tpu.dma_semaphore, #tpu.memory_space<semaphore_mem>>
      %dma_start3A_109 = tpu.memref_slice %arg3[%add3A_92] : memref<10240xi32, #tpu.memory_space<hbm>> -> memref<80xi32, #tpu.memory_space<hbm>>
      %dma_start3A_110 = tpu.memref_slice %arg3[%add3A_92] : memref<10240xi32, #tpu.memory_space<hbm>> -> memref<80xi32, #tpu.memory_space<hbm>>
      tpu.enqueue_dma source(%dma_start3A_110 : memref<80xi32, #tpu.memory_space<hbm>>) target(%arg12 : memref<80xi32, #tpu.memory_space<vmem>>) target_semaphore(%run_scoped3A : memref<!tpu.dma_semaphore, #tpu.memory_space<semaphore_mem>>)
      %dma_wait3A_111 = tpu.memref_slice %arg3[%add3A_92] : memref<10240xi32, #tpu.memory_space<hbm>> -> memref<80xi32, #tpu.memory_space<hbm>>
      %dma_wait3A_112 = tpu.memref_slice %arg3[%add3A_92] : memref<10240xi32, #tpu.memory_space<hbm>> -> memref<80xi32, #tpu.memory_space<hbm>>
      tpu.wait_dma2 semaphore(%run_scoped3A : memref<!tpu.dma_semaphore, #tpu.memory_space<semaphore_mem>>) src(%dma_wait3A_112 : memref<80xi32, #tpu.memory_space<hbm>>) dst(%arg12 : memref<80xi32, #tpu.memory_space<vmem>>)
      tpu.yield
    }) : () -> ()
    %dma_start3A_93 = arith.constant 0 : i32
    %dma_start3A_94 = arith.constant 0 : i32
    %dma_start3A_95 = tpu.memref_slice %arg4[%dma_start3A_93, %dma_start3A_94] : memref<1000x128xf32, #tpu.memory_space<hbm>> -> memref<1000x128xf32, #tpu.memory_space<hbm>>
    tpu.enqueue_indirect_dma source(%dma_start3A_95 : memref<1000x128xf32, #tpu.memory_space<hbm>>) target(%arg13 : memref<80x128xf32, #tpu.memory_space<vmem>>) offsets(%arg12 : memref<80xi32, #tpu.memory_space<vmem>>) semaphore(%arg16 : memref<!tpu.dma_semaphore, #tpu.memory_space<semaphore_mem>>)
    %dma_wait3A_96 = arith.constant 0 : i32
    %dma_wait3A_97 = arith.constant 0 : i32
    %dma_wait3A_98 = tpu.memref_slice %arg4[%dma_wait3A_96, %dma_wait3A_97] : memref<1000x128xf32, #tpu.memory_space<hbm>> -> memref<1000x128xf32, #tpu.memory_space<hbm>>
    tpu.wait_indirect_dma semaphore(%arg16 : memref<!tpu.dma_semaphore, #tpu.memory_space<semaphore_mem>>) src(%dma_wait3A_98 : memref<1000x128xf32, #tpu.memory_space<hbm>>) dst(%arg13 : memref<80x128xf32, #tpu.memory_space<vmem>>)
    %add3A_99 = arith.constant 240 : i32
    %add3A_100 = arith.addi %mul3A_38, %add3A_99 : i32
    "tpu.region"() ({
      %run_scoped3A = tpu.sem_alloc : memref<!tpu.dma_semaphore, #tpu.memory_space<semaphore_mem>>
      %dma_start3A_109 = arith.constant 0 : i32
      %dma_start3A_110 = tpu.memref_slice %arg5[%add3A_100, %dma_start3A_109] : memref<10240x128xf32, #tpu.memory_space<hbm>> -> memref<80x128xf32, #tpu.memory_space<hbm>>
      %dma_start3A_111 = arith.constant 0 : i32
      %dma_start3A_112 = tpu.memref_slice %arg5[%add3A_100, %dma_start3A_111] : memref<10240x128xf32, #tpu.memory_space<hbm>> -> memref<80x128xf32, #tpu.memory_space<hbm>>
      tpu.enqueue_dma source(%dma_start3A_112 : memref<80x128xf32, #tpu.memory_space<hbm>>) target(%arg14 : memref<80x128xf32, #tpu.memory_space<vmem>>) target_semaphore(%run_scoped3A : memref<!tpu.dma_semaphore, #tpu.memory_space<semaphore_mem>>)
      %dma_wait3A_113 = arith.constant 0 : i32
      %dma_wait3A_114 = tpu.memref_slice %arg5[%add3A_100, %dma_wait3A_113] : memref<10240x128xf32, #tpu.memory_space<hbm>> -> memref<80x128xf32, #tpu.memory_space<hbm>>
      %dma_wait3A_115 = arith.constant 0 : i32
      %dma_wait3A_116 = tpu.memref_slice %arg5[%add3A_100, %dma_wait3A_115] : memref<10240x128xf32, #tpu.memory_space<hbm>> -> memref<80x128xf32, #tpu.memory_space<hbm>>
      tpu.wait_dma2 semaphore(%run_scoped3A : memref<!tpu.dma_semaphore, #tpu.memory_space<semaphore_mem>>) src(%dma_wait3A_116 : memref<80x128xf32, #tpu.memory_space<hbm>>) dst(%arg14 : memref<80x128xf32, #tpu.memory_space<vmem>>)
      tpu.yield
    }) : () -> ()
    %scan3A_101 = arith.constant 0 : i32
    %scan3A_102 = arith.constant 0 : i32
    %scan3A_103 = arith.constant 80 : i32
    %scan3A_104 = arith.addi %scan3A_102, %scan3A_103 : i32
    %scan3A_105 = arith.constant 1 : i32
    scf.for %scan3A_109 = %scan3A_102 to %scan3A_104 step %scan3A_105  : i32 {
      %get3A = arith.index_cast %scan3A_109 : i32 to index
      %get3A_110 = arith.constant 0 : index
      %get3A_111 = tpu.vector_load %arg13[%get3A, %get3A_110] {strides = array<i32>} : memref<80x128xf32, #tpu.memory_space<vmem>>, vector<1x16xf32>,
      %get3A_112 = vector.shape_cast %get3A_111 : vector<1x16xf32> to vector<16xf32>
      %get3A_113 = arith.index_cast %scan3A_109 : i32 to index
      %get3A_114 = arith.constant 0 : index
      %get3A_115 = tpu.vector_load %arg14[%get3A_113, %get3A_114] {strides = array<i32>} : memref<80x128xf32, #tpu.memory_space<vmem>>, vector<1x16xf32>,
      %get3A_116 = vector.shape_cast %get3A_115 : vector<1x16xf32> to vector<16xf32>
      %add3A_117 = arith.addf %get3A_112, %get3A_116 : vector<16xf32>
      %swap3A = arith.index_cast %scan3A_109 : i32 to index
      %swap3A_118 = arith.constant 0 : index
      %swap3A_119 = tpu.vector_load %arg13[%swap3A, %swap3A_118] {strides = array<i32>} : memref<80x128xf32, #tpu.memory_space<vmem>>, vector<1x16xf32>,
      %swap3A_120 = vector.shape_cast %swap3A_119 : vector<1x16xf32> to vector<16xf32>
      %swap3A_121 = vector.shape_cast %add3A_117 : vector<16xf32> to vector<1x16xf32>
      tpu.vector_store %arg13[%swap3A, %swap3A_118], %swap3A_121 {strides = array<i32>} : memref<80x128xf32, #tpu.memory_space<vmem>>, vector<1x16xf32>,
      %get3A_122 = arith.index_cast %scan3A_109 : i32 to index
      %get3A_123 = arith.constant 16 : index
      %get3A_124 = tpu.vector_load %arg13[%get3A_122, %get3A_123] {strides = array<i32>} : memref<80x128xf32, #tpu.memory_space<vmem>>, vector<1x16xf32>,
      %get3A_125 = vector.shape_cast %get3A_124 : vector<1x16xf32> to vector<16xf32>
      %get3A_126 = arith.index_cast %scan3A_109 : i32 to index
      %get3A_127 = arith.constant 16 : index
      %get3A_128 = tpu.vector_load %arg14[%get3A_126, %get3A_127] {strides = array<i32>} : memref<80x128xf32, #tpu.memory_space<vmem>>, vector<1x16xf32>,
      %get3A_129 = vector.shape_cast %get3A_128 : vector<1x16xf32> to vector<16xf32>
      %add3A_130 = arith.addf %get3A_125, %get3A_129 : vector<16xf32>
      %swap3A_131 = arith.index_cast %scan3A_109 : i32 to index
      %swap3A_132 = arith.constant 16 : index
      %swap3A_133 = tpu.vector_load %arg13[%swap3A_131, %swap3A_132] {strides = array<i32>} : memref<80x128xf32, #tpu.memory_space<vmem>>, vector<1x16xf32>,
      %swap3A_134 = vector.shape_cast %swap3A_133 : vector<1x16xf32> to vector<16xf32>
      %swap3A_135 = vector.shape_cast %add3A_130 : vector<16xf32> to vector<1x16xf32>
      tpu.vector_store %arg13[%swap3A_131, %swap3A_132], %swap3A_135 {strides = array<i32>} : memref<80x128xf32, #tpu.memory_space<vmem>>, vector<1x16xf32>,
      %get3A_136 = arith.index_cast %scan3A_109 : i32 to index
      %get3A_137 = arith.constant 32 : index
      %get3A_138 = tpu.vector_load %arg13[%get3A_136, %get3A_137] {strides = array<i32>} : memref<80x128xf32, #tpu.memory_space<vmem>>, vector<1x16xf32>,
      %get3A_139 = vector.shape_cast %get3A_138 : vector<1x16xf32> to vector<16xf32>
      %get3A_140 = arith.index_cast %scan3A_109 : i32 to index
      %get3A_141 = arith.constant 32 : index
      %get3A_142 = tpu.vector_load %arg14[%get3A_140, %get3A_141] {strides = array<i32>} : memref<80x128xf32, #tpu.memory_space<vmem>>, vector<1x16xf32>,
      %get3A_143 = vector.shape_cast %get3A_142 : vector<1x16xf32> to vector<16xf32>
      %add3A_144 = arith.addf %get3A_139, %get3A_143 : vector<16xf32>
      %swap3A_145 = arith.index_cast %scan3A_109 : i32 to index
      %swap3A_146 = arith.constant 32 : index
      %swap3A_147 = tpu.vector_load %arg13[%swap3A_145, %swap3A_146] {strides = array<i32>} : memref<80x128xf32, #tpu.memory_space<vmem>>, vector<1x16xf32>,
      %swap3A_148 = vector.shape_cast %swap3A_147 : vector<1x16xf32> to vector<16xf32>
      %swap3A_149 = vector.shape_cast %add3A_144 : vector<16xf32> to vector<1x16xf32>
      tpu.vector_store %arg13[%swap3A_145, %swap3A_146], %swap3A_149 {strides = array<i32>} : memref<80x128xf32, #tpu.memory_space<vmem>>, vector<1x16xf32>,
      %get3A_150 = arith.index_cast %scan3A_109 : i32 to index
      %get3A_151 = arith.constant 48 : index
      %get3A_152 = tpu.vector_load %arg13[%get3A_150, %get3A_151] {strides = array<i32>} : memref<80x128xf32, #tpu.memory_space<vmem>>, vector<1x16xf32>,
      %get3A_153 = vector.shape_cast %get3A_152 : vector<1x16xf32> to vector<16xf32>
      %get3A_154 = arith.index_cast %scan3A_109 : i32 to index
      %get3A_155 = arith.constant 48 : index
      %get3A_156 = tpu.vector_load %arg14[%get3A_154, %get3A_155] {strides = array<i32>} : memref<80x128xf32, #tpu.memory_space<vmem>>, vector<1x16xf32>,
      %get3A_157 = vector.shape_cast %get3A_156 : vector<1x16xf32> to vector<16xf32>
      %add3A_158 = arith.addf %get3A_153, %get3A_157 : vector<16xf32>
      %swap3A_159 = arith.index_cast %scan3A_109 : i32 to index
      %swap3A_160 = arith.constant 48 : index
      %swap3A_161 = tpu.vector_load %arg13[%swap3A_159, %swap3A_160] {strides = array<i32>} : memref<80x128xf32, #tpu.memory_space<vmem>>, vector<1x16xf32>,
      %swap3A_162 = vector.shape_cast %swap3A_161 : vector<1x16xf32> to vector<16xf32>
      %swap3A_163 = vector.shape_cast %add3A_158 : vector<16xf32> to vector<1x16xf32>
      tpu.vector_store %arg13[%swap3A_159, %swap3A_160], %swap3A_163 {strides = array<i32>} : memref<80x128xf32, #tpu.memory_space<vmem>>, vector<1x16xf32>,
      %get3A_164 = arith.index_cast %scan3A_109 : i32 to index
      %get3A_165 = arith.constant 64 : index
      %get3A_166 = tpu.vector_load %arg13[%get3A_164, %get3A_165] {strides = array<i32>} : memref<80x128xf32, #tpu.memory_space<vmem>>, vector<1x16xf32>,
      %get3A_167 = vector.shape_cast %get3A_166 : vector<1x16xf32> to vector<16xf32>
      %get3A_168 = arith.index_cast %scan3A_109 : i32 to index
      %get3A_169 = arith.constant 64 : index
      %get3A_170 = tpu.vector_load %arg14[%get3A_168, %get3A_169] {strides = array<i32>} : memref<80x128xf32, #tpu.memory_space<vmem>>, vector<1x16xf32>,
      %get3A_171 = vector.shape_cast %get3A_170 : vector<1x16xf32> to vector<16xf32>
      %add3A_172 = arith.addf %get3A_167, %get3A_171 : vector<16xf32>
      %swap3A_173 = arith.index_cast %scan3A_109 : i32 to index
      %swap3A_174 = arith.constant 64 : index
      %swap3A_175 = tpu.vector_load %arg13[%swap3A_173, %swap3A_174] {strides = array<i32>} : memref<80x128xf32, #tpu.memory_space<vmem>>, vector<1x16xf32>,
      %swap3A_176 = vector.shape_cast %swap3A_175 : vector<1x16xf32> to vector<16xf32>
      %swap3A_177 = vector.shape_cast %add3A_172 : vector<16xf32> to vector<1x16xf32>
      tpu.vector_store %arg13[%swap3A_173, %swap3A_174], %swap3A_177 {strides = array<i32>} : memref<80x128xf32, #tpu.memory_space<vmem>>, vector<1x16xf32>,
      %get3A_178 = arith.index_cast %scan3A_109 : i32 to index
      %get3A_179 = arith.constant 80 : index
      %get3A_180 = tpu.vector_load %arg13[%get3A_178, %get3A_179] {strides = array<i32>} : memref<80x128xf32, #tpu.memory_space<vmem>>, vector<1x16xf32>,
      %get3A_181 = vector.shape_cast %get3A_180 : vector<1x16xf32> to vector<16xf32>
      %get3A_182 = arith.index_cast %scan3A_109 : i32 to index
      %get3A_183 = arith.constant 80 : index
      %get3A_184 = tpu.vector_load %arg14[%get3A_182, %get3A_183] {strides = array<i32>} : memref<80x128xf32, #tpu.memory_space<vmem>>, vector<1x16xf32>,
      %get3A_185 = vector.shape_cast %get3A_184 : vector<1x16xf32> to vector<16xf32>
      %add3A_186 = arith.addf %get3A_181, %get3A_185 : vector<16xf32>
      %swap3A_187 = arith.index_cast %scan3A_109 : i32 to index
      %swap3A_188 = arith.constant 80 : index
      %swap3A_189 = tpu.vector_load %arg13[%swap3A_187, %swap3A_188] {strides = array<i32>} : memref<80x128xf32, #tpu.memory_space<vmem>>, vector<1x16xf32>,
      %swap3A_190 = vector.shape_cast %swap3A_189 : vector<1x16xf32> to vector<16xf32>
      %swap3A_191 = vector.shape_cast %add3A_186 : vector<16xf32> to vector<1x16xf32>
      tpu.vector_store %arg13[%swap3A_187, %swap3A_188], %swap3A_191 {strides = array<i32>} : memref<80x128xf32, #tpu.memory_space<vmem>>, vector<1x16xf32>,
      %get3A_192 = arith.index_cast %scan3A_109 : i32 to index
      %get3A_193 = arith.constant 96 : index
      %get3A_194 = tpu.vector_load %arg13[%get3A_192, %get3A_193] {strides = array<i32>} : memref<80x128xf32, #tpu.memory_space<vmem>>, vector<1x16xf32>,
      %get3A_195 = vector.shape_cast %get3A_194 : vector<1x16xf32> to vector<16xf32>
      %get3A_196 = arith.index_cast %scan3A_109 : i32 to index
      %get3A_197 = arith.constant 96 : index
      %get3A_198 = tpu.vector_load %arg14[%get3A_196, %get3A_197] {strides = array<i32>} : memref<80x128xf32, #tpu.memory_space<vmem>>, vector<1x16xf32>,
      %get3A_199 = vector.shape_cast %get3A_198 : vector<1x16xf32> to vector<16xf32>
      %add3A_200 = arith.addf %get3A_195, %get3A_199 : vector<16xf32>
      %swap3A_201 = arith.index_cast %scan3A_109 : i32 to index
      %swap3A_202 = arith.constant 96 : index
      %swap3A_203 = tpu.vector_load %arg13[%swap3A_201, %swap3A_202] {strides = array<i32>} : memref<80x128xf32, #tpu.memory_space<vmem>>, vector<1x16xf32>,
      %swap3A_204 = vector.shape_cast %swap3A_203 : vector<1x16xf32> to vector<16xf32>
      %swap3A_205 = vector.shape_cast %add3A_200 : vector<16xf32> to vector<1x16xf32>
      tpu.vector_store %arg13[%swap3A_201, %swap3A_202], %swap3A_205 {strides = array<i32>} : memref<80x128xf32, #tpu.memory_space<vmem>>, vector<1x16xf32>,
      %get3A_206 = arith.index_cast %scan3A_109 : i32 to index
      %get3A_207 = arith.constant 112 : index
      %get3A_208 = tpu.vector_load %arg13[%get3A_206, %get3A_207] {strides = array<i32>} : memref<80x128xf32, #tpu.memory_space<vmem>>, vector<1x16xf32>,
      %get3A_209 = vector.shape_cast %get3A_208 : vector<1x16xf32> to vector<16xf32>
      %get3A_210 = arith.index_cast %scan3A_109 : i32 to index
      %get3A_211 = arith.constant 112 : index
      %get3A_212 = tpu.vector_load %arg14[%get3A_210, %get3A_211] {strides = array<i32>} : memref<80x128xf32, #tpu.memory_space<vmem>>, vector<1x16xf32>,
      %get3A_213 = vector.shape_cast %get3A_212 : vector<1x16xf32> to vector<16xf32>
      %add3A_214 = arith.addf %get3A_209, %get3A_213 : vector<16xf32>
      %swap3A_215 = arith.index_cast %scan3A_109 : i32 to index
      %swap3A_216 = arith.constant 112 : index
      %swap3A_217 = tpu.vector_load %arg13[%swap3A_215, %swap3A_216] {strides = array<i32>} : memref<80x128xf32, #tpu.memory_space<vmem>>, vector<1x16xf32>,
      %swap3A_218 = vector.shape_cast %swap3A_217 : vector<1x16xf32> to vector<16xf32>
      %swap3A_219 = vector.shape_cast %add3A_214 : vector<16xf32> to vector<1x16xf32>
      tpu.vector_store %arg13[%swap3A_215, %swap3A_216], %swap3A_219 {strides = array<i32>} : memref<80x128xf32, #tpu.memory_space<vmem>>, vector<1x16xf32>,
    }
    %scan3A_106 = arith.constant 80 : i32
    %add3A_107 = arith.constant 240 : i32
    %add3A_108 = arith.addi %mul3A_38, %add3A_107 : i32
    "tpu.region"() ({
      %run_scoped3A = tpu.sem_alloc : memref<!tpu.dma_semaphore, #tpu.memory_space<semaphore_mem>>
      %dma_start3A_109 = arith.constant 0 : i32
      %dma_start3A_110 = tpu.memref_slice %arg7[%add3A_108, %dma_start3A_109] : memref<10240x128xf32, #tpu.memory_space<hbm>> -> memref<80x128xf32, #tpu.memory_space<hbm>>
      %dma_start3A_111 = arith.constant 0 : i32
      %dma_start3A_112 = tpu.memref_slice %arg7[%add3A_108, %dma_start3A_111] : memref<10240x128xf32, #tpu.memory_space<hbm>> -> memref<80x128xf32, #tpu.memory_space<hbm>>
      tpu.enqueue_dma source(%arg13 : memref<80x128xf32, #tpu.memory_space<vmem>>) target(%dma_start3A_112 : memref<80x128xf32, #tpu.memory_space<hbm>>) target_semaphore(%run_scoped3A : memref<!tpu.dma_semaphore, #tpu.memory_space<semaphore_mem>>)
      %dma_wait3A_113 = arith.constant 0 : i32
      %dma_wait3A_114 = tpu.memref_slice %arg7[%add3A_108, %dma_wait3A_113] : memref<10240x128xf32, #tpu.memory_space<hbm>> -> memref<80x128xf32, #tpu.memory_space<hbm>>
      %dma_wait3A_115 = arith.constant 0 : i32
      %dma_wait3A_116 = tpu.memref_slice %arg7[%add3A_108, %dma_wait3A_115] : memref<10240x128xf32, #tpu.memory_space<hbm>> -> memref<80x128xf32, #tpu.memory_space<hbm>>
      tpu.wait_dma2 semaphore(%run_scoped3A : memref<!tpu.dma_semaphore, #tpu.memory_space<semaphore_mem>>) src(%arg13 : memref<80x128xf32, #tpu.memory_space<vmem>>) dst(%dma_wait3A_116 : memref<80x128xf32, #tpu.memory_space<hbm>>)
      tpu.yield
    }) : () -> ()
    return
  }
}

#map = affine_map<(d0, d1) -> (0, 0)>
#map1 = affine_map<(d0, d1) -> (0)>
module attributes {stable_mosaic.version = 14 : i64} {
  func.func @_agg_body(%arg0: i32, %arg1: i32, %arg2: memref<10240x128xf32, #tpu.memory_space<hbm>>, %arg3: memref<327680xi32, #tpu.memory_space<hbm>>, %arg4: memref<327680xi32, #tpu.memory_space<hbm>>, %arg5: memref<20480x128xf32, #tpu.memory_space<hbm>>, %arg6: memref<128xi32, #tpu.memory_space<vmem>>, %arg7: memref<128xi32, #tpu.memory_space<vmem>>, %arg8: memref<128xi32, #tpu.memory_space<vmem>>, %arg9: memref<128xi32, #tpu.memory_space<vmem>>, %arg10: memref<5120xi32, #tpu.memory_space<vmem>>, %arg11: memref<5120xi32, #tpu.memory_space<vmem>>, %arg12: memref<128x128xf32, #tpu.memory_space<vmem>>, %arg13: memref<128x128xf32, #tpu.memory_space<vmem>>, %arg14: memref<10240x128xf32, #tpu.memory_space<vmem_shared>>, %arg15: memref<!tpu.dma_semaphore, #tpu.memory_space<semaphore_mem>>, %arg16: memref<!tpu.dma_semaphore, #tpu.memory_space<semaphore_mem>>) attributes {dimension_semantics = [#tpu.dimension_semantics<core_parallel>, #tpu.dimension_semantics<subcore_parallel>], iteration_bounds = array<i64: 2, 16>, scalar_prefetch = 0 : i64, scratch_operands = 11 : i64, tpu.core_type = #tpu.core_type<sc_vector_subcore>, window_params = [{transform_indices = #map}, {transform_indices = #map1}, {transform_indices = #map1}, {transform_indices = #map}]} {
    %scan3A = arith.constant 0 : i32
    %scan3A_0 = arith.constant 0 : i32
    %scan3A_1 = arith.constant 128 : i32
    %scan3A_2 = arith.addi %scan3A_0, %scan3A_1 : i32
    %scan3A_3 = arith.constant 1 : i32
    scf.for %scan3A_28 = %scan3A_0 to %scan3A_2 step %scan3A_3  : i32 {
      %broadcast_in_dim3A = arith.constant 0.000000e+00 : f32
      %broadcast_in_dim3A_29 = vector.broadcast %broadcast_in_dim3A : f32 to vector<16xf32>
      %swap3A = arith.index_cast %scan3A_28 : i32 to index
      %swap3A_30 = arith.constant 0 : index
      %swap3A_31 = tpu.vector_load %arg12[%swap3A, %swap3A_30] {strides = array<i32>} : memref<128x128xf32, #tpu.memory_space<vmem>>, vector<1x16xf32>,
      %swap3A_32 = vector.shape_cast %swap3A_31 : vector<1x16xf32> to vector<16xf32>
      %swap3A_33 = vector.shape_cast %broadcast_in_dim3A_29 : vector<16xf32> to vector<1x16xf32>
      tpu.vector_store %arg12[%swap3A, %swap3A_30], %swap3A_33 {strides = array<i32>} : memref<128x128xf32, #tpu.memory_space<vmem>>, vector<1x16xf32>,
      %broadcast_in_dim3A_34 = arith.constant 0.000000e+00 : f32
      %broadcast_in_dim3A_35 = vector.broadcast %broadcast_in_dim3A_34 : f32 to vector<16xf32>
      %swap3A_36 = arith.index_cast %scan3A_28 : i32 to index
      %swap3A_37 = arith.constant 16 : index
      %swap3A_38 = tpu.vector_load %arg12[%swap3A_36, %swap3A_37] {strides = array<i32>} : memref<128x128xf32, #tpu.memory_space<vmem>>, vector<1x16xf32>,
      %swap3A_39 = vector.shape_cast %swap3A_38 : vector<1x16xf32> to vector<16xf32>
      %swap3A_40 = vector.shape_cast %broadcast_in_dim3A_35 : vector<16xf32> to vector<1x16xf32>
      tpu.vector_store %arg12[%swap3A_36, %swap3A_37], %swap3A_40 {strides = array<i32>} : memref<128x128xf32, #tpu.memory_space<vmem>>, vector<1x16xf32>,
      %broadcast_in_dim3A_41 = arith.constant 0.000000e+00 : f32
      %broadcast_in_dim3A_42 = vector.broadcast %broadcast_in_dim3A_41 : f32 to vector<16xf32>
      %swap3A_43 = arith.index_cast %scan3A_28 : i32 to index
      %swap3A_44 = arith.constant 32 : index
      %swap3A_45 = tpu.vector_load %arg12[%swap3A_43, %swap3A_44] {strides = array<i32>} : memref<128x128xf32, #tpu.memory_space<vmem>>, vector<1x16xf32>,
      %swap3A_46 = vector.shape_cast %swap3A_45 : vector<1x16xf32> to vector<16xf32>
      %swap3A_47 = vector.shape_cast %broadcast_in_dim3A_42 : vector<16xf32> to vector<1x16xf32>
      tpu.vector_store %arg12[%swap3A_43, %swap3A_44], %swap3A_47 {strides = array<i32>} : memref<128x128xf32, #tpu.memory_space<vmem>>, vector<1x16xf32>,
      %broadcast_in_dim3A_48 = arith.constant 0.000000e+00 : f32
      %broadcast_in_dim3A_49 = vector.broadcast %broadcast_in_dim3A_48 : f32 to vector<16xf32>
      %swap3A_50 = arith.index_cast %scan3A_28 : i32 to index
      %swap3A_51 = arith.constant 48 : index
      %swap3A_52 = tpu.vector_load %arg12[%swap3A_50, %swap3A_51] {strides = array<i32>} : memref<128x128xf32, #tpu.memory_space<vmem>>, vector<1x16xf32>,
      %swap3A_53 = vector.shape_cast %swap3A_52 : vector<1x16xf32> to vector<16xf32>
      %swap3A_54 = vector.shape_cast %broadcast_in_dim3A_49 : vector<16xf32> to vector<1x16xf32>
      tpu.vector_store %arg12[%swap3A_50, %swap3A_51], %swap3A_54 {strides = array<i32>} : memref<128x128xf32, #tpu.memory_space<vmem>>, vector<1x16xf32>,
      %broadcast_in_dim3A_55 = arith.constant 0.000000e+00 : f32
      %broadcast_in_dim3A_56 = vector.broadcast %broadcast_in_dim3A_55 : f32 to vector<16xf32>
      %swap3A_57 = arith.index_cast %scan3A_28 : i32 to index
      %swap3A_58 = arith.constant 64 : index
      %swap3A_59 = tpu.vector_load %arg12[%swap3A_57, %swap3A_58] {strides = array<i32>} : memref<128x128xf32, #tpu.memory_space<vmem>>, vector<1x16xf32>,
      %swap3A_60 = vector.shape_cast %swap3A_59 : vector<1x16xf32> to vector<16xf32>
      %swap3A_61 = vector.shape_cast %broadcast_in_dim3A_56 : vector<16xf32> to vector<1x16xf32>
      tpu.vector_store %arg12[%swap3A_57, %swap3A_58], %swap3A_61 {strides = array<i32>} : memref<128x128xf32, #tpu.memory_space<vmem>>, vector<1x16xf32>,
      %broadcast_in_dim3A_62 = arith.constant 0.000000e+00 : f32
      %broadcast_in_dim3A_63 = vector.broadcast %broadcast_in_dim3A_62 : f32 to vector<16xf32>
      %swap3A_64 = arith.index_cast %scan3A_28 : i32 to index
      %swap3A_65 = arith.constant 80 : index
      %swap3A_66 = tpu.vector_load %arg12[%swap3A_64, %swap3A_65] {strides = array<i32>} : memref<128x128xf32, #tpu.memory_space<vmem>>, vector<1x16xf32>,
      %swap3A_67 = vector.shape_cast %swap3A_66 : vector<1x16xf32> to vector<16xf32>
      %swap3A_68 = vector.shape_cast %broadcast_in_dim3A_63 : vector<16xf32> to vector<1x16xf32>
      tpu.vector_store %arg12[%swap3A_64, %swap3A_65], %swap3A_68 {strides = array<i32>} : memref<128x128xf32, #tpu.memory_space<vmem>>, vector<1x16xf32>,
      %broadcast_in_dim3A_69 = arith.constant 0.000000e+00 : f32
      %broadcast_in_dim3A_70 = vector.broadcast %broadcast_in_dim3A_69 : f32 to vector<16xf32>
      %swap3A_71 = arith.index_cast %scan3A_28 : i32 to index
      %swap3A_72 = arith.constant 96 : index
      %swap3A_73 = tpu.vector_load %arg12[%swap3A_71, %swap3A_72] {strides = array<i32>} : memref<128x128xf32, #tpu.memory_space<vmem>>, vector<1x16xf32>,
      %swap3A_74 = vector.shape_cast %swap3A_73 : vector<1x16xf32> to vector<16xf32>
      %swap3A_75 = vector.shape_cast %broadcast_in_dim3A_70 : vector<16xf32> to vector<1x16xf32>
      tpu.vector_store %arg12[%swap3A_71, %swap3A_72], %swap3A_75 {strides = array<i32>} : memref<128x128xf32, #tpu.memory_space<vmem>>, vector<1x16xf32>,
      %broadcast_in_dim3A_76 = arith.constant 0.000000e+00 : f32
      %broadcast_in_dim3A_77 = vector.broadcast %broadcast_in_dim3A_76 : f32 to vector<16xf32>
      %swap3A_78 = arith.index_cast %scan3A_28 : i32 to index
      %swap3A_79 = arith.constant 112 : index
      %swap3A_80 = tpu.vector_load %arg12[%swap3A_78, %swap3A_79] {strides = array<i32>} : memref<128x128xf32, #tpu.memory_space<vmem>>, vector<1x16xf32>,
      %swap3A_81 = vector.shape_cast %swap3A_80 : vector<1x16xf32> to vector<16xf32>
      %swap3A_82 = vector.shape_cast %broadcast_in_dim3A_77 : vector<16xf32> to vector<1x16xf32>
      tpu.vector_store %arg12[%swap3A_78, %swap3A_79], %swap3A_82 {strides = array<i32>} : memref<128x128xf32, #tpu.memory_space<vmem>>, vector<1x16xf32>,
    }
    %scan3A_4 = arith.constant 128 : i32
    %scan3A_5 = arith.constant 0 : i32
    %scan3A_6 = arith.constant 0 : i32
    %scan3A_7 = arith.constant 5 : i32
    %scan3A_8 = arith.addi %scan3A_6, %scan3A_7 : i32
    %scan3A_9 = arith.constant 1 : i32
    scf.for %scan3A_28 = %scan3A_6 to %scan3A_8 step %scan3A_9  : i32 {
      %mul3A_29 = arith.constant 640 : i32
      %mul3A_30 = arith.muli %arg1, %mul3A_29 : i32
      %mul3A_31 = arith.constant 128 : i32
      %mul3A_32 = arith.muli %scan3A_28, %mul3A_31 : i32
      %add3A_33 = arith.addi %mul3A_30, %mul3A_32 : i32
      "tpu.region"() ({
        %run_scoped3A = tpu.sem_alloc : memref<!tpu.dma_semaphore, #tpu.memory_space<semaphore_mem>>
        %dma_start3A = arith.constant 0 : i32
        %dma_start3A_34 = tpu.memref_slice %arg14[%add3A_33, %dma_start3A] : memref<10240x128xf32, #tpu.memory_space<vmem_shared>> -> memref<128x128xf32, #tpu.memory_space<vmem_shared>>
        %dma_start3A_35 = arith.constant 0 : i32
        %dma_start3A_36 = tpu.memref_slice %arg14[%add3A_33, %dma_start3A_35] : memref<10240x128xf32, #tpu.memory_space<vmem_shared>> -> memref<128x128xf32, #tpu.memory_space<vmem_shared>>
        tpu.enqueue_dma source(%arg12 : memref<128x128xf32, #tpu.memory_space<vmem>>) target(%dma_start3A_36 : memref<128x128xf32, #tpu.memory_space<vmem_shared>>) target_semaphore(%run_scoped3A : memref<!tpu.dma_semaphore, #tpu.memory_space<semaphore_mem>>)
        %dma_wait3A = arith.constant 0 : i32
        %dma_wait3A_37 = tpu.memref_slice %arg14[%add3A_33, %dma_wait3A] : memref<10240x128xf32, #tpu.memory_space<vmem_shared>> -> memref<128x128xf32, #tpu.memory_space<vmem_shared>>
        %dma_wait3A_38 = arith.constant 0 : i32
        %dma_wait3A_39 = tpu.memref_slice %arg14[%add3A_33, %dma_wait3A_38] : memref<10240x128xf32, #tpu.memory_space<vmem_shared>> -> memref<128x128xf32, #tpu.memory_space<vmem_shared>>
        tpu.wait_dma2 semaphore(%run_scoped3A : memref<!tpu.dma_semaphore, #tpu.memory_space<semaphore_mem>>) src(%arg12 : memref<128x128xf32, #tpu.memory_space<vmem>>) dst(%dma_wait3A_39 : memref<128x128xf32, #tpu.memory_space<vmem_shared>>)
        tpu.yield
      }) : () -> ()
    }
    %scan3A_10 = arith.constant 5 : i32
    %barrier3A = arith.constant 0 : index
    tpu.barrier barrier_id(%barrier3A)
    %mul3A = arith.constant 163840 : i32
    %mul3A_11 = arith.muli %arg0, %mul3A : i32
    %mul3A_12 = arith.constant 10240 : i32
    %mul3A_13 = arith.muli %arg1, %mul3A_12 : i32
    %add3A = arith.addi %mul3A_11, %mul3A_13 : i32
    %scan3A_14 = arith.constant 0 : i32
    %scan3A_15 = arith.constant 0 : i32
    %scan3A_16 = arith.constant 2 : i32
    %scan3A_17 = arith.addi %scan3A_15, %scan3A_16 : i32
    %scan3A_18 = arith.constant 1 : i32
    scf.for %scan3A_28 = %scan3A_15 to %scan3A_17 step %scan3A_18  : i32 {
      %mul3A_29 = arith.constant 5120 : i32
      %mul3A_30 = arith.muli %scan3A_28, %mul3A_29 : i32
      %add3A_31 = arith.addi %add3A, %mul3A_30 : i32
      "tpu.region"() ({
        %run_scoped3A = tpu.sem_alloc : memref<!tpu.dma_semaphore, #tpu.memory_space<semaphore_mem>>
        %dma_start3A = tpu.memref_slice %arg3[%add3A_31] : memref<327680xi32, #tpu.memory_space<hbm>> -> memref<5120xi32, #tpu.memory_space<hbm>>
        %dma_start3A_41 = tpu.memref_slice %arg3[%add3A_31] : memref<327680xi32, #tpu.memory_space<hbm>> -> memref<5120xi32, #tpu.memory_space<hbm>>
        tpu.enqueue_dma source(%dma_start3A_41 : memref<5120xi32, #tpu.memory_space<hbm>>) target(%arg10 : memref<5120xi32, #tpu.memory_space<vmem>>) target_semaphore(%run_scoped3A : memref<!tpu.dma_semaphore, #tpu.memory_space<semaphore_mem>>)
        %dma_wait3A = tpu.memref_slice %arg3[%add3A_31] : memref<327680xi32, #tpu.memory_space<hbm>> -> memref<5120xi32, #tpu.memory_space<hbm>>
        %dma_wait3A_42 = tpu.memref_slice %arg3[%add3A_31] : memref<327680xi32, #tpu.memory_space<hbm>> -> memref<5120xi32, #tpu.memory_space<hbm>>
        tpu.wait_dma2 semaphore(%run_scoped3A : memref<!tpu.dma_semaphore, #tpu.memory_space<semaphore_mem>>) src(%dma_wait3A_42 : memref<5120xi32, #tpu.memory_space<hbm>>) dst(%arg10 : memref<5120xi32, #tpu.memory_space<vmem>>)
        tpu.yield
      }) : () -> ()
      %mul3A_32 = arith.constant 5120 : i32
      %mul3A_33 = arith.muli %scan3A_28, %mul3A_32 : i32
      %add3A_34 = arith.addi %add3A, %mul3A_33 : i32
      "tpu.region"() ({
        %run_scoped3A = tpu.sem_alloc : memref<!tpu.dma_semaphore, #tpu.memory_space<semaphore_mem>>
        %dma_start3A = tpu.memref_slice %arg4[%add3A_34] : memref<327680xi32, #tpu.memory_space<hbm>> -> memref<5120xi32, #tpu.memory_space<hbm>>
        %dma_start3A_41 = tpu.memref_slice %arg4[%add3A_34] : memref<327680xi32, #tpu.memory_space<hbm>> -> memref<5120xi32, #tpu.memory_space<hbm>>
        tpu.enqueue_dma source(%dma_start3A_41 : memref<5120xi32, #tpu.memory_space<hbm>>) target(%arg11 : memref<5120xi32, #tpu.memory_space<vmem>>) target_semaphore(%run_scoped3A : memref<!tpu.dma_semaphore, #tpu.memory_space<semaphore_mem>>)
        %dma_wait3A = tpu.memref_slice %arg4[%add3A_34] : memref<327680xi32, #tpu.memory_space<hbm>> -> memref<5120xi32, #tpu.memory_space<hbm>>
        %dma_wait3A_42 = tpu.memref_slice %arg4[%add3A_34] : memref<327680xi32, #tpu.memory_space<hbm>> -> memref<5120xi32, #tpu.memory_space<hbm>>
        tpu.wait_dma2 semaphore(%run_scoped3A : memref<!tpu.dma_semaphore, #tpu.memory_space<semaphore_mem>>) src(%dma_wait3A_42 : memref<5120xi32, #tpu.memory_space<hbm>>) dst(%arg11 : memref<5120xi32, #tpu.memory_space<vmem>>)
        tpu.yield
      }) : () -> ()
      %scan3A_35 = arith.constant 0 : i32
      %scan3A_36 = arith.constant 0 : i32
      %scan3A_37 = arith.constant 10 : i32
      %scan3A_38 = arith.addi %scan3A_36, %scan3A_37 : i32
      %scan3A_39 = arith.constant 1 : i32
      scf.for %scan3A_41 = %scan3A_36 to %scan3A_38 step %scan3A_39  : i32 {
        %mul3A_42 = arith.constant 4 : i32
        %mul3A_43 = arith.muli %mul3A_42, %scan3A_41 : i32
        %mul3A_44 = arith.constant 128 : i32
        %mul3A_45 = arith.muli %mul3A_43, %mul3A_44 : i32
        %add3A_46 = arith.constant 0 : i32
        %add3A_47 = arith.addi %mul3A_45, %add3A_46 : i32
        %get3A = arith.index_cast %add3A_47 : i32 to index
        %get3A_48 = tpu.vector_load %arg10[%get3A] {strides = array<i32>} : memref<5120xi32, #tpu.memory_space<vmem>>, vector<16xi32>,
        %get3A_49 = vector.shape_cast %get3A_48 : vector<16xi32> to vector<16xi32>
        %swap3A = arith.constant 0 : index
        %swap3A_50 = tpu.vector_load %arg6[%swap3A] {strides = array<i32>} : memref<128xi32, #tpu.memory_space<vmem>>, vector<16xi32>,
        %swap3A_51 = vector.shape_cast %swap3A_50 : vector<16xi32> to vector<16xi32>
        %swap3A_52 = vector.shape_cast %get3A_49 : vector<16xi32> to vector<16xi32>
        tpu.vector_store %arg6[%swap3A], %swap3A_52 {strides = array<i32>} : memref<128xi32, #tpu.memory_space<vmem>>, vector<16xi32>,
        %add3A_53 = arith.constant 16 : i32
        %add3A_54 = arith.addi %mul3A_45, %add3A_53 : i32
        %get3A_55 = arith.index_cast %add3A_54 : i32 to index
        %get3A_56 = tpu.vector_load %arg10[%get3A_55] {strides = array<i32>} : memref<5120xi32, #tpu.memory_space<vmem>>, vector<16xi32>,
        %get3A_57 = vector.shape_cast %get3A_56 : vector<16xi32> to vector<16xi32>
        %swap3A_58 = arith.constant 16 : index
        %swap3A_59 = tpu.vector_load %arg6[%swap3A_58] {strides = array<i32>} : memref<128xi32, #tpu.memory_space<vmem>>, vector<16xi32>,
        %swap3A_60 = vector.shape_cast %swap3A_59 : vector<16xi32> to vector<16xi32>
        %swap3A_61 = vector.shape_cast %get3A_57 : vector<16xi32> to vector<16xi32>
        tpu.vector_store %arg6[%swap3A_58], %swap3A_61 {strides = array<i32>} : memref<128xi32, #tpu.memory_space<vmem>>, vector<16xi32>,
        %add3A_62 = arith.constant 32 : i32
        %add3A_63 = arith.addi %mul3A_45, %add3A_62 : i32
        %get3A_64 = arith.index_cast %add3A_63 : i32 to index
        %get3A_65 = tpu.vector_load %arg10[%get3A_64] {strides = array<i32>} : memref<5120xi32, #tpu.memory_space<vmem>>, vector<16xi32>,
        %get3A_66 = vector.shape_cast %get3A_65 : vector<16xi32> to vector<16xi32>
        %swap3A_67 = arith.constant 32 : index
        %swap3A_68 = tpu.vector_load %arg6[%swap3A_67] {strides = array<i32>} : memref<128xi32, #tpu.memory_space<vmem>>, vector<16xi32>,
        %swap3A_69 = vector.shape_cast %swap3A_68 : vector<16xi32> to vector<16xi32>
        %swap3A_70 = vector.shape_cast %get3A_66 : vector<16xi32> to vector<16xi32>
        tpu.vector_store %arg6[%swap3A_67], %swap3A_70 {strides = array<i32>} : memref<128xi32, #tpu.memory_space<vmem>>, vector<16xi32>,
        %add3A_71 = arith.constant 48 : i32
        %add3A_72 = arith.addi %mul3A_45, %add3A_71 : i32
        %get3A_73 = arith.index_cast %add3A_72 : i32 to index
        %get3A_74 = tpu.vector_load %arg10[%get3A_73] {strides = array<i32>} : memref<5120xi32, #tpu.memory_space<vmem>>, vector<16xi32>,
        %get3A_75 = vector.shape_cast %get3A_74 : vector<16xi32> to vector<16xi32>
        %swap3A_76 = arith.constant 48 : index
        %swap3A_77 = tpu.vector_load %arg6[%swap3A_76] {strides = array<i32>} : memref<128xi32, #tpu.memory_space<vmem>>, vector<16xi32>,
        %swap3A_78 = vector.shape_cast %swap3A_77 : vector<16xi32> to vector<16xi32>
        %swap3A_79 = vector.shape_cast %get3A_75 : vector<16xi32> to vector<16xi32>
        tpu.vector_store %arg6[%swap3A_76], %swap3A_79 {strides = array<i32>} : memref<128xi32, #tpu.memory_space<vmem>>, vector<16xi32>,
        %add3A_80 = arith.constant 64 : i32
        %add3A_81 = arith.addi %mul3A_45, %add3A_80 : i32
        %get3A_82 = arith.index_cast %add3A_81 : i32 to index
        %get3A_83 = tpu.vector_load %arg10[%get3A_82] {strides = array<i32>} : memref<5120xi32, #tpu.memory_space<vmem>>, vector<16xi32>,
        %get3A_84 = vector.shape_cast %get3A_83 : vector<16xi32> to vector<16xi32>
        %swap3A_85 = arith.constant 64 : index
        %swap3A_86 = tpu.vector_load %arg6[%swap3A_85] {strides = array<i32>} : memref<128xi32, #tpu.memory_space<vmem>>, vector<16xi32>,
        %swap3A_87 = vector.shape_cast %swap3A_86 : vector<16xi32> to vector<16xi32>
        %swap3A_88 = vector.shape_cast %get3A_84 : vector<16xi32> to vector<16xi32>
        tpu.vector_store %arg6[%swap3A_85], %swap3A_88 {strides = array<i32>} : memref<128xi32, #tpu.memory_space<vmem>>, vector<16xi32>,
        %add3A_89 = arith.constant 80 : i32
        %add3A_90 = arith.addi %mul3A_45, %add3A_89 : i32
        %get3A_91 = arith.index_cast %add3A_90 : i32 to index
        %get3A_92 = tpu.vector_load %arg10[%get3A_91] {strides = array<i32>} : memref<5120xi32, #tpu.memory_space<vmem>>, vector<16xi32>,
        %get3A_93 = vector.shape_cast %get3A_92 : vector<16xi32> to vector<16xi32>
        %swap3A_94 = arith.constant 80 : index
        %swap3A_95 = tpu.vector_load %arg6[%swap3A_94] {strides = array<i32>} : memref<128xi32, #tpu.memory_space<vmem>>, vector<16xi32>,
        %swap3A_96 = vector.shape_cast %swap3A_95 : vector<16xi32> to vector<16xi32>
        %swap3A_97 = vector.shape_cast %get3A_93 : vector<16xi32> to vector<16xi32>
        tpu.vector_store %arg6[%swap3A_94], %swap3A_97 {strides = array<i32>} : memref<128xi32, #tpu.memory_space<vmem>>, vector<16xi32>,
        %add3A_98 = arith.constant 96 : i32
        %add3A_99 = arith.addi %mul3A_45, %add3A_98 : i32
        %get3A_100 = arith.index_cast %add3A_99 : i32 to index
        %get3A_101 = tpu.vector_load %arg10[%get3A_100] {strides = array<i32>} : memref<5120xi32, #tpu.memory_space<vmem>>, vector<16xi32>,
        %get3A_102 = vector.shape_cast %get3A_101 : vector<16xi32> to vector<16xi32>
        %swap3A_103 = arith.constant 96 : index
        %swap3A_104 = tpu.vector_load %arg6[%swap3A_103] {strides = array<i32>} : memref<128xi32, #tpu.memory_space<vmem>>, vector<16xi32>,
        %swap3A_105 = vector.shape_cast %swap3A_104 : vector<16xi32> to vector<16xi32>
        %swap3A_106 = vector.shape_cast %get3A_102 : vector<16xi32> to vector<16xi32>
        tpu.vector_store %arg6[%swap3A_103], %swap3A_106 {strides = array<i32>} : memref<128xi32, #tpu.memory_space<vmem>>, vector<16xi32>,
        %add3A_107 = arith.constant 112 : i32
        %add3A_108 = arith.addi %mul3A_45, %add3A_107 : i32
        %get3A_109 = arith.index_cast %add3A_108 : i32 to index
        %get3A_110 = tpu.vector_load %arg10[%get3A_109] {strides = array<i32>} : memref<5120xi32, #tpu.memory_space<vmem>>, vector<16xi32>,
        %get3A_111 = vector.shape_cast %get3A_110 : vector<16xi32> to vector<16xi32>
        %swap3A_112 = arith.constant 112 : index
        %swap3A_113 = tpu.vector_load %arg6[%swap3A_112] {strides = array<i32>} : memref<128xi32, #tpu.memory_space<vmem>>, vector<16xi32>,
        %swap3A_114 = vector.shape_cast %swap3A_113 : vector<16xi32> to vector<16xi32>
        %swap3A_115 = vector.shape_cast %get3A_111 : vector<16xi32> to vector<16xi32>
        tpu.vector_store %arg6[%swap3A_112], %swap3A_115 {strides = array<i32>} : memref<128xi32, #tpu.memory_space<vmem>>, vector<16xi32>,
        %dma_start3A = arith.constant 0 : i32
        %dma_start3A_116 = arith.constant 0 : i32
        %dma_start3A_117 = tpu.memref_slice %arg2[%dma_start3A, %dma_start3A_116] : memref<10240x128xf32, #tpu.memory_space<hbm>> -> memref<10240x128xf32, #tpu.memory_space<hbm>>
        tpu.enqueue_indirect_dma source(%dma_start3A_117 : memref<10240x128xf32, #tpu.memory_space<hbm>>) target(%arg12 : memref<128x128xf32, #tpu.memory_space<vmem>>) offsets(%arg6 : memref<128xi32, #tpu.memory_space<vmem>>) semaphore(%arg15 : memref<!tpu.dma_semaphore, #tpu.memory_space<semaphore_mem>>)
        %add3A_118 = arith.constant 128 : i32
        %add3A_119 = arith.addi %mul3A_45, %add3A_118 : i32
        %add3A_120 = arith.constant 0 : i32
        %add3A_121 = arith.addi %add3A_119, %add3A_120 : i32
        %get3A_122 = arith.index_cast %add3A_121 : i32 to index
        %get3A_123 = tpu.vector_load %arg10[%get3A_122] {strides = array<i32>} : memref<5120xi32, #tpu.memory_space<vmem>>, vector<16xi32>,
        %get3A_124 = vector.shape_cast %get3A_123 : vector<16xi32> to vector<16xi32>
        %swap3A_125 = arith.constant 0 : index
        %swap3A_126 = tpu.vector_load %arg8[%swap3A_125] {strides = array<i32>} : memref<128xi32, #tpu.memory_space<vmem>>, vector<16xi32>,
        %swap3A_127 = vector.shape_cast %swap3A_126 : vector<16xi32> to vector<16xi32>
        %swap3A_128 = vector.shape_cast %get3A_124 : vector<16xi32> to vector<16xi32>
        tpu.vector_store %arg8[%swap3A_125], %swap3A_128 {strides = array<i32>} : memref<128xi32, #tpu.memory_space<vmem>>, vector<16xi32>,
        %add3A_129 = arith.constant 16 : i32
        %add3A_130 = arith.addi %add3A_119, %add3A_129 : i32
        %get3A_131 = arith.index_cast %add3A_130 : i32 to index
        %get3A_132 = tpu.vector_load %arg10[%get3A_131] {strides = array<i32>} : memref<5120xi32, #tpu.memory_space<vmem>>, vector<16xi32>,
        %get3A_133 = vector.shape_cast %get3A_132 : vector<16xi32> to vector<16xi32>
        %swap3A_134 = arith.constant 16 : index
        %swap3A_135 = tpu.vector_load %arg8[%swap3A_134] {strides = array<i32>} : memref<128xi32, #tpu.memory_space<vmem>>, vector<16xi32>,
        %swap3A_136 = vector.shape_cast %swap3A_135 : vector<16xi32> to vector<16xi32>
        %swap3A_137 = vector.shape_cast %get3A_133 : vector<16xi32> to vector<16xi32>
        tpu.vector_store %arg8[%swap3A_134], %swap3A_137 {strides = array<i32>} : memref<128xi32, #tpu.memory_space<vmem>>, vector<16xi32>,
        %add3A_138 = arith.constant 32 : i32
        %add3A_139 = arith.addi %add3A_119, %add3A_138 : i32
        %get3A_140 = arith.index_cast %add3A_139 : i32 to index
        %get3A_141 = tpu.vector_load %arg10[%get3A_140] {strides = array<i32>} : memref<5120xi32, #tpu.memory_space<vmem>>, vector<16xi32>,
        %get3A_142 = vector.shape_cast %get3A_141 : vector<16xi32> to vector<16xi32>
        %swap3A_143 = arith.constant 32 : index
        %swap3A_144 = tpu.vector_load %arg8[%swap3A_143] {strides = array<i32>} : memref<128xi32, #tpu.memory_space<vmem>>, vector<16xi32>,
        %swap3A_145 = vector.shape_cast %swap3A_144 : vector<16xi32> to vector<16xi32>
        %swap3A_146 = vector.shape_cast %get3A_142 : vector<16xi32> to vector<16xi32>
        tpu.vector_store %arg8[%swap3A_143], %swap3A_146 {strides = array<i32>} : memref<128xi32, #tpu.memory_space<vmem>>, vector<16xi32>,
        %add3A_147 = arith.constant 48 : i32
        %add3A_148 = arith.addi %add3A_119, %add3A_147 : i32
        %get3A_149 = arith.index_cast %add3A_148 : i32 to index
        %get3A_150 = tpu.vector_load %arg10[%get3A_149] {strides = array<i32>} : memref<5120xi32, #tpu.memory_space<vmem>>, vector<16xi32>,
        %get3A_151 = vector.shape_cast %get3A_150 : vector<16xi32> to vector<16xi32>
        %swap3A_152 = arith.constant 48 : index
        %swap3A_153 = tpu.vector_load %arg8[%swap3A_152] {strides = array<i32>} : memref<128xi32, #tpu.memory_space<vmem>>, vector<16xi32>,
        %swap3A_154 = vector.shape_cast %swap3A_153 : vector<16xi32> to vector<16xi32>
        %swap3A_155 = vector.shape_cast %get3A_151 : vector<16xi32> to vector<16xi32>
        tpu.vector_store %arg8[%swap3A_152], %swap3A_155 {strides = array<i32>} : memref<128xi32, #tpu.memory_space<vmem>>, vector<16xi32>,
        %add3A_156 = arith.constant 64 : i32
        %add3A_157 = arith.addi %add3A_119, %add3A_156 : i32
        %get3A_158 = arith.index_cast %add3A_157 : i32 to index
        %get3A_159 = tpu.vector_load %arg10[%get3A_158] {strides = array<i32>} : memref<5120xi32, #tpu.memory_space<vmem>>, vector<16xi32>,
        %get3A_160 = vector.shape_cast %get3A_159 : vector<16xi32> to vector<16xi32>
        %swap3A_161 = arith.constant 64 : index
        %swap3A_162 = tpu.vector_load %arg8[%swap3A_161] {strides = array<i32>} : memref<128xi32, #tpu.memory_space<vmem>>, vector<16xi32>,
        %swap3A_163 = vector.shape_cast %swap3A_162 : vector<16xi32> to vector<16xi32>
        %swap3A_164 = vector.shape_cast %get3A_160 : vector<16xi32> to vector<16xi32>
        tpu.vector_store %arg8[%swap3A_161], %swap3A_164 {strides = array<i32>} : memref<128xi32, #tpu.memory_space<vmem>>, vector<16xi32>,
        %add3A_165 = arith.constant 80 : i32
        %add3A_166 = arith.addi %add3A_119, %add3A_165 : i32
        %get3A_167 = arith.index_cast %add3A_166 : i32 to index
        %get3A_168 = tpu.vector_load %arg10[%get3A_167] {strides = array<i32>} : memref<5120xi32, #tpu.memory_space<vmem>>, vector<16xi32>,
        %get3A_169 = vector.shape_cast %get3A_168 : vector<16xi32> to vector<16xi32>
        %swap3A_170 = arith.constant 80 : index
        %swap3A_171 = tpu.vector_load %arg8[%swap3A_170] {strides = array<i32>} : memref<128xi32, #tpu.memory_space<vmem>>, vector<16xi32>,
        %swap3A_172 = vector.shape_cast %swap3A_171 : vector<16xi32> to vector<16xi32>
        %swap3A_173 = vector.shape_cast %get3A_169 : vector<16xi32> to vector<16xi32>
        tpu.vector_store %arg8[%swap3A_170], %swap3A_173 {strides = array<i32>} : memref<128xi32, #tpu.memory_space<vmem>>, vector<16xi32>,
        %add3A_174 = arith.constant 96 : i32
        %add3A_175 = arith.addi %add3A_119, %add3A_174 : i32
        %get3A_176 = arith.index_cast %add3A_175 : i32 to index
        %get3A_177 = tpu.vector_load %arg10[%get3A_176] {strides = array<i32>} : memref<5120xi32, #tpu.memory_space<vmem>>, vector<16xi32>,
        %get3A_178 = vector.shape_cast %get3A_177 : vector<16xi32> to vector<16xi32>
        %swap3A_179 = arith.constant 96 : index
        %swap3A_180 = tpu.vector_load %arg8[%swap3A_179] {strides = array<i32>} : memref<128xi32, #tpu.memory_space<vmem>>, vector<16xi32>,
        %swap3A_181 = vector.shape_cast %swap3A_180 : vector<16xi32> to vector<16xi32>
        %swap3A_182 = vector.shape_cast %get3A_178 : vector<16xi32> to vector<16xi32>
        tpu.vector_store %arg8[%swap3A_179], %swap3A_182 {strides = array<i32>} : memref<128xi32, #tpu.memory_space<vmem>>, vector<16xi32>,
        %add3A_183 = arith.constant 112 : i32
        %add3A_184 = arith.addi %add3A_119, %add3A_183 : i32
        %get3A_185 = arith.index_cast %add3A_184 : i32 to index
        %get3A_186 = tpu.vector_load %arg10[%get3A_185] {strides = array<i32>} : memref<5120xi32, #tpu.memory_space<vmem>>, vector<16xi32>,
        %get3A_187 = vector.shape_cast %get3A_186 : vector<16xi32> to vector<16xi32>
        %swap3A_188 = arith.constant 112 : index
        %swap3A_189 = tpu.vector_load %arg8[%swap3A_188] {strides = array<i32>} : memref<128xi32, #tpu.memory_space<vmem>>, vector<16xi32>,
        %swap3A_190 = vector.shape_cast %swap3A_189 : vector<16xi32> to vector<16xi32>
        %swap3A_191 = vector.shape_cast %get3A_187 : vector<16xi32> to vector<16xi32>
        tpu.vector_store %arg8[%swap3A_188], %swap3A_191 {strides = array<i32>} : memref<128xi32, #tpu.memory_space<vmem>>, vector<16xi32>,
        %dma_start3A_192 = arith.constant 0 : i32
        %dma_start3A_193 = arith.constant 0 : i32
        %dma_start3A_194 = tpu.memref_slice %arg2[%dma_start3A_192, %dma_start3A_193] : memref<10240x128xf32, #tpu.memory_space<hbm>> -> memref<10240x128xf32, #tpu.memory_space<hbm>>
        tpu.enqueue_indirect_dma source(%dma_start3A_194 : memref<10240x128xf32, #tpu.memory_space<hbm>>) target(%arg13 : memref<128x128xf32, #tpu.memory_space<vmem>>) offsets(%arg8 : memref<128xi32, #tpu.memory_space<vmem>>) semaphore(%arg16 : memref<!tpu.dma_semaphore, #tpu.memory_space<semaphore_mem>>)
        %add3A_195 = arith.constant 0 : i32
        %add3A_196 = arith.addi %mul3A_45, %add3A_195 : i32
        %get3A_197 = arith.index_cast %add3A_196 : i32 to index
        %get3A_198 = tpu.vector_load %arg11[%get3A_197] {strides = array<i32>} : memref<5120xi32, #tpu.memory_space<vmem>>, vector<16xi32>,
        %get3A_199 = vector.shape_cast %get3A_198 : vector<16xi32> to vector<16xi32>
        %swap3A_200 = arith.constant 0 : index
        %swap3A_201 = tpu.vector_load %arg7[%swap3A_200] {strides = array<i32>} : memref<128xi32, #tpu.memory_space<vmem>>, vector<16xi32>,
        %swap3A_202 = vector.shape_cast %swap3A_201 : vector<16xi32> to vector<16xi32>
        %swap3A_203 = vector.shape_cast %get3A_199 : vector<16xi32> to vector<16xi32>
        tpu.vector_store %arg7[%swap3A_200], %swap3A_203 {strides = array<i32>} : memref<128xi32, #tpu.memory_space<vmem>>, vector<16xi32>,
        %add3A_204 = arith.constant 16 : i32
        %add3A_205 = arith.addi %mul3A_45, %add3A_204 : i32
        %get3A_206 = arith.index_cast %add3A_205 : i32 to index
        %get3A_207 = tpu.vector_load %arg11[%get3A_206] {strides = array<i32>} : memref<5120xi32, #tpu.memory_space<vmem>>, vector<16xi32>,
        %get3A_208 = vector.shape_cast %get3A_207 : vector<16xi32> to vector<16xi32>
        %swap3A_209 = arith.constant 16 : index
        %swap3A_210 = tpu.vector_load %arg7[%swap3A_209] {strides = array<i32>} : memref<128xi32, #tpu.memory_space<vmem>>, vector<16xi32>,
        %swap3A_211 = vector.shape_cast %swap3A_210 : vector<16xi32> to vector<16xi32>
        %swap3A_212 = vector.shape_cast %get3A_208 : vector<16xi32> to vector<16xi32>
        tpu.vector_store %arg7[%swap3A_209], %swap3A_212 {strides = array<i32>} : memref<128xi32, #tpu.memory_space<vmem>>, vector<16xi32>,
        %add3A_213 = arith.constant 32 : i32
        %add3A_214 = arith.addi %mul3A_45, %add3A_213 : i32
        %get3A_215 = arith.index_cast %add3A_214 : i32 to index
        %get3A_216 = tpu.vector_load %arg11[%get3A_215] {strides = array<i32>} : memref<5120xi32, #tpu.memory_space<vmem>>, vector<16xi32>,
        %get3A_217 = vector.shape_cast %get3A_216 : vector<16xi32> to vector<16xi32>
        %swap3A_218 = arith.constant 32 : index
        %swap3A_219 = tpu.vector_load %arg7[%swap3A_218] {strides = array<i32>} : memref<128xi32, #tpu.memory_space<vmem>>, vector<16xi32>,
        %swap3A_220 = vector.shape_cast %swap3A_219 : vector<16xi32> to vector<16xi32>
        %swap3A_221 = vector.shape_cast %get3A_217 : vector<16xi32> to vector<16xi32>
        tpu.vector_store %arg7[%swap3A_218], %swap3A_221 {strides = array<i32>} : memref<128xi32, #tpu.memory_space<vmem>>, vector<16xi32>,
        %add3A_222 = arith.constant 48 : i32
        %add3A_223 = arith.addi %mul3A_45, %add3A_222 : i32
        %get3A_224 = arith.index_cast %add3A_223 : i32 to index
        %get3A_225 = tpu.vector_load %arg11[%get3A_224] {strides = array<i32>} : memref<5120xi32, #tpu.memory_space<vmem>>, vector<16xi32>,
        %get3A_226 = vector.shape_cast %get3A_225 : vector<16xi32> to vector<16xi32>
        %swap3A_227 = arith.constant 48 : index
        %swap3A_228 = tpu.vector_load %arg7[%swap3A_227] {strides = array<i32>} : memref<128xi32, #tpu.memory_space<vmem>>, vector<16xi32>,
        %swap3A_229 = vector.shape_cast %swap3A_228 : vector<16xi32> to vector<16xi32>
        %swap3A_230 = vector.shape_cast %get3A_226 : vector<16xi32> to vector<16xi32>
        tpu.vector_store %arg7[%swap3A_227], %swap3A_230 {strides = array<i32>} : memref<128xi32, #tpu.memory_space<vmem>>, vector<16xi32>,
        %add3A_231 = arith.constant 64 : i32
        %add3A_232 = arith.addi %mul3A_45, %add3A_231 : i32
        %get3A_233 = arith.index_cast %add3A_232 : i32 to index
        %get3A_234 = tpu.vector_load %arg11[%get3A_233] {strides = array<i32>} : memref<5120xi32, #tpu.memory_space<vmem>>, vector<16xi32>,
        %get3A_235 = vector.shape_cast %get3A_234 : vector<16xi32> to vector<16xi32>
        %swap3A_236 = arith.constant 64 : index
        %swap3A_237 = tpu.vector_load %arg7[%swap3A_236] {strides = array<i32>} : memref<128xi32, #tpu.memory_space<vmem>>, vector<16xi32>,
        %swap3A_238 = vector.shape_cast %swap3A_237 : vector<16xi32> to vector<16xi32>
        %swap3A_239 = vector.shape_cast %get3A_235 : vector<16xi32> to vector<16xi32>
        tpu.vector_store %arg7[%swap3A_236], %swap3A_239 {strides = array<i32>} : memref<128xi32, #tpu.memory_space<vmem>>, vector<16xi32>,
        %add3A_240 = arith.constant 80 : i32
        %add3A_241 = arith.addi %mul3A_45, %add3A_240 : i32
        %get3A_242 = arith.index_cast %add3A_241 : i32 to index
        %get3A_243 = tpu.vector_load %arg11[%get3A_242] {strides = array<i32>} : memref<5120xi32, #tpu.memory_space<vmem>>, vector<16xi32>,
        %get3A_244 = vector.shape_cast %get3A_243 : vector<16xi32> to vector<16xi32>
        %swap3A_245 = arith.constant 80 : index
        %swap3A_246 = tpu.vector_load %arg7[%swap3A_245] {strides = array<i32>} : memref<128xi32, #tpu.memory_space<vmem>>, vector<16xi32>,
        %swap3A_247 = vector.shape_cast %swap3A_246 : vector<16xi32> to vector<16xi32>
        %swap3A_248 = vector.shape_cast %get3A_244 : vector<16xi32> to vector<16xi32>
        tpu.vector_store %arg7[%swap3A_245], %swap3A_248 {strides = array<i32>} : memref<128xi32, #tpu.memory_space<vmem>>, vector<16xi32>,
        %add3A_249 = arith.constant 96 : i32
        %add3A_250 = arith.addi %mul3A_45, %add3A_249 : i32
        %get3A_251 = arith.index_cast %add3A_250 : i32 to index
        %get3A_252 = tpu.vector_load %arg11[%get3A_251] {strides = array<i32>} : memref<5120xi32, #tpu.memory_space<vmem>>, vector<16xi32>,
        %get3A_253 = vector.shape_cast %get3A_252 : vector<16xi32> to vector<16xi32>
        %swap3A_254 = arith.constant 96 : index
        %swap3A_255 = tpu.vector_load %arg7[%swap3A_254] {strides = array<i32>} : memref<128xi32, #tpu.memory_space<vmem>>, vector<16xi32>,
        %swap3A_256 = vector.shape_cast %swap3A_255 : vector<16xi32> to vector<16xi32>
        %swap3A_257 = vector.shape_cast %get3A_253 : vector<16xi32> to vector<16xi32>
        tpu.vector_store %arg7[%swap3A_254], %swap3A_257 {strides = array<i32>} : memref<128xi32, #tpu.memory_space<vmem>>, vector<16xi32>,
        %add3A_258 = arith.constant 112 : i32
        %add3A_259 = arith.addi %mul3A_45, %add3A_258 : i32
        %get3A_260 = arith.index_cast %add3A_259 : i32 to index
        %get3A_261 = tpu.vector_load %arg11[%get3A_260] {strides = array<i32>} : memref<5120xi32, #tpu.memory_space<vmem>>, vector<16xi32>,
        %get3A_262 = vector.shape_cast %get3A_261 : vector<16xi32> to vector<16xi32>
        %swap3A_263 = arith.constant 112 : index
        %swap3A_264 = tpu.vector_load %arg7[%swap3A_263] {strides = array<i32>} : memref<128xi32, #tpu.memory_space<vmem>>, vector<16xi32>,
        %swap3A_265 = vector.shape_cast %swap3A_264 : vector<16xi32> to vector<16xi32>
        %swap3A_266 = vector.shape_cast %get3A_262 : vector<16xi32> to vector<16xi32>
        tpu.vector_store %arg7[%swap3A_263], %swap3A_266 {strides = array<i32>} : memref<128xi32, #tpu.memory_space<vmem>>, vector<16xi32>,
        %dma_wait3A = arith.constant 0 : i32
        %dma_wait3A_267 = arith.constant 0 : i32
        %dma_wait3A_268 = tpu.memref_slice %arg2[%dma_wait3A, %dma_wait3A_267] : memref<10240x128xf32, #tpu.memory_space<hbm>> -> memref<10240x128xf32, #tpu.memory_space<hbm>>
        tpu.wait_indirect_dma semaphore(%arg15 : memref<!tpu.dma_semaphore, #tpu.memory_space<semaphore_mem>>) src(%dma_wait3A_268 : memref<10240x128xf32, #tpu.memory_space<hbm>>) dst(%arg12 : memref<128x128xf32, #tpu.memory_space<vmem>>)
        "tpu.region"() ({
          %run_scoped3A = tpu.sem_alloc : memref<!tpu.dma_semaphore, #tpu.memory_space<semaphore_mem>>
          %dma_start3A_654 = arith.constant 0 : i32
          %dma_start3A_655 = arith.constant 0 : i32
          %dma_start3A_656 = tpu.memref_slice %arg14[%dma_start3A_654, %dma_start3A_655] : memref<10240x128xf32, #tpu.memory_space<vmem_shared>> -> memref<10240x128xf32, #tpu.memory_space<vmem_shared>>
          tpu.enqueue_indirect_dma source(%arg12 : memref<128x128xf32, #tpu.memory_space<vmem>>) target(%dma_start3A_656 : memref<10240x128xf32, #tpu.memory_space<vmem_shared>>) offsets(%arg7 : memref<128xi32, #tpu.memory_space<vmem>>) semaphore(%run_scoped3A : memref<!tpu.dma_semaphore, #tpu.memory_space<semaphore_mem>>) {add = true}
          %dma_wait3A_657 = arith.constant 0 : i32
          %dma_wait3A_658 = arith.constant 0 : i32
          %dma_wait3A_659 = tpu.memref_slice %arg14[%dma_wait3A_657, %dma_wait3A_658] : memref<10240x128xf32, #tpu.memory_space<vmem_shared>> -> memref<10240x128xf32, #tpu.memory_space<vmem_shared>>
          tpu.wait_indirect_dma semaphore(%run_scoped3A : memref<!tpu.dma_semaphore, #tpu.memory_space<semaphore_mem>>) src(%arg12 : memref<128x128xf32, #tpu.memory_space<vmem>>) dst(%dma_wait3A_659 : memref<10240x128xf32, #tpu.memory_space<vmem_shared>>)
          tpu.yield
        }) : () -> ()
        %add3A_269 = arith.constant 256 : i32
        %add3A_270 = arith.addi %mul3A_45, %add3A_269 : i32
        %add3A_271 = arith.constant 0 : i32
        %add3A_272 = arith.addi %add3A_270, %add3A_271 : i32
        %get3A_273 = arith.index_cast %add3A_272 : i32 to index
        %get3A_274 = tpu.vector_load %arg10[%get3A_273] {strides = array<i32>} : memref<5120xi32, #tpu.memory_space<vmem>>, vector<16xi32>,
        %get3A_275 = vector.shape_cast %get3A_274 : vector<16xi32> to vector<16xi32>
        %swap3A_276 = arith.constant 0 : index
        %swap3A_277 = tpu.vector_load %arg6[%swap3A_276] {strides = array<i32>} : memref<128xi32, #tpu.memory_space<vmem>>, vector<16xi32>,
        %swap3A_278 = vector.shape_cast %swap3A_277 : vector<16xi32> to vector<16xi32>
        %swap3A_279 = vector.shape_cast %get3A_275 : vector<16xi32> to vector<16xi32>
        tpu.vector_store %arg6[%swap3A_276], %swap3A_279 {strides = array<i32>} : memref<128xi32, #tpu.memory_space<vmem>>, vector<16xi32>,
        %add3A_280 = arith.constant 16 : i32
        %add3A_281 = arith.addi %add3A_270, %add3A_280 : i32
        %get3A_282 = arith.index_cast %add3A_281 : i32 to index
        %get3A_283 = tpu.vector_load %arg10[%get3A_282] {strides = array<i32>} : memref<5120xi32, #tpu.memory_space<vmem>>, vector<16xi32>,
        %get3A_284 = vector.shape_cast %get3A_283 : vector<16xi32> to vector<16xi32>
        %swap3A_285 = arith.constant 16 : index
        %swap3A_286 = tpu.vector_load %arg6[%swap3A_285] {strides = array<i32>} : memref<128xi32, #tpu.memory_space<vmem>>, vector<16xi32>,
        %swap3A_287 = vector.shape_cast %swap3A_286 : vector<16xi32> to vector<16xi32>
        %swap3A_288 = vector.shape_cast %get3A_284 : vector<16xi32> to vector<16xi32>
        tpu.vector_store %arg6[%swap3A_285], %swap3A_288 {strides = array<i32>} : memref<128xi32, #tpu.memory_space<vmem>>, vector<16xi32>,
        %add3A_289 = arith.constant 32 : i32
        %add3A_290 = arith.addi %add3A_270, %add3A_289 : i32
        %get3A_291 = arith.index_cast %add3A_290 : i32 to index
        %get3A_292 = tpu.vector_load %arg10[%get3A_291] {strides = array<i32>} : memref<5120xi32, #tpu.memory_space<vmem>>, vector<16xi32>,
        %get3A_293 = vector.shape_cast %get3A_292 : vector<16xi32> to vector<16xi32>
        %swap3A_294 = arith.constant 32 : index
        %swap3A_295 = tpu.vector_load %arg6[%swap3A_294] {strides = array<i32>} : memref<128xi32, #tpu.memory_space<vmem>>, vector<16xi32>,
        %swap3A_296 = vector.shape_cast %swap3A_295 : vector<16xi32> to vector<16xi32>
        %swap3A_297 = vector.shape_cast %get3A_293 : vector<16xi32> to vector<16xi32>
        tpu.vector_store %arg6[%swap3A_294], %swap3A_297 {strides = array<i32>} : memref<128xi32, #tpu.memory_space<vmem>>, vector<16xi32>,
        %add3A_298 = arith.constant 48 : i32
        %add3A_299 = arith.addi %add3A_270, %add3A_298 : i32
        %get3A_300 = arith.index_cast %add3A_299 : i32 to index
        %get3A_301 = tpu.vector_load %arg10[%get3A_300] {strides = array<i32>} : memref<5120xi32, #tpu.memory_space<vmem>>, vector<16xi32>,
        %get3A_302 = vector.shape_cast %get3A_301 : vector<16xi32> to vector<16xi32>
        %swap3A_303 = arith.constant 48 : index
        %swap3A_304 = tpu.vector_load %arg6[%swap3A_303] {strides = array<i32>} : memref<128xi32, #tpu.memory_space<vmem>>, vector<16xi32>,
        %swap3A_305 = vector.shape_cast %swap3A_304 : vector<16xi32> to vector<16xi32>
        %swap3A_306 = vector.shape_cast %get3A_302 : vector<16xi32> to vector<16xi32>
        tpu.vector_store %arg6[%swap3A_303], %swap3A_306 {strides = array<i32>} : memref<128xi32, #tpu.memory_space<vmem>>, vector<16xi32>,
        %add3A_307 = arith.constant 64 : i32
        %add3A_308 = arith.addi %add3A_270, %add3A_307 : i32
        %get3A_309 = arith.index_cast %add3A_308 : i32 to index
        %get3A_310 = tpu.vector_load %arg10[%get3A_309] {strides = array<i32>} : memref<5120xi32, #tpu.memory_space<vmem>>, vector<16xi32>,
        %get3A_311 = vector.shape_cast %get3A_310 : vector<16xi32> to vector<16xi32>
        %swap3A_312 = arith.constant 64 : index
        %swap3A_313 = tpu.vector_load %arg6[%swap3A_312] {strides = array<i32>} : memref<128xi32, #tpu.memory_space<vmem>>, vector<16xi32>,
        %swap3A_314 = vector.shape_cast %swap3A_313 : vector<16xi32> to vector<16xi32>
        %swap3A_315 = vector.shape_cast %get3A_311 : vector<16xi32> to vector<16xi32>
        tpu.vector_store %arg6[%swap3A_312], %swap3A_315 {strides = array<i32>} : memref<128xi32, #tpu.memory_space<vmem>>, vector<16xi32>,
        %add3A_316 = arith.constant 80 : i32
        %add3A_317 = arith.addi %add3A_270, %add3A_316 : i32
        %get3A_318 = arith.index_cast %add3A_317 : i32 to index
        %get3A_319 = tpu.vector_load %arg10[%get3A_318] {strides = array<i32>} : memref<5120xi32, #tpu.memory_space<vmem>>, vector<16xi32>,
        %get3A_320 = vector.shape_cast %get3A_319 : vector<16xi32> to vector<16xi32>
        %swap3A_321 = arith.constant 80 : index
        %swap3A_322 = tpu.vector_load %arg6[%swap3A_321] {strides = array<i32>} : memref<128xi32, #tpu.memory_space<vmem>>, vector<16xi32>,
        %swap3A_323 = vector.shape_cast %swap3A_322 : vector<16xi32> to vector<16xi32>
        %swap3A_324 = vector.shape_cast %get3A_320 : vector<16xi32> to vector<16xi32>
        tpu.vector_store %arg6[%swap3A_321], %swap3A_324 {strides = array<i32>} : memref<128xi32, #tpu.memory_space<vmem>>, vector<16xi32>,
        %add3A_325 = arith.constant 96 : i32
        %add3A_326 = arith.addi %add3A_270, %add3A_325 : i32
        %get3A_327 = arith.index_cast %add3A_326 : i32 to index
        %get3A_328 = tpu.vector_load %arg10[%get3A_327] {strides = array<i32>} : memref<5120xi32, #tpu.memory_space<vmem>>, vector<16xi32>,
        %get3A_329 = vector.shape_cast %get3A_328 : vector<16xi32> to vector<16xi32>
        %swap3A_330 = arith.constant 96 : index
        %swap3A_331 = tpu.vector_load %arg6[%swap3A_330] {strides = array<i32>} : memref<128xi32, #tpu.memory_space<vmem>>, vector<16xi32>,
        %swap3A_332 = vector.shape_cast %swap3A_331 : vector<16xi32> to vector<16xi32>
        %swap3A_333 = vector.shape_cast %get3A_329 : vector<16xi32> to vector<16xi32>
        tpu.vector_store %arg6[%swap3A_330], %swap3A_333 {strides = array<i32>} : memref<128xi32, #tpu.memory_space<vmem>>, vector<16xi32>,
        %add3A_334 = arith.constant 112 : i32
        %add3A_335 = arith.addi %add3A_270, %add3A_334 : i32
        %get3A_336 = arith.index_cast %add3A_335 : i32 to index
        %get3A_337 = tpu.vector_load %arg10[%get3A_336] {strides = array<i32>} : memref<5120xi32, #tpu.memory_space<vmem>>, vector<16xi32>,
        %get3A_338 = vector.shape_cast %get3A_337 : vector<16xi32> to vector<16xi32>
        %swap3A_339 = arith.constant 112 : index
        %swap3A_340 = tpu.vector_load %arg6[%swap3A_339] {strides = array<i32>} : memref<128xi32, #tpu.memory_space<vmem>>, vector<16xi32>,
        %swap3A_341 = vector.shape_cast %swap3A_340 : vector<16xi32> to vector<16xi32>
        %swap3A_342 = vector.shape_cast %get3A_338 : vector<16xi32> to vector<16xi32>
        tpu.vector_store %arg6[%swap3A_339], %swap3A_342 {strides = array<i32>} : memref<128xi32, #tpu.memory_space<vmem>>, vector<16xi32>,
        %dma_start3A_343 = arith.constant 0 : i32
        %dma_start3A_344 = arith.constant 0 : i32
        %dma_start3A_345 = tpu.memref_slice %arg2[%dma_start3A_343, %dma_start3A_344] : memref<10240x128xf32, #tpu.memory_space<hbm>> -> memref<10240x128xf32, #tpu.memory_space<hbm>>
        tpu.enqueue_indirect_dma source(%dma_start3A_345 : memref<10240x128xf32, #tpu.memory_space<hbm>>) target(%arg12 : memref<128x128xf32, #tpu.memory_space<vmem>>) offsets(%arg6 : memref<128xi32, #tpu.memory_space<vmem>>) semaphore(%arg15 : memref<!tpu.dma_semaphore, #tpu.memory_space<semaphore_mem>>)
        %add3A_346 = arith.constant 128 : i32
        %add3A_347 = arith.addi %mul3A_45, %add3A_346 : i32
        %add3A_348 = arith.constant 0 : i32
        %add3A_349 = arith.addi %add3A_347, %add3A_348 : i32
        %get3A_350 = arith.index_cast %add3A_349 : i32 to index
        %get3A_351 = tpu.vector_load %arg11[%get3A_350] {strides = array<i32>} : memref<5120xi32, #tpu.memory_space<vmem>>, vector<16xi32>,
        %get3A_352 = vector.shape_cast %get3A_351 : vector<16xi32> to vector<16xi32>
        %swap3A_353 = arith.constant 0 : index
        %swap3A_354 = tpu.vector_load %arg9[%swap3A_353] {strides = array<i32>} : memref<128xi32, #tpu.memory_space<vmem>>, vector<16xi32>,
        %swap3A_355 = vector.shape_cast %swap3A_354 : vector<16xi32> to vector<16xi32>
        %swap3A_356 = vector.shape_cast %get3A_352 : vector<16xi32> to vector<16xi32>
        tpu.vector_store %arg9[%swap3A_353], %swap3A_356 {strides = array<i32>} : memref<128xi32, #tpu.memory_space<vmem>>, vector<16xi32>,
        %add3A_357 = arith.constant 16 : i32
        %add3A_358 = arith.addi %add3A_347, %add3A_357 : i32
        %get3A_359 = arith.index_cast %add3A_358 : i32 to index
        %get3A_360 = tpu.vector_load %arg11[%get3A_359] {strides = array<i32>} : memref<5120xi32, #tpu.memory_space<vmem>>, vector<16xi32>,
        %get3A_361 = vector.shape_cast %get3A_360 : vector<16xi32> to vector<16xi32>
        %swap3A_362 = arith.constant 16 : index
        %swap3A_363 = tpu.vector_load %arg9[%swap3A_362] {strides = array<i32>} : memref<128xi32, #tpu.memory_space<vmem>>, vector<16xi32>,
        %swap3A_364 = vector.shape_cast %swap3A_363 : vector<16xi32> to vector<16xi32>
        %swap3A_365 = vector.shape_cast %get3A_361 : vector<16xi32> to vector<16xi32>
        tpu.vector_store %arg9[%swap3A_362], %swap3A_365 {strides = array<i32>} : memref<128xi32, #tpu.memory_space<vmem>>, vector<16xi32>,
        %add3A_366 = arith.constant 32 : i32
        %add3A_367 = arith.addi %add3A_347, %add3A_366 : i32
        %get3A_368 = arith.index_cast %add3A_367 : i32 to index
        %get3A_369 = tpu.vector_load %arg11[%get3A_368] {strides = array<i32>} : memref<5120xi32, #tpu.memory_space<vmem>>, vector<16xi32>,
        %get3A_370 = vector.shape_cast %get3A_369 : vector<16xi32> to vector<16xi32>
        %swap3A_371 = arith.constant 32 : index
        %swap3A_372 = tpu.vector_load %arg9[%swap3A_371] {strides = array<i32>} : memref<128xi32, #tpu.memory_space<vmem>>, vector<16xi32>,
        %swap3A_373 = vector.shape_cast %swap3A_372 : vector<16xi32> to vector<16xi32>
        %swap3A_374 = vector.shape_cast %get3A_370 : vector<16xi32> to vector<16xi32>
        tpu.vector_store %arg9[%swap3A_371], %swap3A_374 {strides = array<i32>} : memref<128xi32, #tpu.memory_space<vmem>>, vector<16xi32>,
        %add3A_375 = arith.constant 48 : i32
        %add3A_376 = arith.addi %add3A_347, %add3A_375 : i32
        %get3A_377 = arith.index_cast %add3A_376 : i32 to index
        %get3A_378 = tpu.vector_load %arg11[%get3A_377] {strides = array<i32>} : memref<5120xi32, #tpu.memory_space<vmem>>, vector<16xi32>,
        %get3A_379 = vector.shape_cast %get3A_378 : vector<16xi32> to vector<16xi32>
        %swap3A_380 = arith.constant 48 : index
        %swap3A_381 = tpu.vector_load %arg9[%swap3A_380] {strides = array<i32>} : memref<128xi32, #tpu.memory_space<vmem>>, vector<16xi32>,
        %swap3A_382 = vector.shape_cast %swap3A_381 : vector<16xi32> to vector<16xi32>
        %swap3A_383 = vector.shape_cast %get3A_379 : vector<16xi32> to vector<16xi32>
        tpu.vector_store %arg9[%swap3A_380], %swap3A_383 {strides = array<i32>} : memref<128xi32, #tpu.memory_space<vmem>>, vector<16xi32>,
        %add3A_384 = arith.constant 64 : i32
        %add3A_385 = arith.addi %add3A_347, %add3A_384 : i32
        %get3A_386 = arith.index_cast %add3A_385 : i32 to index
        %get3A_387 = tpu.vector_load %arg11[%get3A_386] {strides = array<i32>} : memref<5120xi32, #tpu.memory_space<vmem>>, vector<16xi32>,
        %get3A_388 = vector.shape_cast %get3A_387 : vector<16xi32> to vector<16xi32>
        %swap3A_389 = arith.constant 64 : index
        %swap3A_390 = tpu.vector_load %arg9[%swap3A_389] {strides = array<i32>} : memref<128xi32, #tpu.memory_space<vmem>>, vector<16xi32>,
        %swap3A_391 = vector.shape_cast %swap3A_390 : vector<16xi32> to vector<16xi32>
        %swap3A_392 = vector.shape_cast %get3A_388 : vector<16xi32> to vector<16xi32>
        tpu.vector_store %arg9[%swap3A_389], %swap3A_392 {strides = array<i32>} : memref<128xi32, #tpu.memory_space<vmem>>, vector<16xi32>,
        %add3A_393 = arith.constant 80 : i32
        %add3A_394 = arith.addi %add3A_347, %add3A_393 : i32
        %get3A_395 = arith.index_cast %add3A_394 : i32 to index
        %get3A_396 = tpu.vector_load %arg11[%get3A_395] {strides = array<i32>} : memref<5120xi32, #tpu.memory_space<vmem>>, vector<16xi32>,
        %get3A_397 = vector.shape_cast %get3A_396 : vector<16xi32> to vector<16xi32>
        %swap3A_398 = arith.constant 80 : index
        %swap3A_399 = tpu.vector_load %arg9[%swap3A_398] {strides = array<i32>} : memref<128xi32, #tpu.memory_space<vmem>>, vector<16xi32>,
        %swap3A_400 = vector.shape_cast %swap3A_399 : vector<16xi32> to vector<16xi32>
        %swap3A_401 = vector.shape_cast %get3A_397 : vector<16xi32> to vector<16xi32>
        tpu.vector_store %arg9[%swap3A_398], %swap3A_401 {strides = array<i32>} : memref<128xi32, #tpu.memory_space<vmem>>, vector<16xi32>,
        %add3A_402 = arith.constant 96 : i32
        %add3A_403 = arith.addi %add3A_347, %add3A_402 : i32
        %get3A_404 = arith.index_cast %add3A_403 : i32 to index
        %get3A_405 = tpu.vector_load %arg11[%get3A_404] {strides = array<i32>} : memref<5120xi32, #tpu.memory_space<vmem>>, vector<16xi32>,
        %get3A_406 = vector.shape_cast %get3A_405 : vector<16xi32> to vector<16xi32>
        %swap3A_407 = arith.constant 96 : index
        %swap3A_408 = tpu.vector_load %arg9[%swap3A_407] {strides = array<i32>} : memref<128xi32, #tpu.memory_space<vmem>>, vector<16xi32>,
        %swap3A_409 = vector.shape_cast %swap3A_408 : vector<16xi32> to vector<16xi32>
        %swap3A_410 = vector.shape_cast %get3A_406 : vector<16xi32> to vector<16xi32>
        tpu.vector_store %arg9[%swap3A_407], %swap3A_410 {strides = array<i32>} : memref<128xi32, #tpu.memory_space<vmem>>, vector<16xi32>,
        %add3A_411 = arith.constant 112 : i32
        %add3A_412 = arith.addi %add3A_347, %add3A_411 : i32
        %get3A_413 = arith.index_cast %add3A_412 : i32 to index
        %get3A_414 = tpu.vector_load %arg11[%get3A_413] {strides = array<i32>} : memref<5120xi32, #tpu.memory_space<vmem>>, vector<16xi32>,
        %get3A_415 = vector.shape_cast %get3A_414 : vector<16xi32> to vector<16xi32>
        %swap3A_416 = arith.constant 112 : index
        %swap3A_417 = tpu.vector_load %arg9[%swap3A_416] {strides = array<i32>} : memref<128xi32, #tpu.memory_space<vmem>>, vector<16xi32>,
        %swap3A_418 = vector.shape_cast %swap3A_417 : vector<16xi32> to vector<16xi32>
        %swap3A_419 = vector.shape_cast %get3A_415 : vector<16xi32> to vector<16xi32>
        tpu.vector_store %arg9[%swap3A_416], %swap3A_419 {strides = array<i32>} : memref<128xi32, #tpu.memory_space<vmem>>, vector<16xi32>,
        %dma_wait3A_420 = arith.constant 0 : i32
        %dma_wait3A_421 = arith.constant 0 : i32
        %dma_wait3A_422 = tpu.memref_slice %arg2[%dma_wait3A_420, %dma_wait3A_421] : memref<10240x128xf32, #tpu.memory_space<hbm>> -> memref<10240x128xf32, #tpu.memory_space<hbm>>
        tpu.wait_indirect_dma semaphore(%arg16 : memref<!tpu.dma_semaphore, #tpu.memory_space<semaphore_mem>>) src(%dma_wait3A_422 : memref<10240x128xf32, #tpu.memory_space<hbm>>) dst(%arg13 : memref<128x128xf32, #tpu.memory_space<vmem>>)
        "tpu.region"() ({
          %run_scoped3A = tpu.sem_alloc : memref<!tpu.dma_semaphore, #tpu.memory_space<semaphore_mem>>
          %dma_start3A_654 = arith.constant 0 : i32
          %dma_start3A_655 = arith.constant 0 : i32
          %dma_start3A_656 = tpu.memref_slice %arg14[%dma_start3A_654, %dma_start3A_655] : memref<10240x128xf32, #tpu.memory_space<vmem_shared>> -> memref<10240x128xf32, #tpu.memory_space<vmem_shared>>
          tpu.enqueue_indirect_dma source(%arg13 : memref<128x128xf32, #tpu.memory_space<vmem>>) target(%dma_start3A_656 : memref<10240x128xf32, #tpu.memory_space<vmem_shared>>) offsets(%arg9 : memref<128xi32, #tpu.memory_space<vmem>>) semaphore(%run_scoped3A : memref<!tpu.dma_semaphore, #tpu.memory_space<semaphore_mem>>) {add = true}
          %dma_wait3A_657 = arith.constant 0 : i32
          %dma_wait3A_658 = arith.constant 0 : i32
          %dma_wait3A_659 = tpu.memref_slice %arg14[%dma_wait3A_657, %dma_wait3A_658] : memref<10240x128xf32, #tpu.memory_space<vmem_shared>> -> memref<10240x128xf32, #tpu.memory_space<vmem_shared>>
          tpu.wait_indirect_dma semaphore(%run_scoped3A : memref<!tpu.dma_semaphore, #tpu.memory_space<semaphore_mem>>) src(%arg13 : memref<128x128xf32, #tpu.memory_space<vmem>>) dst(%dma_wait3A_659 : memref<10240x128xf32, #tpu.memory_space<vmem_shared>>)
          tpu.yield
        }) : () -> ()
        %add3A_423 = arith.constant 384 : i32
        %add3A_424 = arith.addi %mul3A_45, %add3A_423 : i32
        %add3A_425 = arith.constant 0 : i32
        %add3A_426 = arith.addi %add3A_424, %add3A_425 : i32
        %get3A_427 = arith.index_cast %add3A_426 : i32 to index
        %get3A_428 = tpu.vector_load %arg10[%get3A_427] {strides = array<i32>} : memref<5120xi32, #tpu.memory_space<vmem>>, vector<16xi32>,
        %get3A_429 = vector.shape_cast %get3A_428 : vector<16xi32> to vector<16xi32>
        %swap3A_430 = arith.constant 0 : index
        %swap3A_431 = tpu.vector_load %arg8[%swap3A_430] {strides = array<i32>} : memref<128xi32, #tpu.memory_space<vmem>>, vector<16xi32>,
        %swap3A_432 = vector.shape_cast %swap3A_431 : vector<16xi32> to vector<16xi32>
        %swap3A_433 = vector.shape_cast %get3A_429 : vector<16xi32> to vector<16xi32>
        tpu.vector_store %arg8[%swap3A_430], %swap3A_433 {strides = array<i32>} : memref<128xi32, #tpu.memory_space<vmem>>, vector<16xi32>,
        %add3A_434 = arith.constant 16 : i32
        %add3A_435 = arith.addi %add3A_424, %add3A_434 : i32
        %get3A_436 = arith.index_cast %add3A_435 : i32 to index
        %get3A_437 = tpu.vector_load %arg10[%get3A_436] {strides = array<i32>} : memref<5120xi32, #tpu.memory_space<vmem>>, vector<16xi32>,
        %get3A_438 = vector.shape_cast %get3A_437 : vector<16xi32> to vector<16xi32>
        %swap3A_439 = arith.constant 16 : index
        %swap3A_440 = tpu.vector_load %arg8[%swap3A_439] {strides = array<i32>} : memref<128xi32, #tpu.memory_space<vmem>>, vector<16xi32>,
        %swap3A_441 = vector.shape_cast %swap3A_440 : vector<16xi32> to vector<16xi32>
        %swap3A_442 = vector.shape_cast %get3A_438 : vector<16xi32> to vector<16xi32>
        tpu.vector_store %arg8[%swap3A_439], %swap3A_442 {strides = array<i32>} : memref<128xi32, #tpu.memory_space<vmem>>, vector<16xi32>,
        %add3A_443 = arith.constant 32 : i32
        %add3A_444 = arith.addi %add3A_424, %add3A_443 : i32
        %get3A_445 = arith.index_cast %add3A_444 : i32 to index
        %get3A_446 = tpu.vector_load %arg10[%get3A_445] {strides = array<i32>} : memref<5120xi32, #tpu.memory_space<vmem>>, vector<16xi32>,
        %get3A_447 = vector.shape_cast %get3A_446 : vector<16xi32> to vector<16xi32>
        %swap3A_448 = arith.constant 32 : index
        %swap3A_449 = tpu.vector_load %arg8[%swap3A_448] {strides = array<i32>} : memref<128xi32, #tpu.memory_space<vmem>>, vector<16xi32>,
        %swap3A_450 = vector.shape_cast %swap3A_449 : vector<16xi32> to vector<16xi32>
        %swap3A_451 = vector.shape_cast %get3A_447 : vector<16xi32> to vector<16xi32>
        tpu.vector_store %arg8[%swap3A_448], %swap3A_451 {strides = array<i32>} : memref<128xi32, #tpu.memory_space<vmem>>, vector<16xi32>,
        %add3A_452 = arith.constant 48 : i32
        %add3A_453 = arith.addi %add3A_424, %add3A_452 : i32
        %get3A_454 = arith.index_cast %add3A_453 : i32 to index
        %get3A_455 = tpu.vector_load %arg10[%get3A_454] {strides = array<i32>} : memref<5120xi32, #tpu.memory_space<vmem>>, vector<16xi32>,
        %get3A_456 = vector.shape_cast %get3A_455 : vector<16xi32> to vector<16xi32>
        %swap3A_457 = arith.constant 48 : index
        %swap3A_458 = tpu.vector_load %arg8[%swap3A_457] {strides = array<i32>} : memref<128xi32, #tpu.memory_space<vmem>>, vector<16xi32>,
        %swap3A_459 = vector.shape_cast %swap3A_458 : vector<16xi32> to vector<16xi32>
        %swap3A_460 = vector.shape_cast %get3A_456 : vector<16xi32> to vector<16xi32>
        tpu.vector_store %arg8[%swap3A_457], %swap3A_460 {strides = array<i32>} : memref<128xi32, #tpu.memory_space<vmem>>, vector<16xi32>,
        %add3A_461 = arith.constant 64 : i32
        %add3A_462 = arith.addi %add3A_424, %add3A_461 : i32
        %get3A_463 = arith.index_cast %add3A_462 : i32 to index
        %get3A_464 = tpu.vector_load %arg10[%get3A_463] {strides = array<i32>} : memref<5120xi32, #tpu.memory_space<vmem>>, vector<16xi32>,
        %get3A_465 = vector.shape_cast %get3A_464 : vector<16xi32> to vector<16xi32>
        %swap3A_466 = arith.constant 64 : index
        %swap3A_467 = tpu.vector_load %arg8[%swap3A_466] {strides = array<i32>} : memref<128xi32, #tpu.memory_space<vmem>>, vector<16xi32>,
        %swap3A_468 = vector.shape_cast %swap3A_467 : vector<16xi32> to vector<16xi32>
        %swap3A_469 = vector.shape_cast %get3A_465 : vector<16xi32> to vector<16xi32>
        tpu.vector_store %arg8[%swap3A_466], %swap3A_469 {strides = array<i32>} : memref<128xi32, #tpu.memory_space<vmem>>, vector<16xi32>,
        %add3A_470 = arith.constant 80 : i32
        %add3A_471 = arith.addi %add3A_424, %add3A_470 : i32
        %get3A_472 = arith.index_cast %add3A_471 : i32 to index
        %get3A_473 = tpu.vector_load %arg10[%get3A_472] {strides = array<i32>} : memref<5120xi32, #tpu.memory_space<vmem>>, vector<16xi32>,
        %get3A_474 = vector.shape_cast %get3A_473 : vector<16xi32> to vector<16xi32>
        %swap3A_475 = arith.constant 80 : index
        %swap3A_476 = tpu.vector_load %arg8[%swap3A_475] {strides = array<i32>} : memref<128xi32, #tpu.memory_space<vmem>>, vector<16xi32>,
        %swap3A_477 = vector.shape_cast %swap3A_476 : vector<16xi32> to vector<16xi32>
        %swap3A_478 = vector.shape_cast %get3A_474 : vector<16xi32> to vector<16xi32>
        tpu.vector_store %arg8[%swap3A_475], %swap3A_478 {strides = array<i32>} : memref<128xi32, #tpu.memory_space<vmem>>, vector<16xi32>,
        %add3A_479 = arith.constant 96 : i32
        %add3A_480 = arith.addi %add3A_424, %add3A_479 : i32
        %get3A_481 = arith.index_cast %add3A_480 : i32 to index
        %get3A_482 = tpu.vector_load %arg10[%get3A_481] {strides = array<i32>} : memref<5120xi32, #tpu.memory_space<vmem>>, vector<16xi32>,
        %get3A_483 = vector.shape_cast %get3A_482 : vector<16xi32> to vector<16xi32>
        %swap3A_484 = arith.constant 96 : index
        %swap3A_485 = tpu.vector_load %arg8[%swap3A_484] {strides = array<i32>} : memref<128xi32, #tpu.memory_space<vmem>>, vector<16xi32>,
        %swap3A_486 = vector.shape_cast %swap3A_485 : vector<16xi32> to vector<16xi32>
        %swap3A_487 = vector.shape_cast %get3A_483 : vector<16xi32> to vector<16xi32>
        tpu.vector_store %arg8[%swap3A_484], %swap3A_487 {strides = array<i32>} : memref<128xi32, #tpu.memory_space<vmem>>, vector<16xi32>,
        %add3A_488 = arith.constant 112 : i32
        %add3A_489 = arith.addi %add3A_424, %add3A_488 : i32
        %get3A_490 = arith.index_cast %add3A_489 : i32 to index
        %get3A_491 = tpu.vector_load %arg10[%get3A_490] {strides = array<i32>} : memref<5120xi32, #tpu.memory_space<vmem>>, vector<16xi32>,
        %get3A_492 = vector.shape_cast %get3A_491 : vector<16xi32> to vector<16xi32>
        %swap3A_493 = arith.constant 112 : index
        %swap3A_494 = tpu.vector_load %arg8[%swap3A_493] {strides = array<i32>} : memref<128xi32, #tpu.memory_space<vmem>>, vector<16xi32>,
        %swap3A_495 = vector.shape_cast %swap3A_494 : vector<16xi32> to vector<16xi32>
        %swap3A_496 = vector.shape_cast %get3A_492 : vector<16xi32> to vector<16xi32>
        tpu.vector_store %arg8[%swap3A_493], %swap3A_496 {strides = array<i32>} : memref<128xi32, #tpu.memory_space<vmem>>, vector<16xi32>,
        %dma_start3A_497 = arith.constant 0 : i32
        %dma_start3A_498 = arith.constant 0 : i32
        %dma_start3A_499 = tpu.memref_slice %arg2[%dma_start3A_497, %dma_start3A_498] : memref<10240x128xf32, #tpu.memory_space<hbm>> -> memref<10240x128xf32, #tpu.memory_space<hbm>>
        tpu.enqueue_indirect_dma source(%dma_start3A_499 : memref<10240x128xf32, #tpu.memory_space<hbm>>) target(%arg13 : memref<128x128xf32, #tpu.memory_space<vmem>>) offsets(%arg8 : memref<128xi32, #tpu.memory_space<vmem>>) semaphore(%arg16 : memref<!tpu.dma_semaphore, #tpu.memory_space<semaphore_mem>>)
        %add3A_500 = arith.constant 256 : i32
        %add3A_501 = arith.addi %mul3A_45, %add3A_500 : i32
        %add3A_502 = arith.constant 0 : i32
        %add3A_503 = arith.addi %add3A_501, %add3A_502 : i32
        %get3A_504 = arith.index_cast %add3A_503 : i32 to index
        %get3A_505 = tpu.vector_load %arg11[%get3A_504] {strides = array<i32>} : memref<5120xi32, #tpu.memory_space<vmem>>, vector<16xi32>,
        %get3A_506 = vector.shape_cast %get3A_505 : vector<16xi32> to vector<16xi32>
        %swap3A_507 = arith.constant 0 : index
        %swap3A_508 = tpu.vector_load %arg7[%swap3A_507] {strides = array<i32>} : memref<128xi32, #tpu.memory_space<vmem>>, vector<16xi32>,
        %swap3A_509 = vector.shape_cast %swap3A_508 : vector<16xi32> to vector<16xi32>
        %swap3A_510 = vector.shape_cast %get3A_506 : vector<16xi32> to vector<16xi32>
        tpu.vector_store %arg7[%swap3A_507], %swap3A_510 {strides = array<i32>} : memref<128xi32, #tpu.memory_space<vmem>>, vector<16xi32>,
        %add3A_511 = arith.constant 16 : i32
        %add3A_512 = arith.addi %add3A_501, %add3A_511 : i32
        %get3A_513 = arith.index_cast %add3A_512 : i32 to index
        %get3A_514 = tpu.vector_load %arg11[%get3A_513] {strides = array<i32>} : memref<5120xi32, #tpu.memory_space<vmem>>, vector<16xi32>,
        %get3A_515 = vector.shape_cast %get3A_514 : vector<16xi32> to vector<16xi32>
        %swap3A_516 = arith.constant 16 : index
        %swap3A_517 = tpu.vector_load %arg7[%swap3A_516] {strides = array<i32>} : memref<128xi32, #tpu.memory_space<vmem>>, vector<16xi32>,
        %swap3A_518 = vector.shape_cast %swap3A_517 : vector<16xi32> to vector<16xi32>
        %swap3A_519 = vector.shape_cast %get3A_515 : vector<16xi32> to vector<16xi32>
        tpu.vector_store %arg7[%swap3A_516], %swap3A_519 {strides = array<i32>} : memref<128xi32, #tpu.memory_space<vmem>>, vector<16xi32>,
        %add3A_520 = arith.constant 32 : i32
        %add3A_521 = arith.addi %add3A_501, %add3A_520 : i32
        %get3A_522 = arith.index_cast %add3A_521 : i32 to index
        %get3A_523 = tpu.vector_load %arg11[%get3A_522] {strides = array<i32>} : memref<5120xi32, #tpu.memory_space<vmem>>, vector<16xi32>,
        %get3A_524 = vector.shape_cast %get3A_523 : vector<16xi32> to vector<16xi32>
        %swap3A_525 = arith.constant 32 : index
        %swap3A_526 = tpu.vector_load %arg7[%swap3A_525] {strides = array<i32>} : memref<128xi32, #tpu.memory_space<vmem>>, vector<16xi32>,
        %swap3A_527 = vector.shape_cast %swap3A_526 : vector<16xi32> to vector<16xi32>
        %swap3A_528 = vector.shape_cast %get3A_524 : vector<16xi32> to vector<16xi32>
        tpu.vector_store %arg7[%swap3A_525], %swap3A_528 {strides = array<i32>} : memref<128xi32, #tpu.memory_space<vmem>>, vector<16xi32>,
        %add3A_529 = arith.constant 48 : i32
        %add3A_530 = arith.addi %add3A_501, %add3A_529 : i32
        %get3A_531 = arith.index_cast %add3A_530 : i32 to index
        %get3A_532 = tpu.vector_load %arg11[%get3A_531] {strides = array<i32>} : memref<5120xi32, #tpu.memory_space<vmem>>, vector<16xi32>,
        %get3A_533 = vector.shape_cast %get3A_532 : vector<16xi32> to vector<16xi32>
        %swap3A_534 = arith.constant 48 : index
        %swap3A_535 = tpu.vector_load %arg7[%swap3A_534] {strides = array<i32>} : memref<128xi32, #tpu.memory_space<vmem>>, vector<16xi32>,
        %swap3A_536 = vector.shape_cast %swap3A_535 : vector<16xi32> to vector<16xi32>
        %swap3A_537 = vector.shape_cast %get3A_533 : vector<16xi32> to vector<16xi32>
        tpu.vector_store %arg7[%swap3A_534], %swap3A_537 {strides = array<i32>} : memref<128xi32, #tpu.memory_space<vmem>>, vector<16xi32>,
        %add3A_538 = arith.constant 64 : i32
        %add3A_539 = arith.addi %add3A_501, %add3A_538 : i32
        %get3A_540 = arith.index_cast %add3A_539 : i32 to index
        %get3A_541 = tpu.vector_load %arg11[%get3A_540] {strides = array<i32>} : memref<5120xi32, #tpu.memory_space<vmem>>, vector<16xi32>,
        %get3A_542 = vector.shape_cast %get3A_541 : vector<16xi32> to vector<16xi32>
        %swap3A_543 = arith.constant 64 : index
        %swap3A_544 = tpu.vector_load %arg7[%swap3A_543] {strides = array<i32>} : memref<128xi32, #tpu.memory_space<vmem>>, vector<16xi32>,
        %swap3A_545 = vector.shape_cast %swap3A_544 : vector<16xi32> to vector<16xi32>
        %swap3A_546 = vector.shape_cast %get3A_542 : vector<16xi32> to vector<16xi32>
        tpu.vector_store %arg7[%swap3A_543], %swap3A_546 {strides = array<i32>} : memref<128xi32, #tpu.memory_space<vmem>>, vector<16xi32>,
        %add3A_547 = arith.constant 80 : i32
        %add3A_548 = arith.addi %add3A_501, %add3A_547 : i32
        %get3A_549 = arith.index_cast %add3A_548 : i32 to index
        %get3A_550 = tpu.vector_load %arg11[%get3A_549] {strides = array<i32>} : memref<5120xi32, #tpu.memory_space<vmem>>, vector<16xi32>,
        %get3A_551 = vector.shape_cast %get3A_550 : vector<16xi32> to vector<16xi32>
        %swap3A_552 = arith.constant 80 : index
        %swap3A_553 = tpu.vector_load %arg7[%swap3A_552] {strides = array<i32>} : memref<128xi32, #tpu.memory_space<vmem>>, vector<16xi32>,
        %swap3A_554 = vector.shape_cast %swap3A_553 : vector<16xi32> to vector<16xi32>
        %swap3A_555 = vector.shape_cast %get3A_551 : vector<16xi32> to vector<16xi32>
        tpu.vector_store %arg7[%swap3A_552], %swap3A_555 {strides = array<i32>} : memref<128xi32, #tpu.memory_space<vmem>>, vector<16xi32>,
        %add3A_556 = arith.constant 96 : i32
        %add3A_557 = arith.addi %add3A_501, %add3A_556 : i32
        %get3A_558 = arith.index_cast %add3A_557 : i32 to index
        %get3A_559 = tpu.vector_load %arg11[%get3A_558] {strides = array<i32>} : memref<5120xi32, #tpu.memory_space<vmem>>, vector<16xi32>,
        %get3A_560 = vector.shape_cast %get3A_559 : vector<16xi32> to vector<16xi32>
        %swap3A_561 = arith.constant 96 : index
        %swap3A_562 = tpu.vector_load %arg7[%swap3A_561] {strides = array<i32>} : memref<128xi32, #tpu.memory_space<vmem>>, vector<16xi32>,
        %swap3A_563 = vector.shape_cast %swap3A_562 : vector<16xi32> to vector<16xi32>
        %swap3A_564 = vector.shape_cast %get3A_560 : vector<16xi32> to vector<16xi32>
        tpu.vector_store %arg7[%swap3A_561], %swap3A_564 {strides = array<i32>} : memref<128xi32, #tpu.memory_space<vmem>>, vector<16xi32>,
        %add3A_565 = arith.constant 112 : i32
        %add3A_566 = arith.addi %add3A_501, %add3A_565 : i32
        %get3A_567 = arith.index_cast %add3A_566 : i32 to index
        %get3A_568 = tpu.vector_load %arg11[%get3A_567] {strides = array<i32>} : memref<5120xi32, #tpu.memory_space<vmem>>, vector<16xi32>,
        %get3A_569 = vector.shape_cast %get3A_568 : vector<16xi32> to vector<16xi32>
        %swap3A_570 = arith.constant 112 : index
        %swap3A_571 = tpu.vector_load %arg7[%swap3A_570] {strides = array<i32>} : memref<128xi32, #tpu.memory_space<vmem>>, vector<16xi32>,
        %swap3A_572 = vector.shape_cast %swap3A_571 : vector<16xi32> to vector<16xi32>
        %swap3A_573 = vector.shape_cast %get3A_569 : vector<16xi32> to vector<16xi32>
        tpu.vector_store %arg7[%swap3A_570], %swap3A_573 {strides = array<i32>} : memref<128xi32, #tpu.memory_space<vmem>>, vector<16xi32>,
        %dma_wait3A_574 = arith.constant 0 : i32
        %dma_wait3A_575 = arith.constant 0 : i32
        %dma_wait3A_576 = tpu.memref_slice %arg2[%dma_wait3A_574, %dma_wait3A_575] : memref<10240x128xf32, #tpu.memory_space<hbm>> -> memref<10240x128xf32, #tpu.memory_space<hbm>>
        tpu.wait_indirect_dma semaphore(%arg15 : memref<!tpu.dma_semaphore, #tpu.memory_space<semaphore_mem>>) src(%dma_wait3A_576 : memref<10240x128xf32, #tpu.memory_space<hbm>>) dst(%arg12 : memref<128x128xf32, #tpu.memory_space<vmem>>)
        "tpu.region"() ({
          %run_scoped3A = tpu.sem_alloc : memref<!tpu.dma_semaphore, #tpu.memory_space<semaphore_mem>>
          %dma_start3A_654 = arith.constant 0 : i32
          %dma_start3A_655 = arith.constant 0 : i32
          %dma_start3A_656 = tpu.memref_slice %arg14[%dma_start3A_654, %dma_start3A_655] : memref<10240x128xf32, #tpu.memory_space<vmem_shared>> -> memref<10240x128xf32, #tpu.memory_space<vmem_shared>>
          tpu.enqueue_indirect_dma source(%arg12 : memref<128x128xf32, #tpu.memory_space<vmem>>) target(%dma_start3A_656 : memref<10240x128xf32, #tpu.memory_space<vmem_shared>>) offsets(%arg7 : memref<128xi32, #tpu.memory_space<vmem>>) semaphore(%run_scoped3A : memref<!tpu.dma_semaphore, #tpu.memory_space<semaphore_mem>>) {add = true}
          %dma_wait3A_657 = arith.constant 0 : i32
          %dma_wait3A_658 = arith.constant 0 : i32
          %dma_wait3A_659 = tpu.memref_slice %arg14[%dma_wait3A_657, %dma_wait3A_658] : memref<10240x128xf32, #tpu.memory_space<vmem_shared>> -> memref<10240x128xf32, #tpu.memory_space<vmem_shared>>
          tpu.wait_indirect_dma semaphore(%run_scoped3A : memref<!tpu.dma_semaphore, #tpu.memory_space<semaphore_mem>>) src(%arg12 : memref<128x128xf32, #tpu.memory_space<vmem>>) dst(%dma_wait3A_659 : memref<10240x128xf32, #tpu.memory_space<vmem_shared>>)
          tpu.yield
        }) : () -> ()
        %add3A_577 = arith.constant 384 : i32
        %add3A_578 = arith.addi %mul3A_45, %add3A_577 : i32
        %add3A_579 = arith.constant 0 : i32
        %add3A_580 = arith.addi %add3A_578, %add3A_579 : i32
        %get3A_581 = arith.index_cast %add3A_580 : i32 to index
        %get3A_582 = tpu.vector_load %arg11[%get3A_581] {strides = array<i32>} : memref<5120xi32, #tpu.memory_space<vmem>>, vector<16xi32>,
        %get3A_583 = vector.shape_cast %get3A_582 : vector<16xi32> to vector<16xi32>
        %swap3A_584 = arith.constant 0 : index
        %swap3A_585 = tpu.vector_load %arg9[%swap3A_584] {strides = array<i32>} : memref<128xi32, #tpu.memory_space<vmem>>, vector<16xi32>,
        %swap3A_586 = vector.shape_cast %swap3A_585 : vector<16xi32> to vector<16xi32>
        %swap3A_587 = vector.shape_cast %get3A_583 : vector<16xi32> to vector<16xi32>
        tpu.vector_store %arg9[%swap3A_584], %swap3A_587 {strides = array<i32>} : memref<128xi32, #tpu.memory_space<vmem>>, vector<16xi32>,
        %add3A_588 = arith.constant 16 : i32
        %add3A_589 = arith.addi %add3A_578, %add3A_588 : i32
        %get3A_590 = arith.index_cast %add3A_589 : i32 to index
        %get3A_591 = tpu.vector_load %arg11[%get3A_590] {strides = array<i32>} : memref<5120xi32, #tpu.memory_space<vmem>>, vector<16xi32>,
        %get3A_592 = vector.shape_cast %get3A_591 : vector<16xi32> to vector<16xi32>
        %swap3A_593 = arith.constant 16 : index
        %swap3A_594 = tpu.vector_load %arg9[%swap3A_593] {strides = array<i32>} : memref<128xi32, #tpu.memory_space<vmem>>, vector<16xi32>,
        %swap3A_595 = vector.shape_cast %swap3A_594 : vector<16xi32> to vector<16xi32>
        %swap3A_596 = vector.shape_cast %get3A_592 : vector<16xi32> to vector<16xi32>
        tpu.vector_store %arg9[%swap3A_593], %swap3A_596 {strides = array<i32>} : memref<128xi32, #tpu.memory_space<vmem>>, vector<16xi32>,
        %add3A_597 = arith.constant 32 : i32
        %add3A_598 = arith.addi %add3A_578, %add3A_597 : i32
        %get3A_599 = arith.index_cast %add3A_598 : i32 to index
        %get3A_600 = tpu.vector_load %arg11[%get3A_599] {strides = array<i32>} : memref<5120xi32, #tpu.memory_space<vmem>>, vector<16xi32>,
        %get3A_601 = vector.shape_cast %get3A_600 : vector<16xi32> to vector<16xi32>
        %swap3A_602 = arith.constant 32 : index
        %swap3A_603 = tpu.vector_load %arg9[%swap3A_602] {strides = array<i32>} : memref<128xi32, #tpu.memory_space<vmem>>, vector<16xi32>,
        %swap3A_604 = vector.shape_cast %swap3A_603 : vector<16xi32> to vector<16xi32>
        %swap3A_605 = vector.shape_cast %get3A_601 : vector<16xi32> to vector<16xi32>
        tpu.vector_store %arg9[%swap3A_602], %swap3A_605 {strides = array<i32>} : memref<128xi32, #tpu.memory_space<vmem>>, vector<16xi32>,
        %add3A_606 = arith.constant 48 : i32
        %add3A_607 = arith.addi %add3A_578, %add3A_606 : i32
        %get3A_608 = arith.index_cast %add3A_607 : i32 to index
        %get3A_609 = tpu.vector_load %arg11[%get3A_608] {strides = array<i32>} : memref<5120xi32, #tpu.memory_space<vmem>>, vector<16xi32>,
        %get3A_610 = vector.shape_cast %get3A_609 : vector<16xi32> to vector<16xi32>
        %swap3A_611 = arith.constant 48 : index
        %swap3A_612 = tpu.vector_load %arg9[%swap3A_611] {strides = array<i32>} : memref<128xi32, #tpu.memory_space<vmem>>, vector<16xi32>,
        %swap3A_613 = vector.shape_cast %swap3A_612 : vector<16xi32> to vector<16xi32>
        %swap3A_614 = vector.shape_cast %get3A_610 : vector<16xi32> to vector<16xi32>
        tpu.vector_store %arg9[%swap3A_611], %swap3A_614 {strides = array<i32>} : memref<128xi32, #tpu.memory_space<vmem>>, vector<16xi32>,
        %add3A_615 = arith.constant 64 : i32
        %add3A_616 = arith.addi %add3A_578, %add3A_615 : i32
        %get3A_617 = arith.index_cast %add3A_616 : i32 to index
        %get3A_618 = tpu.vector_load %arg11[%get3A_617] {strides = array<i32>} : memref<5120xi32, #tpu.memory_space<vmem>>, vector<16xi32>,
        %get3A_619 = vector.shape_cast %get3A_618 : vector<16xi32> to vector<16xi32>
        %swap3A_620 = arith.constant 64 : index
        %swap3A_621 = tpu.vector_load %arg9[%swap3A_620] {strides = array<i32>} : memref<128xi32, #tpu.memory_space<vmem>>, vector<16xi32>,
        %swap3A_622 = vector.shape_cast %swap3A_621 : vector<16xi32> to vector<16xi32>
        %swap3A_623 = vector.shape_cast %get3A_619 : vector<16xi32> to vector<16xi32>
        tpu.vector_store %arg9[%swap3A_620], %swap3A_623 {strides = array<i32>} : memref<128xi32, #tpu.memory_space<vmem>>, vector<16xi32>,
        %add3A_624 = arith.constant 80 : i32
        %add3A_625 = arith.addi %add3A_578, %add3A_624 : i32
        %get3A_626 = arith.index_cast %add3A_625 : i32 to index
        %get3A_627 = tpu.vector_load %arg11[%get3A_626] {strides = array<i32>} : memref<5120xi32, #tpu.memory_space<vmem>>, vector<16xi32>,
        %get3A_628 = vector.shape_cast %get3A_627 : vector<16xi32> to vector<16xi32>
        %swap3A_629 = arith.constant 80 : index
        %swap3A_630 = tpu.vector_load %arg9[%swap3A_629] {strides = array<i32>} : memref<128xi32, #tpu.memory_space<vmem>>, vector<16xi32>,
        %swap3A_631 = vector.shape_cast %swap3A_630 : vector<16xi32> to vector<16xi32>
        %swap3A_632 = vector.shape_cast %get3A_628 : vector<16xi32> to vector<16xi32>
        tpu.vector_store %arg9[%swap3A_629], %swap3A_632 {strides = array<i32>} : memref<128xi32, #tpu.memory_space<vmem>>, vector<16xi32>,
        %add3A_633 = arith.constant 96 : i32
        %add3A_634 = arith.addi %add3A_578, %add3A_633 : i32
        %get3A_635 = arith.index_cast %add3A_634 : i32 to index
        %get3A_636 = tpu.vector_load %arg11[%get3A_635] {strides = array<i32>} : memref<5120xi32, #tpu.memory_space<vmem>>, vector<16xi32>,
        %get3A_637 = vector.shape_cast %get3A_636 : vector<16xi32> to vector<16xi32>
        %swap3A_638 = arith.constant 96 : index
        %swap3A_639 = tpu.vector_load %arg9[%swap3A_638] {strides = array<i32>} : memref<128xi32, #tpu.memory_space<vmem>>, vector<16xi32>,
        %swap3A_640 = vector.shape_cast %swap3A_639 : vector<16xi32> to vector<16xi32>
        %swap3A_641 = vector.shape_cast %get3A_637 : vector<16xi32> to vector<16xi32>
        tpu.vector_store %arg9[%swap3A_638], %swap3A_641 {strides = array<i32>} : memref<128xi32, #tpu.memory_space<vmem>>, vector<16xi32>,
        %add3A_642 = arith.constant 112 : i32
        %add3A_643 = arith.addi %add3A_578, %add3A_642 : i32
        %get3A_644 = arith.index_cast %add3A_643 : i32 to index
        %get3A_645 = tpu.vector_load %arg11[%get3A_644] {strides = array<i32>} : memref<5120xi32, #tpu.memory_space<vmem>>, vector<16xi32>,
        %get3A_646 = vector.shape_cast %get3A_645 : vector<16xi32> to vector<16xi32>
        %swap3A_647 = arith.constant 112 : index
        %swap3A_648 = tpu.vector_load %arg9[%swap3A_647] {strides = array<i32>} : memref<128xi32, #tpu.memory_space<vmem>>, vector<16xi32>,
        %swap3A_649 = vector.shape_cast %swap3A_648 : vector<16xi32> to vector<16xi32>
        %swap3A_650 = vector.shape_cast %get3A_646 : vector<16xi32> to vector<16xi32>
        tpu.vector_store %arg9[%swap3A_647], %swap3A_650 {strides = array<i32>} : memref<128xi32, #tpu.memory_space<vmem>>, vector<16xi32>,
        %dma_wait3A_651 = arith.constant 0 : i32
        %dma_wait3A_652 = arith.constant 0 : i32
        %dma_wait3A_653 = tpu.memref_slice %arg2[%dma_wait3A_651, %dma_wait3A_652] : memref<10240x128xf32, #tpu.memory_space<hbm>> -> memref<10240x128xf32, #tpu.memory_space<hbm>>
        tpu.wait_indirect_dma semaphore(%arg16 : memref<!tpu.dma_semaphore, #tpu.memory_space<semaphore_mem>>) src(%dma_wait3A_653 : memref<10240x128xf32, #tpu.memory_space<hbm>>) dst(%arg13 : memref<128x128xf32, #tpu.memory_space<vmem>>)
        "tpu.region"() ({
          %run_scoped3A = tpu.sem_alloc : memref<!tpu.dma_semaphore, #tpu.memory_space<semaphore_mem>>
          %dma_start3A_654 = arith.constant 0 : i32
          %dma_start3A_655 = arith.constant 0 : i32
          %dma_start3A_656 = tpu.memref_slice %arg14[%dma_start3A_654, %dma_start3A_655] : memref<10240x128xf32, #tpu.memory_space<vmem_shared>> -> memref<10240x128xf32, #tpu.memory_space<vmem_shared>>
          tpu.enqueue_indirect_dma source(%arg13 : memref<128x128xf32, #tpu.memory_space<vmem>>) target(%dma_start3A_656 : memref<10240x128xf32, #tpu.memory_space<vmem_shared>>) offsets(%arg9 : memref<128xi32, #tpu.memory_space<vmem>>) semaphore(%run_scoped3A : memref<!tpu.dma_semaphore, #tpu.memory_space<semaphore_mem>>) {add = true}
          %dma_wait3A_657 = arith.constant 0 : i32
          %dma_wait3A_658 = arith.constant 0 : i32
          %dma_wait3A_659 = tpu.memref_slice %arg14[%dma_wait3A_657, %dma_wait3A_658] : memref<10240x128xf32, #tpu.memory_space<vmem_shared>> -> memref<10240x128xf32, #tpu.memory_space<vmem_shared>>
          tpu.wait_indirect_dma semaphore(%run_scoped3A : memref<!tpu.dma_semaphore, #tpu.memory_space<semaphore_mem>>) src(%arg13 : memref<128x128xf32, #tpu.memory_space<vmem>>) dst(%dma_wait3A_659 : memref<10240x128xf32, #tpu.memory_space<vmem_shared>>)
          tpu.yield
        }) : () -> ()
      }
      %scan3A_40 = arith.constant 10 : i32
    }
    %scan3A_19 = arith.constant 2 : i32
    %barrier3A_20 = arith.constant 0 : index
    tpu.barrier barrier_id(%barrier3A_20)
    %mul3A_21 = arith.constant 640 : i32
    %mul3A_22 = arith.muli %arg1, %mul3A_21 : i32
    %mul3A_23 = arith.constant 10240 : i32
    %mul3A_24 = arith.muli %arg0, %mul3A_23 : i32
    %mul3A_25 = arith.constant 640 : i32
    %mul3A_26 = arith.muli %arg1, %mul3A_25 : i32
    %add3A_27 = arith.addi %mul3A_24, %mul3A_26 : i32
    "tpu.region"() ({
      %run_scoped3A = tpu.sem_alloc : memref<!tpu.dma_semaphore, #tpu.memory_space<semaphore_mem>>
      %dma_start3A = arith.constant 0 : i32
      %dma_start3A_28 = tpu.memref_slice %arg5[%add3A_27, %dma_start3A] : memref<20480x128xf32, #tpu.memory_space<hbm>> -> memref<640x128xf32, #tpu.memory_space<hbm>>
      %dma_start3A_29 = arith.constant 0 : i32
      %dma_start3A_30 = tpu.memref_slice %arg14[%mul3A_22, %dma_start3A_29] : memref<10240x128xf32, #tpu.memory_space<vmem_shared>> -> memref<640x128xf32, #tpu.memory_space<vmem_shared>>
      tpu.enqueue_dma source(%dma_start3A_30 : memref<640x128xf32, #tpu.memory_space<vmem_shared>>) target(%dma_start3A_28 : memref<640x128xf32, #tpu.memory_space<hbm>>) target_semaphore(%run_scoped3A : memref<!tpu.dma_semaphore, #tpu.memory_space<semaphore_mem>>)
      %dma_wait3A = arith.constant 0 : i32
      %dma_wait3A_31 = tpu.memref_slice %arg5[%add3A_27, %dma_wait3A] : memref<20480x128xf32, #tpu.memory_space<hbm>> -> memref<640x128xf32, #tpu.memory_space<hbm>>
      %dma_wait3A_32 = arith.constant 0 : i32
      %dma_wait3A_33 = tpu.memref_slice %arg14[%mul3A_22, %dma_wait3A_32] : memref<10240x128xf32, #tpu.memory_space<vmem_shared>> -> memref<640x128xf32, #tpu.memory_space<vmem_shared>>
      tpu.wait_dma2 semaphore(%run_scoped3A : memref<!tpu.dma_semaphore, #tpu.memory_space<semaphore_mem>>) src(%dma_wait3A_33 : memref<640x128xf32, #tpu.memory_space<vmem_shared>>) dst(%dma_wait3A_31 : memref<640x128xf32, #tpu.memory_space<hbm>>)
      tpu.yield
    }) : () -> ()
    return
  }
}

#map = affine_map<(d0, d1) -> (0, 0)>
#map1 = affine_map<(d0, d1) -> (0)>
module attributes {stable_mosaic.version = 14 : i64} {
  func.func @_agg_body(%arg0: i32, %arg1: i32, %arg2: memref<10240x128xf32, #tpu.memory_space<hbm>>, %arg3: memref<327680xi32, #tpu.memory_space<hbm>>, %arg4: memref<327680xi32, #tpu.memory_space<hbm>>, %arg5: memref<20480x128xf32, #tpu.memory_space<hbm>>, %arg6: memref<128xi32, #tpu.memory_space<vmem>>, %arg7: memref<128xi32, #tpu.memory_space<vmem>>, %arg8: memref<128xi32, #tpu.memory_space<vmem>>, %arg9: memref<128xi32, #tpu.memory_space<vmem>>, %arg10: memref<5120xi32, #tpu.memory_space<vmem>>, %arg11: memref<5120xi32, #tpu.memory_space<vmem>>, %arg12: memref<128x128xf32, #tpu.memory_space<vmem>>, %arg13: memref<128x128xf32, #tpu.memory_space<vmem>>, %arg14: memref<10240x128xf32, #tpu.memory_space<vmem_shared>>, %arg15: memref<!tpu.dma_semaphore, #tpu.memory_space<semaphore_mem>>, %arg16: memref<!tpu.dma_semaphore, #tpu.memory_space<semaphore_mem>>) attributes {dimension_semantics = [#tpu.dimension_semantics<core_parallel>, #tpu.dimension_semantics<subcore_parallel>], iteration_bounds = array<i64: 2, 16>, scalar_prefetch = 0 : i64, scratch_operands = 11 : i64, tpu.core_type = #tpu.core_type<sc_vector_subcore>, window_params = [{transform_indices = #map}, {transform_indices = #map1}, {transform_indices = #map1}, {transform_indices = #map}]} {
    %scan3A = arith.constant 0 : i32
    %scan3A_0 = arith.constant 0 : i32
    %scan3A_1 = arith.constant 128 : i32
    %scan3A_2 = arith.addi %scan3A_0, %scan3A_1 : i32
    %scan3A_3 = arith.constant 1 : i32
    scf.for %scan3A_28 = %scan3A_0 to %scan3A_2 step %scan3A_3  : i32 {
      %broadcast_in_dim3A = arith.constant 0.000000e+00 : f32
      %broadcast_in_dim3A_29 = vector.broadcast %broadcast_in_dim3A : f32 to vector<16xf32>
      %swap3A = arith.index_cast %scan3A_28 : i32 to index
      %swap3A_30 = arith.constant 0 : index
      %swap3A_31 = tpu.vector_load %arg12[%swap3A, %swap3A_30] {strides = array<i32>} : memref<128x128xf32, #tpu.memory_space<vmem>>, vector<1x16xf32>,
      %swap3A_32 = vector.shape_cast %swap3A_31 : vector<1x16xf32> to vector<16xf32>
      %swap3A_33 = vector.shape_cast %broadcast_in_dim3A_29 : vector<16xf32> to vector<1x16xf32>
      tpu.vector_store %arg12[%swap3A, %swap3A_30], %swap3A_33 {strides = array<i32>} : memref<128x128xf32, #tpu.memory_space<vmem>>, vector<1x16xf32>,
      %broadcast_in_dim3A_34 = arith.constant 0.000000e+00 : f32
      %broadcast_in_dim3A_35 = vector.broadcast %broadcast_in_dim3A_34 : f32 to vector<16xf32>
      %swap3A_36 = arith.index_cast %scan3A_28 : i32 to index
      %swap3A_37 = arith.constant 16 : index
      %swap3A_38 = tpu.vector_load %arg12[%swap3A_36, %swap3A_37] {strides = array<i32>} : memref<128x128xf32, #tpu.memory_space<vmem>>, vector<1x16xf32>,
      %swap3A_39 = vector.shape_cast %swap3A_38 : vector<1x16xf32> to vector<16xf32>
      %swap3A_40 = vector.shape_cast %broadcast_in_dim3A_35 : vector<16xf32> to vector<1x16xf32>
      tpu.vector_store %arg12[%swap3A_36, %swap3A_37], %swap3A_40 {strides = array<i32>} : memref<128x128xf32, #tpu.memory_space<vmem>>, vector<1x16xf32>,
      %broadcast_in_dim3A_41 = arith.constant 0.000000e+00 : f32
      %broadcast_in_dim3A_42 = vector.broadcast %broadcast_in_dim3A_41 : f32 to vector<16xf32>
      %swap3A_43 = arith.index_cast %scan3A_28 : i32 to index
      %swap3A_44 = arith.constant 32 : index
      %swap3A_45 = tpu.vector_load %arg12[%swap3A_43, %swap3A_44] {strides = array<i32>} : memref<128x128xf32, #tpu.memory_space<vmem>>, vector<1x16xf32>,
      %swap3A_46 = vector.shape_cast %swap3A_45 : vector<1x16xf32> to vector<16xf32>
      %swap3A_47 = vector.shape_cast %broadcast_in_dim3A_42 : vector<16xf32> to vector<1x16xf32>
      tpu.vector_store %arg12[%swap3A_43, %swap3A_44], %swap3A_47 {strides = array<i32>} : memref<128x128xf32, #tpu.memory_space<vmem>>, vector<1x16xf32>,
      %broadcast_in_dim3A_48 = arith.constant 0.000000e+00 : f32
      %broadcast_in_dim3A_49 = vector.broadcast %broadcast_in_dim3A_48 : f32 to vector<16xf32>
      %swap3A_50 = arith.index_cast %scan3A_28 : i32 to index
      %swap3A_51 = arith.constant 48 : index
      %swap3A_52 = tpu.vector_load %arg12[%swap3A_50, %swap3A_51] {strides = array<i32>} : memref<128x128xf32, #tpu.memory_space<vmem>>, vector<1x16xf32>,
      %swap3A_53 = vector.shape_cast %swap3A_52 : vector<1x16xf32> to vector<16xf32>
      %swap3A_54 = vector.shape_cast %broadcast_in_dim3A_49 : vector<16xf32> to vector<1x16xf32>
      tpu.vector_store %arg12[%swap3A_50, %swap3A_51], %swap3A_54 {strides = array<i32>} : memref<128x128xf32, #tpu.memory_space<vmem>>, vector<1x16xf32>,
      %broadcast_in_dim3A_55 = arith.constant 0.000000e+00 : f32
      %broadcast_in_dim3A_56 = vector.broadcast %broadcast_in_dim3A_55 : f32 to vector<16xf32>
      %swap3A_57 = arith.index_cast %scan3A_28 : i32 to index
      %swap3A_58 = arith.constant 64 : index
      %swap3A_59 = tpu.vector_load %arg12[%swap3A_57, %swap3A_58] {strides = array<i32>} : memref<128x128xf32, #tpu.memory_space<vmem>>, vector<1x16xf32>,
      %swap3A_60 = vector.shape_cast %swap3A_59 : vector<1x16xf32> to vector<16xf32>
      %swap3A_61 = vector.shape_cast %broadcast_in_dim3A_56 : vector<16xf32> to vector<1x16xf32>
      tpu.vector_store %arg12[%swap3A_57, %swap3A_58], %swap3A_61 {strides = array<i32>} : memref<128x128xf32, #tpu.memory_space<vmem>>, vector<1x16xf32>,
      %broadcast_in_dim3A_62 = arith.constant 0.000000e+00 : f32
      %broadcast_in_dim3A_63 = vector.broadcast %broadcast_in_dim3A_62 : f32 to vector<16xf32>
      %swap3A_64 = arith.index_cast %scan3A_28 : i32 to index
      %swap3A_65 = arith.constant 80 : index
      %swap3A_66 = tpu.vector_load %arg12[%swap3A_64, %swap3A_65] {strides = array<i32>} : memref<128x128xf32, #tpu.memory_space<vmem>>, vector<1x16xf32>,
      %swap3A_67 = vector.shape_cast %swap3A_66 : vector<1x16xf32> to vector<16xf32>
      %swap3A_68 = vector.shape_cast %broadcast_in_dim3A_63 : vector<16xf32> to vector<1x16xf32>
      tpu.vector_store %arg12[%swap3A_64, %swap3A_65], %swap3A_68 {strides = array<i32>} : memref<128x128xf32, #tpu.memory_space<vmem>>, vector<1x16xf32>,
      %broadcast_in_dim3A_69 = arith.constant 0.000000e+00 : f32
      %broadcast_in_dim3A_70 = vector.broadcast %broadcast_in_dim3A_69 : f32 to vector<16xf32>
      %swap3A_71 = arith.index_cast %scan3A_28 : i32 to index
      %swap3A_72 = arith.constant 96 : index
      %swap3A_73 = tpu.vector_load %arg12[%swap3A_71, %swap3A_72] {strides = array<i32>} : memref<128x128xf32, #tpu.memory_space<vmem>>, vector<1x16xf32>,
      %swap3A_74 = vector.shape_cast %swap3A_73 : vector<1x16xf32> to vector<16xf32>
      %swap3A_75 = vector.shape_cast %broadcast_in_dim3A_70 : vector<16xf32> to vector<1x16xf32>
      tpu.vector_store %arg12[%swap3A_71, %swap3A_72], %swap3A_75 {strides = array<i32>} : memref<128x128xf32, #tpu.memory_space<vmem>>, vector<1x16xf32>,
      %broadcast_in_dim3A_76 = arith.constant 0.000000e+00 : f32
      %broadcast_in_dim3A_77 = vector.broadcast %broadcast_in_dim3A_76 : f32 to vector<16xf32>
      %swap3A_78 = arith.index_cast %scan3A_28 : i32 to index
      %swap3A_79 = arith.constant 112 : index
      %swap3A_80 = tpu.vector_load %arg12[%swap3A_78, %swap3A_79] {strides = array<i32>} : memref<128x128xf32, #tpu.memory_space<vmem>>, vector<1x16xf32>,
      %swap3A_81 = vector.shape_cast %swap3A_80 : vector<1x16xf32> to vector<16xf32>
      %swap3A_82 = vector.shape_cast %broadcast_in_dim3A_77 : vector<16xf32> to vector<1x16xf32>
      tpu.vector_store %arg12[%swap3A_78, %swap3A_79], %swap3A_82 {strides = array<i32>} : memref<128x128xf32, #tpu.memory_space<vmem>>, vector<1x16xf32>,
    }
    %scan3A_4 = arith.constant 128 : i32
    %scan3A_5 = arith.constant 0 : i32
    %scan3A_6 = arith.constant 0 : i32
    %scan3A_7 = arith.constant 5 : i32
    %scan3A_8 = arith.addi %scan3A_6, %scan3A_7 : i32
    %scan3A_9 = arith.constant 1 : i32
    scf.for %scan3A_28 = %scan3A_6 to %scan3A_8 step %scan3A_9  : i32 {
      %mul3A_29 = arith.constant 640 : i32
      %mul3A_30 = arith.muli %arg1, %mul3A_29 : i32
      %mul3A_31 = arith.constant 128 : i32
      %mul3A_32 = arith.muli %scan3A_28, %mul3A_31 : i32
      %add3A_33 = arith.addi %mul3A_30, %mul3A_32 : i32
      "tpu.region"() ({
        %run_scoped3A = tpu.sem_alloc : memref<!tpu.dma_semaphore, #tpu.memory_space<semaphore_mem>>
        %dma_start3A = arith.constant 0 : i32
        %dma_start3A_34 = tpu.memref_slice %arg14[%add3A_33, %dma_start3A] : memref<10240x128xf32, #tpu.memory_space<vmem_shared>> -> memref<128x128xf32, #tpu.memory_space<vmem_shared>>
        %dma_start3A_35 = arith.constant 0 : i32
        %dma_start3A_36 = tpu.memref_slice %arg14[%add3A_33, %dma_start3A_35] : memref<10240x128xf32, #tpu.memory_space<vmem_shared>> -> memref<128x128xf32, #tpu.memory_space<vmem_shared>>
        tpu.enqueue_dma source(%arg12 : memref<128x128xf32, #tpu.memory_space<vmem>>) target(%dma_start3A_36 : memref<128x128xf32, #tpu.memory_space<vmem_shared>>) target_semaphore(%run_scoped3A : memref<!tpu.dma_semaphore, #tpu.memory_space<semaphore_mem>>)
        %dma_wait3A = arith.constant 0 : i32
        %dma_wait3A_37 = tpu.memref_slice %arg14[%add3A_33, %dma_wait3A] : memref<10240x128xf32, #tpu.memory_space<vmem_shared>> -> memref<128x128xf32, #tpu.memory_space<vmem_shared>>
        %dma_wait3A_38 = arith.constant 0 : i32
        %dma_wait3A_39 = tpu.memref_slice %arg14[%add3A_33, %dma_wait3A_38] : memref<10240x128xf32, #tpu.memory_space<vmem_shared>> -> memref<128x128xf32, #tpu.memory_space<vmem_shared>>
        tpu.wait_dma2 semaphore(%run_scoped3A : memref<!tpu.dma_semaphore, #tpu.memory_space<semaphore_mem>>) src(%arg12 : memref<128x128xf32, #tpu.memory_space<vmem>>) dst(%dma_wait3A_39 : memref<128x128xf32, #tpu.memory_space<vmem_shared>>)
        tpu.yield
      }) : () -> ()
    }
    %scan3A_10 = arith.constant 5 : i32
    %barrier3A = arith.constant 0 : index
    tpu.barrier barrier_id(%barrier3A)
    %mul3A = arith.constant 163840 : i32
    %mul3A_11 = arith.muli %arg0, %mul3A : i32
    %mul3A_12 = arith.constant 10240 : i32
    %mul3A_13 = arith.muli %arg1, %mul3A_12 : i32
    %add3A = arith.addi %mul3A_11, %mul3A_13 : i32
    %scan3A_14 = arith.constant 0 : i32
    %scan3A_15 = arith.constant 0 : i32
    %scan3A_16 = arith.constant 2 : i32
    %scan3A_17 = arith.addi %scan3A_15, %scan3A_16 : i32
    %scan3A_18 = arith.constant 1 : i32
    scf.for %scan3A_28 = %scan3A_15 to %scan3A_17 step %scan3A_18  : i32 {
      %mul3A_29 = arith.constant 5120 : i32
      %mul3A_30 = arith.muli %scan3A_28, %mul3A_29 : i32
      %add3A_31 = arith.addi %add3A, %mul3A_30 : i32
      "tpu.region"() ({
        %run_scoped3A = tpu.sem_alloc : memref<!tpu.dma_semaphore, #tpu.memory_space<semaphore_mem>>
        %dma_start3A = tpu.memref_slice %arg3[%add3A_31] : memref<327680xi32, #tpu.memory_space<hbm>> -> memref<5120xi32, #tpu.memory_space<hbm>>
        %dma_start3A_41 = tpu.memref_slice %arg3[%add3A_31] : memref<327680xi32, #tpu.memory_space<hbm>> -> memref<5120xi32, #tpu.memory_space<hbm>>
        tpu.enqueue_dma source(%dma_start3A_41 : memref<5120xi32, #tpu.memory_space<hbm>>) target(%arg10 : memref<5120xi32, #tpu.memory_space<vmem>>) target_semaphore(%run_scoped3A : memref<!tpu.dma_semaphore, #tpu.memory_space<semaphore_mem>>)
        %dma_wait3A = tpu.memref_slice %arg3[%add3A_31] : memref<327680xi32, #tpu.memory_space<hbm>> -> memref<5120xi32, #tpu.memory_space<hbm>>
        %dma_wait3A_42 = tpu.memref_slice %arg3[%add3A_31] : memref<327680xi32, #tpu.memory_space<hbm>> -> memref<5120xi32, #tpu.memory_space<hbm>>
        tpu.wait_dma2 semaphore(%run_scoped3A : memref<!tpu.dma_semaphore, #tpu.memory_space<semaphore_mem>>) src(%dma_wait3A_42 : memref<5120xi32, #tpu.memory_space<hbm>>) dst(%arg10 : memref<5120xi32, #tpu.memory_space<vmem>>)
        tpu.yield
      }) : () -> ()
      %mul3A_32 = arith.constant 5120 : i32
      %mul3A_33 = arith.muli %scan3A_28, %mul3A_32 : i32
      %add3A_34 = arith.addi %add3A, %mul3A_33 : i32
      "tpu.region"() ({
        %run_scoped3A = tpu.sem_alloc : memref<!tpu.dma_semaphore, #tpu.memory_space<semaphore_mem>>
        %dma_start3A = tpu.memref_slice %arg4[%add3A_34] : memref<327680xi32, #tpu.memory_space<hbm>> -> memref<5120xi32, #tpu.memory_space<hbm>>
        %dma_start3A_41 = tpu.memref_slice %arg4[%add3A_34] : memref<327680xi32, #tpu.memory_space<hbm>> -> memref<5120xi32, #tpu.memory_space<hbm>>
        tpu.enqueue_dma source(%dma_start3A_41 : memref<5120xi32, #tpu.memory_space<hbm>>) target(%arg11 : memref<5120xi32, #tpu.memory_space<vmem>>) target_semaphore(%run_scoped3A : memref<!tpu.dma_semaphore, #tpu.memory_space<semaphore_mem>>)
        %dma_wait3A = tpu.memref_slice %arg4[%add3A_34] : memref<327680xi32, #tpu.memory_space<hbm>> -> memref<5120xi32, #tpu.memory_space<hbm>>
        %dma_wait3A_42 = tpu.memref_slice %arg4[%add3A_34] : memref<327680xi32, #tpu.memory_space<hbm>> -> memref<5120xi32, #tpu.memory_space<hbm>>
        tpu.wait_dma2 semaphore(%run_scoped3A : memref<!tpu.dma_semaphore, #tpu.memory_space<semaphore_mem>>) src(%dma_wait3A_42 : memref<5120xi32, #tpu.memory_space<hbm>>) dst(%arg11 : memref<5120xi32, #tpu.memory_space<vmem>>)
        tpu.yield
      }) : () -> ()
      %scan3A_35 = arith.constant 0 : i32
      %scan3A_36 = arith.constant 0 : i32
      %scan3A_37 = arith.constant 10 : i32
      %scan3A_38 = arith.addi %scan3A_36, %scan3A_37 : i32
      %scan3A_39 = arith.constant 1 : i32
      scf.for %scan3A_41 = %scan3A_36 to %scan3A_38 step %scan3A_39  : i32 {
        %mul3A_42 = arith.constant 4 : i32
        %mul3A_43 = arith.muli %mul3A_42, %scan3A_41 : i32
        %mul3A_44 = arith.constant 128 : i32
        %mul3A_45 = arith.muli %mul3A_43, %mul3A_44 : i32
        %add3A_46 = arith.constant 0 : i32
        %add3A_47 = arith.addi %mul3A_45, %add3A_46 : i32
        %get3A = arith.index_cast %add3A_47 : i32 to index
        %get3A_48 = tpu.vector_load %arg10[%get3A] {strides = array<i32>} : memref<5120xi32, #tpu.memory_space<vmem>>, vector<16xi32>,
        %get3A_49 = vector.shape_cast %get3A_48 : vector<16xi32> to vector<16xi32>
        %swap3A = arith.constant 0 : index
        %swap3A_50 = tpu.vector_load %arg6[%swap3A] {strides = array<i32>} : memref<128xi32, #tpu.memory_space<vmem>>, vector<16xi32>,
        %swap3A_51 = vector.shape_cast %swap3A_50 : vector<16xi32> to vector<16xi32>
        %swap3A_52 = vector.shape_cast %get3A_49 : vector<16xi32> to vector<16xi32>
        tpu.vector_store %arg6[%swap3A], %swap3A_52 {strides = array<i32>} : memref<128xi32, #tpu.memory_space<vmem>>, vector<16xi32>,
        %add3A_53 = arith.constant 16 : i32
        %add3A_54 = arith.addi %mul3A_45, %add3A_53 : i32
        %get3A_55 = arith.index_cast %add3A_54 : i32 to index
        %get3A_56 = tpu.vector_load %arg10[%get3A_55] {strides = array<i32>} : memref<5120xi32, #tpu.memory_space<vmem>>, vector<16xi32>,
        %get3A_57 = vector.shape_cast %get3A_56 : vector<16xi32> to vector<16xi32>
        %swap3A_58 = arith.constant 16 : index
        %swap3A_59 = tpu.vector_load %arg6[%swap3A_58] {strides = array<i32>} : memref<128xi32, #tpu.memory_space<vmem>>, vector<16xi32>,
        %swap3A_60 = vector.shape_cast %swap3A_59 : vector<16xi32> to vector<16xi32>
        %swap3A_61 = vector.shape_cast %get3A_57 : vector<16xi32> to vector<16xi32>
        tpu.vector_store %arg6[%swap3A_58], %swap3A_61 {strides = array<i32>} : memref<128xi32, #tpu.memory_space<vmem>>, vector<16xi32>,
        %add3A_62 = arith.constant 32 : i32
        %add3A_63 = arith.addi %mul3A_45, %add3A_62 : i32
        %get3A_64 = arith.index_cast %add3A_63 : i32 to index
        %get3A_65 = tpu.vector_load %arg10[%get3A_64] {strides = array<i32>} : memref<5120xi32, #tpu.memory_space<vmem>>, vector<16xi32>,
        %get3A_66 = vector.shape_cast %get3A_65 : vector<16xi32> to vector<16xi32>
        %swap3A_67 = arith.constant 32 : index
        %swap3A_68 = tpu.vector_load %arg6[%swap3A_67] {strides = array<i32>} : memref<128xi32, #tpu.memory_space<vmem>>, vector<16xi32>,
        %swap3A_69 = vector.shape_cast %swap3A_68 : vector<16xi32> to vector<16xi32>
        %swap3A_70 = vector.shape_cast %get3A_66 : vector<16xi32> to vector<16xi32>
        tpu.vector_store %arg6[%swap3A_67], %swap3A_70 {strides = array<i32>} : memref<128xi32, #tpu.memory_space<vmem>>, vector<16xi32>,
        %add3A_71 = arith.constant 48 : i32
        %add3A_72 = arith.addi %mul3A_45, %add3A_71 : i32
        %get3A_73 = arith.index_cast %add3A_72 : i32 to index
        %get3A_74 = tpu.vector_load %arg10[%get3A_73] {strides = array<i32>} : memref<5120xi32, #tpu.memory_space<vmem>>, vector<16xi32>,
        %get3A_75 = vector.shape_cast %get3A_74 : vector<16xi32> to vector<16xi32>
        %swap3A_76 = arith.constant 48 : index
        %swap3A_77 = tpu.vector_load %arg6[%swap3A_76] {strides = array<i32>} : memref<128xi32, #tpu.memory_space<vmem>>, vector<16xi32>,
        %swap3A_78 = vector.shape_cast %swap3A_77 : vector<16xi32> to vector<16xi32>
        %swap3A_79 = vector.shape_cast %get3A_75 : vector<16xi32> to vector<16xi32>
        tpu.vector_store %arg6[%swap3A_76], %swap3A_79 {strides = array<i32>} : memref<128xi32, #tpu.memory_space<vmem>>, vector<16xi32>,
        %add3A_80 = arith.constant 64 : i32
        %add3A_81 = arith.addi %mul3A_45, %add3A_80 : i32
        %get3A_82 = arith.index_cast %add3A_81 : i32 to index
        %get3A_83 = tpu.vector_load %arg10[%get3A_82] {strides = array<i32>} : memref<5120xi32, #tpu.memory_space<vmem>>, vector<16xi32>,
        %get3A_84 = vector.shape_cast %get3A_83 : vector<16xi32> to vector<16xi32>
        %swap3A_85 = arith.constant 64 : index
        %swap3A_86 = tpu.vector_load %arg6[%swap3A_85] {strides = array<i32>} : memref<128xi32, #tpu.memory_space<vmem>>, vector<16xi32>,
        %swap3A_87 = vector.shape_cast %swap3A_86 : vector<16xi32> to vector<16xi32>
        %swap3A_88 = vector.shape_cast %get3A_84 : vector<16xi32> to vector<16xi32>
        tpu.vector_store %arg6[%swap3A_85], %swap3A_88 {strides = array<i32>} : memref<128xi32, #tpu.memory_space<vmem>>, vector<16xi32>,
        %add3A_89 = arith.constant 80 : i32
        %add3A_90 = arith.addi %mul3A_45, %add3A_89 : i32
        %get3A_91 = arith.index_cast %add3A_90 : i32 to index
        %get3A_92 = tpu.vector_load %arg10[%get3A_91] {strides = array<i32>} : memref<5120xi32, #tpu.memory_space<vmem>>, vector<16xi32>,
        %get3A_93 = vector.shape_cast %get3A_92 : vector<16xi32> to vector<16xi32>
        %swap3A_94 = arith.constant 80 : index
        %swap3A_95 = tpu.vector_load %arg6[%swap3A_94] {strides = array<i32>} : memref<128xi32, #tpu.memory_space<vmem>>, vector<16xi32>,
        %swap3A_96 = vector.shape_cast %swap3A_95 : vector<16xi32> to vector<16xi32>
        %swap3A_97 = vector.shape_cast %get3A_93 : vector<16xi32> to vector<16xi32>
        tpu.vector_store %arg6[%swap3A_94], %swap3A_97 {strides = array<i32>} : memref<128xi32, #tpu.memory_space<vmem>>, vector<16xi32>,
        %add3A_98 = arith.constant 96 : i32
        %add3A_99 = arith.addi %mul3A_45, %add3A_98 : i32
        %get3A_100 = arith.index_cast %add3A_99 : i32 to index
        %get3A_101 = tpu.vector_load %arg10[%get3A_100] {strides = array<i32>} : memref<5120xi32, #tpu.memory_space<vmem>>, vector<16xi32>,
        %get3A_102 = vector.shape_cast %get3A_101 : vector<16xi32> to vector<16xi32>
        %swap3A_103 = arith.constant 96 : index
        %swap3A_104 = tpu.vector_load %arg6[%swap3A_103] {strides = array<i32>} : memref<128xi32, #tpu.memory_space<vmem>>, vector<16xi32>,
        %swap3A_105 = vector.shape_cast %swap3A_104 : vector<16xi32> to vector<16xi32>
        %swap3A_106 = vector.shape_cast %get3A_102 : vector<16xi32> to vector<16xi32>
        tpu.vector_store %arg6[%swap3A_103], %swap3A_106 {strides = array<i32>} : memref<128xi32, #tpu.memory_space<vmem>>, vector<16xi32>,
        %add3A_107 = arith.constant 112 : i32
        %add3A_108 = arith.addi %mul3A_45, %add3A_107 : i32
        %get3A_109 = arith.index_cast %add3A_108 : i32 to index
        %get3A_110 = tpu.vector_load %arg10[%get3A_109] {strides = array<i32>} : memref<5120xi32, #tpu.memory_space<vmem>>, vector<16xi32>,
        %get3A_111 = vector.shape_cast %get3A_110 : vector<16xi32> to vector<16xi32>
        %swap3A_112 = arith.constant 112 : index
        %swap3A_113 = tpu.vector_load %arg6[%swap3A_112] {strides = array<i32>} : memref<128xi32, #tpu.memory_space<vmem>>, vector<16xi32>,
        %swap3A_114 = vector.shape_cast %swap3A_113 : vector<16xi32> to vector<16xi32>
        %swap3A_115 = vector.shape_cast %get3A_111 : vector<16xi32> to vector<16xi32>
        tpu.vector_store %arg6[%swap3A_112], %swap3A_115 {strides = array<i32>} : memref<128xi32, #tpu.memory_space<vmem>>, vector<16xi32>,
        %dma_start3A = arith.constant 0 : i32
        %dma_start3A_116 = arith.constant 0 : i32
        %dma_start3A_117 = tpu.memref_slice %arg2[%dma_start3A, %dma_start3A_116] : memref<10240x128xf32, #tpu.memory_space<hbm>> -> memref<10240x128xf32, #tpu.memory_space<hbm>>
        tpu.enqueue_indirect_dma source(%dma_start3A_117 : memref<10240x128xf32, #tpu.memory_space<hbm>>) target(%arg12 : memref<128x128xf32, #tpu.memory_space<vmem>>) offsets(%arg6 : memref<128xi32, #tpu.memory_space<vmem>>) semaphore(%arg15 : memref<!tpu.dma_semaphore, #tpu.memory_space<semaphore_mem>>)
        %add3A_118 = arith.constant 128 : i32
        %add3A_119 = arith.addi %mul3A_45, %add3A_118 : i32
        %add3A_120 = arith.constant 0 : i32
        %add3A_121 = arith.addi %add3A_119, %add3A_120 : i32
        %get3A_122 = arith.index_cast %add3A_121 : i32 to index
        %get3A_123 = tpu.vector_load %arg10[%get3A_122] {strides = array<i32>} : memref<5120xi32, #tpu.memory_space<vmem>>, vector<16xi32>,
        %get3A_124 = vector.shape_cast %get3A_123 : vector<16xi32> to vector<16xi32>
        %swap3A_125 = arith.constant 0 : index
        %swap3A_126 = tpu.vector_load %arg8[%swap3A_125] {strides = array<i32>} : memref<128xi32, #tpu.memory_space<vmem>>, vector<16xi32>,
        %swap3A_127 = vector.shape_cast %swap3A_126 : vector<16xi32> to vector<16xi32>
        %swap3A_128 = vector.shape_cast %get3A_124 : vector<16xi32> to vector<16xi32>
        tpu.vector_store %arg8[%swap3A_125], %swap3A_128 {strides = array<i32>} : memref<128xi32, #tpu.memory_space<vmem>>, vector<16xi32>,
        %add3A_129 = arith.constant 16 : i32
        %add3A_130 = arith.addi %add3A_119, %add3A_129 : i32
        %get3A_131 = arith.index_cast %add3A_130 : i32 to index
        %get3A_132 = tpu.vector_load %arg10[%get3A_131] {strides = array<i32>} : memref<5120xi32, #tpu.memory_space<vmem>>, vector<16xi32>,
        %get3A_133 = vector.shape_cast %get3A_132 : vector<16xi32> to vector<16xi32>
        %swap3A_134 = arith.constant 16 : index
        %swap3A_135 = tpu.vector_load %arg8[%swap3A_134] {strides = array<i32>} : memref<128xi32, #tpu.memory_space<vmem>>, vector<16xi32>,
        %swap3A_136 = vector.shape_cast %swap3A_135 : vector<16xi32> to vector<16xi32>
        %swap3A_137 = vector.shape_cast %get3A_133 : vector<16xi32> to vector<16xi32>
        tpu.vector_store %arg8[%swap3A_134], %swap3A_137 {strides = array<i32>} : memref<128xi32, #tpu.memory_space<vmem>>, vector<16xi32>,
        %add3A_138 = arith.constant 32 : i32
        %add3A_139 = arith.addi %add3A_119, %add3A_138 : i32
        %get3A_140 = arith.index_cast %add3A_139 : i32 to index
        %get3A_141 = tpu.vector_load %arg10[%get3A_140] {strides = array<i32>} : memref<5120xi32, #tpu.memory_space<vmem>>, vector<16xi32>,
        %get3A_142 = vector.shape_cast %get3A_141 : vector<16xi32> to vector<16xi32>
        %swap3A_143 = arith.constant 32 : index
        %swap3A_144 = tpu.vector_load %arg8[%swap3A_143] {strides = array<i32>} : memref<128xi32, #tpu.memory_space<vmem>>, vector<16xi32>,
        %swap3A_145 = vector.shape_cast %swap3A_144 : vector<16xi32> to vector<16xi32>
        %swap3A_146 = vector.shape_cast %get3A_142 : vector<16xi32> to vector<16xi32>
        tpu.vector_store %arg8[%swap3A_143], %swap3A_146 {strides = array<i32>} : memref<128xi32, #tpu.memory_space<vmem>>, vector<16xi32>,
        %add3A_147 = arith.constant 48 : i32
        %add3A_148 = arith.addi %add3A_119, %add3A_147 : i32
        %get3A_149 = arith.index_cast %add3A_148 : i32 to index
        %get3A_150 = tpu.vector_load %arg10[%get3A_149] {strides = array<i32>} : memref<5120xi32, #tpu.memory_space<vmem>>, vector<16xi32>,
        %get3A_151 = vector.shape_cast %get3A_150 : vector<16xi32> to vector<16xi32>
        %swap3A_152 = arith.constant 48 : index
        %swap3A_153 = tpu.vector_load %arg8[%swap3A_152] {strides = array<i32>} : memref<128xi32, #tpu.memory_space<vmem>>, vector<16xi32>,
        %swap3A_154 = vector.shape_cast %swap3A_153 : vector<16xi32> to vector<16xi32>
        %swap3A_155 = vector.shape_cast %get3A_151 : vector<16xi32> to vector<16xi32>
        tpu.vector_store %arg8[%swap3A_152], %swap3A_155 {strides = array<i32>} : memref<128xi32, #tpu.memory_space<vmem>>, vector<16xi32>,
        %add3A_156 = arith.constant 64 : i32
        %add3A_157 = arith.addi %add3A_119, %add3A_156 : i32
        %get3A_158 = arith.index_cast %add3A_157 : i32 to index
        %get3A_159 = tpu.vector_load %arg10[%get3A_158] {strides = array<i32>} : memref<5120xi32, #tpu.memory_space<vmem>>, vector<16xi32>,
        %get3A_160 = vector.shape_cast %get3A_159 : vector<16xi32> to vector<16xi32>
        %swap3A_161 = arith.constant 64 : index
        %swap3A_162 = tpu.vector_load %arg8[%swap3A_161] {strides = array<i32>} : memref<128xi32, #tpu.memory_space<vmem>>, vector<16xi32>,
        %swap3A_163 = vector.shape_cast %swap3A_162 : vector<16xi32> to vector<16xi32>
        %swap3A_164 = vector.shape_cast %get3A_160 : vector<16xi32> to vector<16xi32>
        tpu.vector_store %arg8[%swap3A_161], %swap3A_164 {strides = array<i32>} : memref<128xi32, #tpu.memory_space<vmem>>, vector<16xi32>,
        %add3A_165 = arith.constant 80 : i32
        %add3A_166 = arith.addi %add3A_119, %add3A_165 : i32
        %get3A_167 = arith.index_cast %add3A_166 : i32 to index
        %get3A_168 = tpu.vector_load %arg10[%get3A_167] {strides = array<i32>} : memref<5120xi32, #tpu.memory_space<vmem>>, vector<16xi32>,
        %get3A_169 = vector.shape_cast %get3A_168 : vector<16xi32> to vector<16xi32>
        %swap3A_170 = arith.constant 80 : index
        %swap3A_171 = tpu.vector_load %arg8[%swap3A_170] {strides = array<i32>} : memref<128xi32, #tpu.memory_space<vmem>>, vector<16xi32>,
        %swap3A_172 = vector.shape_cast %swap3A_171 : vector<16xi32> to vector<16xi32>
        %swap3A_173 = vector.shape_cast %get3A_169 : vector<16xi32> to vector<16xi32>
        tpu.vector_store %arg8[%swap3A_170], %swap3A_173 {strides = array<i32>} : memref<128xi32, #tpu.memory_space<vmem>>, vector<16xi32>,
        %add3A_174 = arith.constant 96 : i32
        %add3A_175 = arith.addi %add3A_119, %add3A_174 : i32
        %get3A_176 = arith.index_cast %add3A_175 : i32 to index
        %get3A_177 = tpu.vector_load %arg10[%get3A_176] {strides = array<i32>} : memref<5120xi32, #tpu.memory_space<vmem>>, vector<16xi32>,
        %get3A_178 = vector.shape_cast %get3A_177 : vector<16xi32> to vector<16xi32>
        %swap3A_179 = arith.constant 96 : index
        %swap3A_180 = tpu.vector_load %arg8[%swap3A_179] {strides = array<i32>} : memref<128xi32, #tpu.memory_space<vmem>>, vector<16xi32>,
        %swap3A_181 = vector.shape_cast %swap3A_180 : vector<16xi32> to vector<16xi32>
        %swap3A_182 = vector.shape_cast %get3A_178 : vector<16xi32> to vector<16xi32>
        tpu.vector_store %arg8[%swap3A_179], %swap3A_182 {strides = array<i32>} : memref<128xi32, #tpu.memory_space<vmem>>, vector<16xi32>,
        %add3A_183 = arith.constant 112 : i32
        %add3A_184 = arith.addi %add3A_119, %add3A_183 : i32
        %get3A_185 = arith.index_cast %add3A_184 : i32 to index
        %get3A_186 = tpu.vector_load %arg10[%get3A_185] {strides = array<i32>} : memref<5120xi32, #tpu.memory_space<vmem>>, vector<16xi32>,
        %get3A_187 = vector.shape_cast %get3A_186 : vector<16xi32> to vector<16xi32>
        %swap3A_188 = arith.constant 112 : index
        %swap3A_189 = tpu.vector_load %arg8[%swap3A_188] {strides = array<i32>} : memref<128xi32, #tpu.memory_space<vmem>>, vector<16xi32>,
        %swap3A_190 = vector.shape_cast %swap3A_189 : vector<16xi32> to vector<16xi32>
        %swap3A_191 = vector.shape_cast %get3A_187 : vector<16xi32> to vector<16xi32>
        tpu.vector_store %arg8[%swap3A_188], %swap3A_191 {strides = array<i32>} : memref<128xi32, #tpu.memory_space<vmem>>, vector<16xi32>,
        %dma_start3A_192 = arith.constant 0 : i32
        %dma_start3A_193 = arith.constant 0 : i32
        %dma_start3A_194 = tpu.memref_slice %arg2[%dma_start3A_192, %dma_start3A_193] : memref<10240x128xf32, #tpu.memory_space<hbm>> -> memref<10240x128xf32, #tpu.memory_space<hbm>>
        tpu.enqueue_indirect_dma source(%dma_start3A_194 : memref<10240x128xf32, #tpu.memory_space<hbm>>) target(%arg13 : memref<128x128xf32, #tpu.memory_space<vmem>>) offsets(%arg8 : memref<128xi32, #tpu.memory_space<vmem>>) semaphore(%arg16 : memref<!tpu.dma_semaphore, #tpu.memory_space<semaphore_mem>>)
        %add3A_195 = arith.constant 0 : i32
        %add3A_196 = arith.addi %mul3A_45, %add3A_195 : i32
        %get3A_197 = arith.index_cast %add3A_196 : i32 to index
        %get3A_198 = tpu.vector_load %arg11[%get3A_197] {strides = array<i32>} : memref<5120xi32, #tpu.memory_space<vmem>>, vector<16xi32>,
        %get3A_199 = vector.shape_cast %get3A_198 : vector<16xi32> to vector<16xi32>
        %swap3A_200 = arith.constant 0 : index
        %swap3A_201 = tpu.vector_load %arg7[%swap3A_200] {strides = array<i32>} : memref<128xi32, #tpu.memory_space<vmem>>, vector<16xi32>,
        %swap3A_202 = vector.shape_cast %swap3A_201 : vector<16xi32> to vector<16xi32>
        %swap3A_203 = vector.shape_cast %get3A_199 : vector<16xi32> to vector<16xi32>
        tpu.vector_store %arg7[%swap3A_200], %swap3A_203 {strides = array<i32>} : memref<128xi32, #tpu.memory_space<vmem>>, vector<16xi32>,
        %add3A_204 = arith.constant 16 : i32
        %add3A_205 = arith.addi %mul3A_45, %add3A_204 : i32
        %get3A_206 = arith.index_cast %add3A_205 : i32 to index
        %get3A_207 = tpu.vector_load %arg11[%get3A_206] {strides = array<i32>} : memref<5120xi32, #tpu.memory_space<vmem>>, vector<16xi32>,
        %get3A_208 = vector.shape_cast %get3A_207 : vector<16xi32> to vector<16xi32>
        %swap3A_209 = arith.constant 16 : index
        %swap3A_210 = tpu.vector_load %arg7[%swap3A_209] {strides = array<i32>} : memref<128xi32, #tpu.memory_space<vmem>>, vector<16xi32>,
        %swap3A_211 = vector.shape_cast %swap3A_210 : vector<16xi32> to vector<16xi32>
        %swap3A_212 = vector.shape_cast %get3A_208 : vector<16xi32> to vector<16xi32>
        tpu.vector_store %arg7[%swap3A_209], %swap3A_212 {strides = array<i32>} : memref<128xi32, #tpu.memory_space<vmem>>, vector<16xi32>,
        %add3A_213 = arith.constant 32 : i32
        %add3A_214 = arith.addi %mul3A_45, %add3A_213 : i32
        %get3A_215 = arith.index_cast %add3A_214 : i32 to index
        %get3A_216 = tpu.vector_load %arg11[%get3A_215] {strides = array<i32>} : memref<5120xi32, #tpu.memory_space<vmem>>, vector<16xi32>,
        %get3A_217 = vector.shape_cast %get3A_216 : vector<16xi32> to vector<16xi32>
        %swap3A_218 = arith.constant 32 : index
        %swap3A_219 = tpu.vector_load %arg7[%swap3A_218] {strides = array<i32>} : memref<128xi32, #tpu.memory_space<vmem>>, vector<16xi32>,
        %swap3A_220 = vector.shape_cast %swap3A_219 : vector<16xi32> to vector<16xi32>
        %swap3A_221 = vector.shape_cast %get3A_217 : vector<16xi32> to vector<16xi32>
        tpu.vector_store %arg7[%swap3A_218], %swap3A_221 {strides = array<i32>} : memref<128xi32, #tpu.memory_space<vmem>>, vector<16xi32>,
        %add3A_222 = arith.constant 48 : i32
        %add3A_223 = arith.addi %mul3A_45, %add3A_222 : i32
        %get3A_224 = arith.index_cast %add3A_223 : i32 to index
        %get3A_225 = tpu.vector_load %arg11[%get3A_224] {strides = array<i32>} : memref<5120xi32, #tpu.memory_space<vmem>>, vector<16xi32>,
        %get3A_226 = vector.shape_cast %get3A_225 : vector<16xi32> to vector<16xi32>
        %swap3A_227 = arith.constant 48 : index
        %swap3A_228 = tpu.vector_load %arg7[%swap3A_227] {strides = array<i32>} : memref<128xi32, #tpu.memory_space<vmem>>, vector<16xi32>,
        %swap3A_229 = vector.shape_cast %swap3A_228 : vector<16xi32> to vector<16xi32>
        %swap3A_230 = vector.shape_cast %get3A_226 : vector<16xi32> to vector<16xi32>
        tpu.vector_store %arg7[%swap3A_227], %swap3A_230 {strides = array<i32>} : memref<128xi32, #tpu.memory_space<vmem>>, vector<16xi32>,
        %add3A_231 = arith.constant 64 : i32
        %add3A_232 = arith.addi %mul3A_45, %add3A_231 : i32
        %get3A_233 = arith.index_cast %add3A_232 : i32 to index
        %get3A_234 = tpu.vector_load %arg11[%get3A_233] {strides = array<i32>} : memref<5120xi32, #tpu.memory_space<vmem>>, vector<16xi32>,
        %get3A_235 = vector.shape_cast %get3A_234 : vector<16xi32> to vector<16xi32>
        %swap3A_236 = arith.constant 64 : index
        %swap3A_237 = tpu.vector_load %arg7[%swap3A_236] {strides = array<i32>} : memref<128xi32, #tpu.memory_space<vmem>>, vector<16xi32>,
        %swap3A_238 = vector.shape_cast %swap3A_237 : vector<16xi32> to vector<16xi32>
        %swap3A_239 = vector.shape_cast %get3A_235 : vector<16xi32> to vector<16xi32>
        tpu.vector_store %arg7[%swap3A_236], %swap3A_239 {strides = array<i32>} : memref<128xi32, #tpu.memory_space<vmem>>, vector<16xi32>,
        %add3A_240 = arith.constant 80 : i32
        %add3A_241 = arith.addi %mul3A_45, %add3A_240 : i32
        %get3A_242 = arith.index_cast %add3A_241 : i32 to index
        %get3A_243 = tpu.vector_load %arg11[%get3A_242] {strides = array<i32>} : memref<5120xi32, #tpu.memory_space<vmem>>, vector<16xi32>,
        %get3A_244 = vector.shape_cast %get3A_243 : vector<16xi32> to vector<16xi32>
        %swap3A_245 = arith.constant 80 : index
        %swap3A_246 = tpu.vector_load %arg7[%swap3A_245] {strides = array<i32>} : memref<128xi32, #tpu.memory_space<vmem>>, vector<16xi32>,
        %swap3A_247 = vector.shape_cast %swap3A_246 : vector<16xi32> to vector<16xi32>
        %swap3A_248 = vector.shape_cast %get3A_244 : vector<16xi32> to vector<16xi32>
        tpu.vector_store %arg7[%swap3A_245], %swap3A_248 {strides = array<i32>} : memref<128xi32, #tpu.memory_space<vmem>>, vector<16xi32>,
        %add3A_249 = arith.constant 96 : i32
        %add3A_250 = arith.addi %mul3A_45, %add3A_249 : i32
        %get3A_251 = arith.index_cast %add3A_250 : i32 to index
        %get3A_252 = tpu.vector_load %arg11[%get3A_251] {strides = array<i32>} : memref<5120xi32, #tpu.memory_space<vmem>>, vector<16xi32>,
        %get3A_253 = vector.shape_cast %get3A_252 : vector<16xi32> to vector<16xi32>
        %swap3A_254 = arith.constant 96 : index
        %swap3A_255 = tpu.vector_load %arg7[%swap3A_254] {strides = array<i32>} : memref<128xi32, #tpu.memory_space<vmem>>, vector<16xi32>,
        %swap3A_256 = vector.shape_cast %swap3A_255 : vector<16xi32> to vector<16xi32>
        %swap3A_257 = vector.shape_cast %get3A_253 : vector<16xi32> to vector<16xi32>
        tpu.vector_store %arg7[%swap3A_254], %swap3A_257 {strides = array<i32>} : memref<128xi32, #tpu.memory_space<vmem>>, vector<16xi32>,
        %add3A_258 = arith.constant 112 : i32
        %add3A_259 = arith.addi %mul3A_45, %add3A_258 : i32
        %get3A_260 = arith.index_cast %add3A_259 : i32 to index
        %get3A_261 = tpu.vector_load %arg11[%get3A_260] {strides = array<i32>} : memref<5120xi32, #tpu.memory_space<vmem>>, vector<16xi32>,
        %get3A_262 = vector.shape_cast %get3A_261 : vector<16xi32> to vector<16xi32>
        %swap3A_263 = arith.constant 112 : index
        %swap3A_264 = tpu.vector_load %arg7[%swap3A_263] {strides = array<i32>} : memref<128xi32, #tpu.memory_space<vmem>>, vector<16xi32>,
        %swap3A_265 = vector.shape_cast %swap3A_264 : vector<16xi32> to vector<16xi32>
        %swap3A_266 = vector.shape_cast %get3A_262 : vector<16xi32> to vector<16xi32>
        tpu.vector_store %arg7[%swap3A_263], %swap3A_266 {strides = array<i32>} : memref<128xi32, #tpu.memory_space<vmem>>, vector<16xi32>,
        %dma_wait3A = arith.constant 0 : i32
        %dma_wait3A_267 = arith.constant 0 : i32
        %dma_wait3A_268 = tpu.memref_slice %arg2[%dma_wait3A, %dma_wait3A_267] : memref<10240x128xf32, #tpu.memory_space<hbm>> -> memref<10240x128xf32, #tpu.memory_space<hbm>>
        tpu.wait_indirect_dma semaphore(%arg15 : memref<!tpu.dma_semaphore, #tpu.memory_space<semaphore_mem>>) src(%dma_wait3A_268 : memref<10240x128xf32, #tpu.memory_space<hbm>>) dst(%arg12 : memref<128x128xf32, #tpu.memory_space<vmem>>)
        "tpu.region"() ({
          %run_scoped3A = tpu.sem_alloc : memref<!tpu.dma_semaphore, #tpu.memory_space<semaphore_mem>>
          %dma_start3A_654 = arith.constant 0 : i32
          %dma_start3A_655 = arith.constant 0 : i32
          %dma_start3A_656 = tpu.memref_slice %arg14[%dma_start3A_654, %dma_start3A_655] : memref<10240x128xf32, #tpu.memory_space<vmem_shared>> -> memref<10240x128xf32, #tpu.memory_space<vmem_shared>>
          tpu.enqueue_indirect_dma source(%arg12 : memref<128x128xf32, #tpu.memory_space<vmem>>) target(%dma_start3A_656 : memref<10240x128xf32, #tpu.memory_space<vmem_shared>>) offsets(%arg7 : memref<128xi32, #tpu.memory_space<vmem>>) semaphore(%run_scoped3A : memref<!tpu.dma_semaphore, #tpu.memory_space<semaphore_mem>>) {add = true}
          %dma_wait3A_657 = arith.constant 0 : i32
          %dma_wait3A_658 = arith.constant 0 : i32
          %dma_wait3A_659 = tpu.memref_slice %arg14[%dma_wait3A_657, %dma_wait3A_658] : memref<10240x128xf32, #tpu.memory_space<vmem_shared>> -> memref<10240x128xf32, #tpu.memory_space<vmem_shared>>
          tpu.wait_indirect_dma semaphore(%run_scoped3A : memref<!tpu.dma_semaphore, #tpu.memory_space<semaphore_mem>>) src(%arg12 : memref<128x128xf32, #tpu.memory_space<vmem>>) dst(%dma_wait3A_659 : memref<10240x128xf32, #tpu.memory_space<vmem_shared>>)
          tpu.yield
        }) : () -> ()
        %add3A_269 = arith.constant 256 : i32
        %add3A_270 = arith.addi %mul3A_45, %add3A_269 : i32
        %add3A_271 = arith.constant 0 : i32
        %add3A_272 = arith.addi %add3A_270, %add3A_271 : i32
        %get3A_273 = arith.index_cast %add3A_272 : i32 to index
        %get3A_274 = tpu.vector_load %arg10[%get3A_273] {strides = array<i32>} : memref<5120xi32, #tpu.memory_space<vmem>>, vector<16xi32>,
        %get3A_275 = vector.shape_cast %get3A_274 : vector<16xi32> to vector<16xi32>
        %swap3A_276 = arith.constant 0 : index
        %swap3A_277 = tpu.vector_load %arg6[%swap3A_276] {strides = array<i32>} : memref<128xi32, #tpu.memory_space<vmem>>, vector<16xi32>,
        %swap3A_278 = vector.shape_cast %swap3A_277 : vector<16xi32> to vector<16xi32>
        %swap3A_279 = vector.shape_cast %get3A_275 : vector<16xi32> to vector<16xi32>
        tpu.vector_store %arg6[%swap3A_276], %swap3A_279 {strides = array<i32>} : memref<128xi32, #tpu.memory_space<vmem>>, vector<16xi32>,
        %add3A_280 = arith.constant 16 : i32
        %add3A_281 = arith.addi %add3A_270, %add3A_280 : i32
        %get3A_282 = arith.index_cast %add3A_281 : i32 to index
        %get3A_283 = tpu.vector_load %arg10[%get3A_282] {strides = array<i32>} : memref<5120xi32, #tpu.memory_space<vmem>>, vector<16xi32>,
        %get3A_284 = vector.shape_cast %get3A_283 : vector<16xi32> to vector<16xi32>
        %swap3A_285 = arith.constant 16 : index
        %swap3A_286 = tpu.vector_load %arg6[%swap3A_285] {strides = array<i32>} : memref<128xi32, #tpu.memory_space<vmem>>, vector<16xi32>,
        %swap3A_287 = vector.shape_cast %swap3A_286 : vector<16xi32> to vector<16xi32>
        %swap3A_288 = vector.shape_cast %get3A_284 : vector<16xi32> to vector<16xi32>
        tpu.vector_store %arg6[%swap3A_285], %swap3A_288 {strides = array<i32>} : memref<128xi32, #tpu.memory_space<vmem>>, vector<16xi32>,
        %add3A_289 = arith.constant 32 : i32
        %add3A_290 = arith.addi %add3A_270, %add3A_289 : i32
        %get3A_291 = arith.index_cast %add3A_290 : i32 to index
        %get3A_292 = tpu.vector_load %arg10[%get3A_291] {strides = array<i32>} : memref<5120xi32, #tpu.memory_space<vmem>>, vector<16xi32>,
        %get3A_293 = vector.shape_cast %get3A_292 : vector<16xi32> to vector<16xi32>
        %swap3A_294 = arith.constant 32 : index
        %swap3A_295 = tpu.vector_load %arg6[%swap3A_294] {strides = array<i32>} : memref<128xi32, #tpu.memory_space<vmem>>, vector<16xi32>,
        %swap3A_296 = vector.shape_cast %swap3A_295 : vector<16xi32> to vector<16xi32>
        %swap3A_297 = vector.shape_cast %get3A_293 : vector<16xi32> to vector<16xi32>
        tpu.vector_store %arg6[%swap3A_294], %swap3A_297 {strides = array<i32>} : memref<128xi32, #tpu.memory_space<vmem>>, vector<16xi32>,
        %add3A_298 = arith.constant 48 : i32
        %add3A_299 = arith.addi %add3A_270, %add3A_298 : i32
        %get3A_300 = arith.index_cast %add3A_299 : i32 to index
        %get3A_301 = tpu.vector_load %arg10[%get3A_300] {strides = array<i32>} : memref<5120xi32, #tpu.memory_space<vmem>>, vector<16xi32>,
        %get3A_302 = vector.shape_cast %get3A_301 : vector<16xi32> to vector<16xi32>
        %swap3A_303 = arith.constant 48 : index
        %swap3A_304 = tpu.vector_load %arg6[%swap3A_303] {strides = array<i32>} : memref<128xi32, #tpu.memory_space<vmem>>, vector<16xi32>,
        %swap3A_305 = vector.shape_cast %swap3A_304 : vector<16xi32> to vector<16xi32>
        %swap3A_306 = vector.shape_cast %get3A_302 : vector<16xi32> to vector<16xi32>
        tpu.vector_store %arg6[%swap3A_303], %swap3A_306 {strides = array<i32>} : memref<128xi32, #tpu.memory_space<vmem>>, vector<16xi32>,
        %add3A_307 = arith.constant 64 : i32
        %add3A_308 = arith.addi %add3A_270, %add3A_307 : i32
        %get3A_309 = arith.index_cast %add3A_308 : i32 to index
        %get3A_310 = tpu.vector_load %arg10[%get3A_309] {strides = array<i32>} : memref<5120xi32, #tpu.memory_space<vmem>>, vector<16xi32>,
        %get3A_311 = vector.shape_cast %get3A_310 : vector<16xi32> to vector<16xi32>
        %swap3A_312 = arith.constant 64 : index
        %swap3A_313 = tpu.vector_load %arg6[%swap3A_312] {strides = array<i32>} : memref<128xi32, #tpu.memory_space<vmem>>, vector<16xi32>,
        %swap3A_314 = vector.shape_cast %swap3A_313 : vector<16xi32> to vector<16xi32>
        %swap3A_315 = vector.shape_cast %get3A_311 : vector<16xi32> to vector<16xi32>
        tpu.vector_store %arg6[%swap3A_312], %swap3A_315 {strides = array<i32>} : memref<128xi32, #tpu.memory_space<vmem>>, vector<16xi32>,
        %add3A_316 = arith.constant 80 : i32
        %add3A_317 = arith.addi %add3A_270, %add3A_316 : i32
        %get3A_318 = arith.index_cast %add3A_317 : i32 to index
        %get3A_319 = tpu.vector_load %arg10[%get3A_318] {strides = array<i32>} : memref<5120xi32, #tpu.memory_space<vmem>>, vector<16xi32>,
        %get3A_320 = vector.shape_cast %get3A_319 : vector<16xi32> to vector<16xi32>
        %swap3A_321 = arith.constant 80 : index
        %swap3A_322 = tpu.vector_load %arg6[%swap3A_321] {strides = array<i32>} : memref<128xi32, #tpu.memory_space<vmem>>, vector<16xi32>,
        %swap3A_323 = vector.shape_cast %swap3A_322 : vector<16xi32> to vector<16xi32>
        %swap3A_324 = vector.shape_cast %get3A_320 : vector<16xi32> to vector<16xi32>
        tpu.vector_store %arg6[%swap3A_321], %swap3A_324 {strides = array<i32>} : memref<128xi32, #tpu.memory_space<vmem>>, vector<16xi32>,
        %add3A_325 = arith.constant 96 : i32
        %add3A_326 = arith.addi %add3A_270, %add3A_325 : i32
        %get3A_327 = arith.index_cast %add3A_326 : i32 to index
        %get3A_328 = tpu.vector_load %arg10[%get3A_327] {strides = array<i32>} : memref<5120xi32, #tpu.memory_space<vmem>>, vector<16xi32>,
        %get3A_329 = vector.shape_cast %get3A_328 : vector<16xi32> to vector<16xi32>
        %swap3A_330 = arith.constant 96 : index
        %swap3A_331 = tpu.vector_load %arg6[%swap3A_330] {strides = array<i32>} : memref<128xi32, #tpu.memory_space<vmem>>, vector<16xi32>,
        %swap3A_332 = vector.shape_cast %swap3A_331 : vector<16xi32> to vector<16xi32>
        %swap3A_333 = vector.shape_cast %get3A_329 : vector<16xi32> to vector<16xi32>
        tpu.vector_store %arg6[%swap3A_330], %swap3A_333 {strides = array<i32>} : memref<128xi32, #tpu.memory_space<vmem>>, vector<16xi32>,
        %add3A_334 = arith.constant 112 : i32
        %add3A_335 = arith.addi %add3A_270, %add3A_334 : i32
        %get3A_336 = arith.index_cast %add3A_335 : i32 to index
        %get3A_337 = tpu.vector_load %arg10[%get3A_336] {strides = array<i32>} : memref<5120xi32, #tpu.memory_space<vmem>>, vector<16xi32>,
        %get3A_338 = vector.shape_cast %get3A_337 : vector<16xi32> to vector<16xi32>
        %swap3A_339 = arith.constant 112 : index
        %swap3A_340 = tpu.vector_load %arg6[%swap3A_339] {strides = array<i32>} : memref<128xi32, #tpu.memory_space<vmem>>, vector<16xi32>,
        %swap3A_341 = vector.shape_cast %swap3A_340 : vector<16xi32> to vector<16xi32>
        %swap3A_342 = vector.shape_cast %get3A_338 : vector<16xi32> to vector<16xi32>
        tpu.vector_store %arg6[%swap3A_339], %swap3A_342 {strides = array<i32>} : memref<128xi32, #tpu.memory_space<vmem>>, vector<16xi32>,
        %dma_start3A_343 = arith.constant 0 : i32
        %dma_start3A_344 = arith.constant 0 : i32
        %dma_start3A_345 = tpu.memref_slice %arg2[%dma_start3A_343, %dma_start3A_344] : memref<10240x128xf32, #tpu.memory_space<hbm>> -> memref<10240x128xf32, #tpu.memory_space<hbm>>
        tpu.enqueue_indirect_dma source(%dma_start3A_345 : memref<10240x128xf32, #tpu.memory_space<hbm>>) target(%arg12 : memref<128x128xf32, #tpu.memory_space<vmem>>) offsets(%arg6 : memref<128xi32, #tpu.memory_space<vmem>>) semaphore(%arg15 : memref<!tpu.dma_semaphore, #tpu.memory_space<semaphore_mem>>)
        %add3A_346 = arith.constant 128 : i32
        %add3A_347 = arith.addi %mul3A_45, %add3A_346 : i32
        %add3A_348 = arith.constant 0 : i32
        %add3A_349 = arith.addi %add3A_347, %add3A_348 : i32
        %get3A_350 = arith.index_cast %add3A_349 : i32 to index
        %get3A_351 = tpu.vector_load %arg11[%get3A_350] {strides = array<i32>} : memref<5120xi32, #tpu.memory_space<vmem>>, vector<16xi32>,
        %get3A_352 = vector.shape_cast %get3A_351 : vector<16xi32> to vector<16xi32>
        %swap3A_353 = arith.constant 0 : index
        %swap3A_354 = tpu.vector_load %arg9[%swap3A_353] {strides = array<i32>} : memref<128xi32, #tpu.memory_space<vmem>>, vector<16xi32>,
        %swap3A_355 = vector.shape_cast %swap3A_354 : vector<16xi32> to vector<16xi32>
        %swap3A_356 = vector.shape_cast %get3A_352 : vector<16xi32> to vector<16xi32>
        tpu.vector_store %arg9[%swap3A_353], %swap3A_356 {strides = array<i32>} : memref<128xi32, #tpu.memory_space<vmem>>, vector<16xi32>,
        %add3A_357 = arith.constant 16 : i32
        %add3A_358 = arith.addi %add3A_347, %add3A_357 : i32
        %get3A_359 = arith.index_cast %add3A_358 : i32 to index
        %get3A_360 = tpu.vector_load %arg11[%get3A_359] {strides = array<i32>} : memref<5120xi32, #tpu.memory_space<vmem>>, vector<16xi32>,
        %get3A_361 = vector.shape_cast %get3A_360 : vector<16xi32> to vector<16xi32>
        %swap3A_362 = arith.constant 16 : index
        %swap3A_363 = tpu.vector_load %arg9[%swap3A_362] {strides = array<i32>} : memref<128xi32, #tpu.memory_space<vmem>>, vector<16xi32>,
        %swap3A_364 = vector.shape_cast %swap3A_363 : vector<16xi32> to vector<16xi32>
        %swap3A_365 = vector.shape_cast %get3A_361 : vector<16xi32> to vector<16xi32>
        tpu.vector_store %arg9[%swap3A_362], %swap3A_365 {strides = array<i32>} : memref<128xi32, #tpu.memory_space<vmem>>, vector<16xi32>,
        %add3A_366 = arith.constant 32 : i32
        %add3A_367 = arith.addi %add3A_347, %add3A_366 : i32
        %get3A_368 = arith.index_cast %add3A_367 : i32 to index
        %get3A_369 = tpu.vector_load %arg11[%get3A_368] {strides = array<i32>} : memref<5120xi32, #tpu.memory_space<vmem>>, vector<16xi32>,
        %get3A_370 = vector.shape_cast %get3A_369 : vector<16xi32> to vector<16xi32>
        %swap3A_371 = arith.constant 32 : index
        %swap3A_372 = tpu.vector_load %arg9[%swap3A_371] {strides = array<i32>} : memref<128xi32, #tpu.memory_space<vmem>>, vector<16xi32>,
        %swap3A_373 = vector.shape_cast %swap3A_372 : vector<16xi32> to vector<16xi32>
        %swap3A_374 = vector.shape_cast %get3A_370 : vector<16xi32> to vector<16xi32>
        tpu.vector_store %arg9[%swap3A_371], %swap3A_374 {strides = array<i32>} : memref<128xi32, #tpu.memory_space<vmem>>, vector<16xi32>,
        %add3A_375 = arith.constant 48 : i32
        %add3A_376 = arith.addi %add3A_347, %add3A_375 : i32
        %get3A_377 = arith.index_cast %add3A_376 : i32 to index
        %get3A_378 = tpu.vector_load %arg11[%get3A_377] {strides = array<i32>} : memref<5120xi32, #tpu.memory_space<vmem>>, vector<16xi32>,
        %get3A_379 = vector.shape_cast %get3A_378 : vector<16xi32> to vector<16xi32>
        %swap3A_380 = arith.constant 48 : index
        %swap3A_381 = tpu.vector_load %arg9[%swap3A_380] {strides = array<i32>} : memref<128xi32, #tpu.memory_space<vmem>>, vector<16xi32>,
        %swap3A_382 = vector.shape_cast %swap3A_381 : vector<16xi32> to vector<16xi32>
        %swap3A_383 = vector.shape_cast %get3A_379 : vector<16xi32> to vector<16xi32>
        tpu.vector_store %arg9[%swap3A_380], %swap3A_383 {strides = array<i32>} : memref<128xi32, #tpu.memory_space<vmem>>, vector<16xi32>,
        %add3A_384 = arith.constant 64 : i32
        %add3A_385 = arith.addi %add3A_347, %add3A_384 : i32
        %get3A_386 = arith.index_cast %add3A_385 : i32 to index
        %get3A_387 = tpu.vector_load %arg11[%get3A_386] {strides = array<i32>} : memref<5120xi32, #tpu.memory_space<vmem>>, vector<16xi32>,
        %get3A_388 = vector.shape_cast %get3A_387 : vector<16xi32> to vector<16xi32>
        %swap3A_389 = arith.constant 64 : index
        %swap3A_390 = tpu.vector_load %arg9[%swap3A_389] {strides = array<i32>} : memref<128xi32, #tpu.memory_space<vmem>>, vector<16xi32>,
        %swap3A_391 = vector.shape_cast %swap3A_390 : vector<16xi32> to vector<16xi32>
        %swap3A_392 = vector.shape_cast %get3A_388 : vector<16xi32> to vector<16xi32>
        tpu.vector_store %arg9[%swap3A_389], %swap3A_392 {strides = array<i32>} : memref<128xi32, #tpu.memory_space<vmem>>, vector<16xi32>,
        %add3A_393 = arith.constant 80 : i32
        %add3A_394 = arith.addi %add3A_347, %add3A_393 : i32
        %get3A_395 = arith.index_cast %add3A_394 : i32 to index
        %get3A_396 = tpu.vector_load %arg11[%get3A_395] {strides = array<i32>} : memref<5120xi32, #tpu.memory_space<vmem>>, vector<16xi32>,
        %get3A_397 = vector.shape_cast %get3A_396 : vector<16xi32> to vector<16xi32>
        %swap3A_398 = arith.constant 80 : index
        %swap3A_399 = tpu.vector_load %arg9[%swap3A_398] {strides = array<i32>} : memref<128xi32, #tpu.memory_space<vmem>>, vector<16xi32>,
        %swap3A_400 = vector.shape_cast %swap3A_399 : vector<16xi32> to vector<16xi32>
        %swap3A_401 = vector.shape_cast %get3A_397 : vector<16xi32> to vector<16xi32>
        tpu.vector_store %arg9[%swap3A_398], %swap3A_401 {strides = array<i32>} : memref<128xi32, #tpu.memory_space<vmem>>, vector<16xi32>,
        %add3A_402 = arith.constant 96 : i32
        %add3A_403 = arith.addi %add3A_347, %add3A_402 : i32
        %get3A_404 = arith.index_cast %add3A_403 : i32 to index
        %get3A_405 = tpu.vector_load %arg11[%get3A_404] {strides = array<i32>} : memref<5120xi32, #tpu.memory_space<vmem>>, vector<16xi32>,
        %get3A_406 = vector.shape_cast %get3A_405 : vector<16xi32> to vector<16xi32>
        %swap3A_407 = arith.constant 96 : index
        %swap3A_408 = tpu.vector_load %arg9[%swap3A_407] {strides = array<i32>} : memref<128xi32, #tpu.memory_space<vmem>>, vector<16xi32>,
        %swap3A_409 = vector.shape_cast %swap3A_408 : vector<16xi32> to vector<16xi32>
        %swap3A_410 = vector.shape_cast %get3A_406 : vector<16xi32> to vector<16xi32>
        tpu.vector_store %arg9[%swap3A_407], %swap3A_410 {strides = array<i32>} : memref<128xi32, #tpu.memory_space<vmem>>, vector<16xi32>,
        %add3A_411 = arith.constant 112 : i32
        %add3A_412 = arith.addi %add3A_347, %add3A_411 : i32
        %get3A_413 = arith.index_cast %add3A_412 : i32 to index
        %get3A_414 = tpu.vector_load %arg11[%get3A_413] {strides = array<i32>} : memref<5120xi32, #tpu.memory_space<vmem>>, vector<16xi32>,
        %get3A_415 = vector.shape_cast %get3A_414 : vector<16xi32> to vector<16xi32>
        %swap3A_416 = arith.constant 112 : index
        %swap3A_417 = tpu.vector_load %arg9[%swap3A_416] {strides = array<i32>} : memref<128xi32, #tpu.memory_space<vmem>>, vector<16xi32>,
        %swap3A_418 = vector.shape_cast %swap3A_417 : vector<16xi32> to vector<16xi32>
        %swap3A_419 = vector.shape_cast %get3A_415 : vector<16xi32> to vector<16xi32>
        tpu.vector_store %arg9[%swap3A_416], %swap3A_419 {strides = array<i32>} : memref<128xi32, #tpu.memory_space<vmem>>, vector<16xi32>,
        %dma_wait3A_420 = arith.constant 0 : i32
        %dma_wait3A_421 = arith.constant 0 : i32
        %dma_wait3A_422 = tpu.memref_slice %arg2[%dma_wait3A_420, %dma_wait3A_421] : memref<10240x128xf32, #tpu.memory_space<hbm>> -> memref<10240x128xf32, #tpu.memory_space<hbm>>
        tpu.wait_indirect_dma semaphore(%arg16 : memref<!tpu.dma_semaphore, #tpu.memory_space<semaphore_mem>>) src(%dma_wait3A_422 : memref<10240x128xf32, #tpu.memory_space<hbm>>) dst(%arg13 : memref<128x128xf32, #tpu.memory_space<vmem>>)
        "tpu.region"() ({
          %run_scoped3A = tpu.sem_alloc : memref<!tpu.dma_semaphore, #tpu.memory_space<semaphore_mem>>
          %dma_start3A_654 = arith.constant 0 : i32
          %dma_start3A_655 = arith.constant 0 : i32
          %dma_start3A_656 = tpu.memref_slice %arg14[%dma_start3A_654, %dma_start3A_655] : memref<10240x128xf32, #tpu.memory_space<vmem_shared>> -> memref<10240x128xf32, #tpu.memory_space<vmem_shared>>
          tpu.enqueue_indirect_dma source(%arg13 : memref<128x128xf32, #tpu.memory_space<vmem>>) target(%dma_start3A_656 : memref<10240x128xf32, #tpu.memory_space<vmem_shared>>) offsets(%arg9 : memref<128xi32, #tpu.memory_space<vmem>>) semaphore(%run_scoped3A : memref<!tpu.dma_semaphore, #tpu.memory_space<semaphore_mem>>) {add = true}
          %dma_wait3A_657 = arith.constant 0 : i32
          %dma_wait3A_658 = arith.constant 0 : i32
          %dma_wait3A_659 = tpu.memref_slice %arg14[%dma_wait3A_657, %dma_wait3A_658] : memref<10240x128xf32, #tpu.memory_space<vmem_shared>> -> memref<10240x128xf32, #tpu.memory_space<vmem_shared>>
          tpu.wait_indirect_dma semaphore(%run_scoped3A : memref<!tpu.dma_semaphore, #tpu.memory_space<semaphore_mem>>) src(%arg13 : memref<128x128xf32, #tpu.memory_space<vmem>>) dst(%dma_wait3A_659 : memref<10240x128xf32, #tpu.memory_space<vmem_shared>>)
          tpu.yield
        }) : () -> ()
        %add3A_423 = arith.constant 384 : i32
        %add3A_424 = arith.addi %mul3A_45, %add3A_423 : i32
        %add3A_425 = arith.constant 0 : i32
        %add3A_426 = arith.addi %add3A_424, %add3A_425 : i32
        %get3A_427 = arith.index_cast %add3A_426 : i32 to index
        %get3A_428 = tpu.vector_load %arg10[%get3A_427] {strides = array<i32>} : memref<5120xi32, #tpu.memory_space<vmem>>, vector<16xi32>,
        %get3A_429 = vector.shape_cast %get3A_428 : vector<16xi32> to vector<16xi32>
        %swap3A_430 = arith.constant 0 : index
        %swap3A_431 = tpu.vector_load %arg8[%swap3A_430] {strides = array<i32>} : memref<128xi32, #tpu.memory_space<vmem>>, vector<16xi32>,
        %swap3A_432 = vector.shape_cast %swap3A_431 : vector<16xi32> to vector<16xi32>
        %swap3A_433 = vector.shape_cast %get3A_429 : vector<16xi32> to vector<16xi32>
        tpu.vector_store %arg8[%swap3A_430], %swap3A_433 {strides = array<i32>} : memref<128xi32, #tpu.memory_space<vmem>>, vector<16xi32>,
        %add3A_434 = arith.constant 16 : i32
        %add3A_435 = arith.addi %add3A_424, %add3A_434 : i32
        %get3A_436 = arith.index_cast %add3A_435 : i32 to index
        %get3A_437 = tpu.vector_load %arg10[%get3A_436] {strides = array<i32>} : memref<5120xi32, #tpu.memory_space<vmem>>, vector<16xi32>,
        %get3A_438 = vector.shape_cast %get3A_437 : vector<16xi32> to vector<16xi32>
        %swap3A_439 = arith.constant 16 : index
        %swap3A_440 = tpu.vector_load %arg8[%swap3A_439] {strides = array<i32>} : memref<128xi32, #tpu.memory_space<vmem>>, vector<16xi32>,
        %swap3A_441 = vector.shape_cast %swap3A_440 : vector<16xi32> to vector<16xi32>
        %swap3A_442 = vector.shape_cast %get3A_438 : vector<16xi32> to vector<16xi32>
        tpu.vector_store %arg8[%swap3A_439], %swap3A_442 {strides = array<i32>} : memref<128xi32, #tpu.memory_space<vmem>>, vector<16xi32>,
        %add3A_443 = arith.constant 32 : i32
        %add3A_444 = arith.addi %add3A_424, %add3A_443 : i32
        %get3A_445 = arith.index_cast %add3A_444 : i32 to index
        %get3A_446 = tpu.vector_load %arg10[%get3A_445] {strides = array<i32>} : memref<5120xi32, #tpu.memory_space<vmem>>, vector<16xi32>,
        %get3A_447 = vector.shape_cast %get3A_446 : vector<16xi32> to vector<16xi32>
        %swap3A_448 = arith.constant 32 : index
        %swap3A_449 = tpu.vector_load %arg8[%swap3A_448] {strides = array<i32>} : memref<128xi32, #tpu.memory_space<vmem>>, vector<16xi32>,
        %swap3A_450 = vector.shape_cast %swap3A_449 : vector<16xi32> to vector<16xi32>
        %swap3A_451 = vector.shape_cast %get3A_447 : vector<16xi32> to vector<16xi32>
        tpu.vector_store %arg8[%swap3A_448], %swap3A_451 {strides = array<i32>} : memref<128xi32, #tpu.memory_space<vmem>>, vector<16xi32>,
        %add3A_452 = arith.constant 48 : i32
        %add3A_453 = arith.addi %add3A_424, %add3A_452 : i32
        %get3A_454 = arith.index_cast %add3A_453 : i32 to index
        %get3A_455 = tpu.vector_load %arg10[%get3A_454] {strides = array<i32>} : memref<5120xi32, #tpu.memory_space<vmem>>, vector<16xi32>,
        %get3A_456 = vector.shape_cast %get3A_455 : vector<16xi32> to vector<16xi32>
        %swap3A_457 = arith.constant 48 : index
        %swap3A_458 = tpu.vector_load %arg8[%swap3A_457] {strides = array<i32>} : memref<128xi32, #tpu.memory_space<vmem>>, vector<16xi32>,
        %swap3A_459 = vector.shape_cast %swap3A_458 : vector<16xi32> to vector<16xi32>
        %swap3A_460 = vector.shape_cast %get3A_456 : vector<16xi32> to vector<16xi32>
        tpu.vector_store %arg8[%swap3A_457], %swap3A_460 {strides = array<i32>} : memref<128xi32, #tpu.memory_space<vmem>>, vector<16xi32>,
        %add3A_461 = arith.constant 64 : i32
        %add3A_462 = arith.addi %add3A_424, %add3A_461 : i32
        %get3A_463 = arith.index_cast %add3A_462 : i32 to index
        %get3A_464 = tpu.vector_load %arg10[%get3A_463] {strides = array<i32>} : memref<5120xi32, #tpu.memory_space<vmem>>, vector<16xi32>,
        %get3A_465 = vector.shape_cast %get3A_464 : vector<16xi32> to vector<16xi32>
        %swap3A_466 = arith.constant 64 : index
        %swap3A_467 = tpu.vector_load %arg8[%swap3A_466] {strides = array<i32>} : memref<128xi32, #tpu.memory_space<vmem>>, vector<16xi32>,
        %swap3A_468 = vector.shape_cast %swap3A_467 : vector<16xi32> to vector<16xi32>
        %swap3A_469 = vector.shape_cast %get3A_465 : vector<16xi32> to vector<16xi32>
        tpu.vector_store %arg8[%swap3A_466], %swap3A_469 {strides = array<i32>} : memref<128xi32, #tpu.memory_space<vmem>>, vector<16xi32>,
        %add3A_470 = arith.constant 80 : i32
        %add3A_471 = arith.addi %add3A_424, %add3A_470 : i32
        %get3A_472 = arith.index_cast %add3A_471 : i32 to index
        %get3A_473 = tpu.vector_load %arg10[%get3A_472] {strides = array<i32>} : memref<5120xi32, #tpu.memory_space<vmem>>, vector<16xi32>,
        %get3A_474 = vector.shape_cast %get3A_473 : vector<16xi32> to vector<16xi32>
        %swap3A_475 = arith.constant 80 : index
        %swap3A_476 = tpu.vector_load %arg8[%swap3A_475] {strides = array<i32>} : memref<128xi32, #tpu.memory_space<vmem>>, vector<16xi32>,
        %swap3A_477 = vector.shape_cast %swap3A_476 : vector<16xi32> to vector<16xi32>
        %swap3A_478 = vector.shape_cast %get3A_474 : vector<16xi32> to vector<16xi32>
        tpu.vector_store %arg8[%swap3A_475], %swap3A_478 {strides = array<i32>} : memref<128xi32, #tpu.memory_space<vmem>>, vector<16xi32>,
        %add3A_479 = arith.constant 96 : i32
        %add3A_480 = arith.addi %add3A_424, %add3A_479 : i32
        %get3A_481 = arith.index_cast %add3A_480 : i32 to index
        %get3A_482 = tpu.vector_load %arg10[%get3A_481] {strides = array<i32>} : memref<5120xi32, #tpu.memory_space<vmem>>, vector<16xi32>,
        %get3A_483 = vector.shape_cast %get3A_482 : vector<16xi32> to vector<16xi32>
        %swap3A_484 = arith.constant 96 : index
        %swap3A_485 = tpu.vector_load %arg8[%swap3A_484] {strides = array<i32>} : memref<128xi32, #tpu.memory_space<vmem>>, vector<16xi32>,
        %swap3A_486 = vector.shape_cast %swap3A_485 : vector<16xi32> to vector<16xi32>
        %swap3A_487 = vector.shape_cast %get3A_483 : vector<16xi32> to vector<16xi32>
        tpu.vector_store %arg8[%swap3A_484], %swap3A_487 {strides = array<i32>} : memref<128xi32, #tpu.memory_space<vmem>>, vector<16xi32>,
        %add3A_488 = arith.constant 112 : i32
        %add3A_489 = arith.addi %add3A_424, %add3A_488 : i32
        %get3A_490 = arith.index_cast %add3A_489 : i32 to index
        %get3A_491 = tpu.vector_load %arg10[%get3A_490] {strides = array<i32>} : memref<5120xi32, #tpu.memory_space<vmem>>, vector<16xi32>,
        %get3A_492 = vector.shape_cast %get3A_491 : vector<16xi32> to vector<16xi32>
        %swap3A_493 = arith.constant 112 : index
        %swap3A_494 = tpu.vector_load %arg8[%swap3A_493] {strides = array<i32>} : memref<128xi32, #tpu.memory_space<vmem>>, vector<16xi32>,
        %swap3A_495 = vector.shape_cast %swap3A_494 : vector<16xi32> to vector<16xi32>
        %swap3A_496 = vector.shape_cast %get3A_492 : vector<16xi32> to vector<16xi32>
        tpu.vector_store %arg8[%swap3A_493], %swap3A_496 {strides = array<i32>} : memref<128xi32, #tpu.memory_space<vmem>>, vector<16xi32>,
        %dma_start3A_497 = arith.constant 0 : i32
        %dma_start3A_498 = arith.constant 0 : i32
        %dma_start3A_499 = tpu.memref_slice %arg2[%dma_start3A_497, %dma_start3A_498] : memref<10240x128xf32, #tpu.memory_space<hbm>> -> memref<10240x128xf32, #tpu.memory_space<hbm>>
        tpu.enqueue_indirect_dma source(%dma_start3A_499 : memref<10240x128xf32, #tpu.memory_space<hbm>>) target(%arg13 : memref<128x128xf32, #tpu.memory_space<vmem>>) offsets(%arg8 : memref<128xi32, #tpu.memory_space<vmem>>) semaphore(%arg16 : memref<!tpu.dma_semaphore, #tpu.memory_space<semaphore_mem>>)
        %add3A_500 = arith.constant 256 : i32
        %add3A_501 = arith.addi %mul3A_45, %add3A_500 : i32
        %add3A_502 = arith.constant 0 : i32
        %add3A_503 = arith.addi %add3A_501, %add3A_502 : i32
        %get3A_504 = arith.index_cast %add3A_503 : i32 to index
        %get3A_505 = tpu.vector_load %arg11[%get3A_504] {strides = array<i32>} : memref<5120xi32, #tpu.memory_space<vmem>>, vector<16xi32>,
        %get3A_506 = vector.shape_cast %get3A_505 : vector<16xi32> to vector<16xi32>
        %swap3A_507 = arith.constant 0 : index
        %swap3A_508 = tpu.vector_load %arg7[%swap3A_507] {strides = array<i32>} : memref<128xi32, #tpu.memory_space<vmem>>, vector<16xi32>,
        %swap3A_509 = vector.shape_cast %swap3A_508 : vector<16xi32> to vector<16xi32>
        %swap3A_510 = vector.shape_cast %get3A_506 : vector<16xi32> to vector<16xi32>
        tpu.vector_store %arg7[%swap3A_507], %swap3A_510 {strides = array<i32>} : memref<128xi32, #tpu.memory_space<vmem>>, vector<16xi32>,
        %add3A_511 = arith.constant 16 : i32
        %add3A_512 = arith.addi %add3A_501, %add3A_511 : i32
        %get3A_513 = arith.index_cast %add3A_512 : i32 to index
        %get3A_514 = tpu.vector_load %arg11[%get3A_513] {strides = array<i32>} : memref<5120xi32, #tpu.memory_space<vmem>>, vector<16xi32>,
        %get3A_515 = vector.shape_cast %get3A_514 : vector<16xi32> to vector<16xi32>
        %swap3A_516 = arith.constant 16 : index
        %swap3A_517 = tpu.vector_load %arg7[%swap3A_516] {strides = array<i32>} : memref<128xi32, #tpu.memory_space<vmem>>, vector<16xi32>,
        %swap3A_518 = vector.shape_cast %swap3A_517 : vector<16xi32> to vector<16xi32>
        %swap3A_519 = vector.shape_cast %get3A_515 : vector<16xi32> to vector<16xi32>
        tpu.vector_store %arg7[%swap3A_516], %swap3A_519 {strides = array<i32>} : memref<128xi32, #tpu.memory_space<vmem>>, vector<16xi32>,
        %add3A_520 = arith.constant 32 : i32
        %add3A_521 = arith.addi %add3A_501, %add3A_520 : i32
        %get3A_522 = arith.index_cast %add3A_521 : i32 to index
        %get3A_523 = tpu.vector_load %arg11[%get3A_522] {strides = array<i32>} : memref<5120xi32, #tpu.memory_space<vmem>>, vector<16xi32>,
        %get3A_524 = vector.shape_cast %get3A_523 : vector<16xi32> to vector<16xi32>
        %swap3A_525 = arith.constant 32 : index
        %swap3A_526 = tpu.vector_load %arg7[%swap3A_525] {strides = array<i32>} : memref<128xi32, #tpu.memory_space<vmem>>, vector<16xi32>,
        %swap3A_527 = vector.shape_cast %swap3A_526 : vector<16xi32> to vector<16xi32>
        %swap3A_528 = vector.shape_cast %get3A_524 : vector<16xi32> to vector<16xi32>
        tpu.vector_store %arg7[%swap3A_525], %swap3A_528 {strides = array<i32>} : memref<128xi32, #tpu.memory_space<vmem>>, vector<16xi32>,
        %add3A_529 = arith.constant 48 : i32
        %add3A_530 = arith.addi %add3A_501, %add3A_529 : i32
        %get3A_531 = arith.index_cast %add3A_530 : i32 to index
        %get3A_532 = tpu.vector_load %arg11[%get3A_531] {strides = array<i32>} : memref<5120xi32, #tpu.memory_space<vmem>>, vector<16xi32>,
        %get3A_533 = vector.shape_cast %get3A_532 : vector<16xi32> to vector<16xi32>
        %swap3A_534 = arith.constant 48 : index
        %swap3A_535 = tpu.vector_load %arg7[%swap3A_534] {strides = array<i32>} : memref<128xi32, #tpu.memory_space<vmem>>, vector<16xi32>,
        %swap3A_536 = vector.shape_cast %swap3A_535 : vector<16xi32> to vector<16xi32>
        %swap3A_537 = vector.shape_cast %get3A_533 : vector<16xi32> to vector<16xi32>
        tpu.vector_store %arg7[%swap3A_534], %swap3A_537 {strides = array<i32>} : memref<128xi32, #tpu.memory_space<vmem>>, vector<16xi32>,
        %add3A_538 = arith.constant 64 : i32
        %add3A_539 = arith.addi %add3A_501, %add3A_538 : i32
        %get3A_540 = arith.index_cast %add3A_539 : i32 to index
        %get3A_541 = tpu.vector_load %arg11[%get3A_540] {strides = array<i32>} : memref<5120xi32, #tpu.memory_space<vmem>>, vector<16xi32>,
        %get3A_542 = vector.shape_cast %get3A_541 : vector<16xi32> to vector<16xi32>
        %swap3A_543 = arith.constant 64 : index
        %swap3A_544 = tpu.vector_load %arg7[%swap3A_543] {strides = array<i32>} : memref<128xi32, #tpu.memory_space<vmem>>, vector<16xi32>,
        %swap3A_545 = vector.shape_cast %swap3A_544 : vector<16xi32> to vector<16xi32>
        %swap3A_546 = vector.shape_cast %get3A_542 : vector<16xi32> to vector<16xi32>
        tpu.vector_store %arg7[%swap3A_543], %swap3A_546 {strides = array<i32>} : memref<128xi32, #tpu.memory_space<vmem>>, vector<16xi32>,
        %add3A_547 = arith.constant 80 : i32
        %add3A_548 = arith.addi %add3A_501, %add3A_547 : i32
        %get3A_549 = arith.index_cast %add3A_548 : i32 to index
        %get3A_550 = tpu.vector_load %arg11[%get3A_549] {strides = array<i32>} : memref<5120xi32, #tpu.memory_space<vmem>>, vector<16xi32>,
        %get3A_551 = vector.shape_cast %get3A_550 : vector<16xi32> to vector<16xi32>
        %swap3A_552 = arith.constant 80 : index
        %swap3A_553 = tpu.vector_load %arg7[%swap3A_552] {strides = array<i32>} : memref<128xi32, #tpu.memory_space<vmem>>, vector<16xi32>,
        %swap3A_554 = vector.shape_cast %swap3A_553 : vector<16xi32> to vector<16xi32>
        %swap3A_555 = vector.shape_cast %get3A_551 : vector<16xi32> to vector<16xi32>
        tpu.vector_store %arg7[%swap3A_552], %swap3A_555 {strides = array<i32>} : memref<128xi32, #tpu.memory_space<vmem>>, vector<16xi32>,
        %add3A_556 = arith.constant 96 : i32
        %add3A_557 = arith.addi %add3A_501, %add3A_556 : i32
        %get3A_558 = arith.index_cast %add3A_557 : i32 to index
        %get3A_559 = tpu.vector_load %arg11[%get3A_558] {strides = array<i32>} : memref<5120xi32, #tpu.memory_space<vmem>>, vector<16xi32>,
        %get3A_560 = vector.shape_cast %get3A_559 : vector<16xi32> to vector<16xi32>
        %swap3A_561 = arith.constant 96 : index
        %swap3A_562 = tpu.vector_load %arg7[%swap3A_561] {strides = array<i32>} : memref<128xi32, #tpu.memory_space<vmem>>, vector<16xi32>,
        %swap3A_563 = vector.shape_cast %swap3A_562 : vector<16xi32> to vector<16xi32>
        %swap3A_564 = vector.shape_cast %get3A_560 : vector<16xi32> to vector<16xi32>
        tpu.vector_store %arg7[%swap3A_561], %swap3A_564 {strides = array<i32>} : memref<128xi32, #tpu.memory_space<vmem>>, vector<16xi32>,
        %add3A_565 = arith.constant 112 : i32
        %add3A_566 = arith.addi %add3A_501, %add3A_565 : i32
        %get3A_567 = arith.index_cast %add3A_566 : i32 to index
        %get3A_568 = tpu.vector_load %arg11[%get3A_567] {strides = array<i32>} : memref<5120xi32, #tpu.memory_space<vmem>>, vector<16xi32>,
        %get3A_569 = vector.shape_cast %get3A_568 : vector<16xi32> to vector<16xi32>
        %swap3A_570 = arith.constant 112 : index
        %swap3A_571 = tpu.vector_load %arg7[%swap3A_570] {strides = array<i32>} : memref<128xi32, #tpu.memory_space<vmem>>, vector<16xi32>,
        %swap3A_572 = vector.shape_cast %swap3A_571 : vector<16xi32> to vector<16xi32>
        %swap3A_573 = vector.shape_cast %get3A_569 : vector<16xi32> to vector<16xi32>
        tpu.vector_store %arg7[%swap3A_570], %swap3A_573 {strides = array<i32>} : memref<128xi32, #tpu.memory_space<vmem>>, vector<16xi32>,
        %dma_wait3A_574 = arith.constant 0 : i32
        %dma_wait3A_575 = arith.constant 0 : i32
        %dma_wait3A_576 = tpu.memref_slice %arg2[%dma_wait3A_574, %dma_wait3A_575] : memref<10240x128xf32, #tpu.memory_space<hbm>> -> memref<10240x128xf32, #tpu.memory_space<hbm>>
        tpu.wait_indirect_dma semaphore(%arg15 : memref<!tpu.dma_semaphore, #tpu.memory_space<semaphore_mem>>) src(%dma_wait3A_576 : memref<10240x128xf32, #tpu.memory_space<hbm>>) dst(%arg12 : memref<128x128xf32, #tpu.memory_space<vmem>>)
        "tpu.region"() ({
          %run_scoped3A = tpu.sem_alloc : memref<!tpu.dma_semaphore, #tpu.memory_space<semaphore_mem>>
          %dma_start3A_654 = arith.constant 0 : i32
          %dma_start3A_655 = arith.constant 0 : i32
          %dma_start3A_656 = tpu.memref_slice %arg14[%dma_start3A_654, %dma_start3A_655] : memref<10240x128xf32, #tpu.memory_space<vmem_shared>> -> memref<10240x128xf32, #tpu.memory_space<vmem_shared>>
          tpu.enqueue_indirect_dma source(%arg12 : memref<128x128xf32, #tpu.memory_space<vmem>>) target(%dma_start3A_656 : memref<10240x128xf32, #tpu.memory_space<vmem_shared>>) offsets(%arg7 : memref<128xi32, #tpu.memory_space<vmem>>) semaphore(%run_scoped3A : memref<!tpu.dma_semaphore, #tpu.memory_space<semaphore_mem>>) {add = true}
          %dma_wait3A_657 = arith.constant 0 : i32
          %dma_wait3A_658 = arith.constant 0 : i32
          %dma_wait3A_659 = tpu.memref_slice %arg14[%dma_wait3A_657, %dma_wait3A_658] : memref<10240x128xf32, #tpu.memory_space<vmem_shared>> -> memref<10240x128xf32, #tpu.memory_space<vmem_shared>>
          tpu.wait_indirect_dma semaphore(%run_scoped3A : memref<!tpu.dma_semaphore, #tpu.memory_space<semaphore_mem>>) src(%arg12 : memref<128x128xf32, #tpu.memory_space<vmem>>) dst(%dma_wait3A_659 : memref<10240x128xf32, #tpu.memory_space<vmem_shared>>)
          tpu.yield
        }) : () -> ()
        %add3A_577 = arith.constant 384 : i32
        %add3A_578 = arith.addi %mul3A_45, %add3A_577 : i32
        %add3A_579 = arith.constant 0 : i32
        %add3A_580 = arith.addi %add3A_578, %add3A_579 : i32
        %get3A_581 = arith.index_cast %add3A_580 : i32 to index
        %get3A_582 = tpu.vector_load %arg11[%get3A_581] {strides = array<i32>} : memref<5120xi32, #tpu.memory_space<vmem>>, vector<16xi32>,
        %get3A_583 = vector.shape_cast %get3A_582 : vector<16xi32> to vector<16xi32>
        %swap3A_584 = arith.constant 0 : index
        %swap3A_585 = tpu.vector_load %arg9[%swap3A_584] {strides = array<i32>} : memref<128xi32, #tpu.memory_space<vmem>>, vector<16xi32>,
        %swap3A_586 = vector.shape_cast %swap3A_585 : vector<16xi32> to vector<16xi32>
        %swap3A_587 = vector.shape_cast %get3A_583 : vector<16xi32> to vector<16xi32>
        tpu.vector_store %arg9[%swap3A_584], %swap3A_587 {strides = array<i32>} : memref<128xi32, #tpu.memory_space<vmem>>, vector<16xi32>,
        %add3A_588 = arith.constant 16 : i32
        %add3A_589 = arith.addi %add3A_578, %add3A_588 : i32
        %get3A_590 = arith.index_cast %add3A_589 : i32 to index
        %get3A_591 = tpu.vector_load %arg11[%get3A_590] {strides = array<i32>} : memref<5120xi32, #tpu.memory_space<vmem>>, vector<16xi32>,
        %get3A_592 = vector.shape_cast %get3A_591 : vector<16xi32> to vector<16xi32>
        %swap3A_593 = arith.constant 16 : index
        %swap3A_594 = tpu.vector_load %arg9[%swap3A_593] {strides = array<i32>} : memref<128xi32, #tpu.memory_space<vmem>>, vector<16xi32>,
        %swap3A_595 = vector.shape_cast %swap3A_594 : vector<16xi32> to vector<16xi32>
        %swap3A_596 = vector.shape_cast %get3A_592 : vector<16xi32> to vector<16xi32>
        tpu.vector_store %arg9[%swap3A_593], %swap3A_596 {strides = array<i32>} : memref<128xi32, #tpu.memory_space<vmem>>, vector<16xi32>,
        %add3A_597 = arith.constant 32 : i32
        %add3A_598 = arith.addi %add3A_578, %add3A_597 : i32
        %get3A_599 = arith.index_cast %add3A_598 : i32 to index
        %get3A_600 = tpu.vector_load %arg11[%get3A_599] {strides = array<i32>} : memref<5120xi32, #tpu.memory_space<vmem>>, vector<16xi32>,
        %get3A_601 = vector.shape_cast %get3A_600 : vector<16xi32> to vector<16xi32>
        %swap3A_602 = arith.constant 32 : index
        %swap3A_603 = tpu.vector_load %arg9[%swap3A_602] {strides = array<i32>} : memref<128xi32, #tpu.memory_space<vmem>>, vector<16xi32>,
        %swap3A_604 = vector.shape_cast %swap3A_603 : vector<16xi32> to vector<16xi32>
        %swap3A_605 = vector.shape_cast %get3A_601 : vector<16xi32> to vector<16xi32>
        tpu.vector_store %arg9[%swap3A_602], %swap3A_605 {strides = array<i32>} : memref<128xi32, #tpu.memory_space<vmem>>, vector<16xi32>,
        %add3A_606 = arith.constant 48 : i32
        %add3A_607 = arith.addi %add3A_578, %add3A_606 : i32
        %get3A_608 = arith.index_cast %add3A_607 : i32 to index
        %get3A_609 = tpu.vector_load %arg11[%get3A_608] {strides = array<i32>} : memref<5120xi32, #tpu.memory_space<vmem>>, vector<16xi32>,
        %get3A_610 = vector.shape_cast %get3A_609 : vector<16xi32> to vector<16xi32>
        %swap3A_611 = arith.constant 48 : index
        %swap3A_612 = tpu.vector_load %arg9[%swap3A_611] {strides = array<i32>} : memref<128xi32, #tpu.memory_space<vmem>>, vector<16xi32>,
        %swap3A_613 = vector.shape_cast %swap3A_612 : vector<16xi32> to vector<16xi32>
        %swap3A_614 = vector.shape_cast %get3A_610 : vector<16xi32> to vector<16xi32>
        tpu.vector_store %arg9[%swap3A_611], %swap3A_614 {strides = array<i32>} : memref<128xi32, #tpu.memory_space<vmem>>, vector<16xi32>,
        %add3A_615 = arith.constant 64 : i32
        %add3A_616 = arith.addi %add3A_578, %add3A_615 : i32
        %get3A_617 = arith.index_cast %add3A_616 : i32 to index
        %get3A_618 = tpu.vector_load %arg11[%get3A_617] {strides = array<i32>} : memref<5120xi32, #tpu.memory_space<vmem>>, vector<16xi32>,
        %get3A_619 = vector.shape_cast %get3A_618 : vector<16xi32> to vector<16xi32>
        %swap3A_620 = arith.constant 64 : index
        %swap3A_621 = tpu.vector_load %arg9[%swap3A_620] {strides = array<i32>} : memref<128xi32, #tpu.memory_space<vmem>>, vector<16xi32>,
        %swap3A_622 = vector.shape_cast %swap3A_621 : vector<16xi32> to vector<16xi32>
        %swap3A_623 = vector.shape_cast %get3A_619 : vector<16xi32> to vector<16xi32>
        tpu.vector_store %arg9[%swap3A_620], %swap3A_623 {strides = array<i32>} : memref<128xi32, #tpu.memory_space<vmem>>, vector<16xi32>,
        %add3A_624 = arith.constant 80 : i32
        %add3A_625 = arith.addi %add3A_578, %add3A_624 : i32
        %get3A_626 = arith.index_cast %add3A_625 : i32 to index
        %get3A_627 = tpu.vector_load %arg11[%get3A_626] {strides = array<i32>} : memref<5120xi32, #tpu.memory_space<vmem>>, vector<16xi32>,
        %get3A_628 = vector.shape_cast %get3A_627 : vector<16xi32> to vector<16xi32>
        %swap3A_629 = arith.constant 80 : index
        %swap3A_630 = tpu.vector_load %arg9[%swap3A_629] {strides = array<i32>} : memref<128xi32, #tpu.memory_space<vmem>>, vector<16xi32>,
        %swap3A_631 = vector.shape_cast %swap3A_630 : vector<16xi32> to vector<16xi32>
        %swap3A_632 = vector.shape_cast %get3A_628 : vector<16xi32> to vector<16xi32>
        tpu.vector_store %arg9[%swap3A_629], %swap3A_632 {strides = array<i32>} : memref<128xi32, #tpu.memory_space<vmem>>, vector<16xi32>,
        %add3A_633 = arith.constant 96 : i32
        %add3A_634 = arith.addi %add3A_578, %add3A_633 : i32
        %get3A_635 = arith.index_cast %add3A_634 : i32 to index
        %get3A_636 = tpu.vector_load %arg11[%get3A_635] {strides = array<i32>} : memref<5120xi32, #tpu.memory_space<vmem>>, vector<16xi32>,
        %get3A_637 = vector.shape_cast %get3A_636 : vector<16xi32> to vector<16xi32>
        %swap3A_638 = arith.constant 96 : index
        %swap3A_639 = tpu.vector_load %arg9[%swap3A_638] {strides = array<i32>} : memref<128xi32, #tpu.memory_space<vmem>>, vector<16xi32>,
        %swap3A_640 = vector.shape_cast %swap3A_639 : vector<16xi32> to vector<16xi32>
        %swap3A_641 = vector.shape_cast %get3A_637 : vector<16xi32> to vector<16xi32>
        tpu.vector_store %arg9[%swap3A_638], %swap3A_641 {strides = array<i32>} : memref<128xi32, #tpu.memory_space<vmem>>, vector<16xi32>,
        %add3A_642 = arith.constant 112 : i32
        %add3A_643 = arith.addi %add3A_578, %add3A_642 : i32
        %get3A_644 = arith.index_cast %add3A_643 : i32 to index
        %get3A_645 = tpu.vector_load %arg11[%get3A_644] {strides = array<i32>} : memref<5120xi32, #tpu.memory_space<vmem>>, vector<16xi32>,
        %get3A_646 = vector.shape_cast %get3A_645 : vector<16xi32> to vector<16xi32>
        %swap3A_647 = arith.constant 112 : index
        %swap3A_648 = tpu.vector_load %arg9[%swap3A_647] {strides = array<i32>} : memref<128xi32, #tpu.memory_space<vmem>>, vector<16xi32>,
        %swap3A_649 = vector.shape_cast %swap3A_648 : vector<16xi32> to vector<16xi32>
        %swap3A_650 = vector.shape_cast %get3A_646 : vector<16xi32> to vector<16xi32>
        tpu.vector_store %arg9[%swap3A_647], %swap3A_650 {strides = array<i32>} : memref<128xi32, #tpu.memory_space<vmem>>, vector<16xi32>,
        %dma_wait3A_651 = arith.constant 0 : i32
        %dma_wait3A_652 = arith.constant 0 : i32
        %dma_wait3A_653 = tpu.memref_slice %arg2[%dma_wait3A_651, %dma_wait3A_652] : memref<10240x128xf32, #tpu.memory_space<hbm>> -> memref<10240x128xf32, #tpu.memory_space<hbm>>
        tpu.wait_indirect_dma semaphore(%arg16 : memref<!tpu.dma_semaphore, #tpu.memory_space<semaphore_mem>>) src(%dma_wait3A_653 : memref<10240x128xf32, #tpu.memory_space<hbm>>) dst(%arg13 : memref<128x128xf32, #tpu.memory_space<vmem>>)
        "tpu.region"() ({
          %run_scoped3A = tpu.sem_alloc : memref<!tpu.dma_semaphore, #tpu.memory_space<semaphore_mem>>
          %dma_start3A_654 = arith.constant 0 : i32
          %dma_start3A_655 = arith.constant 0 : i32
          %dma_start3A_656 = tpu.memref_slice %arg14[%dma_start3A_654, %dma_start3A_655] : memref<10240x128xf32, #tpu.memory_space<vmem_shared>> -> memref<10240x128xf32, #tpu.memory_space<vmem_shared>>
          tpu.enqueue_indirect_dma source(%arg13 : memref<128x128xf32, #tpu.memory_space<vmem>>) target(%dma_start3A_656 : memref<10240x128xf32, #tpu.memory_space<vmem_shared>>) offsets(%arg9 : memref<128xi32, #tpu.memory_space<vmem>>) semaphore(%run_scoped3A : memref<!tpu.dma_semaphore, #tpu.memory_space<semaphore_mem>>) {add = true}
          %dma_wait3A_657 = arith.constant 0 : i32
          %dma_wait3A_658 = arith.constant 0 : i32
          %dma_wait3A_659 = tpu.memref_slice %arg14[%dma_wait3A_657, %dma_wait3A_658] : memref<10240x128xf32, #tpu.memory_space<vmem_shared>> -> memref<10240x128xf32, #tpu.memory_space<vmem_shared>>
          tpu.wait_indirect_dma semaphore(%run_scoped3A : memref<!tpu.dma_semaphore, #tpu.memory_space<semaphore_mem>>) src(%arg13 : memref<128x128xf32, #tpu.memory_space<vmem>>) dst(%dma_wait3A_659 : memref<10240x128xf32, #tpu.memory_space<vmem_shared>>)
          tpu.yield
        }) : () -> ()
      }
      %scan3A_40 = arith.constant 10 : i32
    }
    %scan3A_19 = arith.constant 2 : i32
    %barrier3A_20 = arith.constant 0 : index
    tpu.barrier barrier_id(%barrier3A_20)
    %mul3A_21 = arith.constant 640 : i32
    %mul3A_22 = arith.muli %arg1, %mul3A_21 : i32
    %mul3A_23 = arith.constant 10240 : i32
    %mul3A_24 = arith.muli %arg0, %mul3A_23 : i32
    %mul3A_25 = arith.constant 640 : i32
    %mul3A_26 = arith.muli %arg1, %mul3A_25 : i32
    %add3A_27 = arith.addi %mul3A_24, %mul3A_26 : i32
    "tpu.region"() ({
      %run_scoped3A = tpu.sem_alloc : memref<!tpu.dma_semaphore, #tpu.memory_space<semaphore_mem>>
      %dma_start3A = arith.constant 0 : i32
      %dma_start3A_28 = tpu.memref_slice %arg5[%add3A_27, %dma_start3A] : memref<20480x128xf32, #tpu.memory_space<hbm>> -> memref<640x128xf32, #tpu.memory_space<hbm>>
      %dma_start3A_29 = arith.constant 0 : i32
      %dma_start3A_30 = tpu.memref_slice %arg14[%mul3A_22, %dma_start3A_29] : memref<10240x128xf32, #tpu.memory_space<vmem_shared>> -> memref<640x128xf32, #tpu.memory_space<vmem_shared>>
      tpu.enqueue_dma source(%dma_start3A_30 : memref<640x128xf32, #tpu.memory_space<vmem_shared>>) target(%dma_start3A_28 : memref<640x128xf32, #tpu.memory_space<hbm>>) target_semaphore(%run_scoped3A : memref<!tpu.dma_semaphore, #tpu.memory_space<semaphore_mem>>)
      %dma_wait3A = arith.constant 0 : i32
      %dma_wait3A_31 = tpu.memref_slice %arg5[%add3A_27, %dma_wait3A] : memref<20480x128xf32, #tpu.memory_space<hbm>> -> memref<640x128xf32, #tpu.memory_space<hbm>>
      %dma_wait3A_32 = arith.constant 0 : i32
      %dma_wait3A_33 = tpu.memref_slice %arg14[%mul3A_22, %dma_wait3A_32] : memref<10240x128xf32, #tpu.memory_space<vmem_shared>> -> memref<640x128xf32, #tpu.memory_space<vmem_shared>>
      tpu.wait_dma2 semaphore(%run_scoped3A : memref<!tpu.dma_semaphore, #tpu.memory_space<semaphore_mem>>) src(%dma_wait3A_33 : memref<640x128xf32, #tpu.memory_space<vmem_shared>>) dst(%dma_wait3A_31 : memref<640x128xf32, #tpu.memory_space<hbm>>)
      tpu.yield
    }) : () -> ()
    return
  }
}

module attributes {stable_mosaic.version = 14 : i64} {
  func.func @_mm_body(%arg0: i32, %arg1: memref<1024x128xf32, #tpu.memory_space<vmem>>, %arg2: memref<128x128xf32, #tpu.memory_space<vmem>>, %arg3: memref<1024x128xf32, #tpu.memory_space<vmem>>) attributes {dimension_semantics = [#tpu.dimension_semantics<arbitrary>], iteration_bounds = array<i64: 10>, scalar_prefetch = 0 : i64, scratch_operands = 0 : i64, tpu.core_type = #tpu.core_type<tc>, window_params = [{transform_indices = @transform_0, window_bounds = array<i64: 1024, 128>}, {pipeline_mode = #tpu.pipeline_mode<synchronous>, transform_indices = @transform_1, window_bounds = array<i64: 128, 128>}, {transform_indices = @transform_2, window_bounds = array<i64: 1024, 128>}]} {
    %get3A = arith.constant 0 : index
    %get3A_0 = arith.constant 0 : index
    %get3A_1 = vector.load %arg1[%get3A, %get3A_0] : memref<1024x128xf32, #tpu.memory_space<vmem>>, vector<1024x128xf32>
    %get3A_2 = arith.constant 0 : index
    %get3A_3 = arith.constant 0 : index
    %get3A_4 = vector.load %arg2[%get3A_2, %get3A_3] : memref<128x128xf32, #tpu.memory_space<vmem>>, vector<128x128xf32>
    %dot_general3A = arith.constant dense<0.000000e+00> : vector<1024x128xf32>
    %dot_general3A_5 = tpu.matmul %get3A_1, %get3A_4, %dot_general3A {dimension_numbers = #tpu.dot_dimension_numbers<[1], [0], [0], [1], [0, 0, 1, 1], [], []>, transpose_lhs_hint = false} : vector<1024x128xf32>, vector<128x128xf32>, vector<1024x128xf32> -> vector<1024x128xf32>
    %swap3A = arith.constant 0 : index
    %swap3A_6 = arith.constant 0 : index
    %swap3A_7 = vector.load %arg3[%swap3A, %swap3A_6] : memref<1024x128xf32, #tpu.memory_space<vmem>>, vector<1024x128xf32>
    tpu.vector_store %arg3[%swap3A, %swap3A_6], %dot_general3A_5 {strides = array<i32>} : memref<1024x128xf32, #tpu.memory_space<vmem>>, vector<1024x128xf32>,
    return
  }
  func.func @transform_0(%arg0: i32) -> (i32, i32) {
    %c0_i32 = arith.constant 0 : i32
    %c0_i32_0 = arith.constant 0 : i32
    return %arg0, %c0_i32 : i32, i32
  }
  func.func @transform_1(%arg0: i32) -> (i32, i32) {
    %c0_i32 = arith.constant 0 : i32
    %c0_i32_0 = arith.constant 0 : i32
    %c0_i32_1 = arith.constant 0 : i32
    return %c0_i32, %c0_i32_0 : i32, i32
  }
  func.func @transform_2(%arg0: i32) -> (i32, i32) {
    %c0_i32 = arith.constant 0 : i32
    %c0_i32_0 = arith.constant 0 : i32
    return %arg0, %c0_i32 : i32, i32
  }
}

module attributes {stable_mosaic.version = 14 : i64} {
  func.func @_mm_body(%arg0: i32, %arg1: memref<1000x32xf32, #tpu.memory_space<vmem>>, %arg2: memref<32x128xf32, #tpu.memory_space<vmem>>, %arg3: memref<1000x128xf32, #tpu.memory_space<vmem>>) attributes {dimension_semantics = [#tpu.dimension_semantics<arbitrary>], iteration_bounds = array<i64: 1>, scalar_prefetch = 0 : i64, scratch_operands = 0 : i64, tpu.core_type = #tpu.core_type<tc>, window_params = [{transform_indices = @transform_0, window_bounds = array<i64: 1000, 32>}, {pipeline_mode = #tpu.pipeline_mode<synchronous>, transform_indices = @transform_1, window_bounds = array<i64: 32, 128>}, {transform_indices = @transform_2, window_bounds = array<i64: 1000, 128>}]} {
    %get3A = arith.constant 0 : index
    %get3A_0 = arith.constant 0 : index
    %get3A_1 = vector.load %arg1[%get3A, %get3A_0] : memref<1000x32xf32, #tpu.memory_space<vmem>>, vector<1000x32xf32>
    %get3A_2 = arith.constant 0 : index
    %get3A_3 = arith.constant 0 : index
    %get3A_4 = vector.load %arg2[%get3A_2, %get3A_3] : memref<32x128xf32, #tpu.memory_space<vmem>>, vector<32x128xf32>
    %dot_general3A = arith.constant dense<0.000000e+00> : vector<1000x128xf32>
    %dot_general3A_5 = tpu.matmul %get3A_1, %get3A_4, %dot_general3A {dimension_numbers = #tpu.dot_dimension_numbers<[1], [0], [0], [1], [0, 0, 1, 1], [], []>, transpose_lhs_hint = false} : vector<1000x32xf32>, vector<32x128xf32>, vector<1000x128xf32> -> vector<1000x128xf32>
    %swap3A = arith.constant 0 : index
    %swap3A_6 = arith.constant 0 : index
    %swap3A_7 = vector.load %arg3[%swap3A, %swap3A_6] : memref<1000x128xf32, #tpu.memory_space<vmem>>, vector<1000x128xf32>
    tpu.vector_store %arg3[%swap3A, %swap3A_6], %dot_general3A_5 {strides = array<i32>} : memref<1000x128xf32, #tpu.memory_space<vmem>>, vector<1000x128xf32>,
    return
  }
  func.func @transform_0(%arg0: i32) -> (i32, i32) {
    %c0_i32 = arith.constant 0 : i32
    %c0_i32_0 = arith.constant 0 : i32
    return %arg0, %c0_i32 : i32, i32
  }
  func.func @transform_1(%arg0: i32) -> (i32, i32) {
    %c0_i32 = arith.constant 0 : i32
    %c0_i32_0 = arith.constant 0 : i32
    %c0_i32_1 = arith.constant 0 : i32
    return %c0_i32, %c0_i32_0 : i32, i32
  }
  func.func @transform_2(%arg0: i32) -> (i32, i32) {
    %c0_i32 = arith.constant 0 : i32
    %c0_i32_0 = arith.constant 0 : i32
    return %arg0, %c0_i32 : i32, i32
  }
}

module attributes {stable_mosaic.version = 14 : i64} {
  func.func @_deg_body(%arg0: i32, %arg1: memref<1024x128xf32, #tpu.memory_space<vmem>>, %arg2: memref<1024x128xf32, #tpu.memory_space<vmem>>, %arg3: memref<1024x128xf32, #tpu.memory_space<vmem>>, %arg4: memref<1024x1xf32, #tpu.memory_space<vmem>>, %arg5: memref<1024x128xf32, #tpu.memory_space<vmem>>) attributes {dimension_semantics = [#tpu.dimension_semantics<arbitrary>], iteration_bounds = array<i64: 10>, scalar_prefetch = 0 : i64, scratch_operands = 0 : i64, tpu.core_type = #tpu.core_type<tc>, window_params = [{transform_indices = @transform_0, window_bounds = array<i64: 1024, 128>}, {transform_indices = @transform_1, window_bounds = array<i64: 1024, 128>}, {transform_indices = @transform_2, window_bounds = array<i64: 1024, 128>}, {transform_indices = @transform_3, window_bounds = array<i64: 1024, 1>}, {transform_indices = @transform_4, window_bounds = array<i64: 1024, 128>}]} {
    %get3A = arith.constant 0 : index
    %get3A_0 = arith.constant 0 : index
    %get3A_1 = vector.load %arg1[%get3A, %get3A_0] : memref<1024x128xf32, #tpu.memory_space<vmem>>, vector<1024x1xf32>
    %get3A_2 = arith.constant 0 : index
    %get3A_3 = arith.constant 0 : index
    %get3A_4 = vector.load %arg2[%get3A_2, %get3A_3] : memref<1024x128xf32, #tpu.memory_space<vmem>>, vector<1024x1xf32>
    %add3A = arith.addf %get3A_1, %get3A_4 : vector<1024x1xf32>
    %add3A_5 = arith.constant 1.000000e+00 : f32
    %add3A_6 = vector.broadcast %add3A_5 : f32 to vector<1024x1xf32>
    %add3A_7 = arith.addf %add3A, %add3A_6 : vector<1024x1xf32>
    %rsqrt3A = math.rsqrt %add3A_7 : vector<1024x1xf32>
    %swap3A = arith.constant 0 : index
    %swap3A_8 = arith.constant 0 : index
    %swap3A_9 = vector.load %arg4[%swap3A, %swap3A_8] : memref<1024x1xf32, #tpu.memory_space<vmem>>, vector<1024x1xf32>
    tpu.vector_store %arg4[%swap3A, %swap3A_8], %rsqrt3A {strides = array<i32>} : memref<1024x1xf32, #tpu.memory_space<vmem>>, vector<1024x1xf32>,
    %get3A_10 = arith.constant 0 : index
    %get3A_11 = arith.constant 0 : index
    %get3A_12 = vector.load %arg3[%get3A_10, %get3A_11] : memref<1024x128xf32, #tpu.memory_space<vmem>>, vector<1024x128xf32>
    %mul3A = vector.broadcast %rsqrt3A : vector<1024x1xf32> to vector<1024x128xf32>
    %mul3A_13 = arith.mulf %get3A_12, %mul3A : vector<1024x128xf32>
    %swap3A_14 = arith.constant 0 : index
    %swap3A_15 = arith.constant 0 : index
    %swap3A_16 = vector.load %arg5[%swap3A_14, %swap3A_15] : memref<1024x128xf32, #tpu.memory_space<vmem>>, vector<1024x128xf32>
    tpu.vector_store %arg5[%swap3A_14, %swap3A_15], %mul3A_13 {strides = array<i32>} : memref<1024x128xf32, #tpu.memory_space<vmem>>, vector<1024x128xf32>,
    return
  }
  func.func @transform_0(%arg0: i32) -> (i32, i32) {
    %c0_i32 = arith.constant 0 : i32
    %c0_i32_0 = arith.constant 0 : i32
    return %arg0, %c0_i32 : i32, i32
  }
  func.func @transform_1(%arg0: i32) -> (i32, i32) {
    %add3A = arith.constant 10 : i32
    %add3A_0 = arith.addi %arg0, %add3A : i32
    %c0_i32 = arith.constant 0 : i32
    %c0_i32_1 = arith.constant 0 : i32
    return %add3A_0, %c0_i32 : i32, i32
  }
  func.func @transform_2(%arg0: i32) -> (i32, i32) {
    %c0_i32 = arith.constant 0 : i32
    %c0_i32_0 = arith.constant 0 : i32
    return %arg0, %c0_i32 : i32, i32
  }
  func.func @transform_3(%arg0: i32) -> (i32, i32) {
    %c0_i32 = arith.constant 0 : i32
    %c0_i32_0 = arith.constant 0 : i32
    return %arg0, %c0_i32 : i32, i32
  }
  func.func @transform_4(%arg0: i32) -> (i32, i32) {
    %c0_i32 = arith.constant 0 : i32
    %c0_i32_0 = arith.constant 0 : i32
    return %arg0, %c0_i32 : i32, i32
  }
}

module attributes {stable_mosaic.version = 14 : i64} {
  func.func @_conv_body(%arg0: i32, %arg1: memref<1024x128xf32, #tpu.memory_space<vmem>>, %arg2: memref<1024x128xf32, #tpu.memory_space<vmem>>, %arg3: memref<1024x128xf32, #tpu.memory_space<vmem>>, %arg4: memref<1024x1xf32, #tpu.memory_space<vmem>>, %arg5: memref<1x128xf32, #tpu.memory_space<vmem>>, %arg6: memref<128x128xf32, #tpu.memory_space<vmem>>, %arg7: memref<1024x128xf32, #tpu.memory_space<vmem>>) attributes {dimension_semantics = [#tpu.dimension_semantics<arbitrary>], iteration_bounds = array<i64: 10>, scalar_prefetch = 0 : i64, scratch_operands = 0 : i64, tpu.core_type = #tpu.core_type<tc>, window_params = [{transform_indices = @transform_0, window_bounds = array<i64: 1024, 128>}, {transform_indices = @transform_1, window_bounds = array<i64: 1024, 128>}, {transform_indices = @transform_2, window_bounds = array<i64: 1024, 128>}, {transform_indices = @transform_3, window_bounds = array<i64: 1024, 1>}, {pipeline_mode = #tpu.pipeline_mode<synchronous>, transform_indices = @transform_4, window_bounds = array<i64: 1, 128>}, {pipeline_mode = #tpu.pipeline_mode<synchronous>, transform_indices = @transform_5, window_bounds = array<i64: 128, 128>}, {transform_indices = @transform_6, window_bounds = array<i64: 1024, 128>}]} {
    %get3A = arith.constant 0 : index
    %get3A_0 = arith.constant 0 : index
    %get3A_1 = vector.load %arg4[%get3A, %get3A_0] : memref<1024x1xf32, #tpu.memory_space<vmem>>, vector<1024x1xf32>
    %get3A_2 = arith.constant 0 : index
    %get3A_3 = arith.constant 0 : index
    %get3A_4 = vector.load %arg1[%get3A_2, %get3A_3] : memref<1024x128xf32, #tpu.memory_space<vmem>>, vector<1024x128xf32>
    %get3A_5 = arith.constant 0 : index
    %get3A_6 = arith.constant 0 : index
    %get3A_7 = vector.load %arg2[%get3A_5, %get3A_6] : memref<1024x128xf32, #tpu.memory_space<vmem>>, vector<1024x128xf32>
    %add3A = arith.addf %get3A_4, %get3A_7 : vector<1024x128xf32>
    %get3A_8 = arith.constant 0 : index
    %get3A_9 = arith.constant 0 : index
    %get3A_10 = vector.load %arg3[%get3A_8, %get3A_9] : memref<1024x128xf32, #tpu.memory_space<vmem>>, vector<1024x128xf32>
    %add3A_11 = arith.addf %add3A, %get3A_10 : vector<1024x128xf32>
    %mul3A = vector.broadcast %get3A_1 : vector<1024x1xf32> to vector<1024x128xf32>
    %mul3A_12 = arith.mulf %mul3A, %add3A_11 : vector<1024x128xf32>
    %get3A_13 = arith.constant 0 : index
    %get3A_14 = arith.constant 0 : index
    %get3A_15 = vector.load %arg5[%get3A_13, %get3A_14] : memref<1x128xf32, #tpu.memory_space<vmem>>, vector<1x128xf32>
    %add3A_16 = vector.broadcast %get3A_15 : vector<1x128xf32> to vector<1024x128xf32>
    %add3A_17 = arith.addf %mul3A_12, %add3A_16 : vector<1024x128xf32>
    %max3A = arith.constant 0.000000e+00 : f32
    %max3A_18 = vector.broadcast %max3A : f32 to vector<1024x128xf32>
    %max3A_19 = arith.maximumf %add3A_17, %max3A_18 : vector<1024x128xf32>
    %get3A_20 = arith.constant 0 : index
    %get3A_21 = arith.constant 0 : index
    %get3A_22 = vector.load %arg6[%get3A_20, %get3A_21] : memref<128x128xf32, #tpu.memory_space<vmem>>, vector<128x128xf32>
    %dot_general3A = arith.constant dense<0.000000e+00> : vector<1024x128xf32>
    %dot_general3A_23 = tpu.matmul %max3A_19, %get3A_22, %dot_general3A {dimension_numbers = #tpu.dot_dimension_numbers<[1], [0], [0], [1], [0, 0, 1, 1], [], []>, transpose_lhs_hint = false} : vector<1024x128xf32>, vector<128x128xf32>, vector<1024x128xf32> -> vector<1024x128xf32>
    %mul3A_24 = vector.broadcast %get3A_1 : vector<1024x1xf32> to vector<1024x128xf32>
    %mul3A_25 = arith.mulf %dot_general3A_23, %mul3A_24 : vector<1024x128xf32>
    %swap3A = arith.constant 0 : index
    %swap3A_26 = arith.constant 0 : index
    %swap3A_27 = vector.load %arg7[%swap3A, %swap3A_26] : memref<1024x128xf32, #tpu.memory_space<vmem>>, vector<1024x128xf32>
    tpu.vector_store %arg7[%swap3A, %swap3A_26], %mul3A_25 {strides = array<i32>} : memref<1024x128xf32, #tpu.memory_space<vmem>>, vector<1024x128xf32>,
    return
  }
  func.func @transform_0(%arg0: i32) -> (i32, i32) {
    %c0_i32 = arith.constant 0 : i32
    %c0_i32_0 = arith.constant 0 : i32
    return %arg0, %c0_i32 : i32, i32
  }
  func.func @transform_1(%arg0: i32) -> (i32, i32) {
    %add3A = arith.constant 10 : i32
    %add3A_0 = arith.addi %arg0, %add3A : i32
    %c0_i32 = arith.constant 0 : i32
    %c0_i32_1 = arith.constant 0 : i32
    return %add3A_0, %c0_i32 : i32, i32
  }
  func.func @transform_2(%arg0: i32) -> (i32, i32) {
    %c0_i32 = arith.constant 0 : i32
    %c0_i32_0 = arith.constant 0 : i32
    return %arg0, %c0_i32 : i32, i32
  }
  func.func @transform_3(%arg0: i32) -> (i32, i32) {
    %c0_i32 = arith.constant 0 : i32
    %c0_i32_0 = arith.constant 0 : i32
    return %arg0, %c0_i32 : i32, i32
  }
  func.func @transform_4(%arg0: i32) -> (i32, i32) {
    %c0_i32 = arith.constant 0 : i32
    %c0_i32_0 = arith.constant 0 : i32
    %c0_i32_1 = arith.constant 0 : i32
    return %c0_i32, %c0_i32_0 : i32, i32
  }
  func.func @transform_5(%arg0: i32) -> (i32, i32) {
    %c0_i32 = arith.constant 0 : i32
    %c0_i32_0 = arith.constant 0 : i32
    %c0_i32_1 = arith.constant 0 : i32
    return %c0_i32, %c0_i32_0 : i32, i32
  }
  func.func @transform_6(%arg0: i32) -> (i32, i32) {
    %c0_i32 = arith.constant 0 : i32
    %c0_i32_0 = arith.constant 0 : i32
    return %arg0, %c0_i32 : i32, i32
  }
}

module attributes {stable_mosaic.version = 14 : i64} {
  func.func @_final_body(%arg0: memref<20480x128xf32, #tpu.memory_space<vmem>>, %arg1: memref<10240x128xf32, #tpu.memory_space<vmem>>, %arg2: memref<10240x1xf32, #tpu.memory_space<vmem>>, %arg3: memref<10240x1xi32, #tpu.memory_space<vmem>>, %arg4: memref<80x128xi32, #tpu.memory_space<vmem>>, %arg5: memref<128xi32, #tpu.memory_space<smem>>, %arg6: memref<1x128xf32, #tpu.memory_space<vmem>>, %arg7: memref<640x128xf32, #tpu.memory_space<vmem>>, %arg8: memref<1x128xf32, #tpu.memory_space<vmem>>, %arg9: memref<128x2xf32, #tpu.memory_space<vmem>>, %arg10: memref<1x2xf32, #tpu.memory_space<vmem>>, %arg11: memref<64x2xf32, #tpu.memory_space<vmem>>, %arg12: memref<10240x128xf32, #tpu.memory_space<vmem>>, %arg13: memref<80x128xf32, #tpu.memory_space<vmem>>) attributes {dimension_semantics = [], scalar_prefetch = 0 : i64, scratch_operands = 2 : i64, tpu.core_type = #tpu.core_type<tc>} {
    %get3A = arith.constant 0 : index
    %get3A_0 = arith.constant 0 : index
    %get3A_1 = vector.load %arg2[%get3A, %get3A_0] : memref<10240x1xf32, #tpu.memory_space<vmem>>, vector<10240x1xf32>
    %get3A_2 = arith.constant 0 : index
    %get3A_3 = arith.constant 0 : index
    %get3A_4 = vector.load %arg0[%get3A_2, %get3A_3] : memref<20480x128xf32, #tpu.memory_space<vmem>>, vector<10240x128xf32>
    %get3A_5 = arith.constant 10240 : index
    %get3A_6 = arith.constant 0 : index
    %get3A_7 = vector.load %arg0[%get3A_5, %get3A_6] : memref<20480x128xf32, #tpu.memory_space<vmem>>, vector<10240x128xf32>
    %add3A = arith.addf %get3A_4, %get3A_7 : vector<10240x128xf32>
    %get3A_8 = arith.constant 0 : index
    %get3A_9 = arith.constant 0 : index
    %get3A_10 = vector.load %arg1[%get3A_8, %get3A_9] : memref<10240x128xf32, #tpu.memory_space<vmem>>, vector<10240x128xf32>
    %add3A_11 = arith.addf %add3A, %get3A_10 : vector<10240x128xf32>
    %mul3A = vector.broadcast %get3A_1 : vector<10240x1xf32> to vector<10240x128xf32>
    %mul3A_12 = arith.mulf %mul3A, %add3A_11 : vector<10240x128xf32>
    %get3A_13 = arith.constant 0 : index
    %get3A_14 = arith.constant 0 : index
    %get3A_15 = vector.load %arg6[%get3A_13, %get3A_14] : memref<1x128xf32, #tpu.memory_space<vmem>>, vector<1x128xf32>
    %add3A_16 = vector.broadcast %get3A_15 : vector<1x128xf32> to vector<10240x128xf32>
    %add3A_17 = arith.addf %mul3A_12, %add3A_16 : vector<10240x128xf32>
    %max3A = arith.constant 0.000000e+00 : f32
    %max3A_18 = vector.broadcast %max3A : f32 to vector<10240x128xf32>
    %max3A_19 = arith.maximumf %add3A_17, %max3A_18 : vector<10240x128xf32>
    %swap3A = arith.constant 0 : index
    %swap3A_20 = arith.constant 0 : index
    %swap3A_21 = vector.load %arg12[%swap3A, %swap3A_20] : memref<10240x128xf32, #tpu.memory_space<vmem>>, vector<10240x128xf32>
    tpu.vector_store %arg12[%swap3A, %swap3A_20], %max3A_19 {strides = array<i32>} : memref<10240x128xf32, #tpu.memory_space<vmem>>, vector<10240x128xf32>,
    %get3A_22 = arith.constant 0 : index
    %get3A_23 = arith.constant 0 : index
    %get3A_24 = vector.load %arg12[%get3A_22, %get3A_23] : memref<10240x128xf32, #tpu.memory_space<vmem>>, vector<128x128xf32>
    %reduce_max3A = arith.constant dense<0xFF800000> : vector<128xf32>
    %reduce_max3A_25 = vector.multi_reduction <maximumf>, %get3A_24, %reduce_max3A [0] : vector<128x128xf32> to vector<128xf32>
    %broadcast_in_dim3A = vector.shape_cast %reduce_max3A_25 : vector<128xf32> to vector<1x128xf32>
    %swap3A_26 = arith.constant 0 : index
    %swap3A_27 = arith.constant 0 : index
    %swap3A_28 = vector.load %arg13[%swap3A_26, %swap3A_27] : memref<80x128xf32, #tpu.memory_space<vmem>>, vector<1x128xf32>
    tpu.vector_store %arg13[%swap3A_26, %swap3A_27], %broadcast_in_dim3A {strides = array<i32>} : memref<80x128xf32, #tpu.memory_space<vmem>>, vector<1x128xf32>,
    %get3A_29 = arith.constant 128 : index
    %get3A_30 = arith.constant 0 : index
    %get3A_31 = vector.load %arg12[%get3A_29, %get3A_30] : memref<10240x128xf32, #tpu.memory_space<vmem>>, vector<128x128xf32>
    %reduce_max3A_32 = arith.constant dense<0xFF800000> : vector<128xf32>
    %reduce_max3A_33 = vector.multi_reduction <maximumf>, %get3A_31, %reduce_max3A_32 [0] : vector<128x128xf32> to vector<128xf32>
    %broadcast_in_dim3A_34 = vector.shape_cast %reduce_max3A_33 : vector<128xf32> to vector<1x128xf32>
    %swap3A_35 = arith.constant 1 : index
    %swap3A_36 = arith.constant 0 : index
    %swap3A_37 = vector.load %arg13[%swap3A_35, %swap3A_36] : memref<80x128xf32, #tpu.memory_space<vmem>>, vector<1x128xf32>
    tpu.vector_store %arg13[%swap3A_35, %swap3A_36], %broadcast_in_dim3A_34 {strides = array<i32>} : memref<80x128xf32, #tpu.memory_space<vmem>>, vector<1x128xf32>,
    %get3A_38 = arith.constant 256 : index
    %get3A_39 = arith.constant 0 : index
    %get3A_40 = vector.load %arg12[%get3A_38, %get3A_39] : memref<10240x128xf32, #tpu.memory_space<vmem>>, vector<128x128xf32>
    %reduce_max3A_41 = arith.constant dense<0xFF800000> : vector<128xf32>
    %reduce_max3A_42 = vector.multi_reduction <maximumf>, %get3A_40, %reduce_max3A_41 [0] : vector<128x128xf32> to vector<128xf32>
    %broadcast_in_dim3A_43 = vector.shape_cast %reduce_max3A_42 : vector<128xf32> to vector<1x128xf32>
    %swap3A_44 = arith.constant 2 : index
    %swap3A_45 = arith.constant 0 : index
    %swap3A_46 = vector.load %arg13[%swap3A_44, %swap3A_45] : memref<80x128xf32, #tpu.memory_space<vmem>>, vector<1x128xf32>
    tpu.vector_store %arg13[%swap3A_44, %swap3A_45], %broadcast_in_dim3A_43 {strides = array<i32>} : memref<80x128xf32, #tpu.memory_space<vmem>>, vector<1x128xf32>,
    %get3A_47 = arith.constant 384 : index
    %get3A_48 = arith.constant 0 : index
    %get3A_49 = vector.load %arg12[%get3A_47, %get3A_48] : memref<10240x128xf32, #tpu.memory_space<vmem>>, vector<128x128xf32>
    %reduce_max3A_50 = arith.constant dense<0xFF800000> : vector<128xf32>
    %reduce_max3A_51 = vector.multi_reduction <maximumf>, %get3A_49, %reduce_max3A_50 [0] : vector<128x128xf32> to vector<128xf32>
    %broadcast_in_dim3A_52 = vector.shape_cast %reduce_max3A_51 : vector<128xf32> to vector<1x128xf32>
    %swap3A_53 = arith.constant 3 : index
    %swap3A_54 = arith.constant 0 : index
    %swap3A_55 = vector.load %arg13[%swap3A_53, %swap3A_54] : memref<80x128xf32, #tpu.memory_space<vmem>>, vector<1x128xf32>
    tpu.vector_store %arg13[%swap3A_53, %swap3A_54], %broadcast_in_dim3A_52 {strides = array<i32>} : memref<80x128xf32, #tpu.memory_space<vmem>>, vector<1x128xf32>,
    %get3A_56 = arith.constant 512 : index
    %get3A_57 = arith.constant 0 : index
    %get3A_58 = vector.load %arg12[%get3A_56, %get3A_57] : memref<10240x128xf32, #tpu.memory_space<vmem>>, vector<128x128xf32>
    %reduce_max3A_59 = arith.constant dense<0xFF800000> : vector<128xf32>
    %reduce_max3A_60 = vector.multi_reduction <maximumf>, %get3A_58, %reduce_max3A_59 [0] : vector<128x128xf32> to vector<128xf32>
    %broadcast_in_dim3A_61 = vector.shape_cast %reduce_max3A_60 : vector<128xf32> to vector<1x128xf32>
    %swap3A_62 = arith.constant 4 : index
    %swap3A_63 = arith.constant 0 : index
    %swap3A_64 = vector.load %arg13[%swap3A_62, %swap3A_63] : memref<80x128xf32, #tpu.memory_space<vmem>>, vector<1x128xf32>
    tpu.vector_store %arg13[%swap3A_62, %swap3A_63], %broadcast_in_dim3A_61 {strides = array<i32>} : memref<80x128xf32, #tpu.memory_space<vmem>>, vector<1x128xf32>,
    %get3A_65 = arith.constant 640 : index
    %get3A_66 = arith.constant 0 : index
    %get3A_67 = vector.load %arg12[%get3A_65, %get3A_66] : memref<10240x128xf32, #tpu.memory_space<vmem>>, vector<128x128xf32>
    %reduce_max3A_68 = arith.constant dense<0xFF800000> : vector<128xf32>
    %reduce_max3A_69 = vector.multi_reduction <maximumf>, %get3A_67, %reduce_max3A_68 [0] : vector<128x128xf32> to vector<128xf32>
    %broadcast_in_dim3A_70 = vector.shape_cast %reduce_max3A_69 : vector<128xf32> to vector<1x128xf32>
    %swap3A_71 = arith.constant 5 : index
    %swap3A_72 = arith.constant 0 : index
    %swap3A_73 = vector.load %arg13[%swap3A_71, %swap3A_72] : memref<80x128xf32, #tpu.memory_space<vmem>>, vector<1x128xf32>
    tpu.vector_store %arg13[%swap3A_71, %swap3A_72], %broadcast_in_dim3A_70 {strides = array<i32>} : memref<80x128xf32, #tpu.memory_space<vmem>>, vector<1x128xf32>,
    %get3A_74 = arith.constant 768 : index
    %get3A_75 = arith.constant 0 : index
    %get3A_76 = vector.load %arg12[%get3A_74, %get3A_75] : memref<10240x128xf32, #tpu.memory_space<vmem>>, vector<128x128xf32>
    %reduce_max3A_77 = arith.constant dense<0xFF800000> : vector<128xf32>
    %reduce_max3A_78 = vector.multi_reduction <maximumf>, %get3A_76, %reduce_max3A_77 [0] : vector<128x128xf32> to vector<128xf32>
    %broadcast_in_dim3A_79 = vector.shape_cast %reduce_max3A_78 : vector<128xf32> to vector<1x128xf32>
    %swap3A_80 = arith.constant 6 : index
    %swap3A_81 = arith.constant 0 : index
    %swap3A_82 = vector.load %arg13[%swap3A_80, %swap3A_81] : memref<80x128xf32, #tpu.memory_space<vmem>>, vector<1x128xf32>
    tpu.vector_store %arg13[%swap3A_80, %swap3A_81], %broadcast_in_dim3A_79 {strides = array<i32>} : memref<80x128xf32, #tpu.memory_space<vmem>>, vector<1x128xf32>,
    %get3A_83 = arith.constant 896 : index
    %get3A_84 = arith.constant 0 : index
    %get3A_85 = vector.load %arg12[%get3A_83, %get3A_84] : memref<10240x128xf32, #tpu.memory_space<vmem>>, vector<128x128xf32>
    %reduce_max3A_86 = arith.constant dense<0xFF800000> : vector<128xf32>
    %reduce_max3A_87 = vector.multi_reduction <maximumf>, %get3A_85, %reduce_max3A_86 [0] : vector<128x128xf32> to vector<128xf32>
    %broadcast_in_dim3A_88 = vector.shape_cast %reduce_max3A_87 : vector<128xf32> to vector<1x128xf32>
    %swap3A_89 = arith.constant 7 : index
    %swap3A_90 = arith.constant 0 : index
    %swap3A_91 = vector.load %arg13[%swap3A_89, %swap3A_90] : memref<80x128xf32, #tpu.memory_space<vmem>>, vector<1x128xf32>
    tpu.vector_store %arg13[%swap3A_89, %swap3A_90], %broadcast_in_dim3A_88 {strides = array<i32>} : memref<80x128xf32, #tpu.memory_space<vmem>>, vector<1x128xf32>,
    %get3A_92 = arith.constant 1024 : index
    %get3A_93 = arith.constant 0 : index
    %get3A_94 = vector.load %arg12[%get3A_92, %get3A_93] : memref<10240x128xf32, #tpu.memory_space<vmem>>, vector<128x128xf32>
    %reduce_max3A_95 = arith.constant dense<0xFF800000> : vector<128xf32>
    %reduce_max3A_96 = vector.multi_reduction <maximumf>, %get3A_94, %reduce_max3A_95 [0] : vector<128x128xf32> to vector<128xf32>
    %broadcast_in_dim3A_97 = vector.shape_cast %reduce_max3A_96 : vector<128xf32> to vector<1x128xf32>
    %swap3A_98 = arith.constant 8 : index
    %swap3A_99 = arith.constant 0 : index
    %swap3A_100 = vector.load %arg13[%swap3A_98, %swap3A_99] : memref<80x128xf32, #tpu.memory_space<vmem>>, vector<1x128xf32>
    tpu.vector_store %arg13[%swap3A_98, %swap3A_99], %broadcast_in_dim3A_97 {strides = array<i32>} : memref<80x128xf32, #tpu.memory_space<vmem>>, vector<1x128xf32>,
    %get3A_101 = arith.constant 1152 : index
    %get3A_102 = arith.constant 0 : index
    %get3A_103 = vector.load %arg12[%get3A_101, %get3A_102] : memref<10240x128xf32, #tpu.memory_space<vmem>>, vector<128x128xf32>
    %reduce_max3A_104 = arith.constant dense<0xFF800000> : vector<128xf32>
    %reduce_max3A_105 = vector.multi_reduction <maximumf>, %get3A_103, %reduce_max3A_104 [0] : vector<128x128xf32> to vector<128xf32>
    %broadcast_in_dim3A_106 = vector.shape_cast %reduce_max3A_105 : vector<128xf32> to vector<1x128xf32>
    %swap3A_107 = arith.constant 9 : index
    %swap3A_108 = arith.constant 0 : index
    %swap3A_109 = vector.load %arg13[%swap3A_107, %swap3A_108] : memref<80x128xf32, #tpu.memory_space<vmem>>, vector<1x128xf32>
    tpu.vector_store %arg13[%swap3A_107, %swap3A_108], %broadcast_in_dim3A_106 {strides = array<i32>} : memref<80x128xf32, #tpu.memory_space<vmem>>, vector<1x128xf32>,
    %get3A_110 = arith.constant 1280 : index
    %get3A_111 = arith.constant 0 : index
    %get3A_112 = vector.load %arg12[%get3A_110, %get3A_111] : memref<10240x128xf32, #tpu.memory_space<vmem>>, vector<128x128xf32>
    %reduce_max3A_113 = arith.constant dense<0xFF800000> : vector<128xf32>
    %reduce_max3A_114 = vector.multi_reduction <maximumf>, %get3A_112, %reduce_max3A_113 [0] : vector<128x128xf32> to vector<128xf32>
    %broadcast_in_dim3A_115 = vector.shape_cast %reduce_max3A_114 : vector<128xf32> to vector<1x128xf32>
    %swap3A_116 = arith.constant 10 : index
    %swap3A_117 = arith.constant 0 : index
    %swap3A_118 = vector.load %arg13[%swap3A_116, %swap3A_117] : memref<80x128xf32, #tpu.memory_space<vmem>>, vector<1x128xf32>
    tpu.vector_store %arg13[%swap3A_116, %swap3A_117], %broadcast_in_dim3A_115 {strides = array<i32>} : memref<80x128xf32, #tpu.memory_space<vmem>>, vector<1x128xf32>,
    %get3A_119 = arith.constant 1408 : index
    %get3A_120 = arith.constant 0 : index
    %get3A_121 = vector.load %arg12[%get3A_119, %get3A_120] : memref<10240x128xf32, #tpu.memory_space<vmem>>, vector<128x128xf32>
    %reduce_max3A_122 = arith.constant dense<0xFF800000> : vector<128xf32>
    %reduce_max3A_123 = vector.multi_reduction <maximumf>, %get3A_121, %reduce_max3A_122 [0] : vector<128x128xf32> to vector<128xf32>
    %broadcast_in_dim3A_124 = vector.shape_cast %reduce_max3A_123 : vector<128xf32> to vector<1x128xf32>
    %swap3A_125 = arith.constant 11 : index
    %swap3A_126 = arith.constant 0 : index
    %swap3A_127 = vector.load %arg13[%swap3A_125, %swap3A_126] : memref<80x128xf32, #tpu.memory_space<vmem>>, vector<1x128xf32>
    tpu.vector_store %arg13[%swap3A_125, %swap3A_126], %broadcast_in_dim3A_124 {strides = array<i32>} : memref<80x128xf32, #tpu.memory_space<vmem>>, vector<1x128xf32>,
    %get3A_128 = arith.constant 1536 : index
    %get3A_129 = arith.constant 0 : index
    %get3A_130 = vector.load %arg12[%get3A_128, %get3A_129] : memref<10240x128xf32, #tpu.memory_space<vmem>>, vector<128x128xf32>
    %reduce_max3A_131 = arith.constant dense<0xFF800000> : vector<128xf32>
    %reduce_max3A_132 = vector.multi_reduction <maximumf>, %get3A_130, %reduce_max3A_131 [0] : vector<128x128xf32> to vector<128xf32>
    %broadcast_in_dim3A_133 = vector.shape_cast %reduce_max3A_132 : vector<128xf32> to vector<1x128xf32>
    %swap3A_134 = arith.constant 12 : index
    %swap3A_135 = arith.constant 0 : index
    %swap3A_136 = vector.load %arg13[%swap3A_134, %swap3A_135] : memref<80x128xf32, #tpu.memory_space<vmem>>, vector<1x128xf32>
    tpu.vector_store %arg13[%swap3A_134, %swap3A_135], %broadcast_in_dim3A_133 {strides = array<i32>} : memref<80x128xf32, #tpu.memory_space<vmem>>, vector<1x128xf32>,
    %get3A_137 = arith.constant 1664 : index
    %get3A_138 = arith.constant 0 : index
    %get3A_139 = vector.load %arg12[%get3A_137, %get3A_138] : memref<10240x128xf32, #tpu.memory_space<vmem>>, vector<128x128xf32>
    %reduce_max3A_140 = arith.constant dense<0xFF800000> : vector<128xf32>
    %reduce_max3A_141 = vector.multi_reduction <maximumf>, %get3A_139, %reduce_max3A_140 [0] : vector<128x128xf32> to vector<128xf32>
    %broadcast_in_dim3A_142 = vector.shape_cast %reduce_max3A_141 : vector<128xf32> to vector<1x128xf32>
    %swap3A_143 = arith.constant 13 : index
    %swap3A_144 = arith.constant 0 : index
    %swap3A_145 = vector.load %arg13[%swap3A_143, %swap3A_144] : memref<80x128xf32, #tpu.memory_space<vmem>>, vector<1x128xf32>
    tpu.vector_store %arg13[%swap3A_143, %swap3A_144], %broadcast_in_dim3A_142 {strides = array<i32>} : memref<80x128xf32, #tpu.memory_space<vmem>>, vector<1x128xf32>,
    %get3A_146 = arith.constant 1792 : index
    %get3A_147 = arith.constant 0 : index
    %get3A_148 = vector.load %arg12[%get3A_146, %get3A_147] : memref<10240x128xf32, #tpu.memory_space<vmem>>, vector<128x128xf32>
    %reduce_max3A_149 = arith.constant dense<0xFF800000> : vector<128xf32>
    %reduce_max3A_150 = vector.multi_reduction <maximumf>, %get3A_148, %reduce_max3A_149 [0] : vector<128x128xf32> to vector<128xf32>
    %broadcast_in_dim3A_151 = vector.shape_cast %reduce_max3A_150 : vector<128xf32> to vector<1x128xf32>
    %swap3A_152 = arith.constant 14 : index
    %swap3A_153 = arith.constant 0 : index
    %swap3A_154 = vector.load %arg13[%swap3A_152, %swap3A_153] : memref<80x128xf32, #tpu.memory_space<vmem>>, vector<1x128xf32>
    tpu.vector_store %arg13[%swap3A_152, %swap3A_153], %broadcast_in_dim3A_151 {strides = array<i32>} : memref<80x128xf32, #tpu.memory_space<vmem>>, vector<1x128xf32>,
    %get3A_155 = arith.constant 1920 : index
    %get3A_156 = arith.constant 0 : index
    %get3A_157 = vector.load %arg12[%get3A_155, %get3A_156] : memref<10240x128xf32, #tpu.memory_space<vmem>>, vector<128x128xf32>
    %reduce_max3A_158 = arith.constant dense<0xFF800000> : vector<128xf32>
    %reduce_max3A_159 = vector.multi_reduction <maximumf>, %get3A_157, %reduce_max3A_158 [0] : vector<128x128xf32> to vector<128xf32>
    %broadcast_in_dim3A_160 = vector.shape_cast %reduce_max3A_159 : vector<128xf32> to vector<1x128xf32>
    %swap3A_161 = arith.constant 15 : index
    %swap3A_162 = arith.constant 0 : index
    %swap3A_163 = vector.load %arg13[%swap3A_161, %swap3A_162] : memref<80x128xf32, #tpu.memory_space<vmem>>, vector<1x128xf32>
    tpu.vector_store %arg13[%swap3A_161, %swap3A_162], %broadcast_in_dim3A_160 {strides = array<i32>} : memref<80x128xf32, #tpu.memory_space<vmem>>, vector<1x128xf32>,
    %get3A_164 = arith.constant 2048 : index
    %get3A_165 = arith.constant 0 : index
    %get3A_166 = vector.load %arg12[%get3A_164, %get3A_165] : memref<10240x128xf32, #tpu.memory_space<vmem>>, vector<128x128xf32>
    %reduce_max3A_167 = arith.constant dense<0xFF800000> : vector<128xf32>
    %reduce_max3A_168 = vector.multi_reduction <maximumf>, %get3A_166, %reduce_max3A_167 [0] : vector<128x128xf32> to vector<128xf32>
    %broadcast_in_dim3A_169 = vector.shape_cast %reduce_max3A_168 : vector<128xf32> to vector<1x128xf32>
    %swap3A_170 = arith.constant 16 : index
    %swap3A_171 = arith.constant 0 : index
    %swap3A_172 = vector.load %arg13[%swap3A_170, %swap3A_171] : memref<80x128xf32, #tpu.memory_space<vmem>>, vector<1x128xf32>
    tpu.vector_store %arg13[%swap3A_170, %swap3A_171], %broadcast_in_dim3A_169 {strides = array<i32>} : memref<80x128xf32, #tpu.memory_space<vmem>>, vector<1x128xf32>,
    %get3A_173 = arith.constant 2176 : index
    %get3A_174 = arith.constant 0 : index
    %get3A_175 = vector.load %arg12[%get3A_173, %get3A_174] : memref<10240x128xf32, #tpu.memory_space<vmem>>, vector<128x128xf32>
    %reduce_max3A_176 = arith.constant dense<0xFF800000> : vector<128xf32>
    %reduce_max3A_177 = vector.multi_reduction <maximumf>, %get3A_175, %reduce_max3A_176 [0] : vector<128x128xf32> to vector<128xf32>
    %broadcast_in_dim3A_178 = vector.shape_cast %reduce_max3A_177 : vector<128xf32> to vector<1x128xf32>
    %swap3A_179 = arith.constant 17 : index
    %swap3A_180 = arith.constant 0 : index
    %swap3A_181 = vector.load %arg13[%swap3A_179, %swap3A_180] : memref<80x128xf32, #tpu.memory_space<vmem>>, vector<1x128xf32>
    tpu.vector_store %arg13[%swap3A_179, %swap3A_180], %broadcast_in_dim3A_178 {strides = array<i32>} : memref<80x128xf32, #tpu.memory_space<vmem>>, vector<1x128xf32>,
    %get3A_182 = arith.constant 2304 : index
    %get3A_183 = arith.constant 0 : index
    %get3A_184 = vector.load %arg12[%get3A_182, %get3A_183] : memref<10240x128xf32, #tpu.memory_space<vmem>>, vector<128x128xf32>
    %reduce_max3A_185 = arith.constant dense<0xFF800000> : vector<128xf32>
    %reduce_max3A_186 = vector.multi_reduction <maximumf>, %get3A_184, %reduce_max3A_185 [0] : vector<128x128xf32> to vector<128xf32>
    %broadcast_in_dim3A_187 = vector.shape_cast %reduce_max3A_186 : vector<128xf32> to vector<1x128xf32>
    %swap3A_188 = arith.constant 18 : index
    %swap3A_189 = arith.constant 0 : index
    %swap3A_190 = vector.load %arg13[%swap3A_188, %swap3A_189] : memref<80x128xf32, #tpu.memory_space<vmem>>, vector<1x128xf32>
    tpu.vector_store %arg13[%swap3A_188, %swap3A_189], %broadcast_in_dim3A_187 {strides = array<i32>} : memref<80x128xf32, #tpu.memory_space<vmem>>, vector<1x128xf32>,
    %get3A_191 = arith.constant 2432 : index
    %get3A_192 = arith.constant 0 : index
    %get3A_193 = vector.load %arg12[%get3A_191, %get3A_192] : memref<10240x128xf32, #tpu.memory_space<vmem>>, vector<128x128xf32>
    %reduce_max3A_194 = arith.constant dense<0xFF800000> : vector<128xf32>
    %reduce_max3A_195 = vector.multi_reduction <maximumf>, %get3A_193, %reduce_max3A_194 [0] : vector<128x128xf32> to vector<128xf32>
    %broadcast_in_dim3A_196 = vector.shape_cast %reduce_max3A_195 : vector<128xf32> to vector<1x128xf32>
    %swap3A_197 = arith.constant 19 : index
    %swap3A_198 = arith.constant 0 : index
    %swap3A_199 = vector.load %arg13[%swap3A_197, %swap3A_198] : memref<80x128xf32, #tpu.memory_space<vmem>>, vector<1x128xf32>
    tpu.vector_store %arg13[%swap3A_197, %swap3A_198], %broadcast_in_dim3A_196 {strides = array<i32>} : memref<80x128xf32, #tpu.memory_space<vmem>>, vector<1x128xf32>,
    %get3A_200 = arith.constant 2560 : index
    %get3A_201 = arith.constant 0 : index
    %get3A_202 = vector.load %arg12[%get3A_200, %get3A_201] : memref<10240x128xf32, #tpu.memory_space<vmem>>, vector<128x128xf32>
    %reduce_max3A_203 = arith.constant dense<0xFF800000> : vector<128xf32>
    %reduce_max3A_204 = vector.multi_reduction <maximumf>, %get3A_202, %reduce_max3A_203 [0] : vector<128x128xf32> to vector<128xf32>
    %broadcast_in_dim3A_205 = vector.shape_cast %reduce_max3A_204 : vector<128xf32> to vector<1x128xf32>
    %swap3A_206 = arith.constant 20 : index
    %swap3A_207 = arith.constant 0 : index
    %swap3A_208 = vector.load %arg13[%swap3A_206, %swap3A_207] : memref<80x128xf32, #tpu.memory_space<vmem>>, vector<1x128xf32>
    tpu.vector_store %arg13[%swap3A_206, %swap3A_207], %broadcast_in_dim3A_205 {strides = array<i32>} : memref<80x128xf32, #tpu.memory_space<vmem>>, vector<1x128xf32>,
    %get3A_209 = arith.constant 2688 : index
    %get3A_210 = arith.constant 0 : index
    %get3A_211 = vector.load %arg12[%get3A_209, %get3A_210] : memref<10240x128xf32, #tpu.memory_space<vmem>>, vector<128x128xf32>
    %reduce_max3A_212 = arith.constant dense<0xFF800000> : vector<128xf32>
    %reduce_max3A_213 = vector.multi_reduction <maximumf>, %get3A_211, %reduce_max3A_212 [0] : vector<128x128xf32> to vector<128xf32>
    %broadcast_in_dim3A_214 = vector.shape_cast %reduce_max3A_213 : vector<128xf32> to vector<1x128xf32>
    %swap3A_215 = arith.constant 21 : index
    %swap3A_216 = arith.constant 0 : index
    %swap3A_217 = vector.load %arg13[%swap3A_215, %swap3A_216] : memref<80x128xf32, #tpu.memory_space<vmem>>, vector<1x128xf32>
    tpu.vector_store %arg13[%swap3A_215, %swap3A_216], %broadcast_in_dim3A_214 {strides = array<i32>} : memref<80x128xf32, #tpu.memory_space<vmem>>, vector<1x128xf32>,
    %get3A_218 = arith.constant 2816 : index
    %get3A_219 = arith.constant 0 : index
    %get3A_220 = vector.load %arg12[%get3A_218, %get3A_219] : memref<10240x128xf32, #tpu.memory_space<vmem>>, vector<128x128xf32>
    %reduce_max3A_221 = arith.constant dense<0xFF800000> : vector<128xf32>
    %reduce_max3A_222 = vector.multi_reduction <maximumf>, %get3A_220, %reduce_max3A_221 [0] : vector<128x128xf32> to vector<128xf32>
    %broadcast_in_dim3A_223 = vector.shape_cast %reduce_max3A_222 : vector<128xf32> to vector<1x128xf32>
    %swap3A_224 = arith.constant 22 : index
    %swap3A_225 = arith.constant 0 : index
    %swap3A_226 = vector.load %arg13[%swap3A_224, %swap3A_225] : memref<80x128xf32, #tpu.memory_space<vmem>>, vector<1x128xf32>
    tpu.vector_store %arg13[%swap3A_224, %swap3A_225], %broadcast_in_dim3A_223 {strides = array<i32>} : memref<80x128xf32, #tpu.memory_space<vmem>>, vector<1x128xf32>,
    %get3A_227 = arith.constant 2944 : index
    %get3A_228 = arith.constant 0 : index
    %get3A_229 = vector.load %arg12[%get3A_227, %get3A_228] : memref<10240x128xf32, #tpu.memory_space<vmem>>, vector<128x128xf32>
    %reduce_max3A_230 = arith.constant dense<0xFF800000> : vector<128xf32>
    %reduce_max3A_231 = vector.multi_reduction <maximumf>, %get3A_229, %reduce_max3A_230 [0] : vector<128x128xf32> to vector<128xf32>
    %broadcast_in_dim3A_232 = vector.shape_cast %reduce_max3A_231 : vector<128xf32> to vector<1x128xf32>
    %swap3A_233 = arith.constant 23 : index
    %swap3A_234 = arith.constant 0 : index
    %swap3A_235 = vector.load %arg13[%swap3A_233, %swap3A_234] : memref<80x128xf32, #tpu.memory_space<vmem>>, vector<1x128xf32>
    tpu.vector_store %arg13[%swap3A_233, %swap3A_234], %broadcast_in_dim3A_232 {strides = array<i32>} : memref<80x128xf32, #tpu.memory_space<vmem>>, vector<1x128xf32>,
    %get3A_236 = arith.constant 3072 : index
    %get3A_237 = arith.constant 0 : index
    %get3A_238 = vector.load %arg12[%get3A_236, %get3A_237] : memref<10240x128xf32, #tpu.memory_space<vmem>>, vector<128x128xf32>
    %reduce_max3A_239 = arith.constant dense<0xFF800000> : vector<128xf32>
    %reduce_max3A_240 = vector.multi_reduction <maximumf>, %get3A_238, %reduce_max3A_239 [0] : vector<128x128xf32> to vector<128xf32>
    %broadcast_in_dim3A_241 = vector.shape_cast %reduce_max3A_240 : vector<128xf32> to vector<1x128xf32>
    %swap3A_242 = arith.constant 24 : index
    %swap3A_243 = arith.constant 0 : index
    %swap3A_244 = vector.load %arg13[%swap3A_242, %swap3A_243] : memref<80x128xf32, #tpu.memory_space<vmem>>, vector<1x128xf32>
    tpu.vector_store %arg13[%swap3A_242, %swap3A_243], %broadcast_in_dim3A_241 {strides = array<i32>} : memref<80x128xf32, #tpu.memory_space<vmem>>, vector<1x128xf32>,
    %get3A_245 = arith.constant 3200 : index
    %get3A_246 = arith.constant 0 : index
    %get3A_247 = vector.load %arg12[%get3A_245, %get3A_246] : memref<10240x128xf32, #tpu.memory_space<vmem>>, vector<128x128xf32>
    %reduce_max3A_248 = arith.constant dense<0xFF800000> : vector<128xf32>
    %reduce_max3A_249 = vector.multi_reduction <maximumf>, %get3A_247, %reduce_max3A_248 [0] : vector<128x128xf32> to vector<128xf32>
    %broadcast_in_dim3A_250 = vector.shape_cast %reduce_max3A_249 : vector<128xf32> to vector<1x128xf32>
    %swap3A_251 = arith.constant 25 : index
    %swap3A_252 = arith.constant 0 : index
    %swap3A_253 = vector.load %arg13[%swap3A_251, %swap3A_252] : memref<80x128xf32, #tpu.memory_space<vmem>>, vector<1x128xf32>
    tpu.vector_store %arg13[%swap3A_251, %swap3A_252], %broadcast_in_dim3A_250 {strides = array<i32>} : memref<80x128xf32, #tpu.memory_space<vmem>>, vector<1x128xf32>,
    %get3A_254 = arith.constant 3328 : index
    %get3A_255 = arith.constant 0 : index
    %get3A_256 = vector.load %arg12[%get3A_254, %get3A_255] : memref<10240x128xf32, #tpu.memory_space<vmem>>, vector<128x128xf32>
    %reduce_max3A_257 = arith.constant dense<0xFF800000> : vector<128xf32>
    %reduce_max3A_258 = vector.multi_reduction <maximumf>, %get3A_256, %reduce_max3A_257 [0] : vector<128x128xf32> to vector<128xf32>
    %broadcast_in_dim3A_259 = vector.shape_cast %reduce_max3A_258 : vector<128xf32> to vector<1x128xf32>
    %swap3A_260 = arith.constant 26 : index
    %swap3A_261 = arith.constant 0 : index
    %swap3A_262 = vector.load %arg13[%swap3A_260, %swap3A_261] : memref<80x128xf32, #tpu.memory_space<vmem>>, vector<1x128xf32>
    tpu.vector_store %arg13[%swap3A_260, %swap3A_261], %broadcast_in_dim3A_259 {strides = array<i32>} : memref<80x128xf32, #tpu.memory_space<vmem>>, vector<1x128xf32>,
    %get3A_263 = arith.constant 3456 : index
    %get3A_264 = arith.constant 0 : index
    %get3A_265 = vector.load %arg12[%get3A_263, %get3A_264] : memref<10240x128xf32, #tpu.memory_space<vmem>>, vector<128x128xf32>
    %reduce_max3A_266 = arith.constant dense<0xFF800000> : vector<128xf32>
    %reduce_max3A_267 = vector.multi_reduction <maximumf>, %get3A_265, %reduce_max3A_266 [0] : vector<128x128xf32> to vector<128xf32>
    %broadcast_in_dim3A_268 = vector.shape_cast %reduce_max3A_267 : vector<128xf32> to vector<1x128xf32>
    %swap3A_269 = arith.constant 27 : index
    %swap3A_270 = arith.constant 0 : index
    %swap3A_271 = vector.load %arg13[%swap3A_269, %swap3A_270] : memref<80x128xf32, #tpu.memory_space<vmem>>, vector<1x128xf32>
    tpu.vector_store %arg13[%swap3A_269, %swap3A_270], %broadcast_in_dim3A_268 {strides = array<i32>} : memref<80x128xf32, #tpu.memory_space<vmem>>, vector<1x128xf32>,
    %get3A_272 = arith.constant 3584 : index
    %get3A_273 = arith.constant 0 : index
    %get3A_274 = vector.load %arg12[%get3A_272, %get3A_273] : memref<10240x128xf32, #tpu.memory_space<vmem>>, vector<128x128xf32>
    %reduce_max3A_275 = arith.constant dense<0xFF800000> : vector<128xf32>
    %reduce_max3A_276 = vector.multi_reduction <maximumf>, %get3A_274, %reduce_max3A_275 [0] : vector<128x128xf32> to vector<128xf32>
    %broadcast_in_dim3A_277 = vector.shape_cast %reduce_max3A_276 : vector<128xf32> to vector<1x128xf32>
    %swap3A_278 = arith.constant 28 : index
    %swap3A_279 = arith.constant 0 : index
    %swap3A_280 = vector.load %arg13[%swap3A_278, %swap3A_279] : memref<80x128xf32, #tpu.memory_space<vmem>>, vector<1x128xf32>
    tpu.vector_store %arg13[%swap3A_278, %swap3A_279], %broadcast_in_dim3A_277 {strides = array<i32>} : memref<80x128xf32, #tpu.memory_space<vmem>>, vector<1x128xf32>,
    %get3A_281 = arith.constant 3712 : index
    %get3A_282 = arith.constant 0 : index
    %get3A_283 = vector.load %arg12[%get3A_281, %get3A_282] : memref<10240x128xf32, #tpu.memory_space<vmem>>, vector<128x128xf32>
    %reduce_max3A_284 = arith.constant dense<0xFF800000> : vector<128xf32>
    %reduce_max3A_285 = vector.multi_reduction <maximumf>, %get3A_283, %reduce_max3A_284 [0] : vector<128x128xf32> to vector<128xf32>
    %broadcast_in_dim3A_286 = vector.shape_cast %reduce_max3A_285 : vector<128xf32> to vector<1x128xf32>
    %swap3A_287 = arith.constant 29 : index
    %swap3A_288 = arith.constant 0 : index
    %swap3A_289 = vector.load %arg13[%swap3A_287, %swap3A_288] : memref<80x128xf32, #tpu.memory_space<vmem>>, vector<1x128xf32>
    tpu.vector_store %arg13[%swap3A_287, %swap3A_288], %broadcast_in_dim3A_286 {strides = array<i32>} : memref<80x128xf32, #tpu.memory_space<vmem>>, vector<1x128xf32>,
    %get3A_290 = arith.constant 3840 : index
    %get3A_291 = arith.constant 0 : index
    %get3A_292 = vector.load %arg12[%get3A_290, %get3A_291] : memref<10240x128xf32, #tpu.memory_space<vmem>>, vector<128x128xf32>
    %reduce_max3A_293 = arith.constant dense<0xFF800000> : vector<128xf32>
    %reduce_max3A_294 = vector.multi_reduction <maximumf>, %get3A_292, %reduce_max3A_293 [0] : vector<128x128xf32> to vector<128xf32>
    %broadcast_in_dim3A_295 = vector.shape_cast %reduce_max3A_294 : vector<128xf32> to vector<1x128xf32>
    %swap3A_296 = arith.constant 30 : index
    %swap3A_297 = arith.constant 0 : index
    %swap3A_298 = vector.load %arg13[%swap3A_296, %swap3A_297] : memref<80x128xf32, #tpu.memory_space<vmem>>, vector<1x128xf32>
    tpu.vector_store %arg13[%swap3A_296, %swap3A_297], %broadcast_in_dim3A_295 {strides = array<i32>} : memref<80x128xf32, #tpu.memory_space<vmem>>, vector<1x128xf32>,
    %get3A_299 = arith.constant 3968 : index
    %get3A_300 = arith.constant 0 : index
    %get3A_301 = vector.load %arg12[%get3A_299, %get3A_300] : memref<10240x128xf32, #tpu.memory_space<vmem>>, vector<128x128xf32>
    %reduce_max3A_302 = arith.constant dense<0xFF800000> : vector<128xf32>
    %reduce_max3A_303 = vector.multi_reduction <maximumf>, %get3A_301, %reduce_max3A_302 [0] : vector<128x128xf32> to vector<128xf32>
    %broadcast_in_dim3A_304 = vector.shape_cast %reduce_max3A_303 : vector<128xf32> to vector<1x128xf32>
    %swap3A_305 = arith.constant 31 : index
    %swap3A_306 = arith.constant 0 : index
    %swap3A_307 = vector.load %arg13[%swap3A_305, %swap3A_306] : memref<80x128xf32, #tpu.memory_space<vmem>>, vector<1x128xf32>
    tpu.vector_store %arg13[%swap3A_305, %swap3A_306], %broadcast_in_dim3A_304 {strides = array<i32>} : memref<80x128xf32, #tpu.memory_space<vmem>>, vector<1x128xf32>,
    %get3A_308 = arith.constant 4096 : index
    %get3A_309 = arith.constant 0 : index
    %get3A_310 = vector.load %arg12[%get3A_308, %get3A_309] : memref<10240x128xf32, #tpu.memory_space<vmem>>, vector<128x128xf32>
    %reduce_max3A_311 = arith.constant dense<0xFF800000> : vector<128xf32>
    %reduce_max3A_312 = vector.multi_reduction <maximumf>, %get3A_310, %reduce_max3A_311 [0] : vector<128x128xf32> to vector<128xf32>
    %broadcast_in_dim3A_313 = vector.shape_cast %reduce_max3A_312 : vector<128xf32> to vector<1x128xf32>
    %swap3A_314 = arith.constant 32 : index
    %swap3A_315 = arith.constant 0 : index
    %swap3A_316 = vector.load %arg13[%swap3A_314, %swap3A_315] : memref<80x128xf32, #tpu.memory_space<vmem>>, vector<1x128xf32>
    tpu.vector_store %arg13[%swap3A_314, %swap3A_315], %broadcast_in_dim3A_313 {strides = array<i32>} : memref<80x128xf32, #tpu.memory_space<vmem>>, vector<1x128xf32>,
    %get3A_317 = arith.constant 4224 : index
    %get3A_318 = arith.constant 0 : index
    %get3A_319 = vector.load %arg12[%get3A_317, %get3A_318] : memref<10240x128xf32, #tpu.memory_space<vmem>>, vector<128x128xf32>
    %reduce_max3A_320 = arith.constant dense<0xFF800000> : vector<128xf32>
    %reduce_max3A_321 = vector.multi_reduction <maximumf>, %get3A_319, %reduce_max3A_320 [0] : vector<128x128xf32> to vector<128xf32>
    %broadcast_in_dim3A_322 = vector.shape_cast %reduce_max3A_321 : vector<128xf32> to vector<1x128xf32>
    %swap3A_323 = arith.constant 33 : index
    %swap3A_324 = arith.constant 0 : index
    %swap3A_325 = vector.load %arg13[%swap3A_323, %swap3A_324] : memref<80x128xf32, #tpu.memory_space<vmem>>, vector<1x128xf32>
    tpu.vector_store %arg13[%swap3A_323, %swap3A_324], %broadcast_in_dim3A_322 {strides = array<i32>} : memref<80x128xf32, #tpu.memory_space<vmem>>, vector<1x128xf32>,
    %get3A_326 = arith.constant 4352 : index
    %get3A_327 = arith.constant 0 : index
    %get3A_328 = vector.load %arg12[%get3A_326, %get3A_327] : memref<10240x128xf32, #tpu.memory_space<vmem>>, vector<128x128xf32>
    %reduce_max3A_329 = arith.constant dense<0xFF800000> : vector<128xf32>
    %reduce_max3A_330 = vector.multi_reduction <maximumf>, %get3A_328, %reduce_max3A_329 [0] : vector<128x128xf32> to vector<128xf32>
    %broadcast_in_dim3A_331 = vector.shape_cast %reduce_max3A_330 : vector<128xf32> to vector<1x128xf32>
    %swap3A_332 = arith.constant 34 : index
    %swap3A_333 = arith.constant 0 : index
    %swap3A_334 = vector.load %arg13[%swap3A_332, %swap3A_333] : memref<80x128xf32, #tpu.memory_space<vmem>>, vector<1x128xf32>
    tpu.vector_store %arg13[%swap3A_332, %swap3A_333], %broadcast_in_dim3A_331 {strides = array<i32>} : memref<80x128xf32, #tpu.memory_space<vmem>>, vector<1x128xf32>,
    %get3A_335 = arith.constant 4480 : index
    %get3A_336 = arith.constant 0 : index
    %get3A_337 = vector.load %arg12[%get3A_335, %get3A_336] : memref<10240x128xf32, #tpu.memory_space<vmem>>, vector<128x128xf32>
    %reduce_max3A_338 = arith.constant dense<0xFF800000> : vector<128xf32>
    %reduce_max3A_339 = vector.multi_reduction <maximumf>, %get3A_337, %reduce_max3A_338 [0] : vector<128x128xf32> to vector<128xf32>
    %broadcast_in_dim3A_340 = vector.shape_cast %reduce_max3A_339 : vector<128xf32> to vector<1x128xf32>
    %swap3A_341 = arith.constant 35 : index
    %swap3A_342 = arith.constant 0 : index
    %swap3A_343 = vector.load %arg13[%swap3A_341, %swap3A_342] : memref<80x128xf32, #tpu.memory_space<vmem>>, vector<1x128xf32>
    tpu.vector_store %arg13[%swap3A_341, %swap3A_342], %broadcast_in_dim3A_340 {strides = array<i32>} : memref<80x128xf32, #tpu.memory_space<vmem>>, vector<1x128xf32>,
    %get3A_344 = arith.constant 4608 : index
    %get3A_345 = arith.constant 0 : index
    %get3A_346 = vector.load %arg12[%get3A_344, %get3A_345] : memref<10240x128xf32, #tpu.memory_space<vmem>>, vector<128x128xf32>
    %reduce_max3A_347 = arith.constant dense<0xFF800000> : vector<128xf32>
    %reduce_max3A_348 = vector.multi_reduction <maximumf>, %get3A_346, %reduce_max3A_347 [0] : vector<128x128xf32> to vector<128xf32>
    %broadcast_in_dim3A_349 = vector.shape_cast %reduce_max3A_348 : vector<128xf32> to vector<1x128xf32>
    %swap3A_350 = arith.constant 36 : index
    %swap3A_351 = arith.constant 0 : index
    %swap3A_352 = vector.load %arg13[%swap3A_350, %swap3A_351] : memref<80x128xf32, #tpu.memory_space<vmem>>, vector<1x128xf32>
    tpu.vector_store %arg13[%swap3A_350, %swap3A_351], %broadcast_in_dim3A_349 {strides = array<i32>} : memref<80x128xf32, #tpu.memory_space<vmem>>, vector<1x128xf32>,
    %get3A_353 = arith.constant 4736 : index
    %get3A_354 = arith.constant 0 : index
    %get3A_355 = vector.load %arg12[%get3A_353, %get3A_354] : memref<10240x128xf32, #tpu.memory_space<vmem>>, vector<128x128xf32>
    %reduce_max3A_356 = arith.constant dense<0xFF800000> : vector<128xf32>
    %reduce_max3A_357 = vector.multi_reduction <maximumf>, %get3A_355, %reduce_max3A_356 [0] : vector<128x128xf32> to vector<128xf32>
    %broadcast_in_dim3A_358 = vector.shape_cast %reduce_max3A_357 : vector<128xf32> to vector<1x128xf32>
    %swap3A_359 = arith.constant 37 : index
    %swap3A_360 = arith.constant 0 : index
    %swap3A_361 = vector.load %arg13[%swap3A_359, %swap3A_360] : memref<80x128xf32, #tpu.memory_space<vmem>>, vector<1x128xf32>
    tpu.vector_store %arg13[%swap3A_359, %swap3A_360], %broadcast_in_dim3A_358 {strides = array<i32>} : memref<80x128xf32, #tpu.memory_space<vmem>>, vector<1x128xf32>,
    %get3A_362 = arith.constant 4864 : index
    %get3A_363 = arith.constant 0 : index
    %get3A_364 = vector.load %arg12[%get3A_362, %get3A_363] : memref<10240x128xf32, #tpu.memory_space<vmem>>, vector<128x128xf32>
    %reduce_max3A_365 = arith.constant dense<0xFF800000> : vector<128xf32>
    %reduce_max3A_366 = vector.multi_reduction <maximumf>, %get3A_364, %reduce_max3A_365 [0] : vector<128x128xf32> to vector<128xf32>
    %broadcast_in_dim3A_367 = vector.shape_cast %reduce_max3A_366 : vector<128xf32> to vector<1x128xf32>
    %swap3A_368 = arith.constant 38 : index
    %swap3A_369 = arith.constant 0 : index
    %swap3A_370 = vector.load %arg13[%swap3A_368, %swap3A_369] : memref<80x128xf32, #tpu.memory_space<vmem>>, vector<1x128xf32>
    tpu.vector_store %arg13[%swap3A_368, %swap3A_369], %broadcast_in_dim3A_367 {strides = array<i32>} : memref<80x128xf32, #tpu.memory_space<vmem>>, vector<1x128xf32>,
    %get3A_371 = arith.constant 4992 : index
    %get3A_372 = arith.constant 0 : index
    %get3A_373 = vector.load %arg12[%get3A_371, %get3A_372] : memref<10240x128xf32, #tpu.memory_space<vmem>>, vector<128x128xf32>
    %reduce_max3A_374 = arith.constant dense<0xFF800000> : vector<128xf32>
    %reduce_max3A_375 = vector.multi_reduction <maximumf>, %get3A_373, %reduce_max3A_374 [0] : vector<128x128xf32> to vector<128xf32>
    %broadcast_in_dim3A_376 = vector.shape_cast %reduce_max3A_375 : vector<128xf32> to vector<1x128xf32>
    %swap3A_377 = arith.constant 39 : index
    %swap3A_378 = arith.constant 0 : index
    %swap3A_379 = vector.load %arg13[%swap3A_377, %swap3A_378] : memref<80x128xf32, #tpu.memory_space<vmem>>, vector<1x128xf32>
    tpu.vector_store %arg13[%swap3A_377, %swap3A_378], %broadcast_in_dim3A_376 {strides = array<i32>} : memref<80x128xf32, #tpu.memory_space<vmem>>, vector<1x128xf32>,
    %get3A_380 = arith.constant 5120 : index
    %get3A_381 = arith.constant 0 : index
    %get3A_382 = vector.load %arg12[%get3A_380, %get3A_381] : memref<10240x128xf32, #tpu.memory_space<vmem>>, vector<128x128xf32>
    %reduce_max3A_383 = arith.constant dense<0xFF800000> : vector<128xf32>
    %reduce_max3A_384 = vector.multi_reduction <maximumf>, %get3A_382, %reduce_max3A_383 [0] : vector<128x128xf32> to vector<128xf32>
    %broadcast_in_dim3A_385 = vector.shape_cast %reduce_max3A_384 : vector<128xf32> to vector<1x128xf32>
    %swap3A_386 = arith.constant 40 : index
    %swap3A_387 = arith.constant 0 : index
    %swap3A_388 = vector.load %arg13[%swap3A_386, %swap3A_387] : memref<80x128xf32, #tpu.memory_space<vmem>>, vector<1x128xf32>
    tpu.vector_store %arg13[%swap3A_386, %swap3A_387], %broadcast_in_dim3A_385 {strides = array<i32>} : memref<80x128xf32, #tpu.memory_space<vmem>>, vector<1x128xf32>,
    %get3A_389 = arith.constant 5248 : index
    %get3A_390 = arith.constant 0 : index
    %get3A_391 = vector.load %arg12[%get3A_389, %get3A_390] : memref<10240x128xf32, #tpu.memory_space<vmem>>, vector<128x128xf32>
    %reduce_max3A_392 = arith.constant dense<0xFF800000> : vector<128xf32>
    %reduce_max3A_393 = vector.multi_reduction <maximumf>, %get3A_391, %reduce_max3A_392 [0] : vector<128x128xf32> to vector<128xf32>
    %broadcast_in_dim3A_394 = vector.shape_cast %reduce_max3A_393 : vector<128xf32> to vector<1x128xf32>
    %swap3A_395 = arith.constant 41 : index
    %swap3A_396 = arith.constant 0 : index
    %swap3A_397 = vector.load %arg13[%swap3A_395, %swap3A_396] : memref<80x128xf32, #tpu.memory_space<vmem>>, vector<1x128xf32>
    tpu.vector_store %arg13[%swap3A_395, %swap3A_396], %broadcast_in_dim3A_394 {strides = array<i32>} : memref<80x128xf32, #tpu.memory_space<vmem>>, vector<1x128xf32>,
    %get3A_398 = arith.constant 5376 : index
    %get3A_399 = arith.constant 0 : index
    %get3A_400 = vector.load %arg12[%get3A_398, %get3A_399] : memref<10240x128xf32, #tpu.memory_space<vmem>>, vector<128x128xf32>
    %reduce_max3A_401 = arith.constant dense<0xFF800000> : vector<128xf32>
    %reduce_max3A_402 = vector.multi_reduction <maximumf>, %get3A_400, %reduce_max3A_401 [0] : vector<128x128xf32> to vector<128xf32>
    %broadcast_in_dim3A_403 = vector.shape_cast %reduce_max3A_402 : vector<128xf32> to vector<1x128xf32>
    %swap3A_404 = arith.constant 42 : index
    %swap3A_405 = arith.constant 0 : index
    %swap3A_406 = vector.load %arg13[%swap3A_404, %swap3A_405] : memref<80x128xf32, #tpu.memory_space<vmem>>, vector<1x128xf32>
    tpu.vector_store %arg13[%swap3A_404, %swap3A_405], %broadcast_in_dim3A_403 {strides = array<i32>} : memref<80x128xf32, #tpu.memory_space<vmem>>, vector<1x128xf32>,
    %get3A_407 = arith.constant 5504 : index
    %get3A_408 = arith.constant 0 : index
    %get3A_409 = vector.load %arg12[%get3A_407, %get3A_408] : memref<10240x128xf32, #tpu.memory_space<vmem>>, vector<128x128xf32>
    %reduce_max3A_410 = arith.constant dense<0xFF800000> : vector<128xf32>
    %reduce_max3A_411 = vector.multi_reduction <maximumf>, %get3A_409, %reduce_max3A_410 [0] : vector<128x128xf32> to vector<128xf32>
    %broadcast_in_dim3A_412 = vector.shape_cast %reduce_max3A_411 : vector<128xf32> to vector<1x128xf32>
    %swap3A_413 = arith.constant 43 : index
    %swap3A_414 = arith.constant 0 : index
    %swap3A_415 = vector.load %arg13[%swap3A_413, %swap3A_414] : memref<80x128xf32, #tpu.memory_space<vmem>>, vector<1x128xf32>
    tpu.vector_store %arg13[%swap3A_413, %swap3A_414], %broadcast_in_dim3A_412 {strides = array<i32>} : memref<80x128xf32, #tpu.memory_space<vmem>>, vector<1x128xf32>,
    %get3A_416 = arith.constant 5632 : index
    %get3A_417 = arith.constant 0 : index
    %get3A_418 = vector.load %arg12[%get3A_416, %get3A_417] : memref<10240x128xf32, #tpu.memory_space<vmem>>, vector<128x128xf32>
    %reduce_max3A_419 = arith.constant dense<0xFF800000> : vector<128xf32>
    %reduce_max3A_420 = vector.multi_reduction <maximumf>, %get3A_418, %reduce_max3A_419 [0] : vector<128x128xf32> to vector<128xf32>
    %broadcast_in_dim3A_421 = vector.shape_cast %reduce_max3A_420 : vector<128xf32> to vector<1x128xf32>
    %swap3A_422 = arith.constant 44 : index
    %swap3A_423 = arith.constant 0 : index
    %swap3A_424 = vector.load %arg13[%swap3A_422, %swap3A_423] : memref<80x128xf32, #tpu.memory_space<vmem>>, vector<1x128xf32>
    tpu.vector_store %arg13[%swap3A_422, %swap3A_423], %broadcast_in_dim3A_421 {strides = array<i32>} : memref<80x128xf32, #tpu.memory_space<vmem>>, vector<1x128xf32>,
    %get3A_425 = arith.constant 5760 : index
    %get3A_426 = arith.constant 0 : index
    %get3A_427 = vector.load %arg12[%get3A_425, %get3A_426] : memref<10240x128xf32, #tpu.memory_space<vmem>>, vector<128x128xf32>
    %reduce_max3A_428 = arith.constant dense<0xFF800000> : vector<128xf32>
    %reduce_max3A_429 = vector.multi_reduction <maximumf>, %get3A_427, %reduce_max3A_428 [0] : vector<128x128xf32> to vector<128xf32>
    %broadcast_in_dim3A_430 = vector.shape_cast %reduce_max3A_429 : vector<128xf32> to vector<1x128xf32>
    %swap3A_431 = arith.constant 45 : index
    %swap3A_432 = arith.constant 0 : index
    %swap3A_433 = vector.load %arg13[%swap3A_431, %swap3A_432] : memref<80x128xf32, #tpu.memory_space<vmem>>, vector<1x128xf32>
    tpu.vector_store %arg13[%swap3A_431, %swap3A_432], %broadcast_in_dim3A_430 {strides = array<i32>} : memref<80x128xf32, #tpu.memory_space<vmem>>, vector<1x128xf32>,
    %get3A_434 = arith.constant 5888 : index
    %get3A_435 = arith.constant 0 : index
    %get3A_436 = vector.load %arg12[%get3A_434, %get3A_435] : memref<10240x128xf32, #tpu.memory_space<vmem>>, vector<128x128xf32>
    %reduce_max3A_437 = arith.constant dense<0xFF800000> : vector<128xf32>
    %reduce_max3A_438 = vector.multi_reduction <maximumf>, %get3A_436, %reduce_max3A_437 [0] : vector<128x128xf32> to vector<128xf32>
    %broadcast_in_dim3A_439 = vector.shape_cast %reduce_max3A_438 : vector<128xf32> to vector<1x128xf32>
    %swap3A_440 = arith.constant 46 : index
    %swap3A_441 = arith.constant 0 : index
    %swap3A_442 = vector.load %arg13[%swap3A_440, %swap3A_441] : memref<80x128xf32, #tpu.memory_space<vmem>>, vector<1x128xf32>
    tpu.vector_store %arg13[%swap3A_440, %swap3A_441], %broadcast_in_dim3A_439 {strides = array<i32>} : memref<80x128xf32, #tpu.memory_space<vmem>>, vector<1x128xf32>,
    %get3A_443 = arith.constant 6016 : index
    %get3A_444 = arith.constant 0 : index
    %get3A_445 = vector.load %arg12[%get3A_443, %get3A_444] : memref<10240x128xf32, #tpu.memory_space<vmem>>, vector<128x128xf32>
    %reduce_max3A_446 = arith.constant dense<0xFF800000> : vector<128xf32>
    %reduce_max3A_447 = vector.multi_reduction <maximumf>, %get3A_445, %reduce_max3A_446 [0] : vector<128x128xf32> to vector<128xf32>
    %broadcast_in_dim3A_448 = vector.shape_cast %reduce_max3A_447 : vector<128xf32> to vector<1x128xf32>
    %swap3A_449 = arith.constant 47 : index
    %swap3A_450 = arith.constant 0 : index
    %swap3A_451 = vector.load %arg13[%swap3A_449, %swap3A_450] : memref<80x128xf32, #tpu.memory_space<vmem>>, vector<1x128xf32>
    tpu.vector_store %arg13[%swap3A_449, %swap3A_450], %broadcast_in_dim3A_448 {strides = array<i32>} : memref<80x128xf32, #tpu.memory_space<vmem>>, vector<1x128xf32>,
    %get3A_452 = arith.constant 6144 : index
    %get3A_453 = arith.constant 0 : index
    %get3A_454 = vector.load %arg12[%get3A_452, %get3A_453] : memref<10240x128xf32, #tpu.memory_space<vmem>>, vector<128x128xf32>
    %reduce_max3A_455 = arith.constant dense<0xFF800000> : vector<128xf32>
    %reduce_max3A_456 = vector.multi_reduction <maximumf>, %get3A_454, %reduce_max3A_455 [0] : vector<128x128xf32> to vector<128xf32>
    %broadcast_in_dim3A_457 = vector.shape_cast %reduce_max3A_456 : vector<128xf32> to vector<1x128xf32>
    %swap3A_458 = arith.constant 48 : index
    %swap3A_459 = arith.constant 0 : index
    %swap3A_460 = vector.load %arg13[%swap3A_458, %swap3A_459] : memref<80x128xf32, #tpu.memory_space<vmem>>, vector<1x128xf32>
    tpu.vector_store %arg13[%swap3A_458, %swap3A_459], %broadcast_in_dim3A_457 {strides = array<i32>} : memref<80x128xf32, #tpu.memory_space<vmem>>, vector<1x128xf32>,
    %get3A_461 = arith.constant 6272 : index
    %get3A_462 = arith.constant 0 : index
    %get3A_463 = vector.load %arg12[%get3A_461, %get3A_462] : memref<10240x128xf32, #tpu.memory_space<vmem>>, vector<128x128xf32>
    %reduce_max3A_464 = arith.constant dense<0xFF800000> : vector<128xf32>
    %reduce_max3A_465 = vector.multi_reduction <maximumf>, %get3A_463, %reduce_max3A_464 [0] : vector<128x128xf32> to vector<128xf32>
    %broadcast_in_dim3A_466 = vector.shape_cast %reduce_max3A_465 : vector<128xf32> to vector<1x128xf32>
    %swap3A_467 = arith.constant 49 : index
    %swap3A_468 = arith.constant 0 : index
    %swap3A_469 = vector.load %arg13[%swap3A_467, %swap3A_468] : memref<80x128xf32, #tpu.memory_space<vmem>>, vector<1x128xf32>
    tpu.vector_store %arg13[%swap3A_467, %swap3A_468], %broadcast_in_dim3A_466 {strides = array<i32>} : memref<80x128xf32, #tpu.memory_space<vmem>>, vector<1x128xf32>,
    %get3A_470 = arith.constant 6400 : index
    %get3A_471 = arith.constant 0 : index
    %get3A_472 = vector.load %arg12[%get3A_470, %get3A_471] : memref<10240x128xf32, #tpu.memory_space<vmem>>, vector<128x128xf32>
    %reduce_max3A_473 = arith.constant dense<0xFF800000> : vector<128xf32>
    %reduce_max3A_474 = vector.multi_reduction <maximumf>, %get3A_472, %reduce_max3A_473 [0] : vector<128x128xf32> to vector<128xf32>
    %broadcast_in_dim3A_475 = vector.shape_cast %reduce_max3A_474 : vector<128xf32> to vector<1x128xf32>
    %swap3A_476 = arith.constant 50 : index
    %swap3A_477 = arith.constant 0 : index
    %swap3A_478 = vector.load %arg13[%swap3A_476, %swap3A_477] : memref<80x128xf32, #tpu.memory_space<vmem>>, vector<1x128xf32>
    tpu.vector_store %arg13[%swap3A_476, %swap3A_477], %broadcast_in_dim3A_475 {strides = array<i32>} : memref<80x128xf32, #tpu.memory_space<vmem>>, vector<1x128xf32>,
    %get3A_479 = arith.constant 6528 : index
    %get3A_480 = arith.constant 0 : index
    %get3A_481 = vector.load %arg12[%get3A_479, %get3A_480] : memref<10240x128xf32, #tpu.memory_space<vmem>>, vector<128x128xf32>
    %reduce_max3A_482 = arith.constant dense<0xFF800000> : vector<128xf32>
    %reduce_max3A_483 = vector.multi_reduction <maximumf>, %get3A_481, %reduce_max3A_482 [0] : vector<128x128xf32> to vector<128xf32>
    %broadcast_in_dim3A_484 = vector.shape_cast %reduce_max3A_483 : vector<128xf32> to vector<1x128xf32>
    %swap3A_485 = arith.constant 51 : index
    %swap3A_486 = arith.constant 0 : index
    %swap3A_487 = vector.load %arg13[%swap3A_485, %swap3A_486] : memref<80x128xf32, #tpu.memory_space<vmem>>, vector<1x128xf32>
    tpu.vector_store %arg13[%swap3A_485, %swap3A_486], %broadcast_in_dim3A_484 {strides = array<i32>} : memref<80x128xf32, #tpu.memory_space<vmem>>, vector<1x128xf32>,
    %get3A_488 = arith.constant 6656 : index
    %get3A_489 = arith.constant 0 : index
    %get3A_490 = vector.load %arg12[%get3A_488, %get3A_489] : memref<10240x128xf32, #tpu.memory_space<vmem>>, vector<128x128xf32>
    %reduce_max3A_491 = arith.constant dense<0xFF800000> : vector<128xf32>
    %reduce_max3A_492 = vector.multi_reduction <maximumf>, %get3A_490, %reduce_max3A_491 [0] : vector<128x128xf32> to vector<128xf32>
    %broadcast_in_dim3A_493 = vector.shape_cast %reduce_max3A_492 : vector<128xf32> to vector<1x128xf32>
    %swap3A_494 = arith.constant 52 : index
    %swap3A_495 = arith.constant 0 : index
    %swap3A_496 = vector.load %arg13[%swap3A_494, %swap3A_495] : memref<80x128xf32, #tpu.memory_space<vmem>>, vector<1x128xf32>
    tpu.vector_store %arg13[%swap3A_494, %swap3A_495], %broadcast_in_dim3A_493 {strides = array<i32>} : memref<80x128xf32, #tpu.memory_space<vmem>>, vector<1x128xf32>,
    %get3A_497 = arith.constant 6784 : index
    %get3A_498 = arith.constant 0 : index
    %get3A_499 = vector.load %arg12[%get3A_497, %get3A_498] : memref<10240x128xf32, #tpu.memory_space<vmem>>, vector<128x128xf32>
    %reduce_max3A_500 = arith.constant dense<0xFF800000> : vector<128xf32>
    %reduce_max3A_501 = vector.multi_reduction <maximumf>, %get3A_499, %reduce_max3A_500 [0] : vector<128x128xf32> to vector<128xf32>
    %broadcast_in_dim3A_502 = vector.shape_cast %reduce_max3A_501 : vector<128xf32> to vector<1x128xf32>
    %swap3A_503 = arith.constant 53 : index
    %swap3A_504 = arith.constant 0 : index
    %swap3A_505 = vector.load %arg13[%swap3A_503, %swap3A_504] : memref<80x128xf32, #tpu.memory_space<vmem>>, vector<1x128xf32>
    tpu.vector_store %arg13[%swap3A_503, %swap3A_504], %broadcast_in_dim3A_502 {strides = array<i32>} : memref<80x128xf32, #tpu.memory_space<vmem>>, vector<1x128xf32>,
    %get3A_506 = arith.constant 6912 : index
    %get3A_507 = arith.constant 0 : index
    %get3A_508 = vector.load %arg12[%get3A_506, %get3A_507] : memref<10240x128xf32, #tpu.memory_space<vmem>>, vector<128x128xf32>
    %reduce_max3A_509 = arith.constant dense<0xFF800000> : vector<128xf32>
    %reduce_max3A_510 = vector.multi_reduction <maximumf>, %get3A_508, %reduce_max3A_509 [0] : vector<128x128xf32> to vector<128xf32>
    %broadcast_in_dim3A_511 = vector.shape_cast %reduce_max3A_510 : vector<128xf32> to vector<1x128xf32>
    %swap3A_512 = arith.constant 54 : index
    %swap3A_513 = arith.constant 0 : index
    %swap3A_514 = vector.load %arg13[%swap3A_512, %swap3A_513] : memref<80x128xf32, #tpu.memory_space<vmem>>, vector<1x128xf32>
    tpu.vector_store %arg13[%swap3A_512, %swap3A_513], %broadcast_in_dim3A_511 {strides = array<i32>} : memref<80x128xf32, #tpu.memory_space<vmem>>, vector<1x128xf32>,
    %get3A_515 = arith.constant 7040 : index
    %get3A_516 = arith.constant 0 : index
    %get3A_517 = vector.load %arg12[%get3A_515, %get3A_516] : memref<10240x128xf32, #tpu.memory_space<vmem>>, vector<128x128xf32>
    %reduce_max3A_518 = arith.constant dense<0xFF800000> : vector<128xf32>
    %reduce_max3A_519 = vector.multi_reduction <maximumf>, %get3A_517, %reduce_max3A_518 [0] : vector<128x128xf32> to vector<128xf32>
    %broadcast_in_dim3A_520 = vector.shape_cast %reduce_max3A_519 : vector<128xf32> to vector<1x128xf32>
    %swap3A_521 = arith.constant 55 : index
    %swap3A_522 = arith.constant 0 : index
    %swap3A_523 = vector.load %arg13[%swap3A_521, %swap3A_522] : memref<80x128xf32, #tpu.memory_space<vmem>>, vector<1x128xf32>
    tpu.vector_store %arg13[%swap3A_521, %swap3A_522], %broadcast_in_dim3A_520 {strides = array<i32>} : memref<80x128xf32, #tpu.memory_space<vmem>>, vector<1x128xf32>,
    %get3A_524 = arith.constant 7168 : index
    %get3A_525 = arith.constant 0 : index
    %get3A_526 = vector.load %arg12[%get3A_524, %get3A_525] : memref<10240x128xf32, #tpu.memory_space<vmem>>, vector<128x128xf32>
    %reduce_max3A_527 = arith.constant dense<0xFF800000> : vector<128xf32>
    %reduce_max3A_528 = vector.multi_reduction <maximumf>, %get3A_526, %reduce_max3A_527 [0] : vector<128x128xf32> to vector<128xf32>
    %broadcast_in_dim3A_529 = vector.shape_cast %reduce_max3A_528 : vector<128xf32> to vector<1x128xf32>
    %swap3A_530 = arith.constant 56 : index
    %swap3A_531 = arith.constant 0 : index
    %swap3A_532 = vector.load %arg13[%swap3A_530, %swap3A_531] : memref<80x128xf32, #tpu.memory_space<vmem>>, vector<1x128xf32>
    tpu.vector_store %arg13[%swap3A_530, %swap3A_531], %broadcast_in_dim3A_529 {strides = array<i32>} : memref<80x128xf32, #tpu.memory_space<vmem>>, vector<1x128xf32>,
    %get3A_533 = arith.constant 7296 : index
    %get3A_534 = arith.constant 0 : index
    %get3A_535 = vector.load %arg12[%get3A_533, %get3A_534] : memref<10240x128xf32, #tpu.memory_space<vmem>>, vector<128x128xf32>
    %reduce_max3A_536 = arith.constant dense<0xFF800000> : vector<128xf32>
    %reduce_max3A_537 = vector.multi_reduction <maximumf>, %get3A_535, %reduce_max3A_536 [0] : vector<128x128xf32> to vector<128xf32>
    %broadcast_in_dim3A_538 = vector.shape_cast %reduce_max3A_537 : vector<128xf32> to vector<1x128xf32>
    %swap3A_539 = arith.constant 57 : index
    %swap3A_540 = arith.constant 0 : index
    %swap3A_541 = vector.load %arg13[%swap3A_539, %swap3A_540] : memref<80x128xf32, #tpu.memory_space<vmem>>, vector<1x128xf32>
    tpu.vector_store %arg13[%swap3A_539, %swap3A_540], %broadcast_in_dim3A_538 {strides = array<i32>} : memref<80x128xf32, #tpu.memory_space<vmem>>, vector<1x128xf32>,
    %get3A_542 = arith.constant 7424 : index
    %get3A_543 = arith.constant 0 : index
    %get3A_544 = vector.load %arg12[%get3A_542, %get3A_543] : memref<10240x128xf32, #tpu.memory_space<vmem>>, vector<128x128xf32>
    %reduce_max3A_545 = arith.constant dense<0xFF800000> : vector<128xf32>
    %reduce_max3A_546 = vector.multi_reduction <maximumf>, %get3A_544, %reduce_max3A_545 [0] : vector<128x128xf32> to vector<128xf32>
    %broadcast_in_dim3A_547 = vector.shape_cast %reduce_max3A_546 : vector<128xf32> to vector<1x128xf32>
    %swap3A_548 = arith.constant 58 : index
    %swap3A_549 = arith.constant 0 : index
    %swap3A_550 = vector.load %arg13[%swap3A_548, %swap3A_549] : memref<80x128xf32, #tpu.memory_space<vmem>>, vector<1x128xf32>
    tpu.vector_store %arg13[%swap3A_548, %swap3A_549], %broadcast_in_dim3A_547 {strides = array<i32>} : memref<80x128xf32, #tpu.memory_space<vmem>>, vector<1x128xf32>,
    %get3A_551 = arith.constant 7552 : index
    %get3A_552 = arith.constant 0 : index
    %get3A_553 = vector.load %arg12[%get3A_551, %get3A_552] : memref<10240x128xf32, #tpu.memory_space<vmem>>, vector<128x128xf32>
    %reduce_max3A_554 = arith.constant dense<0xFF800000> : vector<128xf32>
    %reduce_max3A_555 = vector.multi_reduction <maximumf>, %get3A_553, %reduce_max3A_554 [0] : vector<128x128xf32> to vector<128xf32>
    %broadcast_in_dim3A_556 = vector.shape_cast %reduce_max3A_555 : vector<128xf32> to vector<1x128xf32>
    %swap3A_557 = arith.constant 59 : index
    %swap3A_558 = arith.constant 0 : index
    %swap3A_559 = vector.load %arg13[%swap3A_557, %swap3A_558] : memref<80x128xf32, #tpu.memory_space<vmem>>, vector<1x128xf32>
    tpu.vector_store %arg13[%swap3A_557, %swap3A_558], %broadcast_in_dim3A_556 {strides = array<i32>} : memref<80x128xf32, #tpu.memory_space<vmem>>, vector<1x128xf32>,
    %get3A_560 = arith.constant 7680 : index
    %get3A_561 = arith.constant 0 : index
    %get3A_562 = vector.load %arg12[%get3A_560, %get3A_561] : memref<10240x128xf32, #tpu.memory_space<vmem>>, vector<128x128xf32>
    %reduce_max3A_563 = arith.constant dense<0xFF800000> : vector<128xf32>
    %reduce_max3A_564 = vector.multi_reduction <maximumf>, %get3A_562, %reduce_max3A_563 [0] : vector<128x128xf32> to vector<128xf32>
    %broadcast_in_dim3A_565 = vector.shape_cast %reduce_max3A_564 : vector<128xf32> to vector<1x128xf32>
    %swap3A_566 = arith.constant 60 : index
    %swap3A_567 = arith.constant 0 : index
    %swap3A_568 = vector.load %arg13[%swap3A_566, %swap3A_567] : memref<80x128xf32, #tpu.memory_space<vmem>>, vector<1x128xf32>
    tpu.vector_store %arg13[%swap3A_566, %swap3A_567], %broadcast_in_dim3A_565 {strides = array<i32>} : memref<80x128xf32, #tpu.memory_space<vmem>>, vector<1x128xf32>,
    %get3A_569 = arith.constant 7808 : index
    %get3A_570 = arith.constant 0 : index
    %get3A_571 = vector.load %arg12[%get3A_569, %get3A_570] : memref<10240x128xf32, #tpu.memory_space<vmem>>, vector<128x128xf32>
    %reduce_max3A_572 = arith.constant dense<0xFF800000> : vector<128xf32>
    %reduce_max3A_573 = vector.multi_reduction <maximumf>, %get3A_571, %reduce_max3A_572 [0] : vector<128x128xf32> to vector<128xf32>
    %broadcast_in_dim3A_574 = vector.shape_cast %reduce_max3A_573 : vector<128xf32> to vector<1x128xf32>
    %swap3A_575 = arith.constant 61 : index
    %swap3A_576 = arith.constant 0 : index
    %swap3A_577 = vector.load %arg13[%swap3A_575, %swap3A_576] : memref<80x128xf32, #tpu.memory_space<vmem>>, vector<1x128xf32>
    tpu.vector_store %arg13[%swap3A_575, %swap3A_576], %broadcast_in_dim3A_574 {strides = array<i32>} : memref<80x128xf32, #tpu.memory_space<vmem>>, vector<1x128xf32>,
    %get3A_578 = arith.constant 7936 : index
    %get3A_579 = arith.constant 0 : index
    %get3A_580 = vector.load %arg12[%get3A_578, %get3A_579] : memref<10240x128xf32, #tpu.memory_space<vmem>>, vector<128x128xf32>
    %reduce_max3A_581 = arith.constant dense<0xFF800000> : vector<128xf32>
    %reduce_max3A_582 = vector.multi_reduction <maximumf>, %get3A_580, %reduce_max3A_581 [0] : vector<128x128xf32> to vector<128xf32>
    %broadcast_in_dim3A_583 = vector.shape_cast %reduce_max3A_582 : vector<128xf32> to vector<1x128xf32>
    %swap3A_584 = arith.constant 62 : index
    %swap3A_585 = arith.constant 0 : index
    %swap3A_586 = vector.load %arg13[%swap3A_584, %swap3A_585] : memref<80x128xf32, #tpu.memory_space<vmem>>, vector<1x128xf32>
    tpu.vector_store %arg13[%swap3A_584, %swap3A_585], %broadcast_in_dim3A_583 {strides = array<i32>} : memref<80x128xf32, #tpu.memory_space<vmem>>, vector<1x128xf32>,
    %get3A_587 = arith.constant 8064 : index
    %get3A_588 = arith.constant 0 : index
    %get3A_589 = vector.load %arg12[%get3A_587, %get3A_588] : memref<10240x128xf32, #tpu.memory_space<vmem>>, vector<128x128xf32>
    %reduce_max3A_590 = arith.constant dense<0xFF800000> : vector<128xf32>
    %reduce_max3A_591 = vector.multi_reduction <maximumf>, %get3A_589, %reduce_max3A_590 [0] : vector<128x128xf32> to vector<128xf32>
    %broadcast_in_dim3A_592 = vector.shape_cast %reduce_max3A_591 : vector<128xf32> to vector<1x128xf32>
    %swap3A_593 = arith.constant 63 : index
    %swap3A_594 = arith.constant 0 : index
    %swap3A_595 = vector.load %arg13[%swap3A_593, %swap3A_594] : memref<80x128xf32, #tpu.memory_space<vmem>>, vector<1x128xf32>
    tpu.vector_store %arg13[%swap3A_593, %swap3A_594], %broadcast_in_dim3A_592 {strides = array<i32>} : memref<80x128xf32, #tpu.memory_space<vmem>>, vector<1x128xf32>,
    %get3A_596 = arith.constant 8192 : index
    %get3A_597 = arith.constant 0 : index
    %get3A_598 = vector.load %arg12[%get3A_596, %get3A_597] : memref<10240x128xf32, #tpu.memory_space<vmem>>, vector<128x128xf32>
    %reduce_max3A_599 = arith.constant dense<0xFF800000> : vector<128xf32>
    %reduce_max3A_600 = vector.multi_reduction <maximumf>, %get3A_598, %reduce_max3A_599 [0] : vector<128x128xf32> to vector<128xf32>
    %broadcast_in_dim3A_601 = vector.shape_cast %reduce_max3A_600 : vector<128xf32> to vector<1x128xf32>
    %swap3A_602 = arith.constant 64 : index
    %swap3A_603 = arith.constant 0 : index
    %swap3A_604 = vector.load %arg13[%swap3A_602, %swap3A_603] : memref<80x128xf32, #tpu.memory_space<vmem>>, vector<1x128xf32>
    tpu.vector_store %arg13[%swap3A_602, %swap3A_603], %broadcast_in_dim3A_601 {strides = array<i32>} : memref<80x128xf32, #tpu.memory_space<vmem>>, vector<1x128xf32>,
    %get3A_605 = arith.constant 8320 : index
    %get3A_606 = arith.constant 0 : index
    %get3A_607 = vector.load %arg12[%get3A_605, %get3A_606] : memref<10240x128xf32, #tpu.memory_space<vmem>>, vector<128x128xf32>
    %reduce_max3A_608 = arith.constant dense<0xFF800000> : vector<128xf32>
    %reduce_max3A_609 = vector.multi_reduction <maximumf>, %get3A_607, %reduce_max3A_608 [0] : vector<128x128xf32> to vector<128xf32>
    %broadcast_in_dim3A_610 = vector.shape_cast %reduce_max3A_609 : vector<128xf32> to vector<1x128xf32>
    %swap3A_611 = arith.constant 65 : index
    %swap3A_612 = arith.constant 0 : index
    %swap3A_613 = vector.load %arg13[%swap3A_611, %swap3A_612] : memref<80x128xf32, #tpu.memory_space<vmem>>, vector<1x128xf32>
    tpu.vector_store %arg13[%swap3A_611, %swap3A_612], %broadcast_in_dim3A_610 {strides = array<i32>} : memref<80x128xf32, #tpu.memory_space<vmem>>, vector<1x128xf32>,
    %get3A_614 = arith.constant 8448 : index
    %get3A_615 = arith.constant 0 : index
    %get3A_616 = vector.load %arg12[%get3A_614, %get3A_615] : memref<10240x128xf32, #tpu.memory_space<vmem>>, vector<128x128xf32>
    %reduce_max3A_617 = arith.constant dense<0xFF800000> : vector<128xf32>
    %reduce_max3A_618 = vector.multi_reduction <maximumf>, %get3A_616, %reduce_max3A_617 [0] : vector<128x128xf32> to vector<128xf32>
    %broadcast_in_dim3A_619 = vector.shape_cast %reduce_max3A_618 : vector<128xf32> to vector<1x128xf32>
    %swap3A_620 = arith.constant 66 : index
    %swap3A_621 = arith.constant 0 : index
    %swap3A_622 = vector.load %arg13[%swap3A_620, %swap3A_621] : memref<80x128xf32, #tpu.memory_space<vmem>>, vector<1x128xf32>
    tpu.vector_store %arg13[%swap3A_620, %swap3A_621], %broadcast_in_dim3A_619 {strides = array<i32>} : memref<80x128xf32, #tpu.memory_space<vmem>>, vector<1x128xf32>,
    %get3A_623 = arith.constant 8576 : index
    %get3A_624 = arith.constant 0 : index
    %get3A_625 = vector.load %arg12[%get3A_623, %get3A_624] : memref<10240x128xf32, #tpu.memory_space<vmem>>, vector<128x128xf32>
    %reduce_max3A_626 = arith.constant dense<0xFF800000> : vector<128xf32>
    %reduce_max3A_627 = vector.multi_reduction <maximumf>, %get3A_625, %reduce_max3A_626 [0] : vector<128x128xf32> to vector<128xf32>
    %broadcast_in_dim3A_628 = vector.shape_cast %reduce_max3A_627 : vector<128xf32> to vector<1x128xf32>
    %swap3A_629 = arith.constant 67 : index
    %swap3A_630 = arith.constant 0 : index
    %swap3A_631 = vector.load %arg13[%swap3A_629, %swap3A_630] : memref<80x128xf32, #tpu.memory_space<vmem>>, vector<1x128xf32>
    tpu.vector_store %arg13[%swap3A_629, %swap3A_630], %broadcast_in_dim3A_628 {strides = array<i32>} : memref<80x128xf32, #tpu.memory_space<vmem>>, vector<1x128xf32>,
    %get3A_632 = arith.constant 8704 : index
    %get3A_633 = arith.constant 0 : index
    %get3A_634 = vector.load %arg12[%get3A_632, %get3A_633] : memref<10240x128xf32, #tpu.memory_space<vmem>>, vector<128x128xf32>
    %reduce_max3A_635 = arith.constant dense<0xFF800000> : vector<128xf32>
    %reduce_max3A_636 = vector.multi_reduction <maximumf>, %get3A_634, %reduce_max3A_635 [0] : vector<128x128xf32> to vector<128xf32>
    %broadcast_in_dim3A_637 = vector.shape_cast %reduce_max3A_636 : vector<128xf32> to vector<1x128xf32>
    %swap3A_638 = arith.constant 68 : index
    %swap3A_639 = arith.constant 0 : index
    %swap3A_640 = vector.load %arg13[%swap3A_638, %swap3A_639] : memref<80x128xf32, #tpu.memory_space<vmem>>, vector<1x128xf32>
    tpu.vector_store %arg13[%swap3A_638, %swap3A_639], %broadcast_in_dim3A_637 {strides = array<i32>} : memref<80x128xf32, #tpu.memory_space<vmem>>, vector<1x128xf32>,
    %get3A_641 = arith.constant 8832 : index
    %get3A_642 = arith.constant 0 : index
    %get3A_643 = vector.load %arg12[%get3A_641, %get3A_642] : memref<10240x128xf32, #tpu.memory_space<vmem>>, vector<128x128xf32>
    %reduce_max3A_644 = arith.constant dense<0xFF800000> : vector<128xf32>
    %reduce_max3A_645 = vector.multi_reduction <maximumf>, %get3A_643, %reduce_max3A_644 [0] : vector<128x128xf32> to vector<128xf32>
    %broadcast_in_dim3A_646 = vector.shape_cast %reduce_max3A_645 : vector<128xf32> to vector<1x128xf32>
    %swap3A_647 = arith.constant 69 : index
    %swap3A_648 = arith.constant 0 : index
    %swap3A_649 = vector.load %arg13[%swap3A_647, %swap3A_648] : memref<80x128xf32, #tpu.memory_space<vmem>>, vector<1x128xf32>
    tpu.vector_store %arg13[%swap3A_647, %swap3A_648], %broadcast_in_dim3A_646 {strides = array<i32>} : memref<80x128xf32, #tpu.memory_space<vmem>>, vector<1x128xf32>,
    %get3A_650 = arith.constant 8960 : index
    %get3A_651 = arith.constant 0 : index
    %get3A_652 = vector.load %arg12[%get3A_650, %get3A_651] : memref<10240x128xf32, #tpu.memory_space<vmem>>, vector<128x128xf32>
    %reduce_max3A_653 = arith.constant dense<0xFF800000> : vector<128xf32>
    %reduce_max3A_654 = vector.multi_reduction <maximumf>, %get3A_652, %reduce_max3A_653 [0] : vector<128x128xf32> to vector<128xf32>
    %broadcast_in_dim3A_655 = vector.shape_cast %reduce_max3A_654 : vector<128xf32> to vector<1x128xf32>
    %swap3A_656 = arith.constant 70 : index
    %swap3A_657 = arith.constant 0 : index
    %swap3A_658 = vector.load %arg13[%swap3A_656, %swap3A_657] : memref<80x128xf32, #tpu.memory_space<vmem>>, vector<1x128xf32>
    tpu.vector_store %arg13[%swap3A_656, %swap3A_657], %broadcast_in_dim3A_655 {strides = array<i32>} : memref<80x128xf32, #tpu.memory_space<vmem>>, vector<1x128xf32>,
    %get3A_659 = arith.constant 9088 : index
    %get3A_660 = arith.constant 0 : index
    %get3A_661 = vector.load %arg12[%get3A_659, %get3A_660] : memref<10240x128xf32, #tpu.memory_space<vmem>>, vector<128x128xf32>
    %reduce_max3A_662 = arith.constant dense<0xFF800000> : vector<128xf32>
    %reduce_max3A_663 = vector.multi_reduction <maximumf>, %get3A_661, %reduce_max3A_662 [0] : vector<128x128xf32> to vector<128xf32>
    %broadcast_in_dim3A_664 = vector.shape_cast %reduce_max3A_663 : vector<128xf32> to vector<1x128xf32>
    %swap3A_665 = arith.constant 71 : index
    %swap3A_666 = arith.constant 0 : index
    %swap3A_667 = vector.load %arg13[%swap3A_665, %swap3A_666] : memref<80x128xf32, #tpu.memory_space<vmem>>, vector<1x128xf32>
    tpu.vector_store %arg13[%swap3A_665, %swap3A_666], %broadcast_in_dim3A_664 {strides = array<i32>} : memref<80x128xf32, #tpu.memory_space<vmem>>, vector<1x128xf32>,
    %get3A_668 = arith.constant 9216 : index
    %get3A_669 = arith.constant 0 : index
    %get3A_670 = vector.load %arg12[%get3A_668, %get3A_669] : memref<10240x128xf32, #tpu.memory_space<vmem>>, vector<128x128xf32>
    %reduce_max3A_671 = arith.constant dense<0xFF800000> : vector<128xf32>
    %reduce_max3A_672 = vector.multi_reduction <maximumf>, %get3A_670, %reduce_max3A_671 [0] : vector<128x128xf32> to vector<128xf32>
    %broadcast_in_dim3A_673 = vector.shape_cast %reduce_max3A_672 : vector<128xf32> to vector<1x128xf32>
    %swap3A_674 = arith.constant 72 : index
    %swap3A_675 = arith.constant 0 : index
    %swap3A_676 = vector.load %arg13[%swap3A_674, %swap3A_675] : memref<80x128xf32, #tpu.memory_space<vmem>>, vector<1x128xf32>
    tpu.vector_store %arg13[%swap3A_674, %swap3A_675], %broadcast_in_dim3A_673 {strides = array<i32>} : memref<80x128xf32, #tpu.memory_space<vmem>>, vector<1x128xf32>,
    %get3A_677 = arith.constant 9344 : index
    %get3A_678 = arith.constant 0 : index
    %get3A_679 = vector.load %arg12[%get3A_677, %get3A_678] : memref<10240x128xf32, #tpu.memory_space<vmem>>, vector<128x128xf32>
    %reduce_max3A_680 = arith.constant dense<0xFF800000> : vector<128xf32>
    %reduce_max3A_681 = vector.multi_reduction <maximumf>, %get3A_679, %reduce_max3A_680 [0] : vector<128x128xf32> to vector<128xf32>
    %broadcast_in_dim3A_682 = vector.shape_cast %reduce_max3A_681 : vector<128xf32> to vector<1x128xf32>
    %swap3A_683 = arith.constant 73 : index
    %swap3A_684 = arith.constant 0 : index
    %swap3A_685 = vector.load %arg13[%swap3A_683, %swap3A_684] : memref<80x128xf32, #tpu.memory_space<vmem>>, vector<1x128xf32>
    tpu.vector_store %arg13[%swap3A_683, %swap3A_684], %broadcast_in_dim3A_682 {strides = array<i32>} : memref<80x128xf32, #tpu.memory_space<vmem>>, vector<1x128xf32>,
    %get3A_686 = arith.constant 9472 : index
    %get3A_687 = arith.constant 0 : index
    %get3A_688 = vector.load %arg12[%get3A_686, %get3A_687] : memref<10240x128xf32, #tpu.memory_space<vmem>>, vector<128x128xf32>
    %reduce_max3A_689 = arith.constant dense<0xFF800000> : vector<128xf32>
    %reduce_max3A_690 = vector.multi_reduction <maximumf>, %get3A_688, %reduce_max3A_689 [0] : vector<128x128xf32> to vector<128xf32>
    %broadcast_in_dim3A_691 = vector.shape_cast %reduce_max3A_690 : vector<128xf32> to vector<1x128xf32>
    %swap3A_692 = arith.constant 74 : index
    %swap3A_693 = arith.constant 0 : index
    %swap3A_694 = vector.load %arg13[%swap3A_692, %swap3A_693] : memref<80x128xf32, #tpu.memory_space<vmem>>, vector<1x128xf32>
    tpu.vector_store %arg13[%swap3A_692, %swap3A_693], %broadcast_in_dim3A_691 {strides = array<i32>} : memref<80x128xf32, #tpu.memory_space<vmem>>, vector<1x128xf32>,
    %get3A_695 = arith.constant 9600 : index
    %get3A_696 = arith.constant 0 : index
    %get3A_697 = vector.load %arg12[%get3A_695, %get3A_696] : memref<10240x128xf32, #tpu.memory_space<vmem>>, vector<128x128xf32>
    %reduce_max3A_698 = arith.constant dense<0xFF800000> : vector<128xf32>
    %reduce_max3A_699 = vector.multi_reduction <maximumf>, %get3A_697, %reduce_max3A_698 [0] : vector<128x128xf32> to vector<128xf32>
    %broadcast_in_dim3A_700 = vector.shape_cast %reduce_max3A_699 : vector<128xf32> to vector<1x128xf32>
    %swap3A_701 = arith.constant 75 : index
    %swap3A_702 = arith.constant 0 : index
    %swap3A_703 = vector.load %arg13[%swap3A_701, %swap3A_702] : memref<80x128xf32, #tpu.memory_space<vmem>>, vector<1x128xf32>
    tpu.vector_store %arg13[%swap3A_701, %swap3A_702], %broadcast_in_dim3A_700 {strides = array<i32>} : memref<80x128xf32, #tpu.memory_space<vmem>>, vector<1x128xf32>,
    %get3A_704 = arith.constant 9728 : index
    %get3A_705 = arith.constant 0 : index
    %get3A_706 = vector.load %arg12[%get3A_704, %get3A_705] : memref<10240x128xf32, #tpu.memory_space<vmem>>, vector<128x128xf32>
    %reduce_max3A_707 = arith.constant dense<0xFF800000> : vector<128xf32>
    %reduce_max3A_708 = vector.multi_reduction <maximumf>, %get3A_706, %reduce_max3A_707 [0] : vector<128x128xf32> to vector<128xf32>
    %broadcast_in_dim3A_709 = vector.shape_cast %reduce_max3A_708 : vector<128xf32> to vector<1x128xf32>
    %swap3A_710 = arith.constant 76 : index
    %swap3A_711 = arith.constant 0 : index
    %swap3A_712 = vector.load %arg13[%swap3A_710, %swap3A_711] : memref<80x128xf32, #tpu.memory_space<vmem>>, vector<1x128xf32>
    tpu.vector_store %arg13[%swap3A_710, %swap3A_711], %broadcast_in_dim3A_709 {strides = array<i32>} : memref<80x128xf32, #tpu.memory_space<vmem>>, vector<1x128xf32>,
    %get3A_713 = arith.constant 9856 : index
    %get3A_714 = arith.constant 0 : index
    %get3A_715 = vector.load %arg12[%get3A_713, %get3A_714] : memref<10240x128xf32, #tpu.memory_space<vmem>>, vector<128x128xf32>
    %reduce_max3A_716 = arith.constant dense<0xFF800000> : vector<128xf32>
    %reduce_max3A_717 = vector.multi_reduction <maximumf>, %get3A_715, %reduce_max3A_716 [0] : vector<128x128xf32> to vector<128xf32>
    %broadcast_in_dim3A_718 = vector.shape_cast %reduce_max3A_717 : vector<128xf32> to vector<1x128xf32>
    %swap3A_719 = arith.constant 77 : index
    %swap3A_720 = arith.constant 0 : index
    %swap3A_721 = vector.load %arg13[%swap3A_719, %swap3A_720] : memref<80x128xf32, #tpu.memory_space<vmem>>, vector<1x128xf32>
    tpu.vector_store %arg13[%swap3A_719, %swap3A_720], %broadcast_in_dim3A_718 {strides = array<i32>} : memref<80x128xf32, #tpu.memory_space<vmem>>, vector<1x128xf32>,
    %get3A_722 = arith.constant 9984 : index
    %get3A_723 = arith.constant 0 : index
    %get3A_724 = vector.load %arg12[%get3A_722, %get3A_723] : memref<10240x128xf32, #tpu.memory_space<vmem>>, vector<128x128xf32>
    %reduce_max3A_725 = arith.constant dense<0xFF800000> : vector<128xf32>
    %reduce_max3A_726 = vector.multi_reduction <maximumf>, %get3A_724, %reduce_max3A_725 [0] : vector<128x128xf32> to vector<128xf32>
    %broadcast_in_dim3A_727 = vector.shape_cast %reduce_max3A_726 : vector<128xf32> to vector<1x128xf32>
    %swap3A_728 = arith.constant 78 : index
    %swap3A_729 = arith.constant 0 : index
    %swap3A_730 = vector.load %arg13[%swap3A_728, %swap3A_729] : memref<80x128xf32, #tpu.memory_space<vmem>>, vector<1x128xf32>
    tpu.vector_store %arg13[%swap3A_728, %swap3A_729], %broadcast_in_dim3A_727 {strides = array<i32>} : memref<80x128xf32, #tpu.memory_space<vmem>>, vector<1x128xf32>,
    %get3A_731 = arith.constant 10112 : index
    %get3A_732 = arith.constant 0 : index
    %get3A_733 = vector.load %arg12[%get3A_731, %get3A_732] : memref<10240x128xf32, #tpu.memory_space<vmem>>, vector<128x128xf32>
    %reduce_max3A_734 = arith.constant dense<0xFF800000> : vector<128xf32>
    %reduce_max3A_735 = vector.multi_reduction <maximumf>, %get3A_733, %reduce_max3A_734 [0] : vector<128x128xf32> to vector<128xf32>
    %broadcast_in_dim3A_736 = vector.shape_cast %reduce_max3A_735 : vector<128xf32> to vector<1x128xf32>
    %swap3A_737 = arith.constant 79 : index
    %swap3A_738 = arith.constant 0 : index
    %swap3A_739 = vector.load %arg13[%swap3A_737, %swap3A_738] : memref<80x128xf32, #tpu.memory_space<vmem>>, vector<1x128xf32>
    tpu.vector_store %arg13[%swap3A_737, %swap3A_738], %broadcast_in_dim3A_736 {strides = array<i32>} : memref<80x128xf32, #tpu.memory_space<vmem>>, vector<1x128xf32>,
    %iota3A = tpu.iota {dimensions = array<i32: 0>} : vector<64x1xi32>
    %iota3A_740 = tpu.iota {dimensions = array<i32: 0>} : vector<8x1xi32>
    %iota3A_741 = tpu.iota {dimensions = array<i32: 0>} : vector<80x1xi32>
    %broadcast_in_dim3A_742 = arith.constant 0.000000e+00 : f32
    %broadcast_in_dim3A_743 = vector.broadcast %broadcast_in_dim3A_742 : f32 to vector<64x640xf32>
    %scan3A = arith.constant 0 : i32
    %scan3A_744 = arith.constant 64 : i32
    %scan3A_745 = arith.addi %scan3A, %scan3A_744 : i32
    %scan3A_746 = arith.constant 1 : i32
    %scan3A_747 = scf.for %scan3A_774 = %scan3A to %scan3A_745 step %scan3A_746 iter_args(%scan3A_775 = %broadcast_in_dim3A_743) -> (vector<64x640xf32>)  : i32 {
      %get3A_776 = arith.constant 0 : index
      %get3A_777 = arith.constant 0 : index
      %get3A_778 = vector.load %arg4[%get3A_776, %get3A_777] : memref<80x128xi32, #tpu.memory_space<vmem>>, vector<80x128xi32>
      %lt3A = vector.broadcast %scan3A_774 : i32 to vector<80x128xi32>
      %lt3A_779 = arith.cmpi slt, %get3A_778, %lt3A : vector<80x128xi32>
      %convert_element_type3A = arith.extui %lt3A_779 : vector<80x128xi1> to vector<80x128xi32>
      %reduce_sum3A = vector.shape_cast %convert_element_type3A : vector<80x128xi32> to vector<1x80x128xi32>
      %reduce_sum3A_780 = arith.constant dense<0> : vector<1xi32>
      %reduce_sum3A_781 = vector.multi_reduction <add>, %reduce_sum3A, %reduce_sum3A_780 [1, 2] : vector<1x80x128xi32> to vector<1xi32>
      %reduce_sum3A_782 = vector.shape_cast %reduce_sum3A_781 : vector<1xi32> to vector<1x1x1xi32>
      %reduce_sum3A_783 = vector.extract %reduce_sum3A_782[0, 0, 0] : i32 from vector<1x1x1xi32>
      %add3A_784 = arith.constant 1 : i32
      %add3A_785 = arith.addi %scan3A_774, %add3A_784 : i32
      %lt3A_786 = vector.broadcast %add3A_785 : i32 to vector<80x128xi32>
      %lt3A_787 = arith.cmpi slt, %get3A_778, %lt3A_786 : vector<80x128xi32>
      %convert_element_type3A_788 = arith.extui %lt3A_787 : vector<80x128xi1> to vector<80x128xi32>
      %reduce_sum3A_789 = vector.shape_cast %convert_element_type3A_788 : vector<80x128xi32> to vector<1x80x128xi32>
      %reduce_sum3A_790 = arith.constant dense<0> : vector<1xi32>
      %reduce_sum3A_791 = vector.multi_reduction <add>, %reduce_sum3A_789, %reduce_sum3A_790 [1, 2] : vector<1x80x128xi32> to vector<1xi32>
      %reduce_sum3A_792 = vector.shape_cast %reduce_sum3A_791 : vector<1xi32> to vector<1x1x1xi32>
      %reduce_sum3A_793 = vector.extract %reduce_sum3A_792[0, 0, 0] : i32 from vector<1x1x1xi32>
      %mul3A_794 = arith.constant 128 : i32
      %mul3A_795 = vector.broadcast %mul3A_794 : i32 to vector<80x1xi32>
      %mul3A_796 = arith.muli %iota3A_741, %mul3A_795 : vector<80x1xi32>
      %ge3A = vector.broadcast %reduce_sum3A_783 : i32 to vector<80x1xi32>
      %ge3A_797 = arith.cmpi sge, %mul3A_796, %ge3A : vector<80x1xi32>
      %add3A_798 = arith.constant 1 : i32
      %add3A_799 = vector.broadcast %add3A_798 : i32 to vector<80x1xi32>
      %add3A_800 = arith.addi %iota3A_741, %add3A_799 : vector<80x1xi32>
      %mul3A_801 = arith.constant 128 : i32
      %mul3A_802 = vector.broadcast %mul3A_801 : i32 to vector<80x1xi32>
      %mul3A_803 = arith.muli %add3A_800, %mul3A_802 : vector<80x1xi32>
      %le3A = vector.broadcast %reduce_sum3A_793 : i32 to vector<80x1xi32>
      %le3A_804 = arith.cmpi sle, %mul3A_803, %le3A : vector<80x1xi32>
      %and3A = arith.andi %ge3A_797, %le3A_804 : vector<80x1xi1>
      %get3A_805 = arith.constant 0 : index
      %get3A_806 = arith.constant 0 : index
      %get3A_807 = vector.load %arg13[%get3A_805, %get3A_806] : memref<80x128xf32, #tpu.memory_space<vmem>>, vector<80x128xf32>
      %jit3A = arith.constant 0xFF800000 : f32
      %broadcast_in_dim3A_808 = vector.shape_cast %and3A : vector<80x1xi1> to vector<80x1xi1>
      %broadcast_in_dim3A_809 = vector.broadcast %broadcast_in_dim3A_808 : vector<80x1xi1> to vector<80x128xi1>
      %broadcast_in_dim3A_810 = vector.broadcast %jit3A : f32 to vector<80x128xf32>
      %select_n3A = arith.select %broadcast_in_dim3A_809, %get3A_807, %broadcast_in_dim3A_810 : vector<80x128xi1>, vector<80x128xf32>
      %reduce_max3A_811 = arith.constant dense<0xFF800000> : vector<128xf32>
      %reduce_max3A_812 = vector.multi_reduction <maximumf>, %select_n3A, %reduce_max3A_811 [0] : vector<80x128xf32> to vector<128xf32>
      %jit3A_813 = arith.constant 128 : i32
      %div3A = arith.divsi %reduce_sum3A_783, %jit3A_813 : i32
      %sign3A = arith.constant 0 : i32
      %sign3A_814 = arith.cmpi sgt, %reduce_sum3A_783, %sign3A : i32
      %sign3A_815 = arith.extui %sign3A_814 : i1 to i32
      %sign3A_816 = arith.constant 0 : i32
      %sign3A_817 = arith.cmpi slt, %reduce_sum3A_783, %sign3A_816 : i32
      %sign3A_818 = arith.extui %sign3A_817 : i1 to i32
      %sign3A_819 = arith.subi %sign3A_815, %sign3A_818 : i32
      %sign3A_820 = arith.constant 0 : i32
      %sign3A_821 = arith.cmpi sgt, %jit3A_813, %sign3A_820 : i32
      %sign3A_822 = arith.extui %sign3A_821 : i1 to i32
      %sign3A_823 = arith.constant 0 : i32
      %sign3A_824 = arith.cmpi slt, %jit3A_813, %sign3A_823 : i32
      %sign3A_825 = arith.extui %sign3A_824 : i1 to i32
      %sign3A_826 = arith.subi %sign3A_822, %sign3A_825 : i32
      %ne3A = arith.cmpi ne, %sign3A_819, %sign3A_826 : i32
      %rem3A = arith.remsi %reduce_sum3A_783, %jit3A_813 : i32
      %ne3A_827 = arith.constant 0 : i32
      %ne3A_828 = arith.cmpi ne, %rem3A, %ne3A_827 : i32
      %and3A_829 = arith.andi %ne3A, %ne3A_828 : i1
      %sub3A = arith.constant 1 : i32
      %sub3A_830 = arith.subi %div3A, %sub3A : i32
      %select_n3A_831 = arith.select %and3A_829, %sub3A_830, %div3A : i32
      %mul3A_832 = arith.constant 128 : i32
      %mul3A_833 = arith.muli %select_n3A_831, %mul3A_832 : i32
      %multiple_of3A = tpu.assume_multiple %mul3A_833, 128 : i32
      %max3A_834 = arith.constant 1 : i32
      %max3A_835 = arith.maxsi %reduce_sum3A_793, %max3A_834 : i32
      %sub3A_836 = arith.constant 1 : i32
      %sub3A_837 = arith.subi %max3A_835, %sub3A_836 : i32
      %jit3A_838 = arith.constant 128 : i32
      %div3A_839 = arith.divsi %sub3A_837, %jit3A_838 : i32
      %sign3A_840 = arith.constant 0 : i32
      %sign3A_841 = arith.cmpi sgt, %sub3A_837, %sign3A_840 : i32
      %sign3A_842 = arith.extui %sign3A_841 : i1 to i32
      %sign3A_843 = arith.constant 0 : i32
      %sign3A_844 = arith.cmpi slt, %sub3A_837, %sign3A_843 : i32
      %sign3A_845 = arith.extui %sign3A_844 : i1 to i32
      %sign3A_846 = arith.subi %sign3A_842, %sign3A_845 : i32
      %sign3A_847 = arith.constant 0 : i32
      %sign3A_848 = arith.cmpi sgt, %jit3A_838, %sign3A_847 : i32
      %sign3A_849 = arith.extui %sign3A_848 : i1 to i32
      %sign3A_850 = arith.constant 0 : i32
      %sign3A_851 = arith.cmpi slt, %jit3A_838, %sign3A_850 : i32
      %sign3A_852 = arith.extui %sign3A_851 : i1 to i32
      %sign3A_853 = arith.subi %sign3A_849, %sign3A_852 : i32
      %ne3A_854 = arith.cmpi ne, %sign3A_846, %sign3A_853 : i32
      %rem3A_855 = arith.remsi %sub3A_837, %jit3A_838 : i32
      %ne3A_856 = arith.constant 0 : i32
      %ne3A_857 = arith.cmpi ne, %rem3A_855, %ne3A_856 : i32
      %and3A_858 = arith.andi %ne3A_854, %ne3A_857 : i1
      %sub3A_859 = arith.constant 1 : i32
      %sub3A_860 = arith.subi %div3A_839, %sub3A_859 : i32
      %select_n3A_861 = arith.select %and3A_858, %sub3A_860, %div3A_839 : i32
      %mul3A_862 = arith.constant 128 : i32
      %mul3A_863 = arith.muli %select_n3A_861, %mul3A_862 : i32
      %multiple_of3A_864 = tpu.assume_multiple %mul3A_863, 128 : i32
      %get3A_865 = arith.index_cast %multiple_of3A : i32 to index
      %get3A_866 = arith.constant 0 : index
      %get3A_867 = vector.load %arg12[%get3A_865, %get3A_866] : memref<10240x128xf32, #tpu.memory_space<vmem>>, vector<128x128xf32>
      %get3A_868 = arith.index_cast %multiple_of3A : i32 to index
      %get3A_869 = arith.constant 0 : index
      %get3A_870 = vector.load %arg3[%get3A_868, %get3A_869] : memref<10240x1xi32, #tpu.memory_space<vmem>>, vector<128x1xi32>
      %eq3A = vector.broadcast %scan3A_774 : i32 to vector<128x1xi32>
      %eq3A_871 = arith.cmpi eq, %get3A_870, %eq3A : vector<128x1xi32>
      %jit3A_872 = arith.constant 0xFF800000 : f32
      %broadcast_in_dim3A_873 = vector.shape_cast %eq3A_871 : vector<128x1xi1> to vector<128x1xi1>
      %broadcast_in_dim3A_874 = vector.broadcast %broadcast_in_dim3A_873 : vector<128x1xi1> to vector<128x128xi1>
      %broadcast_in_dim3A_875 = vector.broadcast %jit3A_872 : f32 to vector<128x128xf32>
      %select_n3A_876 = arith.select %broadcast_in_dim3A_874, %get3A_867, %broadcast_in_dim3A_875 : vector<128x128xi1>, vector<128x128xf32>
      %reduce_max3A_877 = arith.constant dense<0xFF800000> : vector<128xf32>
      %reduce_max3A_878 = vector.multi_reduction <maximumf>, %select_n3A_876, %reduce_max3A_877 [0] : vector<128x128xf32> to vector<128xf32>
      %max3A_879 = arith.maximumf %reduce_max3A_812, %reduce_max3A_878 : vector<128xf32>
      %get3A_880 = arith.index_cast %multiple_of3A_864 : i32 to index
      %get3A_881 = arith.constant 0 : index
      %get3A_882 = vector.load %arg12[%get3A_880, %get3A_881] : memref<10240x128xf32, #tpu.memory_space<vmem>>, vector<128x128xf32>
      %get3A_883 = arith.index_cast %multiple_of3A_864 : i32 to index
      %get3A_884 = arith.constant 0 : index
      %get3A_885 = vector.load %arg3[%get3A_883, %get3A_884] : memref<10240x1xi32, #tpu.memory_space<vmem>>, vector<128x1xi32>
      %eq3A_886 = vector.broadcast %scan3A_774 : i32 to vector<128x1xi32>
      %eq3A_887 = arith.cmpi eq, %get3A_885, %eq3A_886 : vector<128x1xi32>
      %jit3A_888 = arith.constant 0xFF800000 : f32
      %broadcast_in_dim3A_889 = vector.shape_cast %eq3A_887 : vector<128x1xi1> to vector<128x1xi1>
      %broadcast_in_dim3A_890 = vector.broadcast %broadcast_in_dim3A_889 : vector<128x1xi1> to vector<128x128xi1>
      %broadcast_in_dim3A_891 = vector.broadcast %jit3A_888 : f32 to vector<128x128xf32>
      %select_n3A_892 = arith.select %broadcast_in_dim3A_890, %get3A_882, %broadcast_in_dim3A_891 : vector<128x128xi1>, vector<128x128xf32>
      %reduce_max3A_893 = arith.constant dense<0xFF800000> : vector<128xf32>
      %reduce_max3A_894 = vector.multi_reduction <maximumf>, %select_n3A_892, %reduce_max3A_893 [0] : vector<128x128xf32> to vector<128xf32>
      %max3A_895 = arith.maximumf %max3A_879, %reduce_max3A_894 : vector<128xf32>
      %mul3A_896 = arith.constant 2 : i32
      %mul3A_897 = arith.muli %mul3A_896, %scan3A_774 : i32
      %get3A_898 = arith.index_cast %mul3A_897 : i32 to index
      %get3A_899 = memref.load %arg5[%get3A_898] : memref<128xi32, #tpu.memory_space<smem>>
      %add3A_900 = arith.addi %reduce_sum3A_783, %get3A_899 : i32
      %min3A = arith.constant 9999 : i32
      %min3A_901 = arith.minsi %add3A_900, %min3A : i32
      %mul3A_902 = arith.constant 2 : i32
      %mul3A_903 = arith.muli %mul3A_902, %scan3A_774 : i32
      %add3A_904 = arith.constant 1 : i32
      %add3A_905 = arith.addi %mul3A_903, %add3A_904 : i32
      %get3A_906 = arith.index_cast %add3A_905 : i32 to index
      %get3A_907 = memref.load %arg5[%get3A_906] : memref<128xi32, #tpu.memory_space<smem>>
      %add3A_908 = arith.addi %reduce_sum3A_783, %get3A_907 : i32
      %min3A_909 = arith.constant 9999 : i32
      %min3A_910 = arith.minsi %add3A_908, %min3A_909 : i32
      %jit3A_911 = arith.constant 8 : i32
      %div3A_912 = arith.divsi %min3A_901, %jit3A_911 : i32
      %sign3A_913 = arith.constant 0 : i32
      %sign3A_914 = arith.cmpi sgt, %min3A_901, %sign3A_913 : i32
      %sign3A_915 = arith.extui %sign3A_914 : i1 to i32
      %sign3A_916 = arith.constant 0 : i32
      %sign3A_917 = arith.cmpi slt, %min3A_901, %sign3A_916 : i32
      %sign3A_918 = arith.extui %sign3A_917 : i1 to i32
      %sign3A_919 = arith.subi %sign3A_915, %sign3A_918 : i32
      %sign3A_920 = arith.constant 0 : i32
      %sign3A_921 = arith.cmpi sgt, %jit3A_911, %sign3A_920 : i32
      %sign3A_922 = arith.extui %sign3A_921 : i1 to i32
      %sign3A_923 = arith.constant 0 : i32
      %sign3A_924 = arith.cmpi slt, %jit3A_911, %sign3A_923 : i32
      %sign3A_925 = arith.extui %sign3A_924 : i1 to i32
      %sign3A_926 = arith.subi %sign3A_922, %sign3A_925 : i32
      %ne3A_927 = arith.cmpi ne, %sign3A_919, %sign3A_926 : i32
      %rem3A_928 = arith.remsi %min3A_901, %jit3A_911 : i32
      %ne3A_929 = arith.constant 0 : i32
      %ne3A_930 = arith.cmpi ne, %rem3A_928, %ne3A_929 : i32
      %and3A_931 = arith.andi %ne3A_927, %ne3A_930 : i1
      %sub3A_932 = arith.constant 1 : i32
      %sub3A_933 = arith.subi %div3A_912, %sub3A_932 : i32
      %select_n3A_934 = arith.select %and3A_931, %sub3A_933, %div3A_912 : i32
      %mul3A_935 = arith.constant 8 : i32
      %mul3A_936 = arith.muli %select_n3A_934, %mul3A_935 : i32
      %multiple_of3A_937 = tpu.assume_multiple %mul3A_936, 8 : i32
      %get3A_938 = arith.index_cast %multiple_of3A_937 : i32 to index
      %get3A_939 = arith.constant 0 : index
      %get3A_940 = vector.load %arg12[%get3A_938, %get3A_939] : memref<10240x128xf32, #tpu.memory_space<vmem>>, vector<8x128xf32>
      %sub3A_941 = arith.subi %min3A_901, %multiple_of3A_937 : i32
      %eq3A_942 = vector.broadcast %sub3A_941 : i32 to vector<8x1xi32>
      %eq3A_943 = arith.cmpi eq, %iota3A_740, %eq3A_942 : vector<8x1xi32>
      %jit3A_944 = arith.constant 0xFF800000 : f32
      %broadcast_in_dim3A_945 = vector.shape_cast %eq3A_943 : vector<8x1xi1> to vector<8x1xi1>
      %broadcast_in_dim3A_946 = vector.broadcast %broadcast_in_dim3A_945 : vector<8x1xi1> to vector<8x128xi1>
      %broadcast_in_dim3A_947 = vector.broadcast %jit3A_944 : f32 to vector<8x128xf32>
      %select_n3A_948 = arith.select %broadcast_in_dim3A_946, %get3A_940, %broadcast_in_dim3A_947 : vector<8x128xi1>, vector<8x128xf32>
      %reduce_max3A_949 = arith.constant dense<0xFF800000> : vector<128xf32>
      %reduce_max3A_950 = vector.multi_reduction <maximumf>, %select_n3A_948, %reduce_max3A_949 [0] : vector<8x128xf32> to vector<128xf32>
      %jit3A_951 = arith.constant 8 : i32
      %div3A_952 = arith.divsi %min3A_910, %jit3A_951 : i32
      %sign3A_953 = arith.constant 0 : i32
      %sign3A_954 = arith.cmpi sgt, %min3A_910, %sign3A_953 : i32
      %sign3A_955 = arith.extui %sign3A_954 : i1 to i32
      %sign3A_956 = arith.constant 0 : i32
      %sign3A_957 = arith.cmpi slt, %min3A_910, %sign3A_956 : i32
      %sign3A_958 = arith.extui %sign3A_957 : i1 to i32
      %sign3A_959 = arith.subi %sign3A_955, %sign3A_958 : i32
      %sign3A_960 = arith.constant 0 : i32
      %sign3A_961 = arith.cmpi sgt, %jit3A_951, %sign3A_960 : i32
      %sign3A_962 = arith.extui %sign3A_961 : i1 to i32
      %sign3A_963 = arith.constant 0 : i32
      %sign3A_964 = arith.cmpi slt, %jit3A_951, %sign3A_963 : i32
      %sign3A_965 = arith.extui %sign3A_964 : i1 to i32
      %sign3A_966 = arith.subi %sign3A_962, %sign3A_965 : i32
      %ne3A_967 = arith.cmpi ne, %sign3A_959, %sign3A_966 : i32
      %rem3A_968 = arith.remsi %min3A_910, %jit3A_951 : i32
      %ne3A_969 = arith.constant 0 : i32
      %ne3A_970 = arith.cmpi ne, %rem3A_968, %ne3A_969 : i32
      %and3A_971 = arith.andi %ne3A_967, %ne3A_970 : i1
      %sub3A_972 = arith.constant 1 : i32
      %sub3A_973 = arith.subi %div3A_952, %sub3A_972 : i32
      %select_n3A_974 = arith.select %and3A_971, %sub3A_973, %div3A_952 : i32
      %mul3A_975 = arith.constant 8 : i32
      %mul3A_976 = arith.muli %select_n3A_974, %mul3A_975 : i32
      %multiple_of3A_977 = tpu.assume_multiple %mul3A_976, 8 : i32
      %get3A_978 = arith.index_cast %multiple_of3A_977 : i32 to index
      %get3A_979 = arith.constant 0 : index
      %get3A_980 = vector.load %arg12[%get3A_978, %get3A_979] : memref<10240x128xf32, #tpu.memory_space<vmem>>, vector<8x128xf32>
      %sub3A_981 = arith.subi %min3A_910, %multiple_of3A_977 : i32
      %eq3A_982 = vector.broadcast %sub3A_981 : i32 to vector<8x1xi32>
      %eq3A_983 = arith.cmpi eq, %iota3A_740, %eq3A_982 : vector<8x1xi32>
      %jit3A_984 = arith.constant 0xFF800000 : f32
      %broadcast_in_dim3A_985 = vector.shape_cast %eq3A_983 : vector<8x1xi1> to vector<8x1xi1>
      %broadcast_in_dim3A_986 = vector.broadcast %broadcast_in_dim3A_985 : vector<8x1xi1> to vector<8x128xi1>
      %broadcast_in_dim3A_987 = vector.broadcast %jit3A_984 : f32 to vector<8x128xf32>
      %select_n3A_988 = arith.select %broadcast_in_dim3A_986, %get3A_980, %broadcast_in_dim3A_987 : vector<8x128xi1>, vector<8x128xf32>
      %reduce_max3A_989 = arith.constant dense<0xFF800000> : vector<128xf32>
      %reduce_max3A_990 = vector.multi_reduction <maximumf>, %select_n3A_988, %reduce_max3A_989 [0] : vector<8x128xf32> to vector<128xf32>
      %sub3A_991 = arith.subf %reduce_max3A_950, %reduce_max3A_990 : vector<128xf32>
      %abs3A = math.absf %sub3A_991 : vector<128xf32>
      %mul3A_992 = arith.mulf %reduce_max3A_950, %reduce_max3A_990 : vector<128xf32>
      %concatenate3A = tpu.concatenate %reduce_max3A_950, %reduce_max3A_990, %abs3A, %mul3A_992, %max3A_895 in 0 : vector<128xf32>, vector<128xf32>, vector<128xf32>, vector<128xf32>, vector<128xf32> -> vector<640xf32>
      %broadcast_in_dim3A_993 = vector.shape_cast %concatenate3A : vector<640xf32> to vector<1x640xf32>
      %eq3A_994 = vector.broadcast %scan3A_774 : i32 to vector<64x1xi32>
      %eq3A_995 = arith.cmpi eq, %iota3A, %eq3A_994 : vector<64x1xi32>
      %broadcast_in_dim3A_996 = vector.shape_cast %eq3A_995 : vector<64x1xi1> to vector<64x1xi1>
      %broadcast_in_dim3A_997 = vector.broadcast %broadcast_in_dim3A_996 : vector<64x1xi1> to vector<64x640xi1>
      %broadcast_in_dim3A_998 = vector.shape_cast %broadcast_in_dim3A_993 : vector<1x640xf32> to vector<1x640xf32>
      %broadcast_in_dim3A_999 = vector.broadcast %broadcast_in_dim3A_998 : vector<1x640xf32> to vector<64x640xf32>
      %select_n3A_1000 = arith.select %broadcast_in_dim3A_997, %broadcast_in_dim3A_999, %scan3A_775 : vector<64x640xi1>, vector<64x640xf32>
      scf.yield %select_n3A_1000 : vector<64x640xf32>
    }
    %scan3A_748 = arith.constant 64 : i32
    %get3A_749 = arith.constant 0 : index
    %get3A_750 = arith.constant 0 : index
    %get3A_751 = vector.load %arg7[%get3A_749, %get3A_750] : memref<640x128xf32, #tpu.memory_space<vmem>>, vector<640x128xf32>
    %dot_general3A = arith.constant dense<0.000000e+00> : vector<64x128xf32>
    %dot_general3A_752 = tpu.matmul %scan3A_747, %get3A_751, %dot_general3A {dimension_numbers = #tpu.dot_dimension_numbers<[1], [0], [0], [1], [0, 0, 1, 1], [], []>, transpose_lhs_hint = false} : vector<64x640xf32>, vector<640x128xf32>, vector<64x128xf32> -> vector<64x128xf32>
    %get3A_753 = arith.constant 0 : index
    %get3A_754 = arith.constant 0 : index
    %get3A_755 = vector.load %arg8[%get3A_753, %get3A_754] : memref<1x128xf32, #tpu.memory_space<vmem>>, vector<1x128xf32>
    %add3A_756 = vector.broadcast %get3A_755 : vector<1x128xf32> to vector<64x128xf32>
    %add3A_757 = arith.addf %dot_general3A_752, %add3A_756 : vector<64x128xf32>
    %max3A_758 = arith.constant 0.000000e+00 : f32
    %max3A_759 = vector.broadcast %max3A_758 : f32 to vector<64x128xf32>
    %max3A_760 = arith.maximumf %add3A_757, %max3A_759 : vector<64x128xf32>
    %get3A_761 = arith.constant 0 : index
    %get3A_762 = arith.constant 0 : index
    %get3A_763 = vector.load %arg9[%get3A_761, %get3A_762] : memref<128x2xf32, #tpu.memory_space<vmem>>, vector<128x2xf32>
    %dot_general3A_764 = arith.constant dense<0.000000e+00> : vector<64x2xf32>
    %dot_general3A_765 = tpu.matmul %max3A_760, %get3A_763, %dot_general3A_764 {dimension_numbers = #tpu.dot_dimension_numbers<[1], [0], [0], [1], [0, 0, 1, 1], [], []>, transpose_lhs_hint = false} : vector<64x128xf32>, vector<128x2xf32>, vector<64x2xf32> -> vector<64x2xf32>
    %get3A_766 = arith.constant 0 : index
    %get3A_767 = arith.constant 0 : index
    %get3A_768 = vector.load %arg10[%get3A_766, %get3A_767] : memref<1x2xf32, #tpu.memory_space<vmem>>, vector<1x2xf32>
    %add3A_769 = vector.broadcast %get3A_768 : vector<1x2xf32> to vector<64x2xf32>
    %add3A_770 = arith.addf %dot_general3A_765, %add3A_769 : vector<64x2xf32>
    %swap3A_771 = arith.constant 0 : index
    %swap3A_772 = arith.constant 0 : index
    %swap3A_773 = vector.load %arg11[%swap3A_771, %swap3A_772] : memref<64x2xf32, #tpu.memory_space<vmem>>, vector<64x2xf32>
    tpu.vector_store %arg11[%swap3A_771, %swap3A_772], %add3A_770 {strides = array<i32>} : memref<64x2xf32, #tpu.memory_space<vmem>>, vector<64x2xf32>,
    return
  }
}

</mosaic_0001>

<sc_bundles>
// kernel: kernel.10.cloned.1.call-start
scs
__scs_entry_jumppad:
0x0: {  	(pc) =	sbr.rel $0x88, $3  }
0x1: {  	(tag) =	ssettag $0x0;
	lr =	simm.s32 $0x1  }
0x2: {  	[smem:$0x3F93] =	sst lr;
	_ =	strace $0xD0000000  }
0x3: {  	_ = 	snop  }
0x4: {  	_ = 	snop  }
0x5: {  	_ = 	snop  }
0x6: {  	_ = 	snop  }
0x7: {  	_ = 	snop  }
__scs_overlays_trampoline_lowered:
0x8: {  	[smem:$0x3FA2] =	sst s0  }
0x9: {  	[smem:$0x3FA3] =	sst s1  }
0xa: {  	[smem:$0x3FA4] =	sst s2  }
0xb: {  	[smem:$0x3FA5] =	sst s3  }
0xc: {  	[smem:$0x3FA6] =	sst s4  }
0xd: {  	[smem:$0x3FA7] =	sst s5  }
0xe: {  	[smem:$0x3FA8] =	sst s6  }
0xf: {  	[smem:$0x3FA9] =	sst s7  }
0x10: {  	[smem:$0x3FAA] =	sst s8  }
0x11: {  	[smem:$0x3FAB] =	sst s9;
	s0 =	simm.s32 @!p0 $0x0  }
0x12: {  	s1 =	sld [smem:$0x3F91];
	s0 =	simm.s32 @p0 $0x1  }
0x13: {  	[smem:$0x3FAC] =	sst s0;
	s0 =	simm.s32 @!p1 $0x0  }
0x14: {  	s2 =	sld [smem:$0x3F90];
	s0 =	simm.s32 @p1 $0x1  }
0x15: {  	[smem:$0x3FAD] =	sst s0;
	s0 =	simm.s32 @!p2 $0x0  }
0x16: {  	s3 =	sld [smem:$0x3FDB];
	s0 =	simm.s32 @p2 $0x1  }
0x17: {  	s4 =	simm.s32 $0x1BF5;
	[smem:$0x3FAF] =	sst s0  }
0x18: {  	s0 =	sld [smem:$0x3F92];
	_ =	swait.ge [sflag:s4], $0x0  }
0x19: {  	s7 =	sld [smem:$0x3F93]  }
0x1a: {  	s8 =	sadd.s32 $0xFFFFE003, lr  }
0x1b: {  	s9 =	sadd.s32 $0xFFFFFEF7, lr;
	s5 =	simm.s32 $0xFFFFFFFF;
	p2 =	slt.u32 s8, $0xFFFFF086  }
0x1c: {  	p1 =	slt.u32 s9, $0xF7A;
	s5 =	simm.s32 @!p2 $0x0  }
0x1d: {  	s5 =	simm.s32 @p1 $0x1;
	p0 =	seq.s32 s7, s2  }
0x1e: {  	s7 =	smul.u32 @!p0 $0xF7A, s2;
	p2 =	seq.s32 @!p0 s5, $0x0  }
0x1f: {  	s9 =	smul.u32 $0xF7A, s1;
	s8 =	simm.s32 @!p0 $0x1BF5;
	p2 =	por !p2, p0  }
0x20: {  	[sflag:s8] =	ssyncset.s32 @!p0 $0xFFFFF086;
	s6 =	sadd.s32 @!p0 s3, s7;
	s7 =	simm.s32 @!p0 $0x108  }
0x21: {  	s3 =	sadd.s32 s3, s9;
	s6 =	sadd.s32 @!p0 $0x88, s6;
	s7 =	simm.s32 @p2 $0x1082  }
0x22: {  	[simem:s7], [sflag:s8] =	dma.local @!p0 [hbm:s6], $0xF7A  }
0x23: {  	s9 =	sor.u32 $0xD0000000, s2;
	s6 =	simm.s32 $0x108;
	_ =	swait.ge @!p0 [sflag:s8], $0x0  }
0x24: {  	s3 =	sadd.s32 $0x88, s3;
	s6 =	simm.s32 @!p1 $0x1082;
	[sflag:s4] =	ssyncset.s32 $0xFFFFF086  }
0x25: {  	[simem:s6], [sflag:s4] =	dma.local [hbm:s3], $0xF7A  }
0x26: {  	[smem:$0x3F93] =	sst s1;
	(tag) =	ssettag s2;
	_ =	strace s9  }
0x27: {  	s1 =	sld [smem:$0x3FA3]  }
0x28: {  	s2 =	sld [smem:$0x3FA4]  }
0x29: {  	s4 =	sld [smem:$0x3FA6]  }
0x2a: {  	p0 =	seq.s32 s5, $0x0;
	s5 =	sld [smem:$0x3FA7]  }
0x2b: {  	s6 =	sld [smem:$0x3FA8]  }
0x2c: {  	s7 =	sld [smem:$0x3FA9]  }
0x2d: {  	s3 =	simm.s32 $0x108;
	s8 =	sld [smem:$0x3FAA]  }
0x2e: {  	s3 =	simm.s32 @!p0 $0x1082;
	s9 =	sld [smem:$0x3FAB]  }
0x2f: {  	lr =	sadd.s32 s0, s3;
	s0 =	sld [smem:$0x3FA2]  }
0x30: {  	s3 =	sld [smem:$0x3FA5]  }
0x31: {  	[smem:$0x3FAE] =	sst s10  }
0x32: {  	s10 =	sld [smem:$0x3FAC];
	_ =	sdelay $0x3  }
0x33: {  	p0 =	seq.s32 s10, $0x1;
	s10 =	sld [smem:$0x3FAE];
	_ =	sdelay $0x3  }
0x34: {  	[smem:$0x3FAE] =	sst s10  }
0x35: {  	s10 =	sld [smem:$0x3FAD];
	_ =	sdelay $0x3  }
0x36: {  	p1 =	seq.s32 s10, $0x1;
	s10 =	sld [smem:$0x3FAE];
	_ =	sdelay $0x3  }
0x37: {  	[smem:$0x3FAE] =	sst s10  }
0x38: {  	s10 =	sld [smem:$0x3FAF]  }
0x39: {  	_ = 	snop;
	(pc) =	sbr.ind lr, $3  }
0x3a: {  	_ = 	snop  }
0x3b: {  	_ = 	snop  }
0x3c: {  	p2 =	seq.s32 s10, $0x1;
	s10 =	sld [smem:$0x3FAE]  }
0x3d: {  	_ =	shalt  }
0x3e: {  	_ =	shalt  }
0x3f: {  	_ =	shalt  }
0x40: {  	_ =	shalt  }
0x41: {  	_ =	shalt  }
0x42: {  	_ =	shalt  }
0x43: {  	_ =	shalt  }
0x44: {  	_ =	shalt  }
0x45: {  	_ =	shalt  }
0x46: {  	_ =	shalt  }
0x47: {  	_ =	shalt  }
0x48: {  	_ =	shalt  }
0x49: {  	_ =	shalt  }
0x4a: {  	_ =	shalt  }
0x4b: {  	_ =	shalt  }
0x4c: {  	_ =	shalt  }
0x4d: {  	_ =	shalt  }
0x4e: {  	_ =	shalt  }
0x4f: {  	_ =	shalt  }
0x50: {  	_ =	shalt  }
0x51: {  	_ =	shalt  }
0x52: {  	_ =	shalt  }
0x53: {  	_ =	shalt  }
0x54: {  	_ =	shalt  }
0x55: {  	_ =	shalt  }
0x56: {  	_ =	shalt  }
0x57: {  	_ =	shalt  }
0x58: {  	_ =	shalt  }
0x59: {  	_ =	shalt  }
0x5a: {  	_ =	shalt  }
0x5b: {  	_ =	shalt  }
0x5c: {  	_ =	shalt  }
0x5d: {  	_ =	shalt  }
0x5e: {  	_ =	shalt  }
0x5f: {  	_ =	shalt  }
0x60: {  	_ =	shalt  }
0x61: {  	_ =	shalt  }
0x62: {  	_ =	shalt  }
0x63: {  	_ =	shalt  }
0x64: {  	_ =	shalt  }
0x65: {  	_ =	shalt  }
0x66: {  	_ =	shalt  }
0x67: {  	_ =	shalt  }
0x68: {  	_ =	shalt  }
0x69: {  	_ =	shalt  }
0x6a: {  	_ =	shalt  }
0x6b: {  	_ =	shalt  }
0x6c: {  	_ =	shalt  }
0x6d: {  	_ =	shalt  }
0x6e: {  	_ =	shalt  }
0x6f: {  	_ =	shalt  }
0x70: {  	_ =	shalt  }
0x71: {  	_ =	shalt  }
0x72: {  	_ =	shalt  }
0x73: {  	_ =	shalt  }
0x74: {  	_ =	shalt  }
0x75: {  	_ =	shalt  }
0x76: {  	_ =	shalt  }
0x77: {  	_ =	shalt  }
0x78: {  	_ =	shalt  }
0x79: {  	_ =	shalt  }
0x7a: {  	_ =	shalt  }
0x7b: {  	_ =	shalt  }
0x7c: {  	_ =	shalt  }
0x7d: {  	_ =	shalt  }
0x7e: {  	_ =	shalt  }
0x7f: {  	_ =	shalt  }
0x80: {  	_ =	shalt  }
0x81: {  	_ =	shalt  }
0x82: {  	_ =	shalt  }
0x83: {  	_ =	shalt  }
0x84: {  	_ =	shalt  }
0x85: {  	_ =	shalt  }
0x86: {  	_ =	shalt  }
0x87: {  	_ =	shalt  }
.Lfunc_end0:
.L_simem_size_0:
called_computation_lowered:
.L_overlay_start_0:
0x88: {  	s2 =	sld [smem:$0x3FD9]  }
0x89: {  	s3 =	sld [smem:$0x3FFE];
	_ =	sdelay $0x1  }
0x8a: {  	s1 =	srdreg.scid  }
0x8b: {  	s0 =	sand.u32 $0x1, s1  }
0x8c: {  	s16 =	sshll.u32 s0, $0xA;
	s2 =	sadd.s32 s3, s2  }
0x8d: {  	s2 =	sadd.s32 s2, s16  }
0x8e: {  	[smem:$0x3FBA] =	sst s2  }
0x8f: {  	_ = 	snop  }
0x90: {  	(tm) =	ssettm $0x1  }
0x91: {  	s17 =	sld [smem:$0x3FFB];
	_ =	sdelay $0x3  }
0x92: {  	_ =	strace s17  }
0x93: {  	s2 =	sld [smem:$0x3FFC];
	_ =	sdelay $0x3  }
0x94: {  	_ =	strace s2  }
0x95: {  	s2 =	sld [smem:$0x3FFD];
	_ =	sdelay $0x3  }
0x96: {  	_ =	strace s2  }
0x97: {  	_ =	strace $0x8FFFFFFF  }
0x98: {  	s18 =	sld [smem:$0x3FDB];
	_ =	sdelay $0x1  }
0x99: {  	s19 =	simm.s32 $_scs_section_size  }
0x9a: {  	s4 =	simm.s32 $_size__tile_overlayer_lowered;
	s5 =	simm.s32 $_tile_overlayer_lowered  }
0x9b: {  	s22 =	simm.s32 $0x1BFF;
	s21 =	sshll.u32 s5, $0x1;
	s2 =	sadd.s32 s19, s18  }
0x9c: {  	s6 =	simm.s32 $0x0;
	s20 =	sshll.u32 s4, $0x1;
	s4 =	sadd.s32 s21, s2  }
0x9d: {  	[timem:s6], [sflag:s22] =	dma.local [hbm:s4], s20  }
0x9e: {  	_ =	swait.ge [sflag:s22], s20  }
0x9f: {  	s3 =	ssub.s32 $0x0, s20;
	[sflag:s22] =	ssyncset.done $0x0  }
0xa0: {  	[sflag:s22] =	ssyncadd.s32 s3;
	_ =	sdelay $0x1  }
0xa1: {  	s23 =	simm.s32 $0x1B8B  }
0xa2: {  	_ =	swait.ge [sflag:s23], $0x1  }
0xa3: {  	[sflag:s23] =	ssyncset.done $0x0  }
0xa4: {  	s25 =	simm.s32 $0x1B8E;
	s24 =	sld [smem:$0x3FFE];
	[sflag:s23] =	ssyncadd.s32 $0xFFFFFFFF  }
0xa5: {  	s26 =	simm.s32 $execute0_lowered;
	[smem:$0x3FD2] =	sst s25  }
0xa6: {  	s4 =	sshll.u32 s26, $0x1;
	_ =	strace $0x80000046;
	[dreg:$0x1] =	wrdreg $0xFFFFFFFF  }
0xa7: {  	s28 =	simm.s32 $_size_execute0_lowered;
	s2 =	sadd.s32 s2, s4;
	[dreg:$0x0] =	wrdreg $0x0  }
0xa8: {  	s4 =	sshll.u32 s28, $0x1;
	[dreg:$0x2] =	wrdreg s2  }
0xa9: {  	[dreg:$0x3] =	wrdreg s4  }
0xaa: {  	[dreg:$0x4] =	wrdreg $0xC0  }
0xab: {  	_ =	task [dreg:s6], $0x5FFFF  }
0xac: {  	[dreg:$0x1] =	wrdreg $0xFFFFFFFF  }
0xad: {  	[dreg:$0x0] =	wrdreg $0x60  }
0xae: {  	[dreg:$0x2] =	wrdreg s24  }
0xaf: {  	[dreg:$0x3] =	wrdreg $0xB9800  }
0xb0: {  	[dreg:$0x4] =	wrdreg $0x9  }
0xb1: {  	_ =	task.clear_ibuf [dreg:s6], $0x5FFFF;
	_ =	strace $0x90000046  }
0xb2: {  	s29 =	simm.s32 $0x9;
	_ =	strace $0x80000048  }
0xb3: {  	_ =	swait.ge [sflag:s29], $0x1  }
0xb4: {  	[sflag:s29] =	ssyncadd.s32 $0xFFFFFFFF  }
0xb5: {  	_ =	strace $0x90000048  }
0xb6: {  	_ =	sfence  }
0xb7: {  	s30 =	sld [smem:$0x0];
	_ =	sdelay $0x2  }
0xb8: {  	s31 =	sshll.u32 s1, $0xD;
	s1 =	sshrl.u32 s1, $0x2  }
0xb9: {  	s3 =	sand.u32 $0x4000, s31;
	s1 =	sadd.s32 s1, s30  }
0xba: {  	s0 =	sor.u32 s3, s0;
	s1 =	sshll.u32 s1, $0x11  }
0xbb: {  	s0 =	sor.u32 s1, s0  }
0xbc: {  	s0 =	sadd.s32 $0x8F2B, s0  }
0xbd: {  	[sflag:s0] =	ssyncadd.remote.s32 $0x1  }
0xbe: {  	_ =	sfence.sel $0xFFFF  }
0xbf: {  	[dreg:$0x0] =	wrdreg $0xFFFFFFFF;
	(pc) =	sbr.abs _section_cstart, $3  }
0xc0: {  	[dreg:$0x1] =	wrdreg $0xFFFFFFFF  }
0xc1: {  	_ =	task.clear_ibuf [dreg:s6], $0x2FFFF;
	_ =	strace $0x9FFFFFFF  }
0xc2: {  	(tm) =	ssettm $0x7FFFFFFF  }
0xc3: {  	_ =	shalt  }
tec
execute0_lowered:
.L_overlay_start_1:
0x0: {  	(tag) =	ssettag $0x1  }
0x1: {  	s0 =	srdreg.scid;
	s5 =	rddreg [dreg:$0x0]  }
0x2: {  	s10 =	stileid.u32;
	s2 =	rddreg [dreg:$0x1];
	s3 =	simm.s32 $0x0  }
0x3: {  	s29 =	simm.s32 $0x80;
	s30 =	simm.s32 $0x6900;
	s31 =	simm.s32 $0x50  }
0x4: {  	s28 =	simm.s32 $0x1;
	s0 =	sand.u32 $0x1, s0;
	s4 =	smul.u32 $0x2800, s10  }
0x5: {  	[smem:$0x7FF] =	sst s3;
	s7 =	sadd.s32 $0x2FA00, s5;
	s8 =	sadd.s32 $0x3A00, s5  }
0x6: {  	s9 =	smul.u32 $0x50000, s10;
	s10 =	sshll.u32 s10, $0x1;
	s19 =	sadd.s32 $0x44000, s5  }
0x7: {  	s1 =	smul.u32 $0x28000, s0;
	s15 =	ssub.s32 $0x2, s0;
	s0 =	sor.u32 s0, s10  }
0x8: {  	_ =	strace $0x80000047;
	s17 =	sshrl.u32 s15, $0x1;
	s16 =	smul.u32 $0x140, s0  }
0x9: {  	s9 =	sshrl.u32 s9, $0x2;
	s0 =	smul.u32 $0x1400, s0;
	s1 =	sadd.s32 s4, s1  }
0xa: {  	s10 =	ssub.s32 s15, s17;
	s4 =	sshrl.u32 s1, $0x3;
	s1 =	sadd.s32 s1, s5  }
0xb: {  	s18 =	sshrl.u32 s16, $0x3;
	s20 =	sadd.s32 s8, s0;
	s21 =	sadd.s32 $0x50, s16  }
0xc: {  	s0 =	sadd.s32 s19, s0;
	s23 =	sadd.s32 $0xA0, s16;
	s25 =	sadd.s32 $0xF0, s16  }
0xd: {  	s6 =	sadd.s32 s4, s5;
	s4 =	sadd.s32 $0x2BA00, s5;
	[dreg:$0x6] =	wrdreg s20  }
0xe: {  	s5 =	sadd.s32 s9, s2;
	s1 =	sadd.s32 $0x6C000, s1;
	[dreg:$0x7] =	wrdreg s0  }
0xf: {  	s22 =	sshrl.u32 s21, $0x3;
	s24 =	sshrl.u32 s23, $0x3;
	s0 =	sshll.u32 s23, $0x4  }
0x10: {  	s26 =	sshrl.u32 s25, $0x3;
	s20 =	smax.u32 s10, $0x1;
	s6 =	sadd.s32 $0x3A000, s6  }
0x11: {  	[dreg:$0x4] =	wrdreg s1;
	s1 =	sadd.s32 s7, s18;
	s11 =	sadd.s32 s7, s22  }
0x12: {  	s14 =	sadd.s32 s7, s24;
	s15 =	sadd.s32 s8, s0;
	s16 =	sadd.s32 s19, s0  }
0x13: {  	s17 =	sadd.s32 s7, s26;
	s22 =	sadd.s32 $0x8000, s5;
	s23 =	sadd.s32 $0xC000, s5  }
0x14: {  	s24 =	sadd.s32 $0x10000, s5;
	s26 =	simm.s32 $0x2;
	[dreg:$0x3] =	wrdreg s6  }
0x15: {  	s0 =	simm.s32 $0x9180;
	[dreg:$0x5] =	wrdreg s1;
	s1 =	sshll.u32 s21, $0x4  }
0x16: {  	s21 =	sadd.s32 $0x4000, s5;
	s6 =	simm.s32 $0x0;
	s12 =	sadd.s32 s8, s1  }
0x17: {  	s13 =	sadd.s32 s19, s1;
	s1 =	sshll.u32 s25, $0x4;
	s25 =	simm.s32 $0x2900  }
0x18: {  	v0 =	vimm.f32 $0.0e+00;
	v1 =	vimm.f32 $1.000000000e+00;
	s18 =	sadd.s32 s8, s1;
	s19 =	sadd.s32 s19, s1;
	s1 =	simm.s32 $0x6980  }
.LBB2_1:
0x19: {  	s7 =	simm.s32 $0x0;
	s8 =	simm.s32 $0x200  }
.LBB2_2:
0x1a: {  	p0 =	sne.s32 s8, $0xFE00;
	[tilespmem:s7+$0x2970] =	vst v0  }
0x1b: {  	[tilespmem:s7+$0x2900] =	vst v0  }
0x1c: {  	[tilespmem:s7+$0x2910] =	vst v0  }
.Ltmp0:
0x1d: {  	[tilespmem:s7+$0x2920] =	vst v0;
	(pc) =	sbr.rel @p0 .LBB2_2-.Ltmp0, $4  }
0x1e: {  	[tilespmem:s7+$0x2930] =	vst v0  }
0x1f: {  	[tilespmem:s7+$0x2940] =	vst v0  }
0x20: {  	[tilespmem:s7+$0x2950] =	vst v0  }
0x21: {  	[tilespmem:s7+$0x2960] =	vst v0;
	s7 =	sshra.s32 s8, $0x2;
	s8 =	sadd.s32 $0x200, s8  }
0x22: {  	[tilespmem:s7+$0x2970] =	vst v0  }
0x23: {  	[tilespmem:s7+$0x2900] =	vst v0  }
0x24: {  	[tilespmem:s7+$0x2910] =	vst v0  }
0x25: {  	[tilespmem:s7+$0x2920] =	vst v0  }
0x26: {  	[tilespmem:s7+$0x2930] =	vst v0  }
0x27: {  	[tilespmem:s7+$0x2940] =	vst v0  }
0x28: {  	[tilespmem:s7+$0x2950] =	vst v0  }
0x29: {  	[tilespmem:s7+$0x2960] =	vst v0  }
0x2a: {  	[spmem:s5] =	stream.linear.scatter [tilespmem:s25], [sflag:$0x2], $0x4000, $0x38;
	[tilespmem:$0x1F980] =	vst v63  }
0x2b: {  	_ =	swait.ge [sflag:s26], $0x4000  }
0x2c: {  	[sflag:s26] =	ssyncset.done $0x0  }
0x2d: {  	[sflag:s26] =	ssyncadd.s32 $0xFFFFC000  }
0x2e: {  	[spmem:s21] =	stream.linear.scatter [tilespmem:s25], [sflag:$0x2], $0x4000, $0x38;
	[tilespmem:$0x1F980] =	vst v63  }
0x2f: {  	_ =	swait.ge [sflag:s26], $0x4000  }
0x30: {  	[sflag:s26] =	ssyncset.done $0x0  }
0x31: {  	[sflag:s26] =	ssyncadd.s32 $0xFFFFC000  }
0x32: {  	[spmem:s22] =	stream.linear.scatter [tilespmem:s25], [sflag:$0x2], $0x4000, $0x38;
	[tilespmem:$0x1F980] =	vst v63  }
0x33: {  	_ =	swait.ge [sflag:s26], $0x4000  }
0x34: {  	[sflag:s26] =	ssyncset.done $0x0  }
0x35: {  	[sflag:s26] =	ssyncadd.s32 $0xFFFFC000  }
0x36: {  	[spmem:s23] =	stream.linear.scatter [tilespmem:s25], [sflag:$0x2], $0x4000, $0x38;
	[tilespmem:$0x1F980] =	vst v63  }
0x37: {  	_ =	swait.ge [sflag:s26], $0x4000  }
0x38: {  	[sflag:s26] =	ssyncset.done $0x0  }
0x39: {  	[sflag:s26] =	ssyncadd.s32 $0xFFFFC000  }
0x3a: {  	[spmem:s24] =	stream.linear.scatter [tilespmem:s25], [sflag:$0x2], $0x4000, $0x38;
	[tilespmem:$0x1F980] =	vst v63  }
0x3b: {  	_ =	swait.ge [sflag:s26], $0x4000  }
0x3c: {  	[sflag:s26] =	ssyncset.done $0x0  }
0x3d: {  	s7 =	simm.s32 $0x0;
	s8 =	simm.s32 $0x200;
	[sflag:s26] =	ssyncadd.s32 $0xFFFFC000  }
.LBB2_4:
0x3e: {  	p0 =	sne.s32 s8, $0xFE00;
	[tilespmem:s7+$0x2970] =	vst v1  }
0x3f: {  	[tilespmem:s7+$0x2900] =	vst v1  }
0x40: {  	[tilespmem:s7+$0x2910] =	vst v1  }
.Ltmp1:
0x41: {  	[tilespmem:s7+$0x2920] =	vst v1;
	(pc) =	sbr.rel @p0 .LBB2_4-.Ltmp1, $4  }
0x42: {  	[tilespmem:s7+$0x2930] =	vst v1  }
0x43: {  	[tilespmem:s7+$0x2940] =	vst v1  }
0x44: {  	[tilespmem:s7+$0x2950] =	vst v1  }
0x45: {  	[tilespmem:s7+$0x2960] =	vst v1;
	s7 =	sshra.s32 s8, $0x2;
	s8 =	sadd.s32 $0x200, s8  }
0x46: {  	[tilespmem:s7+$0x2970] =	vst v1  }
0x47: {  	[tilespmem:s7+$0x2900] =	vst v1  }
0x48: {  	[tilespmem:s7+$0x2910] =	vst v1  }
0x49: {  	[tilespmem:s7+$0x2920] =	vst v1  }
0x4a: {  	[tilespmem:s7+$0x2930] =	vst v1  }
0x4b: {  	[tilespmem:s7+$0x2940] =	vst v1  }
0x4c: {  	[tilespmem:s7+$0x2950] =	vst v1  }
0x4d: {  	[tilespmem:s7+$0x2960] =	vst v1  }
0x4e: {  	[bflag:$0x0] =	sbarrier.arrive $0xFFFF  }
0x4f: {  	s10 =	simm.s32 $0x0;
	s9 =	simm.s32 $0x100;
	s8 =	rddreg [dreg:$0x3]  }
0x50: {  	[tilespmem:s9], [sflag:$0x2] =	stream.linear.gather [hbm4b:s8+s10], $0x2800, $0x38;
	[tilespmem:$0x1F980] =	vst v63  }
0x51: {  	_ =	swait.ge [sflag:s26], $0x2800  }
0x52: {  	[sflag:s26] =	ssyncset.done $0x0  }
0x53: {  	s10 =	simm.s32 $0x0;
	[sflag:s26] =	ssyncadd.s32 $0xFFFFD800  }
0x54: {  	v2 =	vld [tilespmem:s10+$0x100];
	_ =	sdelay $0x4  }
0x55: {  	[tilespmem:$0x0] =	vst v2  }
0x56: {  	v2 =	vld [tilespmem:s10+$0x110];
	_ =	sdelay $0x4  }
0x57: {  	[tilespmem:$0x10] =	vst v2  }
0x58: {  	v2 =	vld [tilespmem:s10+$0x120];
	_ =	sdelay $0x4  }
0x59: {  	[tilespmem:$0x20] =	vst v2  }
0x5a: {  	v2 =	vld [tilespmem:s10+$0x130];
	_ =	sdelay $0x4  }
0x5b: {  	[tilespmem:$0x30] =	vst v2  }
0x5c: {  	v2 =	vld [tilespmem:s10+$0x140];
	_ =	sdelay $0x4  }
0x5d: {  	[tilespmem:$0x40] =	vst v2  }
0x5e: {  	v2 =	vld [tilespmem:s10+$0x150];
	_ =	sdelay $0x4  }
0x5f: {  	[tilespmem:$0x50] =	vst v2  }
0x60: {  	v2 =	vld [tilespmem:s10+$0x160];
	_ =	sdelay $0x4  }
0x61: {  	[tilespmem:$0x60] =	vst v2  }
0x62: {  	v2 =	vld [tilespmem:s10+$0x170];
	_ =	sdelay $0x4  }
0x63: {  	[tilespmem:$0x70] =	vst v2  }
0x64: {  	[spmem:s2] =	stream.indirect.scatter.add.f32 [tilespmem:s25], [sflag:$0x2], $0x80, s3, s29, $0xb8;
	[tilespmem:$0x1F980] =	vst v63  }
0x65: {  	_ =	swait.ge [sflag:s26], $0x4000  }
0x66: {  	[sflag:s26] =	ssyncset.done $0x0  }
0x67: {  	[sflag:s26] =	ssyncadd.s32 $0xFFFFC000  }
0x68: {  	v2 =	vld [tilespmem:s10+$0x180];
	_ =	sdelay $0x4  }
0x69: {  	[tilespmem:$0x80] =	vst v2  }
0x6a: {  	v2 =	vld [tilespmem:s10+$0x190];
	_ =	sdelay $0x4  }
0x6b: {  	[tilespmem:$0x90] =	vst v2  }
0x6c: {  	v2 =	vld [tilespmem:s10+$0x1A0];
	_ =	sdelay $0x4  }
0x6d: {  	[tilespmem:$0xA0] =	vst v2  }
0x6e: {  	v2 =	vld [tilespmem:s10+$0x1B0];
	_ =	sdelay $0x4  }
0x6f: {  	[tilespmem:$0xB0] =	vst v2  }
0x70: {  	v2 =	vld [tilespmem:s10+$0x1C0];
	_ =	sdelay $0x4  }
0x71: {  	[tilespmem:$0xC0] =	vst v2  }
0x72: {  	v2 =	vld [tilespmem:s10+$0x1D0];
	_ =	sdelay $0x4  }
0x73: {  	[tilespmem:$0xD0] =	vst v2  }
0x74: {  	v2 =	vld [tilespmem:s10+$0x1E0];
	_ =	sdelay $0x4  }
0x75: {  	[tilespmem:$0xE0] =	vst v2  }
0x76: {  	v2 =	vld [tilespmem:s10+$0x1F0];
	_ =	sdelay $0x4  }
0x77: {  	[tilespmem:$0xF0] =	vst v2  }
0x78: {  	[spmem:s2] =	stream.indirect.scatter.add.f32 [tilespmem:s25], [sflag:$0x2], $0x80, s29, s29, $0xb8;
	[tilespmem:$0x1F980] =	vst v63  }
0x79: {  	_ =	swait.ge [sflag:s26], $0x4000  }
0x7a: {  	s7 =	simm.s32 $0x400;
	s8 =	simm.s32 $0x800;
	[sflag:s26] =	ssyncset.done $0x0  }
.LBB2_6:
0x7b: {  	s9 =	sshra.s32 s7, $0x2  }
0x7c: {  	[sflag:s26] =	ssyncadd.s32 $0xFFFFC000;
	s7 =	smov.u32 s8;
	s10 =	sadd.s32 $0x400, s8  }
0x7d: {  	p0 =	sne.s32 s8, $0x9C00;
	v2 =	vld [tilespmem:s9+$0x100];
	_ =	sdelay $0x4  }
0x7e: {  	[tilespmem:$0x0] =	vst v2  }
0x7f: {  	v2 =	vld [tilespmem:s9+$0x110];
	_ =	sdelay $0x4  }
0x80: {  	[tilespmem:$0x10] =	vst v2  }
0x81: {  	v2 =	vld [tilespmem:s9+$0x120];
	_ =	sdelay $0x4  }
0x82: {  	[tilespmem:$0x20] =	vst v2  }
0x83: {  	v2 =	vld [tilespmem:s9+$0x130];
	_ =	sdelay $0x4  }
0x84: {  	[tilespmem:$0x30] =	vst v2  }
0x85: {  	v2 =	vld [tilespmem:s9+$0x140];
	_ =	sdelay $0x4  }
0x86: {  	[tilespmem:$0x40] =	vst v2  }
0x87: {  	v2 =	vld [tilespmem:s9+$0x150];
	_ =	sdelay $0x4  }
0x88: {  	[tilespmem:$0x50] =	vst v2  }
0x89: {  	v2 =	vld [tilespmem:s9+$0x160];
	_ =	sdelay $0x4  }
0x8a: {  	[tilespmem:$0x60] =	vst v2  }
0x8b: {  	v2 =	vld [tilespmem:s9+$0x170];
	_ =	sdelay $0x4  }
0x8c: {  	[tilespmem:$0x70] =	vst v2  }
0x8d: {  	[spmem:s2] =	stream.indirect.scatter.add.f32 [tilespmem:s25], [sflag:$0x2], $0x80, s3, s29, $0xb8;
	[tilespmem:$0x1F980] =	vst v63  }
0x8e: {  	_ =	swait.ge [sflag:s26], $0x4000  }
0x8f: {  	[sflag:s26] =	ssyncset.done $0x0  }
0x90: {  	[sflag:s26] =	ssyncadd.s32 $0xFFFFC000  }
0x91: {  	v2 =	vld [tilespmem:s9+$0x180];
	_ =	sdelay $0x4  }
0x92: {  	[tilespmem:$0x80] =	vst v2  }
0x93: {  	v2 =	vld [tilespmem:s9+$0x190];
	_ =	sdelay $0x4  }
0x94: {  	[tilespmem:$0x90] =	vst v2  }
0x95: {  	v2 =	vld [tilespmem:s9+$0x1A0];
	_ =	sdelay $0x4  }
0x96: {  	[tilespmem:$0xA0] =	vst v2  }
0x97: {  	v2 =	vld [tilespmem:s9+$0x1B0];
	_ =	sdelay $0x4  }
0x98: {  	[tilespmem:$0xB0] =	vst v2  }
0x99: {  	v2 =	vld [tilespmem:s9+$0x1C0];
	_ =	sdelay $0x4  }
0x9a: {  	[tilespmem:$0xC0] =	vst v2  }
0x9b: {  	v2 =	vld [tilespmem:s9+$0x1D0];
	_ =	sdelay $0x4  }
0x9c: {  	[tilespmem:$0xD0] =	vst v2  }
0x9d: {  	v2 =	vld [tilespmem:s9+$0x1E0];
	_ =	sdelay $0x4  }
0x9e: {  	[tilespmem:$0xE0] =	vst v2  }
0x9f: {  	v2 =	vld [tilespmem:s9+$0x1F0];
	_ =	sdelay $0x3  }
.Ltmp2:
0xa0: {  	(pc) =	sbr.rel @p0 .LBB2_6-.Ltmp2, $4  }
0xa1: {  	[tilespmem:$0xF0] =	vst v2  }
0xa2: {  	[spmem:s2] =	stream.indirect.scatter.add.f32 [tilespmem:s25], [sflag:$0x2], $0x80, s29, s29, $0xb8;
	[tilespmem:$0x1F980] =	vst v63  }
0xa3: {  	_ =	swait.ge [sflag:s26], $0x4000  }
0xa4: {  	s8 =	smov.u32 s10;
	[sflag:s26] =	ssyncset.done $0x0  }
0xa5: {  	s7 =	sshra.s32 s7, $0x2;
	[sflag:s26] =	ssyncadd.s32 $0xFFFFC000  }
0xa6: {  	v2 =	vld [tilespmem:s7+$0x100];
	_ =	sdelay $0x4  }
0xa7: {  	[tilespmem:$0x0] =	vst v2  }
0xa8: {  	v2 =	vld [tilespmem:s7+$0x110];
	_ =	sdelay $0x4  }
0xa9: {  	[tilespmem:$0x10] =	vst v2  }
0xaa: {  	v2 =	vld [tilespmem:s7+$0x120];
	_ =	sdelay $0x4  }
0xab: {  	[tilespmem:$0x20] =	vst v2  }
0xac: {  	v2 =	vld [tilespmem:s7+$0x130];
	_ =	sdelay $0x4  }
0xad: {  	[tilespmem:$0x30] =	vst v2  }
0xae: {  	v2 =	vld [tilespmem:s7+$0x140];
	_ =	sdelay $0x4  }
0xaf: {  	[tilespmem:$0x40] =	vst v2  }
0xb0: {  	v2 =	vld [tilespmem:s7+$0x150];
	_ =	sdelay $0x4  }
0xb1: {  	[tilespmem:$0x50] =	vst v2  }
0xb2: {  	v2 =	vld [tilespmem:s7+$0x160];
	_ =	sdelay $0x4  }
0xb3: {  	[tilespmem:$0x60] =	vst v2  }
0xb4: {  	v2 =	vld [tilespmem:s7+$0x170];
	_ =	sdelay $0x4  }
0xb5: {  	[tilespmem:$0x70] =	vst v2  }
0xb6: {  	[spmem:s2] =	stream.indirect.scatter.add.f32 [tilespmem:s25], [sflag:$0x2], $0x80, s3, s29, $0xb8;
	[tilespmem:$0x1F980] =	vst v63  }
0xb7: {  	_ =	swait.ge [sflag:s26], $0x4000  }
0xb8: {  	[sflag:s26] =	ssyncset.done $0x0  }
0xb9: {  	[sflag:s26] =	ssyncadd.s32 $0xFFFFC000  }
0xba: {  	v2 =	vld [tilespmem:s7+$0x180];
	_ =	sdelay $0x4  }
0xbb: {  	[tilespmem:$0x80] =	vst v2  }
0xbc: {  	v2 =	vld [tilespmem:s7+$0x190];
	_ =	sdelay $0x4  }
0xbd: {  	[tilespmem:$0x90] =	vst v2  }
0xbe: {  	v2 =	vld [tilespmem:s7+$0x1A0];
	_ =	sdelay $0x4  }
0xbf: {  	[tilespmem:$0xA0] =	vst v2  }
0xc0: {  	v2 =	vld [tilespmem:s7+$0x1B0];
	_ =	sdelay $0x4  }
0xc1: {  	[tilespmem:$0xB0] =	vst v2  }
0xc2: {  	v2 =	vld [tilespmem:s7+$0x1C0];
	_ =	sdelay $0x4  }
0xc3: {  	[tilespmem:$0xC0] =	vst v2  }
0xc4: {  	v2 =	vld [tilespmem:s7+$0x1D0];
	_ =	sdelay $0x4  }
0xc5: {  	[tilespmem:$0xD0] =	vst v2  }
0xc6: {  	v2 =	vld [tilespmem:s7+$0x1E0];
	_ =	sdelay $0x4  }
0xc7: {  	[tilespmem:$0xE0] =	vst v2  }
0xc8: {  	v2 =	vld [tilespmem:s7+$0x1F0];
	_ =	sdelay $0x4  }
0xc9: {  	[tilespmem:$0xF0] =	vst v2  }
0xca: {  	[spmem:s2] =	stream.indirect.scatter.add.f32 [tilespmem:s25], [sflag:$0x2], $0x80, s29, s29, $0xb8;
	[tilespmem:$0x1F980] =	vst v63  }
0xcb: {  	_ =	swait.ge [sflag:s26], $0x4000  }
0xcc: {  	[sflag:s26] =	ssyncset.done $0x0  }
0xcd: {  	s8 =	stileid.u32;
	[sflag:s26] =	ssyncadd.s32 $0xFFFFC000  }
0xce: {  	s7 =	sshll.u32 s8, $0x6;
	[bflag:$0x0] =	sbarrier.arrive $0xFFFF  }
0xcf: {  	s8 =	sshrl.u32 s5, $0x3;
	s7 =	sor.u32 $0x1C02, s7;
	s9 =	rddreg [dreg:$0x4]  }
0xd0: {  	[hbm:s9], [sflag:s7] =	dma.local [spmem:s8], $0x2800  }
0xd1: {  	_ =	swait.ge [sflag:s26], $0x2800  }
0xd2: {  	[sflag:s26] =	ssyncset.done $0x0  }
0xd3: {  	s7 =	simm.s32 $0x0;
	s9 =	rddreg [dreg:$0x5];
	[sflag:s26] =	ssyncadd.s32 $0xFFFFD800  }
0xd4: {  	[tilespmem:s30], [sflag:$0x2] =	stream.linear.gather [hbm4b:s9+s7], $0x50, $0x38;
	[tilespmem:$0x1F980] =	vst v63  }
0xd5: {  	_ =	swait.ge [sflag:s26], $0x50  }
0xd6: {  	[sflag:s26] =	ssyncset.done $0x0  }
0xd7: {  	[sflag:s26] =	ssyncadd.s32 $0xFFFFFFB0  }
0xd8: {  	[tilespmem:s1], [sflag:$0x1] =	stream.indirect.gather [hbm4b:s4+s31], $0x80, s30, s31, $0xb8;
	[tilespmem:$0x1F980] =	vst v63  }
0xd9: {  	_ =	swait.ge [sflag:s28], $0x2800  }
0xda: {  	[sflag:s28] =	ssyncset.done $0x0  }
0xdb: {  	s10 =	rddreg [dreg:$0x6];
	[sflag:s28] =	ssyncadd.s32 $0xFFFFD800  }
0xdc: {  	[tilespmem:s0], [sflag:$0x2] =	stream.linear.gather [hbm4b:s10+s7], $0x2800, $0x38;
	[tilespmem:$0x1F980] =	vst v63  }
0xdd: {  	_ =	swait.ge [sflag:s26], $0x2800  }
0xde: {  	[sflag:s26] =	ssyncset.done $0x0  }
0xdf: {  	s7 =	simm.s32 $0x0;
	[sflag:s26] =	ssyncadd.s32 $0xFFFFD800  }
0xe0: {  	v9 =	vld [tilespmem:s7+$0x9180]  }
0xe1: {  	v13 =	vld [tilespmem:s7+$0x9190]  }
0xe2: {  	v7 =	vld [tilespmem:s7+$0x91A0]  }
0xe3: {  	v6 =	vld [tilespmem:s7+$0x91B0]  }
0xe4: {  	v5 =	vld [tilespmem:s7+$0x91C0]  }
0xe5: {  	v4 =	vld [tilespmem:s7+$0x91D0]  }
0xe6: {  	v3 =	vld [tilespmem:s7+$0x91E0]  }
0xe7: {  	v2 =	vld [tilespmem:s7+$0x91F0]  }
0xe8: {  	v14 =	vld [tilespmem:s7+$0x6980]  }
0xe9: {  	v15 =	vld [tilespmem:s7+$0x6990]  }
0xea: {  	v12 =	vld [tilespmem:s7+$0x69A0]  }
0xeb: {  	v11 =	vld [tilespmem:s7+$0x69B0]  }
0xec: {  	v10 =	vld [tilespmem:s7+$0x69C0]  }
0xed: {  	v8 =	vld [tilespmem:s7+$0x69D0];
	v14 =	vadd.f32 v9, v14  }
0xee: {  	s8 =	simm.s32 $0x200;
	v13 =	vadd.f32 v13, v15;
	v9 =	vld [tilespmem:s7+$0x69E0]  }
.LBB2_8:
0xef: {  	s9 =	sshra.s32 s8, $0x2;
	p0 =	sne.s32 s8, $0x9E00;
	[tilespmem:s7+$0x6980] =	vst v14;
	v7 =	vadd.f32 v7, v12;
	v12 =	vld [tilespmem:s7+$0x69F0]  }
0xf0: {  	v14 =	vld [tilespmem:s9+$0x9180];
	[tilespmem:s7+$0x6990] =	vst v13;
	v6 =	vadd.f32 v6, v11  }
0xf1: {  	v13 =	vld [tilespmem:s9+$0x9190];
	[tilespmem:s7+$0x69A0] =	vst v7;
	v5 =	vadd.f32 v5, v10  }
0xf2: {  	v7 =	vld [tilespmem:s9+$0x91A0];
	[tilespmem:s7+$0x69B0] =	vst v6;
	v4 =	vadd.f32 v4, v8  }
0xf3: {  	v6 =	vld [tilespmem:s9+$0x91B0];
	[tilespmem:s7+$0x69C0] =	vst v5;
	v3 =	vadd.f32 v3, v9  }
0xf4: {  	v5 =	vld [tilespmem:s9+$0x91C0];
	[tilespmem:s7+$0x69D0] =	vst v4;
	v2 =	vadd.f32 v2, v12  }
0xf5: {  	v4 =	vld [tilespmem:s9+$0x91D0];
	[tilespmem:s7+$0x69E0] =	vst v3  }
0xf6: {  	v3 =	vld [tilespmem:s9+$0x91E0];
	[tilespmem:s7+$0x69F0] =	vst v2;
	s7 =	smov.u32 s9  }
0xf7: {  	v2 =	vld [tilespmem:s7+$0x91F0]  }
0xf8: {  	v8 =	vld [tilespmem:s7+$0x6980]  }
0xf9: {  	v9 =	vld [tilespmem:s7+$0x6990]  }
.Ltmp3:
0xfa: {  	v12 =	vld [tilespmem:s7+$0x69A0];
	(pc) =	sbr.rel @p0 .LBB2_8-.Ltmp3, $4  }
0xfb: {  	v11 =	vld [tilespmem:s7+$0x69B0]  }
0xfc: {  	v10 =	vld [tilespmem:s7+$0x69C0]  }
0xfd: {  	v14 =	vadd.f32 v14, v8;
	v8 =	vld [tilespmem:s7+$0x69D0]  }
0xfe: {  	s8 =	sadd.s32 $0x200, s8;
	v13 =	vadd.f32 v13, v9;
	v9 =	vld [tilespmem:s7+$0x69E0]  }
0xff: {  	[tilespmem:s7+$0x6980] =	vst v14;
	v7 =	vadd.f32 v7, v12;
	v12 =	vld [tilespmem:s7+$0x69F0]  }
0x100: {  	[tilespmem:s7+$0x6990] =	vst v13;
	v6 =	vadd.f32 v6, v11  }
0x101: {  	[tilespmem:s7+$0x69A0] =	vst v7;
	v5 =	vadd.f32 v5, v10  }
0x102: {  	[tilespmem:s7+$0x69B0] =	vst v6;
	v4 =	vadd.f32 v4, v8  }
0x103: {  	[tilespmem:s7+$0x69C0] =	vst v5;
	v3 =	vadd.f32 v3, v9  }
0x104: {  	[tilespmem:s7+$0x69D0] =	vst v4;
	v2 =	vadd.f32 v2, v12  }
0x105: {  	[tilespmem:s7+$0x69E0] =	vst v3  }
0x106: {  	s10 =	simm.s32 $0x0;
	s8 =	rddreg [dreg:$0x7];
	[tilespmem:s7+$0x69F0] =	vst v2  }
0x107: {  	[hbm4b:s8+s10] =	stream.linear.scatter [tilespmem:s1], [sflag:$0x2], $0x2800, $0x38;
	[tilespmem:$0x1F980] =	vst v63  }
0x108: {  	_ =	swait.ge [sflag:s26], $0x2800  }
0x109: {  	[sflag:s26] =	ssyncset.done $0x0  }
0x10a: {  	[sflag:s26] =	ssyncadd.s32 $0xFFFFD800  }
0x10b: {  	[tilespmem:s30], [sflag:$0x2] =	stream.linear.gather [hbm4b:s11+s10], $0x50, $0x38;
	[tilespmem:$0x1F980] =	vst v63  }
0x10c: {  	_ =	swait.ge [sflag:s26], $0x50  }
0x10d: {  	[sflag:s26] =	ssyncset.done $0x0  }
0x10e: {  	[sflag:s26] =	ssyncadd.s32 $0xFFFFFFB0  }
0x10f: {  	[tilespmem:s1], [sflag:$0x1] =	stream.indirect.gather [hbm4b:s4+s31], $0x80, s30, s31, $0xb8;
	[tilespmem:$0x1F980] =	vst v63  }
0x110: {  	_ =	swait.ge [sflag:s28], $0x2800  }
0x111: {  	[sflag:s28] =	ssyncset.done $0x0  }
0x112: {  	[sflag:s28] =	ssyncadd.s32 $0xFFFFD800  }
0x113: {  	[tilespmem:s0], [sflag:$0x2] =	stream.linear.gather [hbm4b:s12+s10], $0x2800, $0x38;
	[tilespmem:$0x1F980] =	vst v63  }
0x114: {  	_ =	swait.ge [sflag:s26], $0x2800  }
0x115: {  	[sflag:s26] =	ssyncset.done $0x0  }
0x116: {  	s7 =	simm.s32 $0x0;
	[sflag:s26] =	ssyncadd.s32 $0xFFFFD800  }
0x117: {  	v9 =	vld [tilespmem:s7+$0x9180]  }
0x118: {  	v13 =	vld [tilespmem:s7+$0x9190]  }
0x119: {  	v7 =	vld [tilespmem:s7+$0x91A0]  }
0x11a: {  	v6 =	vld [tilespmem:s7+$0x91B0]  }
0x11b: {  	v5 =	vld [tilespmem:s7+$0x91C0]  }
0x11c: {  	v4 =	vld [tilespmem:s7+$0x91D0]  }
0x11d: {  	v3 =	vld [tilespmem:s7+$0x91E0]  }
0x11e: {  	v2 =	vld [tilespmem:s7+$0x91F0]  }
0x11f: {  	v14 =	vld [tilespmem:s7+$0x6980]  }
0x120: {  	v15 =	vld [tilespmem:s7+$0x6990]  }
0x121: {  	v12 =	vld [tilespmem:s7+$0x69A0]  }
0x122: {  	v11 =	vld [tilespmem:s7+$0x69B0]  }
0x123: {  	v10 =	vld [tilespmem:s7+$0x69C0]  }
0x124: {  	v8 =	vld [tilespmem:s7+$0x69D0];
	v14 =	vadd.f32 v9, v14  }
0x125: {  	s8 =	simm.s32 $0x200;
	v13 =	vadd.f32 v13, v15;
	v9 =	vld [tilespmem:s7+$0x69E0]  }
.LBB2_10:
0x126: {  	s9 =	sshra.s32 s8, $0x2;
	p0 =	sne.s32 s8, $0x9E00;
	[tilespmem:s7+$0x6980] =	vst v14;
	v7 =	vadd.f32 v7, v12;
	v12 =	vld [tilespmem:s7+$0x69F0]  }
0x127: {  	v14 =	vld [tilespmem:s9+$0x9180];
	[tilespmem:s7+$0x6990] =	vst v13;
	v6 =	vadd.f32 v6, v11  }
0x128: {  	v13 =	vld [tilespmem:s9+$0x9190];
	[tilespmem:s7+$0x69A0] =	vst v7;
	v5 =	vadd.f32 v5, v10  }
0x129: {  	v7 =	vld [tilespmem:s9+$0x91A0];
	[tilespmem:s7+$0x69B0] =	vst v6;
	v4 =	vadd.f32 v4, v8  }
0x12a: {  	v6 =	vld [tilespmem:s9+$0x91B0];
	[tilespmem:s7+$0x69C0] =	vst v5;
	v3 =	vadd.f32 v3, v9  }
0x12b: {  	v5 =	vld [tilespmem:s9+$0x91C0];
	[tilespmem:s7+$0x69D0] =	vst v4;
	v2 =	vadd.f32 v2, v12  }
0x12c: {  	v4 =	vld [tilespmem:s9+$0x91D0];
	[tilespmem:s7+$0x69E0] =	vst v3  }
0x12d: {  	v3 =	vld [tilespmem:s9+$0x91E0];
	[tilespmem:s7+$0x69F0] =	vst v2;
	s7 =	smov.u32 s9  }
0x12e: {  	v2 =	vld [tilespmem:s7+$0x91F0]  }
0x12f: {  	v8 =	vld [tilespmem:s7+$0x6980]  }
0x130: {  	v9 =	vld [tilespmem:s7+$0x6990]  }
.Ltmp4:
0x131: {  	v12 =	vld [tilespmem:s7+$0x69A0];
	(pc) =	sbr.rel @p0 .LBB2_10-.Ltmp4, $4  }
0x132: {  	v11 =	vld [tilespmem:s7+$0x69B0]  }
0x133: {  	v10 =	vld [tilespmem:s7+$0x69C0]  }
0x134: {  	v14 =	vadd.f32 v14, v8;
	v8 =	vld [tilespmem:s7+$0x69D0]  }
0x135: {  	s8 =	sadd.s32 $0x200, s8;
	v13 =	vadd.f32 v13, v9;
	v9 =	vld [tilespmem:s7+$0x69E0]  }
0x136: {  	[tilespmem:s7+$0x6980] =	vst v14;
	v7 =	vadd.f32 v7, v12;
	v12 =	vld [tilespmem:s7+$0x69F0]  }
0x137: {  	[tilespmem:s7+$0x6990] =	vst v13;
	v6 =	vadd.f32 v6, v11  }
0x138: {  	[tilespmem:s7+$0x69A0] =	vst v7;
	v5 =	vadd.f32 v5, v10  }
0x139: {  	[tilespmem:s7+$0x69B0] =	vst v6;
	v4 =	vadd.f32 v4, v8  }
0x13a: {  	[tilespmem:s7+$0x69C0] =	vst v5;
	v3 =	vadd.f32 v3, v9  }
0x13b: {  	[tilespmem:s7+$0x69D0] =	vst v4;
	v2 =	vadd.f32 v2, v12  }
0x13c: {  	[tilespmem:s7+$0x69E0] =	vst v3  }
0x13d: {  	s10 =	simm.s32 $0x0;
	[tilespmem:s7+$0x69F0] =	vst v2  }
0x13e: {  	[hbm4b:s13+s10] =	stream.linear.scatter [tilespmem:s1], [sflag:$0x2], $0x2800, $0x38;
	[tilespmem:$0x1F980] =	vst v63  }
0x13f: {  	_ =	swait.ge [sflag:s26], $0x2800  }
0x140: {  	[sflag:s26] =	ssyncset.done $0x0  }
0x141: {  	[sflag:s26] =	ssyncadd.s32 $0xFFFFD800  }
0x142: {  	[tilespmem:s30], [sflag:$0x2] =	stream.linear.gather [hbm4b:s14+s10], $0x50, $0x38;
	[tilespmem:$0x1F980] =	vst v63  }
0x143: {  	_ =	swait.ge [sflag:s26], $0x50  }
0x144: {  	[sflag:s26] =	ssyncset.done $0x0  }
0x145: {  	[sflag:s26] =	ssyncadd.s32 $0xFFFFFFB0  }
0x146: {  	[tilespmem:s1], [sflag:$0x1] =	stream.indirect.gather [hbm4b:s4+s31], $0x80, s30, s31, $0xb8;
	[tilespmem:$0x1F980] =	vst v63  }
0x147: {  	_ =	swait.ge [sflag:s28], $0x2800  }
0x148: {  	[sflag:s28] =	ssyncset.done $0x0  }
0x149: {  	[sflag:s28] =	ssyncadd.s32 $0xFFFFD800  }
0x14a: {  	[tilespmem:s0], [sflag:$0x2] =	stream.linear.gather [hbm4b:s15+s10], $0x2800, $0x38;
	[tilespmem:$0x1F980] =	vst v63  }
0x14b: {  	_ =	swait.ge [sflag:s26], $0x2800  }
0x14c: {  	[sflag:s26] =	ssyncset.done $0x0  }
0x14d: {  	s7 =	simm.s32 $0x0;
	[sflag:s26] =	ssyncadd.s32 $0xFFFFD800  }
0x14e: {  	v9 =	vld [tilespmem:s7+$0x9180]  }
0x14f: {  	v13 =	vld [tilespmem:s7+$0x9190]  }
0x150: {  	v7 =	vld [tilespmem:s7+$0x91A0]  }
0x151: {  	v6 =	vld [tilespmem:s7+$0x91B0]  }
0x152: {  	v5 =	vld [tilespmem:s7+$0x91C0]  }
0x153: {  	v4 =	vld [tilespmem:s7+$0x91D0]  }
0x154: {  	v3 =	vld [tilespmem:s7+$0x91E0]  }
0x155: {  	v2 =	vld [tilespmem:s7+$0x91F0]  }
0x156: {  	v14 =	vld [tilespmem:s7+$0x6980]  }
0x157: {  	v15 =	vld [tilespmem:s7+$0x6990]  }
0x158: {  	v12 =	vld [tilespmem:s7+$0x69A0]  }
0x159: {  	v11 =	vld [tilespmem:s7+$0x69B0]  }
0x15a: {  	v10 =	vld [tilespmem:s7+$0x69C0]  }
0x15b: {  	v8 =	vld [tilespmem:s7+$0x69D0];
	v14 =	vadd.f32 v9, v14  }
0x15c: {  	s8 =	simm.s32 $0x200;
	v13 =	vadd.f32 v13, v15;
	v9 =	vld [tilespmem:s7+$0x69E0]  }
.LBB2_12:
0x15d: {  	s9 =	sshra.s32 s8, $0x2;
	p0 =	sne.s32 s8, $0x9E00;
	[tilespmem:s7+$0x6980] =	vst v14;
	v7 =	vadd.f32 v7, v12;
	v12 =	vld [tilespmem:s7+$0x69F0]  }
0x15e: {  	v14 =	vld [tilespmem:s9+$0x9180];
	[tilespmem:s7+$0x6990] =	vst v13;
	v6 =	vadd.f32 v6, v11  }
0x15f: {  	v13 =	vld [tilespmem:s9+$0x9190];
	[tilespmem:s7+$0x69A0] =	vst v7;
	v5 =	vadd.f32 v5, v10  }
0x160: {  	v7 =	vld [tilespmem:s9+$0x91A0];
	[tilespmem:s7+$0x69B0] =	vst v6;
	v4 =	vadd.f32 v4, v8  }
0x161: {  	v6 =	vld [tilespmem:s9+$0x91B0];
	[tilespmem:s7+$0x69C0] =	vst v5;
	v3 =	vadd.f32 v3, v9  }
0x162: {  	v5 =	vld [tilespmem:s9+$0x91C0];
	[tilespmem:s7+$0x69D0] =	vst v4;
	v2 =	vadd.f32 v2, v12  }
0x163: {  	v4 =	vld [tilespmem:s9+$0x91D0];
	[tilespmem:s7+$0x69E0] =	vst v3  }
0x164: {  	v3 =	vld [tilespmem:s9+$0x91E0];
	[tilespmem:s7+$0x69F0] =	vst v2;
	s7 =	smov.u32 s9  }
0x165: {  	v2 =	vld [tilespmem:s7+$0x91F0]  }
0x166: {  	v8 =	vld [tilespmem:s7+$0x6980]  }
0x167: {  	v9 =	vld [tilespmem:s7+$0x6990]  }
.Ltmp5:
0x168: {  	v12 =	vld [tilespmem:s7+$0x69A0];
	(pc) =	sbr.rel @p0 .LBB2_12-.Ltmp5, $4  }
0x169: {  	v11 =	vld [tilespmem:s7+$0x69B0]  }
0x16a: {  	v10 =	vld [tilespmem:s7+$0x69C0]  }
0x16b: {  	v14 =	vadd.f32 v14, v8;
	v8 =	vld [tilespmem:s7+$0x69D0]  }
0x16c: {  	s8 =	sadd.s32 $0x200, s8;
	v13 =	vadd.f32 v13, v9;
	v9 =	vld [tilespmem:s7+$0x69E0]  }
0x16d: {  	[tilespmem:s7+$0x6980] =	vst v14;
	v7 =	vadd.f32 v7, v12;
	v12 =	vld [tilespmem:s7+$0x69F0]  }
0x16e: {  	[tilespmem:s7+$0x6990] =	vst v13;
	v6 =	vadd.f32 v6, v11  }
0x16f: {  	[tilespmem:s7+$0x69A0] =	vst v7;
	v5 =	vadd.f32 v5, v10  }
0x170: {  	[tilespmem:s7+$0x69B0] =	vst v6;
	v4 =	vadd.f32 v4, v8  }
0x171: {  	[tilespmem:s7+$0x69C0] =	vst v5;
	v3 =	vadd.f32 v3, v9  }
0x172: {  	[tilespmem:s7+$0x69D0] =	vst v4;
	v2 =	vadd.f32 v2, v12  }
0x173: {  	[tilespmem:s7+$0x69E0] =	vst v3  }
0x174: {  	s10 =	simm.s32 $0x0;
	[tilespmem:s7+$0x69F0] =	vst v2  }
0x175: {  	[hbm4b:s16+s10] =	stream.linear.scatter [tilespmem:s1], [sflag:$0x2], $0x2800, $0x38;
	[tilespmem:$0x1F980] =	vst v63  }
0x176: {  	_ =	swait.ge [sflag:s26], $0x2800  }
0x177: {  	[sflag:s26] =	ssyncset.done $0x0  }
0x178: {  	[sflag:s26] =	ssyncadd.s32 $0xFFFFD800  }
0x179: {  	[tilespmem:s30], [sflag:$0x2] =	stream.linear.gather [hbm4b:s17+s10], $0x50, $0x38;
	[tilespmem:$0x1F980] =	vst v63  }
0x17a: {  	_ =	swait.ge [sflag:s26], $0x50  }
0x17b: {  	[sflag:s26] =	ssyncset.done $0x0  }
0x17c: {  	[sflag:s26] =	ssyncadd.s32 $0xFFFFFFB0  }
0x17d: {  	[tilespmem:s1], [sflag:$0x1] =	stream.indirect.gather [hbm4b:s4+s31], $0x80, s30, s31, $0xb8;
	[tilespmem:$0x1F980] =	vst v63  }
0x17e: {  	_ =	swait.ge [sflag:s28], $0x2800  }
0x17f: {  	[sflag:s28] =	ssyncset.done $0x0  }
0x180: {  	[sflag:s28] =	ssyncadd.s32 $0xFFFFD800  }
0x181: {  	[tilespmem:s0], [sflag:$0x2] =	stream.linear.gather [hbm4b:s18+s10], $0x2800, $0x38;
	[tilespmem:$0x1F980] =	vst v63  }
0x182: {  	_ =	swait.ge [sflag:s26], $0x2800  }
0x183: {  	[sflag:s26] =	ssyncset.done $0x0  }
0x184: {  	s7 =	simm.s32 $0x0;
	[sflag:s26] =	ssyncadd.s32 $0xFFFFD800  }
0x185: {  	v9 =	vld [tilespmem:s7+$0x9180]  }
0x186: {  	v13 =	vld [tilespmem:s7+$0x9190]  }
0x187: {  	v7 =	vld [tilespmem:s7+$0x91A0]  }
0x188: {  	v6 =	vld [tilespmem:s7+$0x91B0]  }
0x189: {  	v5 =	vld [tilespmem:s7+$0x91C0]  }
0x18a: {  	v4 =	vld [tilespmem:s7+$0x91D0]  }
0x18b: {  	v3 =	vld [tilespmem:s7+$0x91E0]  }
0x18c: {  	v2 =	vld [tilespmem:s7+$0x91F0]  }
0x18d: {  	v14 =	vld [tilespmem:s7+$0x6980]  }
0x18e: {  	v15 =	vld [tilespmem:s7+$0x6990]  }
0x18f: {  	v12 =	vld [tilespmem:s7+$0x69A0]  }
0x190: {  	v11 =	vld [tilespmem:s7+$0x69B0]  }
0x191: {  	v10 =	vld [tilespmem:s7+$0x69C0]  }
0x192: {  	v8 =	vld [tilespmem:s7+$0x69D0];
	v14 =	vadd.f32 v9, v14  }
0x193: {  	s8 =	simm.s32 $0x200;
	v13 =	vadd.f32 v13, v15;
	v9 =	vld [tilespmem:s7+$0x69E0]  }
.LBB2_14:
0x194: {  	s9 =	sshra.s32 s8, $0x2;
	p0 =	sne.s32 s8, $0x9E00;
	[tilespmem:s7+$0x6980] =	vst v14;
	v7 =	vadd.f32 v7, v12;
	v12 =	vld [tilespmem:s7+$0x69F0]  }
0x195: {  	v14 =	vld [tilespmem:s9+$0x9180];
	[tilespmem:s7+$0x6990] =	vst v13;
	v6 =	vadd.f32 v6, v11  }
0x196: {  	v13 =	vld [tilespmem:s9+$0x9190];
	[tilespmem:s7+$0x69A0] =	vst v7;
	v5 =	vadd.f32 v5, v10  }
0x197: {  	v7 =	vld [tilespmem:s9+$0x91A0];
	[tilespmem:s7+$0x69B0] =	vst v6;
	v4 =	vadd.f32 v4, v8  }
0x198: {  	v6 =	vld [tilespmem:s9+$0x91B0];
	[tilespmem:s7+$0x69C0] =	vst v5;
	v3 =	vadd.f32 v3, v9  }
0x199: {  	v5 =	vld [tilespmem:s9+$0x91C0];
	[tilespmem:s7+$0x69D0] =	vst v4;
	v2 =	vadd.f32 v2, v12  }
0x19a: {  	v4 =	vld [tilespmem:s9+$0x91D0];
	[tilespmem:s7+$0x69E0] =	vst v3  }
0x19b: {  	v3 =	vld [tilespmem:s9+$0x91E0];
	[tilespmem:s7+$0x69F0] =	vst v2;
	s7 =	smov.u32 s9  }
0x19c: {  	v2 =	vld [tilespmem:s7+$0x91F0]  }
0x19d: {  	v8 =	vld [tilespmem:s7+$0x6980]  }
0x19e: {  	v9 =	vld [tilespmem:s7+$0x6990]  }
.Ltmp6:
0x19f: {  	v12 =	vld [tilespmem:s7+$0x69A0];
	(pc) =	sbr.rel @p0 .LBB2_14-.Ltmp6, $4  }
0x1a0: {  	v11 =	vld [tilespmem:s7+$0x69B0]  }
0x1a1: {  	v10 =	vld [tilespmem:s7+$0x69C0]  }
0x1a2: {  	v14 =	vadd.f32 v14, v8;
	v8 =	vld [tilespmem:s7+$0x69D0]  }
0x1a3: {  	s8 =	sadd.s32 $0x200, s8;
	v13 =	vadd.f32 v13, v9;
	v9 =	vld [tilespmem:s7+$0x69E0]  }
0x1a4: {  	[tilespmem:s7+$0x6980] =	vst v14;
	v7 =	vadd.f32 v7, v12;
	v63 =	vld [tilespmem:s7+$0x69F0]  }
0x1a5: {  	[tilespmem:s7+$0x6990] =	vst v13;
	v6 =	vadd.f32 v6, v11  }
0x1a6: {  	[tilespmem:s7+$0x69A0] =	vst v7;
	v5 =	vadd.f32 v5, v10  }
0x1a7: {  	[tilespmem:s7+$0x69B0] =	vst v6;
	v4 =	vadd.f32 v4, v8  }
0x1a8: {  	[tilespmem:s7+$0x69C0] =	vst v5;
	v3 =	vadd.f32 v3, v9  }
0x1a9: {  	s6 =	sadd.s32 $0x1, s6;
	[tilespmem:s7+$0x69D0] =	vst v4;
	v2 =	vadd.f32 v2, v63  }
0x1aa: {  	p0 =	sne.s32 s6, s20;
	[tilespmem:s7+$0x69E0] =	vst v3  }
.Ltmp7:
0x1ab: {  	[tilespmem:s7+$0x69F0] =	vst v2;
	(pc) =	sbr.rel @p0 .LBB2_1-.Ltmp7, $4  }
0x1ac: {  	[hbm4b:s19+s3] =	stream.linear.scatter [tilespmem:s1], [sflag:$0x2], $0x2800, $0x38;
	[tilespmem:$0x1F980] =	vst v63  }
0x1ad: {  	_ =	swait.ge [sflag:s26], $0x2800  }
0x1ae: {  	[sflag:s26] =	ssyncset.done $0x0  }
0x1af: {  	[sflag:s26] =	ssyncadd.s32 $0xFFFFD800  }
0x1b0: {  	_ =	sfence.sel $0x180000  }
0x1b1: {  	[bflag:$0x0] =	sbarrier.arrive $0xFFFF  }
0x1b2: {  	_ =	strace $0x90000047  }
0x1b3: {  	s0 =	stileid.u32;
	[bflag:$0x2] =	sbarrier.arrive $0xFFFF  }
0x1b4: {  	p0 =	sne.s32 s0, $0x0;
	s0 =	rddreg [dreg:$0x2]  }
0x1b5: {  	s0 =	sadd.s32 @!p0 $0x100000, s0  }
0x1b6: {  	[sflag:s0] =	ssyncadd.tile.s32 @!p0 $0x1;
	_ =	shalt  }
.Lfunc_end2:
_tile_overlayer_lowered:
.L_overlay_start_2:
0x1b7: {  	(tag) =	ssettag $0x2  }
0x1b8: {  	s0 =	rddreg [dreg:$0x0];
	s2 =	stileid.u32  }
0x1b9: {  	s1 =	rddreg [dreg:$0x1];
	p0 =	sne.s32 s2, $0x0  }
0x1ba: {  	s3 =	rddreg [dreg:$0x2];
	[bflag:$0x3] =	sbarrier.arrive $0xFFFF;
	s2 =	simm.s32 @!p0 $0x1C02  }
0x1bb: {  	[timem:s3], [sflag:s2] =	dma.local @!p0 [hbm:s0], s1  }
0x1bc: {  	s0 =	simm.s32 @!p0 $0x2  }
0x1bd: {  	_ =	swait.ge @!p0 [sflag:s0], s1  }
0x1be: {  	s1 =	ssub.s32 @!p0 $0x0, s1;
	[sflag:s0] =	ssyncset.done @!p0 $0x0  }
0x1bf: {  	[sflag:s0] =	ssyncadd.s32 @!p0 s1  }
0x1c0: {  	[bflag:$0x3] =	sbarrier.arrive $0xFFFF  }
0x1c1: {  	_ =	shalt  }

// kernel: kernel.13.cloned.1.call-start
scs
__scs_entry_jumppad:
0x0: {  	(pc) =	sbr.rel $0x88, $3  }
0x1: {  	(tag) =	ssettag $0x0;
	lr =	simm.s32 $0x1  }
0x2: {  	[smem:$0x3F93] =	sst lr;
	_ =	strace $0xD0000000  }
0x3: {  	_ = 	snop  }
0x4: {  	_ = 	snop  }
0x5: {  	_ = 	snop  }
0x6: {  	_ = 	snop  }
0x7: {  	_ = 	snop  }
__scs_overlays_trampoline_lowered:
0x8: {  	[smem:$0x3FA2] =	sst s0  }
0x9: {  	[smem:$0x3FA3] =	sst s1  }
0xa: {  	[smem:$0x3FA4] =	sst s2  }
0xb: {  	[smem:$0x3FA5] =	sst s3  }
0xc: {  	[smem:$0x3FA6] =	sst s4  }
0xd: {  	[smem:$0x3FA7] =	sst s5  }
0xe: {  	[smem:$0x3FA8] =	sst s6  }
0xf: {  	[smem:$0x3FA9] =	sst s7  }
0x10: {  	[smem:$0x3FAA] =	sst s8  }
0x11: {  	[smem:$0x3FAB] =	sst s9;
	s0 =	simm.s32 @!p0 $0x0  }
0x12: {  	s1 =	sld [smem:$0x3F91];
	s0 =	simm.s32 @p0 $0x1  }
0x13: {  	[smem:$0x3FAC] =	sst s0;
	s0 =	simm.s32 @!p1 $0x0  }
0x14: {  	s2 =	sld [smem:$0x3F90];
	s0 =	simm.s32 @p1 $0x1  }
0x15: {  	[smem:$0x3FAD] =	sst s0;
	s0 =	simm.s32 @!p2 $0x0  }
0x16: {  	s3 =	sld [smem:$0x3FDB];
	s0 =	simm.s32 @p2 $0x1  }
0x17: {  	s4 =	simm.s32 $0x1BF5;
	[smem:$0x3FAF] =	sst s0  }
0x18: {  	s0 =	sld [smem:$0x3F92];
	_ =	swait.ge [sflag:s4], $0x0  }
0x19: {  	s7 =	sld [smem:$0x3F93]  }
0x1a: {  	s8 =	sadd.s32 $0xFFFFE003, lr  }
0x1b: {  	s9 =	sadd.s32 $0xFFFFFEF7, lr;
	s5 =	simm.s32 $0xFFFFFFFF;
	p2 =	slt.u32 s8, $0xFFFFF086  }
0x1c: {  	p1 =	slt.u32 s9, $0xF7A;
	s5 =	simm.s32 @!p2 $0x0  }
0x1d: {  	s5 =	simm.s32 @p1 $0x1;
	p0 =	seq.s32 s7, s2  }
0x1e: {  	s7 =	smul.u32 @!p0 $0xF7A, s2;
	p2 =	seq.s32 @!p0 s5, $0x0  }
0x1f: {  	s9 =	smul.u32 $0xF7A, s1;
	s8 =	simm.s32 @!p0 $0x1BF5;
	p2 =	por !p2, p0  }
0x20: {  	[sflag:s8] =	ssyncset.s32 @!p0 $0xFFFFF086;
	s6 =	sadd.s32 @!p0 s3, s7;
	s7 =	simm.s32 @!p0 $0x108  }
0x21: {  	s3 =	sadd.s32 s3, s9;
	s6 =	sadd.s32 @!p0 $0x88, s6;
	s7 =	simm.s32 @p2 $0x1082  }
0x22: {  	[simem:s7], [sflag:s8] =	dma.local @!p0 [hbm:s6], $0xF7A  }
0x23: {  	s9 =	sor.u32 $0xD0000000, s2;
	s6 =	simm.s32 $0x108;
	_ =	swait.ge @!p0 [sflag:s8], $0x0  }
0x24: {  	s3 =	sadd.s32 $0x88, s3;
	s6 =	simm.s32 @!p1 $0x1082;
	[sflag:s4] =	ssyncset.s32 $0xFFFFF086  }
0x25: {  	[simem:s6], [sflag:s4] =	dma.local [hbm:s3], $0xF7A  }
0x26: {  	[smem:$0x3F93] =	sst s1;
	(tag) =	ssettag s2;
	_ =	strace s9  }
0x27: {  	s1 =	sld [smem:$0x3FA3]  }
0x28: {  	s2 =	sld [smem:$0x3FA4]  }
0x29: {  	s4 =	sld [smem:$0x3FA6]  }
0x2a: {  	p0 =	seq.s32 s5, $0x0;
	s5 =	sld [smem:$0x3FA7]  }
0x2b: {  	s6 =	sld [smem:$0x3FA8]  }
0x2c: {  	s7 =	sld [smem:$0x3FA9]  }
0x2d: {  	s3 =	simm.s32 $0x108;
	s8 =	sld [smem:$0x3FAA]  }
0x2e: {  	s3 =	simm.s32 @!p0 $0x1082;
	s9 =	sld [smem:$0x3FAB]  }
0x2f: {  	lr =	sadd.s32 s0, s3;
	s0 =	sld [smem:$0x3FA2]  }
0x30: {  	s3 =	sld [smem:$0x3FA5]  }
0x31: {  	[smem:$0x3FAE] =	sst s10  }
0x32: {  	s10 =	sld [smem:$0x3FAC];
	_ =	sdelay $0x3  }
0x33: {  	p0 =	seq.s32 s10, $0x1;
	s10 =	sld [smem:$0x3FAE];
	_ =	sdelay $0x3  }
0x34: {  	[smem:$0x3FAE] =	sst s10  }
0x35: {  	s10 =	sld [smem:$0x3FAD];
	_ =	sdelay $0x3  }
0x36: {  	p1 =	seq.s32 s10, $0x1;
	s10 =	sld [smem:$0x3FAE];
	_ =	sdelay $0x3  }
0x37: {  	[smem:$0x3FAE] =	sst s10  }
0x38: {  	s10 =	sld [smem:$0x3FAF]  }
0x39: {  	_ = 	snop;
	(pc) =	sbr.ind lr, $3  }
0x3a: {  	_ = 	snop  }
0x3b: {  	_ = 	snop  }
0x3c: {  	p2 =	seq.s32 s10, $0x1;
	s10 =	sld [smem:$0x3FAE]  }
0x3d: {  	_ =	shalt  }
0x3e: {  	_ =	shalt  }
0x3f: {  	_ =	shalt  }
0x40: {  	_ =	shalt  }
0x41: {  	_ =	shalt  }
0x42: {  	_ =	shalt  }
0x43: {  	_ =	shalt  }
0x44: {  	_ =	shalt  }
0x45: {  	_ =	shalt  }
0x46: {  	_ =	shalt  }
0x47: {  	_ =	shalt  }
0x48: {  	_ =	shalt  }
0x49: {  	_ =	shalt  }
0x4a: {  	_ =	shalt  }
0x4b: {  	_ =	shalt  }
0x4c: {  	_ =	shalt  }
0x4d: {  	_ =	shalt  }
0x4e: {  	_ =	shalt  }
0x4f: {  	_ =	shalt  }
0x50: {  	_ =	shalt  }
0x51: {  	_ =	shalt  }
0x52: {  	_ =	shalt  }
0x53: {  	_ =	shalt  }
0x54: {  	_ =	shalt  }
0x55: {  	_ =	shalt  }
0x56: {  	_ =	shalt  }
0x57: {  	_ =	shalt  }
0x58: {  	_ =	shalt  }
0x59: {  	_ =	shalt  }
0x5a: {  	_ =	shalt  }
0x5b: {  	_ =	shalt  }
0x5c: {  	_ =	shalt  }
0x5d: {  	_ =	shalt  }
0x5e: {  	_ =	shalt  }
0x5f: {  	_ =	shalt  }
0x60: {  	_ =	shalt  }
0x61: {  	_ =	shalt  }
0x62: {  	_ =	shalt  }
0x63: {  	_ =	shalt  }
0x64: {  	_ =	shalt  }
0x65: {  	_ =	shalt  }
0x66: {  	_ =	shalt  }
0x67: {  	_ =	shalt  }
0x68: {  	_ =	shalt  }
0x69: {  	_ =	shalt  }
0x6a: {  	_ =	shalt  }
0x6b: {  	_ =	shalt  }
0x6c: {  	_ =	shalt  }
0x6d: {  	_ =	shalt  }
0x6e: {  	_ =	shalt  }
0x6f: {  	_ =	shalt  }
0x70: {  	_ =	shalt  }
0x71: {  	_ =	shalt  }
0x72: {  	_ =	shalt  }
0x73: {  	_ =	shalt  }
0x74: {  	_ =	shalt  }
0x75: {  	_ =	shalt  }
0x76: {  	_ =	shalt  }
0x77: {  	_ =	shalt  }
0x78: {  	_ =	shalt  }
0x79: {  	_ =	shalt  }
0x7a: {  	_ =	shalt  }
0x7b: {  	_ =	shalt  }
0x7c: {  	_ =	shalt  }
0x7d: {  	_ =	shalt  }
0x7e: {  	_ =	shalt  }
0x7f: {  	_ =	shalt  }
0x80: {  	_ =	shalt  }
0x81: {  	_ =	shalt  }
0x82: {  	_ =	shalt  }
0x83: {  	_ =	shalt  }
0x84: {  	_ =	shalt  }
0x85: {  	_ =	shalt  }
0x86: {  	_ =	shalt  }
0x87: {  	_ =	shalt  }
.Lfunc_end0:
.L_simem_size_0:
called_computation.1_lowered:
.L_overlay_start_0:
0x88: {  	s2 =	sld [smem:$0x3FD9]  }
0x89: {  	s3 =	sld [smem:$0x3FFE];
	_ =	sdelay $0x1  }
0x8a: {  	s1 =	srdreg.scid  }
0x8b: {  	s0 =	sand.u32 $0x1, s1  }
0x8c: {  	s16 =	sshll.u32 s0, $0xA;
	s2 =	sadd.s32 s3, s2  }
0x8d: {  	s2 =	sadd.s32 s2, s16  }
0x8e: {  	[smem:$0x3FBA] =	sst s2  }
0x8f: {  	_ = 	snop  }
0x90: {  	(tm) =	ssettm $0x1  }
0x91: {  	s17 =	sld [smem:$0x3FFB];
	_ =	sdelay $0x3  }
0x92: {  	_ =	strace s17  }
0x93: {  	s2 =	sld [smem:$0x3FFC];
	_ =	sdelay $0x3  }
0x94: {  	_ =	strace s2  }
0x95: {  	s2 =	sld [smem:$0x3FFD];
	_ =	sdelay $0x3  }
0x96: {  	_ =	strace s2  }
0x97: {  	_ =	strace $0x8FFFFFFF  }
0x98: {  	s18 =	sld [smem:$0x3FDB];
	_ =	sdelay $0x1  }
0x99: {  	s19 =	simm.s32 $_scs_section_size  }
0x9a: {  	s4 =	simm.s32 $_size__tile_overlayer_lowered;
	s5 =	simm.s32 $_tile_overlayer_lowered  }
0x9b: {  	s22 =	simm.s32 $0x1BFF;
	s21 =	sshll.u32 s5, $0x1;
	s2 =	sadd.s32 s19, s18  }
0x9c: {  	s6 =	simm.s32 $0x0;
	s20 =	sshll.u32 s4, $0x1;
	s4 =	sadd.s32 s21, s2  }
0x9d: {  	[timem:s6], [sflag:s22] =	dma.local [hbm:s4], s20  }
0x9e: {  	_ =	swait.ge [sflag:s22], s20  }
0x9f: {  	s3 =	ssub.s32 $0x0, s20;
	[sflag:s22] =	ssyncset.done $0x0  }
0xa0: {  	[sflag:s22] =	ssyncadd.s32 s3;
	_ =	sdelay $0x1  }
0xa1: {  	s23 =	simm.s32 $0x1B8B  }
0xa2: {  	_ =	swait.ge [sflag:s23], $0x1  }
0xa3: {  	[sflag:s23] =	ssyncset.done $0x0  }
0xa4: {  	s25 =	simm.s32 $0x1B8E;
	s24 =	sld [smem:$0x3FFE];
	[sflag:s23] =	ssyncadd.s32 $0xFFFFFFFF  }
0xa5: {  	s26 =	simm.s32 $execute0_lowered;
	[smem:$0x3FD2] =	sst s25  }
0xa6: {  	s4 =	sshll.u32 s26, $0x1;
	_ =	strace $0x80000049;
	[dreg:$0x1] =	wrdreg $0xFFFFFFFF  }
0xa7: {  	s28 =	simm.s32 $_size_execute0_lowered;
	s2 =	sadd.s32 s2, s4;
	[dreg:$0x0] =	wrdreg $0x0  }
0xa8: {  	s4 =	sshll.u32 s28, $0x1;
	[dreg:$0x2] =	wrdreg s2  }
0xa9: {  	[dreg:$0x3] =	wrdreg s4  }
0xaa: {  	[dreg:$0x4] =	wrdreg $0xC0  }
0xab: {  	_ =	task [dreg:s6], $0x5FFFF  }
0xac: {  	[dreg:$0x1] =	wrdreg $0xFFFFFFFF  }
0xad: {  	[dreg:$0x0] =	wrdreg $0x60  }
0xae: {  	[dreg:$0x2] =	wrdreg s24  }
0xaf: {  	[dreg:$0x3] =	wrdreg $0xAA000  }
0xb0: {  	[dreg:$0x4] =	wrdreg $0x9  }
0xb1: {  	_ =	task.clear_ibuf [dreg:s6], $0x5FFFF;
	_ =	strace $0x90000049  }
0xb2: {  	s29 =	simm.s32 $0x9;
	_ =	strace $0x8000004B  }
0xb3: {  	_ =	swait.ge [sflag:s29], $0x1  }
0xb4: {  	[sflag:s29] =	ssyncadd.s32 $0xFFFFFFFF  }
0xb5: {  	_ =	strace $0x9000004B  }
0xb6: {  	_ =	sfence  }
0xb7: {  	s30 =	sld [smem:$0x0];
	_ =	sdelay $0x2  }
0xb8: {  	s31 =	sshll.u32 s1, $0xD;
	s1 =	sshrl.u32 s1, $0x2  }
0xb9: {  	s3 =	sand.u32 $0x4000, s31;
	s1 =	sadd.s32 s1, s30  }
0xba: {  	s0 =	sor.u32 s3, s0;
	s1 =	sshll.u32 s1, $0x11  }
0xbb: {  	s0 =	sor.u32 s1, s0  }
0xbc: {  	s0 =	sadd.s32 $0x8F2B, s0  }
0xbd: {  	[sflag:s0] =	ssyncadd.remote.s32 $0x1  }
0xbe: {  	_ =	sfence.sel $0xFFFF  }
0xbf: {  	[dreg:$0x0] =	wrdreg $0xFFFFFFFF;
	(pc) =	sbr.abs _section_cstart, $3  }
0xc0: {  	[dreg:$0x1] =	wrdreg $0xFFFFFFFF  }
0xc1: {  	_ =	task.clear_ibuf [dreg:s6], $0x2FFFF;
	_ =	strace $0x9FFFFFFF  }
0xc2: {  	(tm) =	ssettm $0x7FFFFFFF  }
0xc3: {  	_ =	shalt  }
tec
execute0_lowered:
.L_overlay_start_1:
0x0: {  	(tag) =	ssettag $0x1  }
0x1: {  	s8 =	rddreg [dreg:$0x0]  }
0x2: {  	s1 =	rddreg [dreg:$0x1]  }
0x3: {  	s0 =	rddreg [dreg:$0x2]  }
0x4: {  	s3 =	simm.s32 $0x0;
	s2 =	srdreg.scid;
	s15 =	simm.s32 $0x2A00  }
0x5: {  	s16 =	simm.s32 $0x3;
	s17 =	simm.s32 $0x200;
	s18 =	simm.s32 $0x1600  }
0x6: {  	s19 =	simm.s32 $0x80;
	s20 =	simm.s32 $0x100;
	s21 =	simm.s32 $0x6A00  }
0x7: {  	s22 =	simm.s32 $0x1;
	s23 =	simm.s32 $0x2;
	s6 =	sand.u32 $0x1, s2  }
0x8: {  	s24 =	simm.s32 $0x180;
	s2 =	stileid.u32;
	s7 =	smul.u32 $0x28000, s6  }
0x9: {  	s25 =	simm.s32 $0x0;
	[smem:$0x7FF] =	sst s3;
	s9 =	smul.u32 $0x2800, s2  }
0xa: {  	s4 =	sadd.s32 $0x3A00, s8;
	s5 =	sadd.s32 $0x30000, s8;
	s11 =	smul.u32 $0x50000, s2  }
0xb: {  	_ =	strace $0x8000004A;
	s10 =	ssub.s32 $0x2, s6;
	s6 =	sadd.s32 $0x3A000, s8  }
0xc: {  	s30 =	sshrl.u32 s10, $0x1;
	s7 =	sadd.s32 s9, s7;
	s31 =	sshrl.u32 s11, $0x2  }
0xd: {  	s10 =	ssub.s32 s10, s30;
	s12 =	sadd.s32 s7, s8;
	s8 =	sadd.s32 s31, s1  }
0xe: {  	s10 =	smax.u32 s10, $0x1;
	s9 =	sadd.s32 $0x44000, s12;
	s11 =	sadd.s32 $0x4000, s8  }
0xf: {  	v0 =	vimm.f32 $0.0e+00;
	s12 =	sadd.s32 $0x8000, s8;
	s13 =	sadd.s32 $0xC000, s8;
	s14 =	sadd.s32 $0x10000, s8  }
.LBB2_1:
0x10: {  	s26 =	simm.s32 $0x0;
	s28 =	simm.s32 $0x200  }
.LBB2_2:
0x11: {  	p0 =	sne.s32 s28, $0xFE00;
	[tilespmem:s26+$0x2A70] =	vst v0  }
0x12: {  	[tilespmem:s26+$0x2A00] =	vst v0  }
0x13: {  	[tilespmem:s26+$0x2A10] =	vst v0  }
.Ltmp0:
0x14: {  	[tilespmem:s26+$0x2A20] =	vst v0;
	(pc) =	sbr.rel @p0 .LBB2_2-.Ltmp0, $4  }
0x15: {  	[tilespmem:s26+$0x2A30] =	vst v0  }
0x16: {  	[tilespmem:s26+$0x2A40] =	vst v0  }
0x17: {  	[tilespmem:s26+$0x2A50] =	vst v0  }
0x18: {  	[tilespmem:s26+$0x2A60] =	vst v0;
	s26 =	sshra.s32 s28, $0x2;
	s28 =	sadd.s32 $0x200, s28  }
0x19: {  	[tilespmem:s26+$0x2A70] =	vst v0  }
0x1a: {  	[tilespmem:s26+$0x2A00] =	vst v0  }
0x1b: {  	[tilespmem:s26+$0x2A10] =	vst v0  }
0x1c: {  	[tilespmem:s26+$0x2A20] =	vst v0  }
0x1d: {  	[tilespmem:s26+$0x2A30] =	vst v0  }
0x1e: {  	[tilespmem:s26+$0x2A40] =	vst v0  }
0x1f: {  	[tilespmem:s26+$0x2A50] =	vst v0  }
0x20: {  	[tilespmem:s26+$0x2A60] =	vst v0  }
0x21: {  	[spmem:s8] =	stream.linear.scatter [tilespmem:s15], [sflag:$0x3], $0x4000, $0x38;
	[tilespmem:$0x1EA00] =	vst v63  }
0x22: {  	_ =	swait.ge [sflag:s16], $0x4000  }
0x23: {  	[sflag:s16] =	ssyncset.done $0x0  }
0x24: {  	[sflag:s16] =	ssyncadd.s32 $0xFFFFC000  }
0x25: {  	[spmem:s11] =	stream.linear.scatter [tilespmem:s15], [sflag:$0x3], $0x4000, $0x38;
	[tilespmem:$0x1EA00] =	vst v63  }
0x26: {  	_ =	swait.ge [sflag:s16], $0x4000  }
0x27: {  	[sflag:s16] =	ssyncset.done $0x0  }
0x28: {  	[sflag:s16] =	ssyncadd.s32 $0xFFFFC000  }
0x29: {  	[spmem:s12] =	stream.linear.scatter [tilespmem:s15], [sflag:$0x3], $0x4000, $0x38;
	[tilespmem:$0x1EA00] =	vst v63  }
0x2a: {  	_ =	swait.ge [sflag:s16], $0x4000  }
0x2b: {  	[sflag:s16] =	ssyncset.done $0x0  }
0x2c: {  	[sflag:s16] =	ssyncadd.s32 $0xFFFFC000  }
0x2d: {  	[spmem:s13] =	stream.linear.scatter [tilespmem:s15], [sflag:$0x3], $0x4000, $0x38;
	[tilespmem:$0x1EA00] =	vst v63  }
0x2e: {  	_ =	swait.ge [sflag:s16], $0x4000  }
0x2f: {  	[sflag:s16] =	ssyncset.done $0x0  }
0x30: {  	[sflag:s16] =	ssyncadd.s32 $0xFFFFC000  }
0x31: {  	[spmem:s14] =	stream.linear.scatter [tilespmem:s15], [sflag:$0x3], $0x4000, $0x38;
	[tilespmem:$0x1EA00] =	vst v63  }
0x32: {  	_ =	swait.ge [sflag:s16], $0x4000  }
0x33: {  	[sflag:s16] =	ssyncset.done $0x0  }
0x34: {  	s26 =	simm.s32 $0x0;
	[sflag:s16] =	ssyncadd.s32 $0xFFFFC000  }
0x35: {  	p1 =	por $0x1, $0x1;
	s28 =	simm.s32 $0x0;
	[bflag:$0x0] =	sbarrier.arrive $0xFFFF  }
.LBB2_4:
0x36: {  	s28 =	sadd.s32 s28, s7  }
0x37: {  	s28 =	sshrl.u32 s28, $0x3  }
0x38: {  	s29 =	sadd.s32 s5, s28  }
0x39: {  	[tilespmem:s17], [sflag:$0x3] =	stream.linear.gather [hbm4b:s29+s26], $0x1400, $0x38;
	[tilespmem:$0x1EA00] =	vst v63  }
0x3a: {  	_ =	swait.ge [sflag:s16], $0x1400  }
0x3b: {  	[sflag:s16] =	ssyncset.done $0x0  }
0x3c: {  	s28 =	sadd.s32 s6, s28;
	[sflag:s16] =	ssyncadd.s32 $0xFFFFEC00  }
0x3d: {  	[tilespmem:s18], [sflag:$0x3] =	stream.linear.gather [hbm4b:s28+s26], $0x1400, $0x38;
	[tilespmem:$0x1EA00] =	vst v63  }
0x3e: {  	_ =	swait.ge [sflag:s16], $0x1400  }
0x3f: {  	[sflag:s16] =	ssyncset.done $0x0  }
0x40: {  	p0 =	por p1, p1;
	s28 =	simm.s32 $0x0;
	[sflag:s16] =	ssyncadd.s32 $0xFFFFEC00  }
.LBB2_5:
0x41: {  	s29 =	sshra.s32 s28, $0x2  }
0x42: {  	v1 =	vld [tilespmem:s29+$0x200];
	_ =	sdelay $0x4  }
0x43: {  	[tilespmem:$0x0] =	vst v1  }
0x44: {  	v1 =	vld [tilespmem:s29+$0x210];
	_ =	sdelay $0x4  }
0x45: {  	[tilespmem:$0x10] =	vst v1  }
0x46: {  	v1 =	vld [tilespmem:s29+$0x220];
	_ =	sdelay $0x4  }
0x47: {  	[tilespmem:$0x20] =	vst v1  }
0x48: {  	v1 =	vld [tilespmem:s29+$0x230];
	_ =	sdelay $0x4  }
0x49: {  	[tilespmem:$0x30] =	vst v1  }
0x4a: {  	v1 =	vld [tilespmem:s29+$0x240];
	_ =	sdelay $0x4  }
0x4b: {  	[tilespmem:$0x40] =	vst v1  }
0x4c: {  	v1 =	vld [tilespmem:s29+$0x250];
	_ =	sdelay $0x4  }
0x4d: {  	[tilespmem:$0x50] =	vst v1  }
0x4e: {  	v1 =	vld [tilespmem:s29+$0x260];
	_ =	sdelay $0x4  }
0x4f: {  	[tilespmem:$0x60] =	vst v1  }
0x50: {  	v1 =	vld [tilespmem:s29+$0x270];
	_ =	sdelay $0x4  }
0x51: {  	[tilespmem:$0x70] =	vst v1  }
0x52: {  	[tilespmem:s15], [sflag:$0x1] =	stream.indirect.gather [hbm4b:s4+s19], $0x80, s3, s19, $0xb8;
	[tilespmem:$0x1EA00] =	vst v63  }
0x53: {  	v1 =	vld [tilespmem:s29+$0x280];
	_ =	sdelay $0x4  }
0x54: {  	[tilespmem:$0x100] =	vst v1  }
0x55: {  	v1 =	vld [tilespmem:s29+$0x290];
	_ =	sdelay $0x4  }
0x56: {  	[tilespmem:$0x110] =	vst v1  }
0x57: {  	v1 =	vld [tilespmem:s29+$0x2A0];
	_ =	sdelay $0x4  }
0x58: {  	[tilespmem:$0x120] =	vst v1  }
0x59: {  	v1 =	vld [tilespmem:s29+$0x2B0];
	_ =	sdelay $0x4  }
0x5a: {  	[tilespmem:$0x130] =	vst v1  }
0x5b: {  	v1 =	vld [tilespmem:s29+$0x2C0];
	_ =	sdelay $0x4  }
0x5c: {  	[tilespmem:$0x140] =	vst v1  }
0x5d: {  	v1 =	vld [tilespmem:s29+$0x2D0];
	_ =	sdelay $0x4  }
0x5e: {  	[tilespmem:$0x150] =	vst v1  }
0x5f: {  	v1 =	vld [tilespmem:s29+$0x2E0];
	_ =	sdelay $0x4  }
0x60: {  	[tilespmem:$0x160] =	vst v1  }
0x61: {  	v1 =	vld [tilespmem:s29+$0x2F0];
	_ =	sdelay $0x4  }
0x62: {  	[tilespmem:$0x170] =	vst v1  }
0x63: {  	[tilespmem:s21], [sflag:$0x2] =	stream.indirect.gather [hbm4b:s4+s19], $0x80, s20, s19, $0xb8;
	[tilespmem:$0x1EA00] =	vst v63  }
0x64: {  	v1 =	vld [tilespmem:s29+$0x1600];
	_ =	sdelay $0x4  }
0x65: {  	[tilespmem:$0x80] =	vst v1  }
0x66: {  	v1 =	vld [tilespmem:s29+$0x1610];
	_ =	sdelay $0x4  }
0x67: {  	[tilespmem:$0x90] =	vst v1  }
0x68: {  	v1 =	vld [tilespmem:s29+$0x1620];
	_ =	sdelay $0x4  }
0x69: {  	[tilespmem:$0xA0] =	vst v1  }
0x6a: {  	v1 =	vld [tilespmem:s29+$0x1630];
	_ =	sdelay $0x4  }
0x6b: {  	[tilespmem:$0xB0] =	vst v1  }
0x6c: {  	v1 =	vld [tilespmem:s29+$0x1640];
	_ =	sdelay $0x4  }
0x6d: {  	[tilespmem:$0xC0] =	vst v1  }
0x6e: {  	v1 =	vld [tilespmem:s29+$0x1650];
	_ =	sdelay $0x4  }
0x6f: {  	[tilespmem:$0xD0] =	vst v1  }
0x70: {  	v1 =	vld [tilespmem:s29+$0x1660];
	_ =	sdelay $0x4  }
0x71: {  	[tilespmem:$0xE0] =	vst v1  }
0x72: {  	v1 =	vld [tilespmem:s29+$0x1670];
	_ =	sdelay $0x4  }
0x73: {  	[tilespmem:$0xF0] =	vst v1  }
0x74: {  	_ =	swait.ge [sflag:s22], $0x4000  }
0x75: {  	[sflag:s22] =	ssyncset.done $0x0  }
0x76: {  	[sflag:s22] =	ssyncadd.s32 $0xFFFFC000  }
0x77: {  	[spmem:s1] =	stream.indirect.scatter.add.f32 [tilespmem:s15], [sflag:$0x3], $0x80, s19, s19, $0xb8;
	[tilespmem:$0x1EA00] =	vst v63  }
0x78: {  	_ =	swait.ge [sflag:s16], $0x4000  }
0x79: {  	[sflag:s16] =	ssyncset.done $0x0  }
0x7a: {  	[sflag:s16] =	ssyncadd.s32 $0xFFFFC000  }
0x7b: {  	v1 =	vld [tilespmem:s29+$0x300];
	_ =	sdelay $0x4  }
0x7c: {  	[tilespmem:$0x0] =	vst v1  }
0x7d: {  	v1 =	vld [tilespmem:s29+$0x310];
	_ =	sdelay $0x4  }
0x7e: {  	[tilespmem:$0x10] =	vst v1  }
0x7f: {  	v1 =	vld [tilespmem:s29+$0x320];
	_ =	sdelay $0x4  }
0x80: {  	[tilespmem:$0x20] =	vst v1  }
0x81: {  	v1 =	vld [tilespmem:s29+$0x330];
	_ =	sdelay $0x4  }
0x82: {  	[tilespmem:$0x30] =	vst v1  }
0x83: {  	v1 =	vld [tilespmem:s29+$0x340];
	_ =	sdelay $0x4  }
0x84: {  	[tilespmem:$0x40] =	vst v1  }
0x85: {  	v1 =	vld [tilespmem:s29+$0x350];
	_ =	sdelay $0x4  }
0x86: {  	[tilespmem:$0x50] =	vst v1  }
0x87: {  	v1 =	vld [tilespmem:s29+$0x360];
	_ =	sdelay $0x4  }
0x88: {  	[tilespmem:$0x60] =	vst v1  }
0x89: {  	v1 =	vld [tilespmem:s29+$0x370];
	_ =	sdelay $0x4  }
0x8a: {  	[tilespmem:$0x70] =	vst v1  }
0x8b: {  	[tilespmem:s15], [sflag:$0x1] =	stream.indirect.gather [hbm4b:s4+s19], $0x80, s3, s19, $0xb8;
	[tilespmem:$0x1EA00] =	vst v63  }
0x8c: {  	v1 =	vld [tilespmem:s29+$0x1680];
	_ =	sdelay $0x4  }
0x8d: {  	[tilespmem:$0x180] =	vst v1  }
0x8e: {  	v1 =	vld [tilespmem:s29+$0x1690];
	_ =	sdelay $0x4  }
0x8f: {  	[tilespmem:$0x190] =	vst v1  }
0x90: {  	v1 =	vld [tilespmem:s29+$0x16A0];
	_ =	sdelay $0x4  }
0x91: {  	[tilespmem:$0x1A0] =	vst v1  }
0x92: {  	v1 =	vld [tilespmem:s29+$0x16B0];
	_ =	sdelay $0x4  }
0x93: {  	[tilespmem:$0x1B0] =	vst v1  }
0x94: {  	v1 =	vld [tilespmem:s29+$0x16C0];
	_ =	sdelay $0x4  }
0x95: {  	[tilespmem:$0x1C0] =	vst v1  }
0x96: {  	v1 =	vld [tilespmem:s29+$0x16D0];
	_ =	sdelay $0x4  }
0x97: {  	[tilespmem:$0x1D0] =	vst v1  }
0x98: {  	v1 =	vld [tilespmem:s29+$0x16E0];
	_ =	sdelay $0x4  }
0x99: {  	[tilespmem:$0x1E0] =	vst v1  }
0x9a: {  	v1 =	vld [tilespmem:s29+$0x16F0];
	_ =	sdelay $0x4  }
0x9b: {  	[tilespmem:$0x1F0] =	vst v1  }
0x9c: {  	_ =	swait.ge [sflag:s23], $0x4000  }
0x9d: {  	[sflag:s23] =	ssyncset.done $0x0  }
0x9e: {  	[sflag:s23] =	ssyncadd.s32 $0xFFFFC000  }
0x9f: {  	[spmem:s1] =	stream.indirect.scatter.add.f32 [tilespmem:s21], [sflag:$0x3], $0x80, s24, s19, $0xb8;
	[tilespmem:$0x1EA00] =	vst v63  }
0xa0: {  	_ =	swait.ge [sflag:s16], $0x4000  }
0xa1: {  	[sflag:s16] =	ssyncset.done $0x0  }
0xa2: {  	[sflag:s16] =	ssyncadd.s32 $0xFFFFC000  }
0xa3: {  	v1 =	vld [tilespmem:s29+$0x380];
	_ =	sdelay $0x4  }
0xa4: {  	[tilespmem:$0x100] =	vst v1  }
0xa5: {  	v1 =	vld [tilespmem:s29+$0x390];
	_ =	sdelay $0x4  }
0xa6: {  	[tilespmem:$0x110] =	vst v1  }
0xa7: {  	v1 =	vld [tilespmem:s29+$0x3A0];
	_ =	sdelay $0x4  }
0xa8: {  	[tilespmem:$0x120] =	vst v1  }
0xa9: {  	v1 =	vld [tilespmem:s29+$0x3B0];
	_ =	sdelay $0x4  }
0xaa: {  	[tilespmem:$0x130] =	vst v1  }
0xab: {  	v1 =	vld [tilespmem:s29+$0x3C0];
	_ =	sdelay $0x4  }
0xac: {  	[tilespmem:$0x140] =	vst v1  }
0xad: {  	v1 =	vld [tilespmem:s29+$0x3D0];
	_ =	sdelay $0x4  }
0xae: {  	[tilespmem:$0x150] =	vst v1  }
0xaf: {  	v1 =	vld [tilespmem:s29+$0x3E0];
	_ =	sdelay $0x4  }
0xb0: {  	[tilespmem:$0x160] =	vst v1  }
0xb1: {  	v1 =	vld [tilespmem:s29+$0x3F0];
	_ =	sdelay $0x4  }
0xb2: {  	[tilespmem:$0x170] =	vst v1  }
0xb3: {  	[tilespmem:s21], [sflag:$0x2] =	stream.indirect.gather [hbm4b:s4+s19], $0x80, s20, s19, $0xb8;
	[tilespmem:$0x1EA00] =	vst v63  }
0xb4: {  	v1 =	vld [tilespmem:s29+$0x1700];
	_ =	sdelay $0x4  }
0xb5: {  	[tilespmem:$0x80] =	vst v1  }
0xb6: {  	v1 =	vld [tilespmem:s29+$0x1710];
	_ =	sdelay $0x4  }
0xb7: {  	[tilespmem:$0x90] =	vst v1  }
0xb8: {  	v1 =	vld [tilespmem:s29+$0x1720];
	_ =	sdelay $0x4  }
0xb9: {  	[tilespmem:$0xA0] =	vst v1  }
0xba: {  	v1 =	vld [tilespmem:s29+$0x1730];
	_ =	sdelay $0x4  }
0xbb: {  	[tilespmem:$0xB0] =	vst v1  }
0xbc: {  	v1 =	vld [tilespmem:s29+$0x1740];
	_ =	sdelay $0x4  }
0xbd: {  	[tilespmem:$0xC0] =	vst v1  }
0xbe: {  	v1 =	vld [tilespmem:s29+$0x1750];
	_ =	sdelay $0x4  }
0xbf: {  	[tilespmem:$0xD0] =	vst v1  }
0xc0: {  	v1 =	vld [tilespmem:s29+$0x1760];
	_ =	sdelay $0x4  }
0xc1: {  	[tilespmem:$0xE0] =	vst v1  }
0xc2: {  	v1 =	vld [tilespmem:s29+$0x1770];
	_ =	sdelay $0x4  }
0xc3: {  	[tilespmem:$0xF0] =	vst v1  }
0xc4: {  	_ =	swait.ge [sflag:s22], $0x4000  }
0xc5: {  	[sflag:s22] =	ssyncset.done $0x0  }
0xc6: {  	[sflag:s22] =	ssyncadd.s32 $0xFFFFC000  }
0xc7: {  	[spmem:s1] =	stream.indirect.scatter.add.f32 [tilespmem:s15], [sflag:$0x3], $0x80, s19, s19, $0xb8;
	[tilespmem:$0x1EA00] =	vst v63  }
0xc8: {  	_ =	swait.ge [sflag:s16], $0x4000  }
0xc9: {  	[sflag:s16] =	ssyncset.done $0x0  }
0xca: {  	[sflag:s16] =	ssyncadd.s32 $0xFFFFC000  }
0xcb: {  	v1 =	vld [tilespmem:s29+$0x1780];
	_ =	sdelay $0x4  }
0xcc: {  	[tilespmem:$0x180] =	vst v1  }
0xcd: {  	v1 =	vld [tilespmem:s29+$0x1790];
	_ =	sdelay $0x4  }
0xce: {  	[tilespmem:$0x190] =	vst v1  }
0xcf: {  	v1 =	vld [tilespmem:s29+$0x17A0];
	_ =	sdelay $0x4  }
0xd0: {  	[tilespmem:$0x1A0] =	vst v1  }
0xd1: {  	v1 =	vld [tilespmem:s29+$0x17B0];
	_ =	sdelay $0x4  }
0xd2: {  	[tilespmem:$0x1B0] =	vst v1  }
0xd3: {  	v1 =	vld [tilespmem:s29+$0x17C0];
	_ =	sdelay $0x4  }
0xd4: {  	[tilespmem:$0x1C0] =	vst v1  }
0xd5: {  	v1 =	vld [tilespmem:s29+$0x17D0];
	_ =	sdelay $0x4  }
0xd6: {  	[tilespmem:$0x1D0] =	vst v1  }
0xd7: {  	v1 =	vld [tilespmem:s29+$0x17E0];
	_ =	sdelay $0x4  }
0xd8: {  	[tilespmem:$0x1E0] =	vst v1  }
0xd9: {  	v1 =	vld [tilespmem:s29+$0x17F0];
	_ =	sdelay $0x4  }
0xda: {  	[tilespmem:$0x1F0] =	vst v1  }
0xdb: {  	_ =	swait.ge [sflag:s23], $0x4000  }
0xdc: {  	p1 =	sne.s32 s28, $0x4800;
	[sflag:s23] =	ssyncset.done $0x0  }
.Ltmp1:
0xdd: {  	[sflag:s23] =	ssyncadd.s32 $0xFFFFC000;
	(pc) =	sbr.rel @p1 .LBB2_5-.Ltmp1, $4  }
0xde: {  	[spmem:s1] =	stream.indirect.scatter.add.f32 [tilespmem:s21], [sflag:$0x3], $0x80, s24, s19, $0xb8;
	[tilespmem:$0x1EA00] =	vst v63  }
0xdf: {  	_ =	swait.ge [sflag:s16], $0x4000  }
0xe0: {  	[sflag:s16] =	ssyncset.done $0x0  }
0xe1: {  	s28 =	sadd.s32 $0x800, s28;
	[sflag:s16] =	ssyncadd.s32 $0xFFFFC000  }
.Ltmp2:
0xe2: {  	(pc) =	sbr.rel @p0 .LBB2_4-.Ltmp2, $2  }
0xe3: {  	_ =	sdelay $0x2  }
0xe4: {  	s28 =	simm.s32 $0x1400;
	p1 =	por $0x0, $0x0  }
0xe5: {  	s25 =	sadd.s32 $0x1, s25  }
0xe6: {  	s26 =	sshll.u32 s2, $0x6;
	[bflag:$0x0] =	sbarrier.arrive $0xFFFF;
	p0 =	sne.s32 s25, s10  }
.Ltmp3:
0xe7: {  	s28 =	sshrl.u32 s8, $0x3;
	s26 =	sor.u32 $0x1C03, s26;
	(pc) =	sbr.rel @p0 .LBB2_1-.Ltmp3, $4  }
0xe8: {  	[hbm:s9], [sflag:s26] =	dma.local [spmem:s28], $0x2800  }
0xe9: {  	_ =	swait.ge [sflag:s16], $0x2800  }
0xea: {  	[sflag:s16] =	ssyncset.done $0x0  }
0xeb: {  	[sflag:s16] =	ssyncadd.s32 $0xFFFFD800  }
0xec: {  	_ =	sfence.sel $0x180000  }
0xed: {  	[bflag:$0x0] =	sbarrier.arrive $0xFFFF  }
0xee: {  	p0 =	sne.s32 s2, $0x0;
	_ =	strace $0x9000004A  }
0xef: {  	s0 =	sadd.s32 @!p0 $0x100000, s0;
	[bflag:$0x2] =	sbarrier.arrive $0xFFFF  }
0xf0: {  	[sflag:s0] =	ssyncadd.tile.s32 @!p0 $0x1;
	_ =	shalt  }
.Lfunc_end2:
_tile_overlayer_lowered:
.L_overlay_start_2:
0xf1: {  	(tag) =	ssettag $0x2  }
0xf2: {  	s0 =	rddreg [dreg:$0x0];
	s2 =	stileid.u32  }
0xf3: {  	s1 =	rddreg [dreg:$0x1];
	p0 =	sne.s32 s2, $0x0  }
0xf4: {  	s3 =	rddreg [dreg:$0x2];
	[bflag:$0x3] =	sbarrier.arrive $0xFFFF;
	s2 =	simm.s32 @!p0 $0x1C03  }
0xf5: {  	[timem:s3], [sflag:s2] =	dma.local @!p0 [hbm:s0], s1  }
0xf6: {  	s0 =	simm.s32 @!p0 $0x3  }
0xf7: {  	_ =	swait.ge @!p0 [sflag:s0], s1  }
0xf8: {  	s1 =	ssub.s32 @!p0 $0x0, s1;
	[sflag:s0] =	ssyncset.done @!p0 $0x0  }
0xf9: {  	[sflag:s0] =	ssyncadd.s32 @!p0 s1  }
0xfa: {  	[bflag:$0x3] =	sbarrier.arrive $0xFFFF  }
0xfb: {  	_ =	shalt  }

// kernel: kernel.16.cloned.1.call-start
scs
__scs_entry_jumppad:
0x0: {  	(pc) =	sbr.rel $0x88, $3  }
0x1: {  	(tag) =	ssettag $0x0;
	lr =	simm.s32 $0x1  }
0x2: {  	[smem:$0x3F93] =	sst lr;
	_ =	strace $0xD0000000  }
0x3: {  	_ = 	snop  }
0x4: {  	_ = 	snop  }
0x5: {  	_ = 	snop  }
0x6: {  	_ = 	snop  }
0x7: {  	_ = 	snop  }
__scs_overlays_trampoline_lowered:
0x8: {  	[smem:$0x3FA2] =	sst s0  }
0x9: {  	[smem:$0x3FA3] =	sst s1  }
0xa: {  	[smem:$0x3FA4] =	sst s2  }
0xb: {  	[smem:$0x3FA5] =	sst s3  }
0xc: {  	[smem:$0x3FA6] =	sst s4  }
0xd: {  	[smem:$0x3FA7] =	sst s5  }
0xe: {  	[smem:$0x3FA8] =	sst s6  }
0xf: {  	[smem:$0x3FA9] =	sst s7  }
0x10: {  	[smem:$0x3FAA] =	sst s8  }
0x11: {  	[smem:$0x3FAB] =	sst s9;
	s0 =	simm.s32 @!p0 $0x0  }
0x12: {  	s1 =	sld [smem:$0x3F91];
	s0 =	simm.s32 @p0 $0x1  }
0x13: {  	[smem:$0x3FAC] =	sst s0;
	s0 =	simm.s32 @!p1 $0x0  }
0x14: {  	s2 =	sld [smem:$0x3F90];
	s0 =	simm.s32 @p1 $0x1  }
0x15: {  	[smem:$0x3FAD] =	sst s0;
	s0 =	simm.s32 @!p2 $0x0  }
0x16: {  	s3 =	sld [smem:$0x3FDB];
	s0 =	simm.s32 @p2 $0x1  }
0x17: {  	s4 =	simm.s32 $0x1BF5;
	[smem:$0x3FAF] =	sst s0  }
0x18: {  	s0 =	sld [smem:$0x3F92];
	_ =	swait.ge [sflag:s4], $0x0  }
0x19: {  	s7 =	sld [smem:$0x3F93]  }
0x1a: {  	s8 =	sadd.s32 $0xFFFFE003, lr  }
0x1b: {  	s9 =	sadd.s32 $0xFFFFFEF7, lr;
	s5 =	simm.s32 $0xFFFFFFFF;
	p2 =	slt.u32 s8, $0xFFFFF086  }
0x1c: {  	p1 =	slt.u32 s9, $0xF7A;
	s5 =	simm.s32 @!p2 $0x0  }
0x1d: {  	s5 =	simm.s32 @p1 $0x1;
	p0 =	seq.s32 s7, s2  }
0x1e: {  	s7 =	smul.u32 @!p0 $0xF7A, s2;
	p2 =	seq.s32 @!p0 s5, $0x0  }
0x1f: {  	s9 =	smul.u32 $0xF7A, s1;
	s8 =	simm.s32 @!p0 $0x1BF5;
	p2 =	por !p2, p0  }
0x20: {  	[sflag:s8] =	ssyncset.s32 @!p0 $0xFFFFF086;
	s6 =	sadd.s32 @!p0 s3, s7;
	s7 =	simm.s32 @!p0 $0x108  }
0x21: {  	s3 =	sadd.s32 s3, s9;
	s6 =	sadd.s32 @!p0 $0x88, s6;
	s7 =	simm.s32 @p2 $0x1082  }
0x22: {  	[simem:s7], [sflag:s8] =	dma.local @!p0 [hbm:s6], $0xF7A  }
0x23: {  	s9 =	sor.u32 $0xD0000000, s2;
	s6 =	simm.s32 $0x108;
	_ =	swait.ge @!p0 [sflag:s8], $0x0  }
0x24: {  	s3 =	sadd.s32 $0x88, s3;
	s6 =	simm.s32 @!p1 $0x1082;
	[sflag:s4] =	ssyncset.s32 $0xFFFFF086  }
0x25: {  	[simem:s6], [sflag:s4] =	dma.local [hbm:s3], $0xF7A  }
0x26: {  	[smem:$0x3F93] =	sst s1;
	(tag) =	ssettag s2;
	_ =	strace s9  }
0x27: {  	s1 =	sld [smem:$0x3FA3]  }
0x28: {  	s2 =	sld [smem:$0x3FA4]  }
0x29: {  	s4 =	sld [smem:$0x3FA6]  }
0x2a: {  	p0 =	seq.s32 s5, $0x0;
	s5 =	sld [smem:$0x3FA7]  }
0x2b: {  	s6 =	sld [smem:$0x3FA8]  }
0x2c: {  	s7 =	sld [smem:$0x3FA9]  }
0x2d: {  	s3 =	simm.s32 $0x108;
	s8 =	sld [smem:$0x3FAA]  }
0x2e: {  	s3 =	simm.s32 @!p0 $0x1082;
	s9 =	sld [smem:$0x3FAB]  }
0x2f: {  	lr =	sadd.s32 s0, s3;
	s0 =	sld [smem:$0x3FA2]  }
0x30: {  	s3 =	sld [smem:$0x3FA5]  }
0x31: {  	[smem:$0x3FAE] =	sst s10  }
0x32: {  	s10 =	sld [smem:$0x3FAC];
	_ =	sdelay $0x3  }
0x33: {  	p0 =	seq.s32 s10, $0x1;
	s10 =	sld [smem:$0x3FAE];
	_ =	sdelay $0x3  }
0x34: {  	[smem:$0x3FAE] =	sst s10  }
0x35: {  	s10 =	sld [smem:$0x3FAD];
	_ =	sdelay $0x3  }
0x36: {  	p1 =	seq.s32 s10, $0x1;
	s10 =	sld [smem:$0x3FAE];
	_ =	sdelay $0x3  }
0x37: {  	[smem:$0x3FAE] =	sst s10  }
0x38: {  	s10 =	sld [smem:$0x3FAF]  }
0x39: {  	_ = 	snop;
	(pc) =	sbr.ind lr, $3  }
0x3a: {  	_ = 	snop  }
0x3b: {  	_ = 	snop  }
0x3c: {  	p2 =	seq.s32 s10, $0x1;
	s10 =	sld [smem:$0x3FAE]  }
0x3d: {  	_ =	shalt  }
0x3e: {  	_ =	shalt  }
0x3f: {  	_ =	shalt  }
0x40: {  	_ =	shalt  }
0x41: {  	_ =	shalt  }
0x42: {  	_ =	shalt  }
0x43: {  	_ =	shalt  }
0x44: {  	_ =	shalt  }
0x45: {  	_ =	shalt  }
0x46: {  	_ =	shalt  }
0x47: {  	_ =	shalt  }
0x48: {  	_ =	shalt  }
0x49: {  	_ =	shalt  }
0x4a: {  	_ =	shalt  }
0x4b: {  	_ =	shalt  }
0x4c: {  	_ =	shalt  }
0x4d: {  	_ =	shalt  }
0x4e: {  	_ =	shalt  }
0x4f: {  	_ =	shalt  }
0x50: {  	_ =	shalt  }
0x51: {  	_ =	shalt  }
0x52: {  	_ =	shalt  }
0x53: {  	_ =	shalt  }
0x54: {  	_ =	shalt  }
0x55: {  	_ =	shalt  }
0x56: {  	_ =	shalt  }
0x57: {  	_ =	shalt  }
0x58: {  	_ =	shalt  }
0x59: {  	_ =	shalt  }
0x5a: {  	_ =	shalt  }
0x5b: {  	_ =	shalt  }
0x5c: {  	_ =	shalt  }
0x5d: {  	_ =	shalt  }
0x5e: {  	_ =	shalt  }
0x5f: {  	_ =	shalt  }
0x60: {  	_ =	shalt  }
0x61: {  	_ =	shalt  }
0x62: {  	_ =	shalt  }
0x63: {  	_ =	shalt  }
0x64: {  	_ =	shalt  }
0x65: {  	_ =	shalt  }
0x66: {  	_ =	shalt  }
0x67: {  	_ =	shalt  }
0x68: {  	_ =	shalt  }
0x69: {  	_ =	shalt  }
0x6a: {  	_ =	shalt  }
0x6b: {  	_ =	shalt  }
0x6c: {  	_ =	shalt  }
0x6d: {  	_ =	shalt  }
0x6e: {  	_ =	shalt  }
0x6f: {  	_ =	shalt  }
0x70: {  	_ =	shalt  }
0x71: {  	_ =	shalt  }
0x72: {  	_ =	shalt  }
0x73: {  	_ =	shalt  }
0x74: {  	_ =	shalt  }
0x75: {  	_ =	shalt  }
0x76: {  	_ =	shalt  }
0x77: {  	_ =	shalt  }
0x78: {  	_ =	shalt  }
0x79: {  	_ =	shalt  }
0x7a: {  	_ =	shalt  }
0x7b: {  	_ =	shalt  }
0x7c: {  	_ =	shalt  }
0x7d: {  	_ =	shalt  }
0x7e: {  	_ =	shalt  }
0x7f: {  	_ =	shalt  }
0x80: {  	_ =	shalt  }
0x81: {  	_ =	shalt  }
0x82: {  	_ =	shalt  }
0x83: {  	_ =	shalt  }
0x84: {  	_ =	shalt  }
0x85: {  	_ =	shalt  }
0x86: {  	_ =	shalt  }
0x87: {  	_ =	shalt  }
.Lfunc_end0:
.L_simem_size_0:
called_computation.2_lowered:
.L_overlay_start_0:
0x88: {  	s2 =	sld [smem:$0x3FD9]  }
0x89: {  	s3 =	sld [smem:$0x3FFE];
	_ =	sdelay $0x1  }
0x8a: {  	s1 =	srdreg.scid  }
0x8b: {  	s0 =	sand.u32 $0x1, s1  }
0x8c: {  	s16 =	sshll.u32 s0, $0xA;
	s2 =	sadd.s32 s3, s2  }
0x8d: {  	s2 =	sadd.s32 s2, s16  }
0x8e: {  	[smem:$0x3FBA] =	sst s2  }
0x8f: {  	_ = 	snop  }
0x90: {  	(tm) =	ssettm $0x1  }
0x91: {  	s17 =	sld [smem:$0x3FFB];
	_ =	sdelay $0x3  }
0x92: {  	_ =	strace s17  }
0x93: {  	s2 =	sld [smem:$0x3FFC];
	_ =	sdelay $0x3  }
0x94: {  	_ =	strace s2  }
0x95: {  	s2 =	sld [smem:$0x3FFD];
	_ =	sdelay $0x3  }
0x96: {  	_ =	strace s2  }
0x97: {  	_ =	strace $0x8FFFFFFF  }
0x98: {  	s18 =	sld [smem:$0x3FDB];
	_ =	sdelay $0x1  }
0x99: {  	s19 =	simm.s32 $_scs_section_size  }
0x9a: {  	s4 =	simm.s32 $_size__tile_overlayer_lowered;
	s5 =	simm.s32 $_tile_overlayer_lowered  }
0x9b: {  	s22 =	simm.s32 $0x1BFF;
	s21 =	sshll.u32 s5, $0x1;
	s2 =	sadd.s32 s19, s18  }
0x9c: {  	s6 =	simm.s32 $0x0;
	s20 =	sshll.u32 s4, $0x1;
	s4 =	sadd.s32 s21, s2  }
0x9d: {  	[timem:s6], [sflag:s22] =	dma.local [hbm:s4], s20  }
0x9e: {  	_ =	swait.ge [sflag:s22], s20  }
0x9f: {  	s3 =	ssub.s32 $0x0, s20;
	[sflag:s22] =	ssyncset.done $0x0  }
0xa0: {  	[sflag:s22] =	ssyncadd.s32 s3;
	_ =	sdelay $0x1  }
0xa1: {  	s23 =	simm.s32 $0x1B8B  }
0xa2: {  	_ =	swait.ge [sflag:s23], $0x1  }
0xa3: {  	[sflag:s23] =	ssyncset.done $0x0  }
0xa4: {  	s25 =	simm.s32 $0x1B8E;
	s24 =	sld [smem:$0x3FFE];
	[sflag:s23] =	ssyncadd.s32 $0xFFFFFFFF  }
0xa5: {  	s26 =	simm.s32 $execute0_lowered;
	[smem:$0x3FD2] =	sst s25  }
0xa6: {  	s4 =	sshll.u32 s26, $0x1;
	_ =	strace $0x8000004C;
	[dreg:$0x1] =	wrdreg $0xFFFFFFFF  }
0xa7: {  	s28 =	simm.s32 $_size_execute0_lowered;
	s2 =	sadd.s32 s2, s4;
	[dreg:$0x0] =	wrdreg $0x0  }
0xa8: {  	s4 =	sshll.u32 s28, $0x1;
	[dreg:$0x2] =	wrdreg s2  }
0xa9: {  	[dreg:$0x3] =	wrdreg s4  }
0xaa: {  	[dreg:$0x4] =	wrdreg $0xC0  }
0xab: {  	_ =	task [dreg:s6], $0x5FFFF  }
0xac: {  	[dreg:$0x1] =	wrdreg $0xFFFFFFFF  }
0xad: {  	[dreg:$0x0] =	wrdreg $0x60  }
0xae: {  	[dreg:$0x2] =	wrdreg s24  }
0xaf: {  	[dreg:$0x3] =	wrdreg $0xAA000  }
0xb0: {  	[dreg:$0x4] =	wrdreg $0x9  }
0xb1: {  	_ =	task.clear_ibuf [dreg:s6], $0x5FFFF;
	_ =	strace $0x9000004C  }
0xb2: {  	s29 =	simm.s32 $0x9;
	_ =	strace $0x8000004E  }
0xb3: {  	_ =	swait.ge [sflag:s29], $0x1  }
0xb4: {  	[sflag:s29] =	ssyncadd.s32 $0xFFFFFFFF  }
0xb5: {  	_ =	strace $0x9000004E  }
0xb6: {  	_ =	sfence  }
0xb7: {  	s30 =	sld [smem:$0x0];
	_ =	sdelay $0x2  }
0xb8: {  	s31 =	sshll.u32 s1, $0xD;
	s1 =	sshrl.u32 s1, $0x2  }
0xb9: {  	s3 =	sand.u32 $0x4000, s31;
	s1 =	sadd.s32 s1, s30  }
0xba: {  	s0 =	sor.u32 s3, s0;
	s1 =	sshll.u32 s1, $0x11  }
0xbb: {  	s0 =	sor.u32 s1, s0  }
0xbc: {  	s0 =	sadd.s32 $0x8F2B, s0  }
0xbd: {  	[sflag:s0] =	ssyncadd.remote.s32 $0x1  }
0xbe: {  	_ =	sfence.sel $0xFFFF  }
0xbf: {  	[dreg:$0x0] =	wrdreg $0xFFFFFFFF;
	(pc) =	sbr.abs _section_cstart, $3  }
0xc0: {  	[dreg:$0x1] =	wrdreg $0xFFFFFFFF  }
0xc1: {  	_ =	task.clear_ibuf [dreg:s6], $0x2FFFF;
	_ =	strace $0x9FFFFFFF  }
0xc2: {  	(tm) =	ssettm $0x7FFFFFFF  }
0xc3: {  	_ =	shalt  }
tec
execute0_lowered:
.L_overlay_start_1:
0x0: {  	(tag) =	ssettag $0x1  }
0x1: {  	s8 =	rddreg [dreg:$0x0]  }
0x2: {  	s1 =	rddreg [dreg:$0x1]  }
0x3: {  	s0 =	rddreg [dreg:$0x2]  }
0x4: {  	s3 =	simm.s32 $0x0;
	s2 =	srdreg.scid;
	s15 =	simm.s32 $0x2A00  }
0x5: {  	s16 =	simm.s32 $0x3;
	s17 =	simm.s32 $0x200;
	s18 =	simm.s32 $0x1600  }
0x6: {  	s19 =	simm.s32 $0x80;
	s20 =	simm.s32 $0x100;
	s21 =	simm.s32 $0x6A00  }
0x7: {  	s22 =	simm.s32 $0x1;
	s23 =	simm.s32 $0x2;
	s6 =	sand.u32 $0x1, s2  }
0x8: {  	s24 =	simm.s32 $0x180;
	s2 =	stileid.u32;
	s7 =	smul.u32 $0x28000, s6  }
0x9: {  	s25 =	simm.s32 $0x0;
	[smem:$0x7FF] =	sst s3;
	s9 =	smul.u32 $0x2800, s2  }
0xa: {  	s4 =	sadd.s32 $0x3A00, s8;
	s5 =	sadd.s32 $0x30000, s8;
	s11 =	smul.u32 $0x50000, s2  }
0xb: {  	_ =	strace $0x8000004D;
	s10 =	ssub.s32 $0x2, s6;
	s6 =	sadd.s32 $0x3A000, s8  }
0xc: {  	s30 =	sshrl.u32 s10, $0x1;
	s7 =	sadd.s32 s9, s7;
	s31 =	sshrl.u32 s11, $0x2  }
0xd: {  	s10 =	ssub.s32 s10, s30;
	s12 =	sadd.s32 s7, s8;
	s8 =	sadd.s32 s31, s1  }
0xe: {  	s10 =	smax.u32 s10, $0x1;
	s9 =	sadd.s32 $0x44000, s12;
	s11 =	sadd.s32 $0x4000, s8  }
0xf: {  	v0 =	vimm.f32 $0.0e+00;
	s12 =	sadd.s32 $0x8000, s8;
	s13 =	sadd.s32 $0xC000, s8;
	s14 =	sadd.s32 $0x10000, s8  }
.LBB2_1:
0x10: {  	s26 =	simm.s32 $0x0;
	s28 =	simm.s32 $0x200  }
.LBB2_2:
0x11: {  	p0 =	sne.s32 s28, $0xFE00;
	[tilespmem:s26+$0x2A70] =	vst v0  }
0x12: {  	[tilespmem:s26+$0x2A00] =	vst v0  }
0x13: {  	[tilespmem:s26+$0x2A10] =	vst v0  }
.Ltmp0:
0x14: {  	[tilespmem:s26+$0x2A20] =	vst v0;
	(pc) =	sbr.rel @p0 .LBB2_2-.Ltmp0, $4  }
0x15: {  	[tilespmem:s26+$0x2A30] =	vst v0  }
0x16: {  	[tilespmem:s26+$0x2A40] =	vst v0  }
0x17: {  	[tilespmem:s26+$0x2A50] =	vst v0  }
0x18: {  	[tilespmem:s26+$0x2A60] =	vst v0;
	s26 =	sshra.s32 s28, $0x2;
	s28 =	sadd.s32 $0x200, s28  }
0x19: {  	[tilespmem:s26+$0x2A70] =	vst v0  }
0x1a: {  	[tilespmem:s26+$0x2A00] =	vst v0  }
0x1b: {  	[tilespmem:s26+$0x2A10] =	vst v0  }
0x1c: {  	[tilespmem:s26+$0x2A20] =	vst v0  }
0x1d: {  	[tilespmem:s26+$0x2A30] =	vst v0  }
0x1e: {  	[tilespmem:s26+$0x2A40] =	vst v0  }
0x1f: {  	[tilespmem:s26+$0x2A50] =	vst v0  }
0x20: {  	[tilespmem:s26+$0x2A60] =	vst v0  }
0x21: {  	[spmem:s8] =	stream.linear.scatter [tilespmem:s15], [sflag:$0x3], $0x4000, $0x38;
	[tilespmem:$0x1EA00] =	vst v63  }
0x22: {  	_ =	swait.ge [sflag:s16], $0x4000  }
0x23: {  	[sflag:s16] =	ssyncset.done $0x0  }
0x24: {  	[sflag:s16] =	ssyncadd.s32 $0xFFFFC000  }
0x25: {  	[spmem:s11] =	stream.linear.scatter [tilespmem:s15], [sflag:$0x3], $0x4000, $0x38;
	[tilespmem:$0x1EA00] =	vst v63  }
0x26: {  	_ =	swait.ge [sflag:s16], $0x4000  }
0x27: {  	[sflag:s16] =	ssyncset.done $0x0  }
0x28: {  	[sflag:s16] =	ssyncadd.s32 $0xFFFFC000  }
0x29: {  	[spmem:s12] =	stream.linear.scatter [tilespmem:s15], [sflag:$0x3], $0x4000, $0x38;
	[tilespmem:$0x1EA00] =	vst v63  }
0x2a: {  	_ =	swait.ge [sflag:s16], $0x4000  }
0x2b: {  	[sflag:s16] =	ssyncset.done $0x0  }
0x2c: {  	[sflag:s16] =	ssyncadd.s32 $0xFFFFC000  }
0x2d: {  	[spmem:s13] =	stream.linear.scatter [tilespmem:s15], [sflag:$0x3], $0x4000, $0x38;
	[tilespmem:$0x1EA00] =	vst v63  }
0x2e: {  	_ =	swait.ge [sflag:s16], $0x4000  }
0x2f: {  	[sflag:s16] =	ssyncset.done $0x0  }
0x30: {  	[sflag:s16] =	ssyncadd.s32 $0xFFFFC000  }
0x31: {  	[spmem:s14] =	stream.linear.scatter [tilespmem:s15], [sflag:$0x3], $0x4000, $0x38;
	[tilespmem:$0x1EA00] =	vst v63  }
0x32: {  	_ =	swait.ge [sflag:s16], $0x4000  }
0x33: {  	[sflag:s16] =	ssyncset.done $0x0  }
0x34: {  	s26 =	simm.s32 $0x0;
	[sflag:s16] =	ssyncadd.s32 $0xFFFFC000  }
0x35: {  	p1 =	por $0x1, $0x1;
	s28 =	simm.s32 $0x0;
	[bflag:$0x0] =	sbarrier.arrive $0xFFFF  }
.LBB2_4:
0x36: {  	s28 =	sadd.s32 s28, s7  }
0x37: {  	s28 =	sshrl.u32 s28, $0x3  }
0x38: {  	s29 =	sadd.s32 s5, s28  }
0x39: {  	[tilespmem:s17], [sflag:$0x3] =	stream.linear.gather [hbm4b:s29+s26], $0x1400, $0x38;
	[tilespmem:$0x1EA00] =	vst v63  }
0x3a: {  	_ =	swait.ge [sflag:s16], $0x1400  }
0x3b: {  	[sflag:s16] =	ssyncset.done $0x0  }
0x3c: {  	s28 =	sadd.s32 s6, s28;
	[sflag:s16] =	ssyncadd.s32 $0xFFFFEC00  }
0x3d: {  	[tilespmem:s18], [sflag:$0x3] =	stream.linear.gather [hbm4b:s28+s26], $0x1400, $0x38;
	[tilespmem:$0x1EA00] =	vst v63  }
0x3e: {  	_ =	swait.ge [sflag:s16], $0x1400  }
0x3f: {  	[sflag:s16] =	ssyncset.done $0x0  }
0x40: {  	p0 =	por p1, p1;
	s28 =	simm.s32 $0x0;
	[sflag:s16] =	ssyncadd.s32 $0xFFFFEC00  }
.LBB2_5:
0x41: {  	s29 =	sshra.s32 s28, $0x2  }
0x42: {  	v1 =	vld [tilespmem:s29+$0x200];
	_ =	sdelay $0x4  }
0x43: {  	[tilespmem:$0x0] =	vst v1  }
0x44: {  	v1 =	vld [tilespmem:s29+$0x210];
	_ =	sdelay $0x4  }
0x45: {  	[tilespmem:$0x10] =	vst v1  }
0x46: {  	v1 =	vld [tilespmem:s29+$0x220];
	_ =	sdelay $0x4  }
0x47: {  	[tilespmem:$0x20] =	vst v1  }
0x48: {  	v1 =	vld [tilespmem:s29+$0x230];
	_ =	sdelay $0x4  }
0x49: {  	[tilespmem:$0x30] =	vst v1  }
0x4a: {  	v1 =	vld [tilespmem:s29+$0x240];
	_ =	sdelay $0x4  }
0x4b: {  	[tilespmem:$0x40] =	vst v1  }
0x4c: {  	v1 =	vld [tilespmem:s29+$0x250];
	_ =	sdelay $0x4  }
0x4d: {  	[tilespmem:$0x50] =	vst v1  }
0x4e: {  	v1 =	vld [tilespmem:s29+$0x260];
	_ =	sdelay $0x4  }
0x4f: {  	[tilespmem:$0x60] =	vst v1  }
0x50: {  	v1 =	vld [tilespmem:s29+$0x270];
	_ =	sdelay $0x4  }
0x51: {  	[tilespmem:$0x70] =	vst v1  }
0x52: {  	[tilespmem:s15], [sflag:$0x1] =	stream.indirect.gather [hbm4b:s4+s19], $0x80, s3, s19, $0xb8;
	[tilespmem:$0x1EA00] =	vst v63  }
0x53: {  	v1 =	vld [tilespmem:s29+$0x280];
	_ =	sdelay $0x4  }
0x54: {  	[tilespmem:$0x100] =	vst v1  }
0x55: {  	v1 =	vld [tilespmem:s29+$0x290];
	_ =	sdelay $0x4  }
0x56: {  	[tilespmem:$0x110] =	vst v1  }
0x57: {  	v1 =	vld [tilespmem:s29+$0x2A0];
	_ =	sdelay $0x4  }
0x58: {  	[tilespmem:$0x120] =	vst v1  }
0x59: {  	v1 =	vld [tilespmem:s29+$0x2B0];
	_ =	sdelay $0x4  }
0x5a: {  	[tilespmem:$0x130] =	vst v1  }
0x5b: {  	v1 =	vld [tilespmem:s29+$0x2C0];
	_ =	sdelay $0x4  }
0x5c: {  	[tilespmem:$0x140] =	vst v1  }
0x5d: {  	v1 =	vld [tilespmem:s29+$0x2D0];
	_ =	sdelay $0x4  }
0x5e: {  	[tilespmem:$0x150] =	vst v1  }
0x5f: {  	v1 =	vld [tilespmem:s29+$0x2E0];
	_ =	sdelay $0x4  }
0x60: {  	[tilespmem:$0x160] =	vst v1  }
0x61: {  	v1 =	vld [tilespmem:s29+$0x2F0];
	_ =	sdelay $0x4  }
0x62: {  	[tilespmem:$0x170] =	vst v1  }
0x63: {  	[tilespmem:s21], [sflag:$0x2] =	stream.indirect.gather [hbm4b:s4+s19], $0x80, s20, s19, $0xb8;
	[tilespmem:$0x1EA00] =	vst v63  }
0x64: {  	v1 =	vld [tilespmem:s29+$0x1600];
	_ =	sdelay $0x4  }
0x65: {  	[tilespmem:$0x80] =	vst v1  }
0x66: {  	v1 =	vld [tilespmem:s29+$0x1610];
	_ =	sdelay $0x4  }
0x67: {  	[tilespmem:$0x90] =	vst v1  }
0x68: {  	v1 =	vld [tilespmem:s29+$0x1620];
	_ =	sdelay $0x4  }
0x69: {  	[tilespmem:$0xA0] =	vst v1  }
0x6a: {  	v1 =	vld [tilespmem:s29+$0x1630];
	_ =	sdelay $0x4  }
0x6b: {  	[tilespmem:$0xB0] =	vst v1  }
0x6c: {  	v1 =	vld [tilespmem:s29+$0x1640];
	_ =	sdelay $0x4  }
0x6d: {  	[tilespmem:$0xC0] =	vst v1  }
0x6e: {  	v1 =	vld [tilespmem:s29+$0x1650];
	_ =	sdelay $0x4  }
0x6f: {  	[tilespmem:$0xD0] =	vst v1  }
0x70: {  	v1 =	vld [tilespmem:s29+$0x1660];
	_ =	sdelay $0x4  }
0x71: {  	[tilespmem:$0xE0] =	vst v1  }
0x72: {  	v1 =	vld [tilespmem:s29+$0x1670];
	_ =	sdelay $0x4  }
0x73: {  	[tilespmem:$0xF0] =	vst v1  }
0x74: {  	_ =	swait.ge [sflag:s22], $0x4000  }
0x75: {  	[sflag:s22] =	ssyncset.done $0x0  }
0x76: {  	[sflag:s22] =	ssyncadd.s32 $0xFFFFC000  }
0x77: {  	[spmem:s1] =	stream.indirect.scatter.add.f32 [tilespmem:s15], [sflag:$0x3], $0x80, s19, s19, $0xb8;
	[tilespmem:$0x1EA00] =	vst v63  }
0x78: {  	_ =	swait.ge [sflag:s16], $0x4000  }
0x79: {  	[sflag:s16] =	ssyncset.done $0x0  }
0x7a: {  	[sflag:s16] =	ssyncadd.s32 $0xFFFFC000  }
0x7b: {  	v1 =	vld [tilespmem:s29+$0x300];
	_ =	sdelay $0x4  }
0x7c: {  	[tilespmem:$0x0] =	vst v1  }
0x7d: {  	v1 =	vld [tilespmem:s29+$0x310];
	_ =	sdelay $0x4  }
0x7e: {  	[tilespmem:$0x10] =	vst v1  }
0x7f: {  	v1 =	vld [tilespmem:s29+$0x320];
	_ =	sdelay $0x4  }
0x80: {  	[tilespmem:$0x20] =	vst v1  }
0x81: {  	v1 =	vld [tilespmem:s29+$0x330];
	_ =	sdelay $0x4  }
0x82: {  	[tilespmem:$0x30] =	vst v1  }
0x83: {  	v1 =	vld [tilespmem:s29+$0x340];
	_ =	sdelay $0x4  }
0x84: {  	[tilespmem:$0x40] =	vst v1  }
0x85: {  	v1 =	vld [tilespmem:s29+$0x350];
	_ =	sdelay $0x4  }
0x86: {  	[tilespmem:$0x50] =	vst v1  }
0x87: {  	v1 =	vld [tilespmem:s29+$0x360];
	_ =	sdelay $0x4  }
0x88: {  	[tilespmem:$0x60] =	vst v1  }
0x89: {  	v1 =	vld [tilespmem:s29+$0x370];
	_ =	sdelay $0x4  }
0x8a: {  	[tilespmem:$0x70] =	vst v1  }
0x8b: {  	[tilespmem:s15], [sflag:$0x1] =	stream.indirect.gather [hbm4b:s4+s19], $0x80, s3, s19, $0xb8;
	[tilespmem:$0x1EA00] =	vst v63  }
0x8c: {  	v1 =	vld [tilespmem:s29+$0x1680];
	_ =	sdelay $0x4  }
0x8d: {  	[tilespmem:$0x180] =	vst v1  }
0x8e: {  	v1 =	vld [tilespmem:s29+$0x1690];
	_ =	sdelay $0x4  }
0x8f: {  	[tilespmem:$0x190] =	vst v1  }
0x90: {  	v1 =	vld [tilespmem:s29+$0x16A0];
	_ =	sdelay $0x4  }
0x91: {  	[tilespmem:$0x1A0] =	vst v1  }
0x92: {  	v1 =	vld [tilespmem:s29+$0x16B0];
	_ =	sdelay $0x4  }
0x93: {  	[tilespmem:$0x1B0] =	vst v1  }
0x94: {  	v1 =	vld [tilespmem:s29+$0x16C0];
	_ =	sdelay $0x4  }
0x95: {  	[tilespmem:$0x1C0] =	vst v1  }
0x96: {  	v1 =	vld [tilespmem:s29+$0x16D0];
	_ =	sdelay $0x4  }
0x97: {  	[tilespmem:$0x1D0] =	vst v1  }
0x98: {  	v1 =	vld [tilespmem:s29+$0x16E0];
	_ =	sdelay $0x4  }
0x99: {  	[tilespmem:$0x1E0] =	vst v1  }
0x9a: {  	v1 =	vld [tilespmem:s29+$0x16F0];
	_ =	sdelay $0x4  }
0x9b: {  	[tilespmem:$0x1F0] =	vst v1  }
0x9c: {  	_ =	swait.ge [sflag:s23], $0x4000  }
0x9d: {  	[sflag:s23] =	ssyncset.done $0x0  }
0x9e: {  	[sflag:s23] =	ssyncadd.s32 $0xFFFFC000  }
0x9f: {  	[spmem:s1] =	stream.indirect.scatter.add.f32 [tilespmem:s21], [sflag:$0x3], $0x80, s24, s19, $0xb8;
	[tilespmem:$0x1EA00] =	vst v63  }
0xa0: {  	_ =	swait.ge [sflag:s16], $0x4000  }
0xa1: {  	[sflag:s16] =	ssyncset.done $0x0  }
0xa2: {  	[sflag:s16] =	ssyncadd.s32 $0xFFFFC000  }
0xa3: {  	v1 =	vld [tilespmem:s29+$0x380];
	_ =	sdelay $0x4  }
0xa4: {  	[tilespmem:$0x100] =	vst v1  }
0xa5: {  	v1 =	vld [tilespmem:s29+$0x390];
	_ =	sdelay $0x4  }
0xa6: {  	[tilespmem:$0x110] =	vst v1  }
0xa7: {  	v1 =	vld [tilespmem:s29+$0x3A0];
	_ =	sdelay $0x4  }
0xa8: {  	[tilespmem:$0x120] =	vst v1  }
0xa9: {  	v1 =	vld [tilespmem:s29+$0x3B0];
	_ =	sdelay $0x4  }
0xaa: {  	[tilespmem:$0x130] =	vst v1  }
0xab: {  	v1 =	vld [tilespmem:s29+$0x3C0];
	_ =	sdelay $0x4  }
0xac: {  	[tilespmem:$0x140] =	vst v1  }
0xad: {  	v1 =	vld [tilespmem:s29+$0x3D0];
	_ =	sdelay $0x4  }
0xae: {  	[tilespmem:$0x150] =	vst v1  }
0xaf: {  	v1 =	vld [tilespmem:s29+$0x3E0];
	_ =	sdelay $0x4  }
0xb0: {  	[tilespmem:$0x160] =	vst v1  }
0xb1: {  	v1 =	vld [tilespmem:s29+$0x3F0];
	_ =	sdelay $0x4  }
0xb2: {  	[tilespmem:$0x170] =	vst v1  }
0xb3: {  	[tilespmem:s21], [sflag:$0x2] =	stream.indirect.gather [hbm4b:s4+s19], $0x80, s20, s19, $0xb8;
	[tilespmem:$0x1EA00] =	vst v63  }
0xb4: {  	v1 =	vld [tilespmem:s29+$0x1700];
	_ =	sdelay $0x4  }
0xb5: {  	[tilespmem:$0x80] =	vst v1  }
0xb6: {  	v1 =	vld [tilespmem:s29+$0x1710];
	_ =	sdelay $0x4  }
0xb7: {  	[tilespmem:$0x90] =	vst v1  }
0xb8: {  	v1 =	vld [tilespmem:s29+$0x1720];
	_ =	sdelay $0x4  }
0xb9: {  	[tilespmem:$0xA0] =	vst v1  }
0xba: {  	v1 =	vld [tilespmem:s29+$0x1730];
	_ =	sdelay $0x4  }
0xbb: {  	[tilespmem:$0xB0] =	vst v1  }
0xbc: {  	v1 =	vld [tilespmem:s29+$0x1740];
	_ =	sdelay $0x4  }
0xbd: {  	[tilespmem:$0xC0] =	vst v1  }
0xbe: {  	v1 =	vld [tilespmem:s29+$0x1750];
	_ =	sdelay $0x4  }
0xbf: {  	[tilespmem:$0xD0] =	vst v1  }
0xc0: {  	v1 =	vld [tilespmem:s29+$0x1760];
	_ =	sdelay $0x4  }
0xc1: {  	[tilespmem:$0xE0] =	vst v1  }
0xc2: {  	v1 =	vld [tilespmem:s29+$0x1770];
	_ =	sdelay $0x4  }
0xc3: {  	[tilespmem:$0xF0] =	vst v1  }
0xc4: {  	_ =	swait.ge [sflag:s22], $0x4000  }
0xc5: {  	[sflag:s22] =	ssyncset.done $0x0  }
0xc6: {  	[sflag:s22] =	ssyncadd.s32 $0xFFFFC000  }
0xc7: {  	[spmem:s1] =	stream.indirect.scatter.add.f32 [tilespmem:s15], [sflag:$0x3], $0x80, s19, s19, $0xb8;
	[tilespmem:$0x1EA00] =	vst v63  }
0xc8: {  	_ =	swait.ge [sflag:s16], $0x4000  }
0xc9: {  	[sflag:s16] =	ssyncset.done $0x0  }
0xca: {  	[sflag:s16] =	ssyncadd.s32 $0xFFFFC000  }
0xcb: {  	v1 =	vld [tilespmem:s29+$0x1780];
	_ =	sdelay $0x4  }
0xcc: {  	[tilespmem:$0x180] =	vst v1  }
0xcd: {  	v1 =	vld [tilespmem:s29+$0x1790];
	_ =	sdelay $0x4  }
0xce: {  	[tilespmem:$0x190] =	vst v1  }
0xcf: {  	v1 =	vld [tilespmem:s29+$0x17A0];
	_ =	sdelay $0x4  }
0xd0: {  	[tilespmem:$0x1A0] =	vst v1  }
0xd1: {  	v1 =	vld [tilespmem:s29+$0x17B0];
	_ =	sdelay $0x4  }
0xd2: {  	[tilespmem:$0x1B0] =	vst v1  }
0xd3: {  	v1 =	vld [tilespmem:s29+$0x17C0];
	_ =	sdelay $0x4  }
0xd4: {  	[tilespmem:$0x1C0] =	vst v1  }
0xd5: {  	v1 =	vld [tilespmem:s29+$0x17D0];
	_ =	sdelay $0x4  }
0xd6: {  	[tilespmem:$0x1D0] =	vst v1  }
0xd7: {  	v1 =	vld [tilespmem:s29+$0x17E0];
	_ =	sdelay $0x4  }
0xd8: {  	[tilespmem:$0x1E0] =	vst v1  }
0xd9: {  	v1 =	vld [tilespmem:s29+$0x17F0];
	_ =	sdelay $0x4  }
0xda: {  	[tilespmem:$0x1F0] =	vst v1  }
0xdb: {  	_ =	swait.ge [sflag:s23], $0x4000  }
0xdc: {  	p1 =	sne.s32 s28, $0x4800;
	[sflag:s23] =	ssyncset.done $0x0  }
.Ltmp1:
0xdd: {  	[sflag:s23] =	ssyncadd.s32 $0xFFFFC000;
	(pc) =	sbr.rel @p1 .LBB2_5-.Ltmp1, $4  }
0xde: {  	[spmem:s1] =	stream.indirect.scatter.add.f32 [tilespmem:s21], [sflag:$0x3], $0x80, s24, s19, $0xb8;
	[tilespmem:$0x1EA00] =	vst v63  }
0xdf: {  	_ =	swait.ge [sflag:s16], $0x4000  }
0xe0: {  	[sflag:s16] =	ssyncset.done $0x0  }
0xe1: {  	s28 =	sadd.s32 $0x800, s28;
	[sflag:s16] =	ssyncadd.s32 $0xFFFFC000  }
.Ltmp2:
0xe2: {  	(pc) =	sbr.rel @p0 .LBB2_4-.Ltmp2, $2  }
0xe3: {  	_ =	sdelay $0x2  }
0xe4: {  	s28 =	simm.s32 $0x1400;
	p1 =	por $0x0, $0x0  }
0xe5: {  	s25 =	sadd.s32 $0x1, s25  }
0xe6: {  	s26 =	sshll.u32 s2, $0x6;
	[bflag:$0x0] =	sbarrier.arrive $0xFFFF;
	p0 =	sne.s32 s25, s10  }
.Ltmp3:
0xe7: {  	s28 =	sshrl.u32 s8, $0x3;
	s26 =	sor.u32 $0x1C03, s26;
	(pc) =	sbr.rel @p0 .LBB2_1-.Ltmp3, $4  }
0xe8: {  	[hbm:s9], [sflag:s26] =	dma.local [spmem:s28], $0x2800  }
0xe9: {  	_ =	swait.ge [sflag:s16], $0x2800  }
0xea: {  	[sflag:s16] =	ssyncset.done $0x0  }
0xeb: {  	[sflag:s16] =	ssyncadd.s32 $0xFFFFD800  }
0xec: {  	_ =	sfence.sel $0x180000  }
0xed: {  	[bflag:$0x0] =	sbarrier.arrive $0xFFFF  }
0xee: {  	p0 =	sne.s32 s2, $0x0;
	_ =	strace $0x9000004D  }
0xef: {  	s0 =	sadd.s32 @!p0 $0x100000, s0;
	[bflag:$0x2] =	sbarrier.arrive $0xFFFF  }
0xf0: {  	[sflag:s0] =	ssyncadd.tile.s32 @!p0 $0x1;
	_ =	shalt  }
.Lfunc_end2:
_tile_overlayer_lowered:
.L_overlay_start_2:
0xf1: {  	(tag) =	ssettag $0x2  }
0xf2: {  	s0 =	rddreg [dreg:$0x0];
	s2 =	stileid.u32  }
0xf3: {  	s1 =	rddreg [dreg:$0x1];
	p0 =	sne.s32 s2, $0x0  }
0xf4: {  	s3 =	rddreg [dreg:$0x2];
	[bflag:$0x3] =	sbarrier.arrive $0xFFFF;
	s2 =	simm.s32 @!p0 $0x1C03  }
0xf5: {  	[timem:s3], [sflag:s2] =	dma.local @!p0 [hbm:s0], s1  }
0xf6: {  	s0 =	simm.s32 @!p0 $0x3  }
0xf7: {  	_ =	swait.ge @!p0 [sflag:s0], s1  }
0xf8: {  	s1 =	ssub.s32 @!p0 $0x0, s1;
	[sflag:s0] =	ssyncset.done @!p0 $0x0  }
0xf9: {  	[sflag:s0] =	ssyncadd.s32 @!p0 s1  }
0xfa: {  	[bflag:$0x3] =	sbarrier.arrive $0xFFFF  }
0xfb: {  	_ =	shalt  }

</sc_bundles>
